<compile_context>
chip_gen: v7x
topology: tpu7x:2x2x1
jax: 0.10.2.dev20260603
libtpu: 0.0.44.dev20260713+nightly
codegen_flags: <defaults>
</compile_context>

<pallas_src>
import functools

import jax
import jax.numpy as jnp
from jax import lax
from jax.experimental import pallas as pl
from jax.experimental.pallas import tpu as pltpu
from jax.experimental.pallas import tpu_sc as plsc

_BATCH = 1024
_MEM = 200
_DIM = 128
_LANES = 16
_NW = 32
_B_SC = 256
_RPW = _B_SC // _NW
_MG = (_MEM + _LANES - 1) // _LANES
_ROW = _MEM * _DIM
_CH = _DIM // _LANES
_NBUF = 2
_BB = 64

_GATHER_DNUMS = lax.GatherDimensionNumbers(
    offset_dims=(), collapsed_slice_dims=(0,), start_index_map=(0,))


def _permute(v, idx):
    return lax.gather(v, idx[:, None], _GATHER_DNUMS, (1,),
                      mode=lax.GatherScatterMode.PROMISE_IN_BOUNDS)


def _sc_body(q_hbm, mem_hbm, soft_hbm, logit_hbm,
             q_v, mem_v, soft_v, logit_v, sem_q, sem_m0, sem_m1, sem_o):
    cid = lax.axis_index("c")
    sid = lax.axis_index("s")
    wid = sid * 2 + cid
    base = wid * _RPW

    lane = lax.iota(jnp.int32, _LANES)
    dup_mask = lane < (_MG * _LANES - _MEM)
    lane_eq = [lane == j for j in range(_LANES)]
    fold_idx = [jnp.bitwise_xor(lane, w) for w in (8, 4, 2, 1)]
    zero16 = jnp.zeros((_LANES,), jnp.float32)

    sems = (sem_m0, sem_m1)

    def start_row(b, buf):
        pltpu.async_copy(mem_hbm.at[pl.ds((base + b) * _ROW, _ROW)],
                         mem_v.at[pl.ds(buf * _ROW, _ROW)], sems[buf])

    def wait_row(b, buf):
        pltpu.make_async_copy(mem_hbm.at[pl.ds((base + b) * _ROW, _ROW)],
                              mem_v.at[pl.ds(buf * _ROW, _ROW)],
                              sems[buf]).wait()

    pltpu.async_copy(q_hbm.at[pl.ds(base * _DIM, _RPW * _DIM)], q_v, sem_q)
    for buf in range(_NBUF):
        start_row(buf, buf)
    pltpu.make_async_copy(q_hbm.at[pl.ds(base * _DIM, _RPW * _DIM)],
                          q_v, sem_q).wait()

    def crosslane_sum(v):
        for idx in fold_idx:
            v = v + _permute(v, idx)
        return v

    def dot_row(bl, buf):
        qbase = bl * _DIM
        qc = [q_v[pl.ds(qbase + k * _LANES, _LANES)] for k in range(_CH)]
        vbase = buf * _ROW

        def mg_body(mg, carry):
            col0 = jnp.minimum(mg * _LANES, _MEM - _LANES)
            goff = vbase + col0 * _DIM
            grp = zero16
            for j in range(_LANES):
                joff = goff + j * _DIM
                acc = mem_v[pl.ds(joff, _LANES)] * qc[0]
                for k in range(1, _CH):
                    acc = acc + mem_v[pl.ds(joff + k * _LANES, _LANES)] * qc[k]
                grp = jnp.where(lane_eq[j], crosslane_sum(acc), grp)
            logit_v[bl, pl.ds(col0, _LANES)] = grp
            return carry

        lax.fori_loop(0, _MG, mg_body, 0)

    _COLS = [min(mg * _LANES, _MEM - _LANES) for mg in range(_MG)]

    def softmax_row(bl):
        accs = [logit_v[bl, pl.ds(c, _LANES)] for c in _COLS]
        vmax = accs[0]
        for a in accs[1:]:
            vmax = jnp.maximum(vmax, a)
        red = vmax
        for idx in fold_idx:
            red = jnp.maximum(red, _permute(red, idx))
        exps = [jnp.exp(a - red) for a in accs]
        vsum = jnp.where(dup_mask, zero16, exps[-1])
        for e in exps[:-1]:
            vsum = vsum + e
        tot = crosslane_sum(vsum)
        inv = jnp.full((_LANES,), 1.0, jnp.float32) / tot
        for c, e in zip(_COLS, exps):
            soft_v[bl, pl.ds(c, _LANES)] = e * inv

    def rows_body(i, carry):
        for buf in range(_NBUF):
            b = _NBUF * i + buf
            wait_row(b, buf)
            dot_row(b, buf)

            @pl.when(i < _RPW // _NBUF - 1)
            def _():
                start_row(b + _NBUF, buf)

            softmax_row(b)
        return carry

    lax.fori_loop(0, _RPW // _NBUF, rows_body, 0)

    pltpu.async_copy(soft_v, soft_hbm.at[pl.ds(base, _RPW)], sem_o)
    pltpu.make_async_copy(soft_v, soft_hbm.at[pl.ds(base, _RPW)],
                          sem_o).wait()
    pltpu.sync_copy(logit_v, logit_hbm.at[pl.ds(base, _RPW)])


def _tc_body(q_ref, m_ref, soft_ref, logit_ref, lt_ref):
    qt = q_ref[...].T
    for b in range(_BB):
        lt_ref[:, b : b + 1] = jax.lax.dot(
            m_ref[b], qt[:, b : b + 1], preferred_element_type=jnp.float32
        )
    lt = lt_ref[...]
    logit_ref[...] = lt.T
    mx = jnp.max(lt, axis=0, keepdims=True)
    e = jnp.exp(lt - mx)
    soft_ref[...] = (e / jnp.sum(e, axis=0, keepdims=True)).T


@jax.jit
def kernel(query_vector, graph_out_features):
    mesh = plsc.VectorSubcoreMesh(core_axis_name="c", subcore_axis_name="s")
    sc_call = functools.partial(
        pl.kernel,
        mesh=mesh,
        compiler_params=pltpu.CompilerParams(needs_layout_passes=False,
                                             skip_device_barrier=True),
        out_type=[
            jax.ShapeDtypeStruct((_B_SC, _MEM), jnp.float32),
            jax.ShapeDtypeStruct((_B_SC, _MEM), jnp.float32),
        ],
        scratch_types=[
            pltpu.VMEM((_RPW * _DIM,), jnp.float32),
            pltpu.VMEM((_NBUF * _ROW,), jnp.float32),
            pltpu.VMEM((_RPW, _MEM), jnp.float32),
            pltpu.VMEM((_RPW, _MEM), jnp.float32),
            pltpu.SemaphoreType.DMA,
            pltpu.SemaphoreType.DMA,
            pltpu.SemaphoreType.DMA,
            pltpu.SemaphoreType.DMA,
        ],
    )(_sc_body)

    n_tc = _BATCH - _B_SC
    off = _B_SC // _BB
    soft_tc, logit_tc = pl.pallas_call(
        _tc_body,
        grid=(n_tc // _BB,),
        in_specs=[
            pl.BlockSpec((_BB, _DIM), lambda i: (i + off, 0)),
            pl.BlockSpec((_BB, _MEM, _DIM), lambda i: (i + off, 0, 0)),
        ],
        out_specs=[
            pl.BlockSpec((_BB, _MEM), lambda i: (i, 0)),
            pl.BlockSpec((_BB, _MEM), lambda i: (i, 0)),
        ],
        out_shape=[
            jax.ShapeDtypeStruct((n_tc, _MEM), jnp.float32),
            jax.ShapeDtypeStruct((n_tc, _MEM), jnp.float32),
        ],
        scratch_shapes=[pltpu.VMEM((_MEM, _BB), jnp.float32)],
    )(query_vector, graph_out_features)

    soft_sc, logit_sc = sc_call(jnp.reshape(query_vector, (-1,)),
                                jnp.reshape(graph_out_features, (-1,)))

    soft = jnp.concatenate([soft_sc, soft_tc], axis=0)
    logits = jnp.concatenate([logit_sc, logit_tc], axis=0)
    return (soft, logits)

# --- scband reference (transcript-rebuilt; emitter-appended) ---
"""Pipeline reference for scband-graph-ek-58712202936690 (READ-ONLY COPY).

The authoritative reference and input builder live on the scoring server;
editing this copy changes nothing except your own understanding.
"""

import jax, jax.numpy as jnp
import numpy as np

BATCH = 1024
MEM_LEN = 200
EMBED_DIM = 128

def setup_inputs(seed: int = 0) -> dict:
    key = jax.random.key(seed)
    k1, k2 = jax.random.split(key)
    query_vector = jax.random.normal(k1, (BATCH, EMBED_DIM), dtype=jnp.float32)
    # graph_out_features is module state produced by load_memory(); materialized here
    # as a learned/stateful memory tensor of shape [batch, memory_len, embed_dim].
    graph_out_features = jax.random.normal(k2, (BATCH, MEM_LEN, EMBED_DIM), dtype=jnp.float32)
    return {"query_vector": query_vector, "graph_out_features": graph_out_features}

def reference(query_vector, graph_out_features):
    # Faithful translation of GraphEK.forward
    u = query_vector
    if u.ndim == 1:
        u = u[None, :]
    m_A = graph_out_features
    u_temp = jnp.broadcast_to(u[:, None, :], m_A.shape)
    prob_logits = jnp.sum(m_A * u_temp, axis=2)
    prob_soft = jax.nn.softmax(prob_logits, axis=1)
    return (prob_soft, prob_logits)

if __name__ == "__main__":
    import jax
    _d = setup_inputs()
    print(jax.jit(kernel)(*tuple(_d.values())))

</pallas_src>

<mosaic_0001>
#map = affine_map<(d0, d1) -> (0)>
#map1 = affine_map<(d0, d1) -> (0, 0)>
module attributes {stable_mosaic.version = 14 : i64} {
  func.func @_sc_body(%arg0: i32, %arg1: i32, %arg2: memref<131072xf32, #tpu.memory_space<hbm>>, %arg3: memref<26214400xf32, #tpu.memory_space<hbm>>, %arg4: memref<256x200xf32, #tpu.memory_space<hbm>>, %arg5: memref<256x200xf32, #tpu.memory_space<hbm>>, %arg6: memref<1024xf32, #tpu.memory_space<vmem>>, %arg7: memref<51200xf32, #tpu.memory_space<vmem>>, %arg8: memref<8x200xf32, #tpu.memory_space<vmem>>, %arg9: memref<8x200xf32, #tpu.memory_space<vmem>>, %arg10: memref<!tpu.dma_semaphore, #tpu.memory_space<semaphore_mem>>, %arg11: memref<!tpu.dma_semaphore, #tpu.memory_space<semaphore_mem>>, %arg12: memref<!tpu.dma_semaphore, #tpu.memory_space<semaphore_mem>>, %arg13: memref<!tpu.dma_semaphore, #tpu.memory_space<semaphore_mem>>) attributes {dimension_semantics = [#tpu.dimension_semantics<core_parallel>, #tpu.dimension_semantics<subcore_parallel>], iteration_bounds = array<i64: 2, 16>, scalar_prefetch = 0 : i64, scratch_operands = 8 : i64, tpu.core_type = #tpu.core_type<sc_vector_subcore>, window_params = [{transform_indices = #map}, {transform_indices = #map}, {transform_indices = #map1}, {transform_indices = #map1}]} {
    %mul3A = arith.constant 2 : i32
    %mul3A_0 = arith.muli %arg1, %mul3A : i32
    %add3A = arith.addi %mul3A_0, %arg0 : i32
    %mul3A_1 = arith.constant 8 : i32
    %mul3A_2 = arith.muli %add3A, %mul3A_1 : i32
    %iota3A = tpu.iota {dimensions = array<i32: 0>} : vector<16xi32>
    %lt3A = arith.constant 8 : i32
    %lt3A_3 = vector.broadcast %lt3A : i32 to vector<16xi32>
    %lt3A_4 = arith.cmpi slt, %iota3A, %lt3A_3 : vector<16xi32>
    %eq3A = arith.constant 0 : i32
    %eq3A_5 = vector.broadcast %eq3A : i32 to vector<16xi32>
    %eq3A_6 = arith.cmpi eq, %iota3A, %eq3A_5 : vector<16xi32>
    %eq3A_7 = arith.constant 1 : i32
    %eq3A_8 = vector.broadcast %eq3A_7 : i32 to vector<16xi32>
    %eq3A_9 = arith.cmpi eq, %iota3A, %eq3A_8 : vector<16xi32>
    %eq3A_10 = arith.constant 2 : i32
    %eq3A_11 = vector.broadcast %eq3A_10 : i32 to vector<16xi32>
    %eq3A_12 = arith.cmpi eq, %iota3A, %eq3A_11 : vector<16xi32>
    %eq3A_13 = arith.constant 3 : i32
    %eq3A_14 = vector.broadcast %eq3A_13 : i32 to vector<16xi32>
    %eq3A_15 = arith.cmpi eq, %iota3A, %eq3A_14 : vector<16xi32>
    %eq3A_16 = arith.constant 4 : i32
    %eq3A_17 = vector.broadcast %eq3A_16 : i32 to vector<16xi32>
    %eq3A_18 = arith.cmpi eq, %iota3A, %eq3A_17 : vector<16xi32>
    %eq3A_19 = arith.constant 5 : i32
    %eq3A_20 = vector.broadcast %eq3A_19 : i32 to vector<16xi32>
    %eq3A_21 = arith.cmpi eq, %iota3A, %eq3A_20 : vector<16xi32>
    %eq3A_22 = arith.constant 6 : i32
    %eq3A_23 = vector.broadcast %eq3A_22 : i32 to vector<16xi32>
    %eq3A_24 = arith.cmpi eq, %iota3A, %eq3A_23 : vector<16xi32>
    %eq3A_25 = arith.constant 7 : i32
    %eq3A_26 = vector.broadcast %eq3A_25 : i32 to vector<16xi32>
    %eq3A_27 = arith.cmpi eq, %iota3A, %eq3A_26 : vector<16xi32>
    %eq3A_28 = arith.constant 8 : i32
    %eq3A_29 = vector.broadcast %eq3A_28 : i32 to vector<16xi32>
    %eq3A_30 = arith.cmpi eq, %iota3A, %eq3A_29 : vector<16xi32>
    %eq3A_31 = arith.constant 9 : i32
    %eq3A_32 = vector.broadcast %eq3A_31 : i32 to vector<16xi32>
    %eq3A_33 = arith.cmpi eq, %iota3A, %eq3A_32 : vector<16xi32>
    %eq3A_34 = arith.constant 10 : i32
    %eq3A_35 = vector.broadcast %eq3A_34 : i32 to vector<16xi32>
    %eq3A_36 = arith.cmpi eq, %iota3A, %eq3A_35 : vector<16xi32>
    %eq3A_37 = arith.constant 11 : i32
    %eq3A_38 = vector.broadcast %eq3A_37 : i32 to vector<16xi32>
    %eq3A_39 = arith.cmpi eq, %iota3A, %eq3A_38 : vector<16xi32>
    %eq3A_40 = arith.constant 12 : i32
    %eq3A_41 = vector.broadcast %eq3A_40 : i32 to vector<16xi32>
    %eq3A_42 = arith.cmpi eq, %iota3A, %eq3A_41 : vector<16xi32>
    %eq3A_43 = arith.constant 13 : i32
    %eq3A_44 = vector.broadcast %eq3A_43 : i32 to vector<16xi32>
    %eq3A_45 = arith.cmpi eq, %iota3A, %eq3A_44 : vector<16xi32>
    %eq3A_46 = arith.constant 14 : i32
    %eq3A_47 = vector.broadcast %eq3A_46 : i32 to vector<16xi32>
    %eq3A_48 = arith.cmpi eq, %iota3A, %eq3A_47 : vector<16xi32>
    %eq3A_49 = arith.constant 15 : i32
    %eq3A_50 = vector.broadcast %eq3A_49 : i32 to vector<16xi32>
    %eq3A_51 = arith.cmpi eq, %iota3A, %eq3A_50 : vector<16xi32>
    %xor3A = arith.constant 8 : i32
    %xor3A_52 = vector.broadcast %xor3A : i32 to vector<16xi32>
    %xor3A_53 = arith.xori %iota3A, %xor3A_52 : vector<16xi32>
    %xor3A_54 = arith.constant 4 : i32
    %xor3A_55 = vector.broadcast %xor3A_54 : i32 to vector<16xi32>
    %xor3A_56 = arith.xori %iota3A, %xor3A_55 : vector<16xi32>
    %xor3A_57 = arith.constant 2 : i32
    %xor3A_58 = vector.broadcast %xor3A_57 : i32 to vector<16xi32>
    %xor3A_59 = arith.xori %iota3A, %xor3A_58 : vector<16xi32>
    %xor3A_60 = arith.constant 1 : i32
    %xor3A_61 = vector.broadcast %xor3A_60 : i32 to vector<16xi32>
    %xor3A_62 = arith.xori %iota3A, %xor3A_61 : vector<16xi32>
    %broadcast_in_dim3A = arith.constant 0.000000e+00 : f32
    %broadcast_in_dim3A_63 = vector.broadcast %broadcast_in_dim3A : f32 to vector<16xf32>
    %mul3A_64 = arith.constant 128 : i32
    %mul3A_65 = arith.muli %mul3A_2, %mul3A_64 : i32
    %dma_start3A = tpu.memref_slice %arg2[%mul3A_65] : memref<131072xf32, #tpu.memory_space<hbm>> -> memref<1024xf32, #tpu.memory_space<hbm>>
    %dma_start3A_66 = tpu.memref_slice %arg2[%mul3A_65] : memref<131072xf32, #tpu.memory_space<hbm>> -> memref<1024xf32, #tpu.memory_space<hbm>>
    tpu.enqueue_dma source(%dma_start3A_66 : memref<1024xf32, #tpu.memory_space<hbm>>) target(%arg6 : memref<1024xf32, #tpu.memory_space<vmem>>) target_semaphore(%arg10 : memref<!tpu.dma_semaphore, #tpu.memory_space<semaphore_mem>>)
    %add3A_67 = arith.constant 0 : i32
    %add3A_68 = arith.addi %mul3A_2, %add3A_67 : i32
    %mul3A_69 = arith.constant 25600 : i32
    %mul3A_70 = arith.muli %add3A_68, %mul3A_69 : i32
    %dma_start3A_71 = arith.constant 0 : i32
    %dma_start3A_72 = tpu.memref_slice %arg7[%dma_start3A_71] : memref<51200xf32, #tpu.memory_space<vmem>> -> memref<25600xf32, #tpu.memory_space<vmem>>
    %dma_start3A_73 = tpu.memref_slice %arg3[%mul3A_70] : memref<26214400xf32, #tpu.memory_space<hbm>> -> memref<25600xf32, #tpu.memory_space<hbm>>
    %dma_start3A_74 = arith.constant 0 : i32
    %dma_start3A_75 = tpu.memref_slice %arg7[%dma_start3A_74] : memref<51200xf32, #tpu.memory_space<vmem>> -> memref<25600xf32, #tpu.memory_space<vmem>>
    %dma_start3A_76 = tpu.memref_slice %arg3[%mul3A_70] : memref<26214400xf32, #tpu.memory_space<hbm>> -> memref<25600xf32, #tpu.memory_space<hbm>>
    tpu.enqueue_dma source(%dma_start3A_76 : memref<25600xf32, #tpu.memory_space<hbm>>) target(%dma_start3A_75 : memref<25600xf32, #tpu.memory_space<vmem>>) target_semaphore(%arg11 : memref<!tpu.dma_semaphore, #tpu.memory_space<semaphore_mem>>)
    %add3A_77 = arith.constant 1 : i32
    %add3A_78 = arith.addi %mul3A_2, %add3A_77 : i32
    %mul3A_79 = arith.constant 25600 : i32
    %mul3A_80 = arith.muli %add3A_78, %mul3A_79 : i32
    %dma_start3A_81 = arith.constant 25600 : i32
    %dma_start3A_82 = tpu.memref_slice %arg7[%dma_start3A_81] : memref<51200xf32, #tpu.memory_space<vmem>> -> memref<25600xf32, #tpu.memory_space<vmem>>
    %dma_start3A_83 = tpu.memref_slice %arg3[%mul3A_80] : memref<26214400xf32, #tpu.memory_space<hbm>> -> memref<25600xf32, #tpu.memory_space<hbm>>
    %dma_start3A_84 = arith.constant 25600 : i32
    %dma_start3A_85 = tpu.memref_slice %arg7[%dma_start3A_84] : memref<51200xf32, #tpu.memory_space<vmem>> -> memref<25600xf32, #tpu.memory_space<vmem>>
    %dma_start3A_86 = tpu.memref_slice %arg3[%mul3A_80] : memref<26214400xf32, #tpu.memory_space<hbm>> -> memref<25600xf32, #tpu.memory_space<hbm>>
    tpu.enqueue_dma source(%dma_start3A_86 : memref<25600xf32, #tpu.memory_space<hbm>>) target(%dma_start3A_85 : memref<25600xf32, #tpu.memory_space<vmem>>) target_semaphore(%arg12 : memref<!tpu.dma_semaphore, #tpu.memory_space<semaphore_mem>>)
    %mul3A_87 = arith.constant 128 : i32
    %mul3A_88 = arith.muli %mul3A_2, %mul3A_87 : i32
    %dma_wait3A = tpu.memref_slice %arg2[%mul3A_88] : memref<131072xf32, #tpu.memory_space<hbm>> -> memref<1024xf32, #tpu.memory_space<hbm>>
    %dma_wait3A_89 = tpu.memref_slice %arg2[%mul3A_88] : memref<131072xf32, #tpu.memory_space<hbm>> -> memref<1024xf32, #tpu.memory_space<hbm>>
    tpu.wait_dma2 semaphore(%arg10 : memref<!tpu.dma_semaphore, #tpu.memory_space<semaphore_mem>>) src(%dma_wait3A_89 : memref<1024xf32, #tpu.memory_space<hbm>>) dst(%arg6 : memref<1024xf32, #tpu.memory_space<vmem>>)
    %scan3A = arith.constant 0 : i32
    %scan3A_90 = arith.constant 0 : i32
    %scan3A_91 = arith.constant 4 : i32
    %scan3A_92 = arith.addi %scan3A_90, %scan3A_91 : i32
    %scan3A_93 = arith.constant 1 : i32
    scf.for %scan3A_103 = %scan3A_90 to %scan3A_92 step %scan3A_93  : i32 {
      %mul3A_104 = arith.constant 2 : i32
      %mul3A_105 = arith.muli %mul3A_104, %scan3A_103 : i32
      %add3A_106 = arith.constant 0 : i32
      %add3A_107 = arith.addi %mul3A_105, %add3A_106 : i32
      %add3A_108 = arith.addi %mul3A_2, %add3A_107 : i32
      %mul3A_109 = arith.constant 25600 : i32
      %mul3A_110 = arith.muli %add3A_108, %mul3A_109 : i32
      %dma_wait3A_111 = arith.constant 0 : i32
      %dma_wait3A_112 = tpu.memref_slice %arg7[%dma_wait3A_111] : memref<51200xf32, #tpu.memory_space<vmem>> -> memref<25600xf32, #tpu.memory_space<vmem>>
      %dma_wait3A_113 = tpu.memref_slice %arg3[%mul3A_110] : memref<26214400xf32, #tpu.memory_space<hbm>> -> memref<25600xf32, #tpu.memory_space<hbm>>
      %dma_wait3A_114 = arith.constant 0 : i32
      %dma_wait3A_115 = tpu.memref_slice %arg7[%dma_wait3A_114] : memref<51200xf32, #tpu.memory_space<vmem>> -> memref<25600xf32, #tpu.memory_space<vmem>>
      %dma_wait3A_116 = tpu.memref_slice %arg3[%mul3A_110] : memref<26214400xf32, #tpu.memory_space<hbm>> -> memref<25600xf32, #tpu.memory_space<hbm>>
      tpu.wait_dma2 semaphore(%arg11 : memref<!tpu.dma_semaphore, #tpu.memory_space<semaphore_mem>>) src(%dma_wait3A_116 : memref<25600xf32, #tpu.memory_space<hbm>>) dst(%dma_wait3A_115 : memref<25600xf32, #tpu.memory_space<vmem>>)
      %mul3A_117 = arith.constant 128 : i32
      %mul3A_118 = arith.muli %add3A_107, %mul3A_117 : i32
      %add3A_119 = arith.constant 0 : i32
      %add3A_120 = arith.addi %mul3A_118, %add3A_119 : i32
      %get3A = arith.index_cast %add3A_120 : i32 to index
      %get3A_121 = tpu.vector_load %arg6[%get3A] {strides = array<i32>} : memref<1024xf32, #tpu.memory_space<vmem>>, vector<16xf32>,
      %add3A_122 = arith.constant 16 : i32
      %add3A_123 = arith.addi %mul3A_118, %add3A_122 : i32
      %get3A_124 = arith.index_cast %add3A_123 : i32 to index
      %get3A_125 = tpu.vector_load %arg6[%get3A_124] {strides = array<i32>} : memref<1024xf32, #tpu.memory_space<vmem>>, vector<16xf32>,
      %add3A_126 = arith.constant 32 : i32
      %add3A_127 = arith.addi %mul3A_118, %add3A_126 : i32
      %get3A_128 = arith.index_cast %add3A_127 : i32 to index
      %get3A_129 = tpu.vector_load %arg6[%get3A_128] {strides = array<i32>} : memref<1024xf32, #tpu.memory_space<vmem>>, vector<16xf32>,
      %add3A_130 = arith.constant 48 : i32
      %add3A_131 = arith.addi %mul3A_118, %add3A_130 : i32
      %get3A_132 = arith.index_cast %add3A_131 : i32 to index
      %get3A_133 = tpu.vector_load %arg6[%get3A_132] {strides = array<i32>} : memref<1024xf32, #tpu.memory_space<vmem>>, vector<16xf32>,
      %add3A_134 = arith.constant 64 : i32
      %add3A_135 = arith.addi %mul3A_118, %add3A_134 : i32
      %get3A_136 = arith.index_cast %add3A_135 : i32 to index
      %get3A_137 = tpu.vector_load %arg6[%get3A_136] {strides = array<i32>} : memref<1024xf32, #tpu.memory_space<vmem>>, vector<16xf32>,
      %add3A_138 = arith.constant 80 : i32
      %add3A_139 = arith.addi %mul3A_118, %add3A_138 : i32
      %get3A_140 = arith.index_cast %add3A_139 : i32 to index
      %get3A_141 = tpu.vector_load %arg6[%get3A_140] {strides = array<i32>} : memref<1024xf32, #tpu.memory_space<vmem>>, vector<16xf32>,
      %add3A_142 = arith.constant 96 : i32
      %add3A_143 = arith.addi %mul3A_118, %add3A_142 : i32
      %get3A_144 = arith.index_cast %add3A_143 : i32 to index
      %get3A_145 = tpu.vector_load %arg6[%get3A_144] {strides = array<i32>} : memref<1024xf32, #tpu.memory_space<vmem>>, vector<16xf32>,
      %add3A_146 = arith.constant 112 : i32
      %add3A_147 = arith.addi %mul3A_118, %add3A_146 : i32
      %get3A_148 = arith.index_cast %add3A_147 : i32 to index
      %get3A_149 = tpu.vector_load %arg6[%get3A_148] {strides = array<i32>} : memref<1024xf32, #tpu.memory_space<vmem>>, vector<16xf32>,
      %scan3A_150 = arith.constant 0 : i32
      %scan3A_151 = arith.constant 0 : i32
      %scan3A_152 = arith.constant 13 : i32
      %scan3A_153 = arith.addi %scan3A_151, %scan3A_152 : i32
      %scan3A_154 = arith.constant 1 : i32
      scf.for %scan3A_564 = %scan3A_151 to %scan3A_153 step %scan3A_154  : i32 {
        %mul3A_565 = arith.constant 16 : i32
        %mul3A_566 = arith.muli %scan3A_564, %mul3A_565 : i32
        %min3A = arith.constant 184 : i32
        %min3A_567 = arith.minsi %mul3A_566, %min3A : i32
        %mul3A_568 = arith.constant 128 : i32
        %mul3A_569 = arith.muli %min3A_567, %mul3A_568 : i32
        %add3A_570 = arith.constant 0 : i32
        %add3A_571 = arith.addi %add3A_570, %mul3A_569 : i32
        %add3A_572 = arith.constant 0 : i32
        %add3A_573 = arith.addi %add3A_571, %add3A_572 : i32
        %get3A_574 = arith.index_cast %add3A_573 : i32 to index
        %get3A_575 = tpu.vector_load %arg7[%get3A_574] {strides = array<i32>} : memref<51200xf32, #tpu.memory_space<vmem>>, vector<16xf32>,
        %mul3A_576 = arith.mulf %get3A_575, %get3A_121 : vector<16xf32>
        %add3A_577 = arith.constant 16 : i32
        %add3A_578 = arith.addi %add3A_573, %add3A_577 : i32
        %get3A_579 = arith.index_cast %add3A_578 : i32 to index
        %get3A_580 = tpu.vector_load %arg7[%get3A_579] {strides = array<i32>} : memref<51200xf32, #tpu.memory_space<vmem>>, vector<16xf32>,
        %mul3A_581 = arith.mulf %get3A_580, %get3A_125 : vector<16xf32>
        %add3A_582 = arith.addf %mul3A_576, %mul3A_581 : vector<16xf32>
        %add3A_583 = arith.constant 32 : i32
        %add3A_584 = arith.addi %add3A_573, %add3A_583 : i32
        %get3A_585 = arith.index_cast %add3A_584 : i32 to index
        %get3A_586 = tpu.vector_load %arg7[%get3A_585] {strides = array<i32>} : memref<51200xf32, #tpu.memory_space<vmem>>, vector<16xf32>,
        %mul3A_587 = arith.mulf %get3A_586, %get3A_129 : vector<16xf32>
        %add3A_588 = arith.addf %add3A_582, %mul3A_587 : vector<16xf32>
        %add3A_589 = arith.constant 48 : i32
        %add3A_590 = arith.addi %add3A_573, %add3A_589 : i32
        %get3A_591 = arith.index_cast %add3A_590 : i32 to index
        %get3A_592 = tpu.vector_load %arg7[%get3A_591] {strides = array<i32>} : memref<51200xf32, #tpu.memory_space<vmem>>, vector<16xf32>,
        %mul3A_593 = arith.mulf %get3A_592, %get3A_133 : vector<16xf32>
        %add3A_594 = arith.addf %add3A_588, %mul3A_593 : vector<16xf32>
        %add3A_595 = arith.constant 64 : i32
        %add3A_596 = arith.addi %add3A_573, %add3A_595 : i32
        %get3A_597 = arith.index_cast %add3A_596 : i32 to index
        %get3A_598 = tpu.vector_load %arg7[%get3A_597] {strides = array<i32>} : memref<51200xf32, #tpu.memory_space<vmem>>, vector<16xf32>,
        %mul3A_599 = arith.mulf %get3A_598, %get3A_137 : vector<16xf32>
        %add3A_600 = arith.addf %add3A_594, %mul3A_599 : vector<16xf32>
        %add3A_601 = arith.constant 80 : i32
        %add3A_602 = arith.addi %add3A_573, %add3A_601 : i32
        %get3A_603 = arith.index_cast %add3A_602 : i32 to index
        %get3A_604 = tpu.vector_load %arg7[%get3A_603] {strides = array<i32>} : memref<51200xf32, #tpu.memory_space<vmem>>, vector<16xf32>,
        %mul3A_605 = arith.mulf %get3A_604, %get3A_141 : vector<16xf32>
        %add3A_606 = arith.addf %add3A_600, %mul3A_605 : vector<16xf32>
        %add3A_607 = arith.constant 96 : i32
        %add3A_608 = arith.addi %add3A_573, %add3A_607 : i32
        %get3A_609 = arith.index_cast %add3A_608 : i32 to index
        %get3A_610 = tpu.vector_load %arg7[%get3A_609] {strides = array<i32>} : memref<51200xf32, #tpu.memory_space<vmem>>, vector<16xf32>,
        %mul3A_611 = arith.mulf %get3A_610, %get3A_145 : vector<16xf32>
        %add3A_612 = arith.addf %add3A_606, %mul3A_611 : vector<16xf32>
        %add3A_613 = arith.constant 112 : i32
        %add3A_614 = arith.addi %add3A_573, %add3A_613 : i32
        %get3A_615 = arith.index_cast %add3A_614 : i32 to index
        %get3A_616 = tpu.vector_load %arg7[%get3A_615] {strides = array<i32>} : memref<51200xf32, #tpu.memory_space<vmem>>, vector<16xf32>,
        %mul3A_617 = arith.mulf %get3A_616, %get3A_149 : vector<16xf32>
        %add3A_618 = arith.addf %add3A_612, %mul3A_617 : vector<16xf32>
        %broadcast_in_dim3A_619 = vector.shape_cast %xor3A_53 : vector<16xi32> to vector<16x1xi32>
        %gather3A_620 = vector.shape_cast %broadcast_in_dim3A_619 : vector<16x1xi32> to vector<16xi32>
        %gather3A_621 = tpu.dynamic_gather %add3A_618[%gather3A_620] in [0] : vector<16xf32>, vector<16xi32> -> vector<16xf32>
        %add3A_622 = arith.addf %add3A_618, %gather3A_621 : vector<16xf32>
        %broadcast_in_dim3A_623 = vector.shape_cast %xor3A_56 : vector<16xi32> to vector<16x1xi32>
        %gather3A_624 = vector.shape_cast %broadcast_in_dim3A_623 : vector<16x1xi32> to vector<16xi32>
        %gather3A_625 = tpu.dynamic_gather %add3A_622[%gather3A_624] in [0] : vector<16xf32>, vector<16xi32> -> vector<16xf32>
        %add3A_626 = arith.addf %add3A_622, %gather3A_625 : vector<16xf32>
        %broadcast_in_dim3A_627 = vector.shape_cast %xor3A_59 : vector<16xi32> to vector<16x1xi32>
        %gather3A_628 = vector.shape_cast %broadcast_in_dim3A_627 : vector<16x1xi32> to vector<16xi32>
        %gather3A_629 = tpu.dynamic_gather %add3A_626[%gather3A_628] in [0] : vector<16xf32>, vector<16xi32> -> vector<16xf32>
        %add3A_630 = arith.addf %add3A_626, %gather3A_629 : vector<16xf32>
        %broadcast_in_dim3A_631 = vector.shape_cast %xor3A_62 : vector<16xi32> to vector<16x1xi32>
        %gather3A_632 = vector.shape_cast %broadcast_in_dim3A_631 : vector<16x1xi32> to vector<16xi32>
        %gather3A_633 = tpu.dynamic_gather %add3A_630[%gather3A_632] in [0] : vector<16xf32>, vector<16xi32> -> vector<16xf32>
        %add3A_634 = arith.addf %add3A_630, %gather3A_633 : vector<16xf32>
        %select_n3A_635 = arith.select %eq3A_6, %add3A_634, %broadcast_in_dim3A_63 : vector<16xi1>, vector<16xf32>
        %add3A_636 = arith.constant 128 : i32
        %add3A_637 = arith.addi %add3A_571, %add3A_636 : i32
        %get3A_638 = arith.index_cast %add3A_637 : i32 to index
        %get3A_639 = tpu.vector_load %arg7[%get3A_638] {strides = array<i32>} : memref<51200xf32, #tpu.memory_space<vmem>>, vector<16xf32>,
        %mul3A_640 = arith.mulf %get3A_639, %get3A_121 : vector<16xf32>
        %add3A_641 = arith.constant 16 : i32
        %add3A_642 = arith.addi %add3A_637, %add3A_641 : i32
        %get3A_643 = arith.index_cast %add3A_642 : i32 to index
        %get3A_644 = tpu.vector_load %arg7[%get3A_643] {strides = array<i32>} : memref<51200xf32, #tpu.memory_space<vmem>>, vector<16xf32>,
        %mul3A_645 = arith.mulf %get3A_644, %get3A_125 : vector<16xf32>
        %add3A_646 = arith.addf %mul3A_640, %mul3A_645 : vector<16xf32>
        %add3A_647 = arith.constant 32 : i32
        %add3A_648 = arith.addi %add3A_637, %add3A_647 : i32
        %get3A_649 = arith.index_cast %add3A_648 : i32 to index
        %get3A_650 = tpu.vector_load %arg7[%get3A_649] {strides = array<i32>} : memref<51200xf32, #tpu.memory_space<vmem>>, vector<16xf32>,
        %mul3A_651 = arith.mulf %get3A_650, %get3A_129 : vector<16xf32>
        %add3A_652 = arith.addf %add3A_646, %mul3A_651 : vector<16xf32>
        %add3A_653 = arith.constant 48 : i32
        %add3A_654 = arith.addi %add3A_637, %add3A_653 : i32
        %get3A_655 = arith.index_cast %add3A_654 : i32 to index
        %get3A_656 = tpu.vector_load %arg7[%get3A_655] {strides = array<i32>} : memref<51200xf32, #tpu.memory_space<vmem>>, vector<16xf32>,
        %mul3A_657 = arith.mulf %get3A_656, %get3A_133 : vector<16xf32>
        %add3A_658 = arith.addf %add3A_652, %mul3A_657 : vector<16xf32>
        %add3A_659 = arith.constant 64 : i32
        %add3A_660 = arith.addi %add3A_637, %add3A_659 : i32
        %get3A_661 = arith.index_cast %add3A_660 : i32 to index
        %get3A_662 = tpu.vector_load %arg7[%get3A_661] {strides = array<i32>} : memref<51200xf32, #tpu.memory_space<vmem>>, vector<16xf32>,
        %mul3A_663 = arith.mulf %get3A_662, %get3A_137 : vector<16xf32>
        %add3A_664 = arith.addf %add3A_658, %mul3A_663 : vector<16xf32>
        %add3A_665 = arith.constant 80 : i32
        %add3A_666 = arith.addi %add3A_637, %add3A_665 : i32
        %get3A_667 = arith.index_cast %add3A_666 : i32 to index
        %get3A_668 = tpu.vector_load %arg7[%get3A_667] {strides = array<i32>} : memref<51200xf32, #tpu.memory_space<vmem>>, vector<16xf32>,
        %mul3A_669 = arith.mulf %get3A_668, %get3A_141 : vector<16xf32>
        %add3A_670 = arith.addf %add3A_664, %mul3A_669 : vector<16xf32>
        %add3A_671 = arith.constant 96 : i32
        %add3A_672 = arith.addi %add3A_637, %add3A_671 : i32
        %get3A_673 = arith.index_cast %add3A_672 : i32 to index
        %get3A_674 = tpu.vector_load %arg7[%get3A_673] {strides = array<i32>} : memref<51200xf32, #tpu.memory_space<vmem>>, vector<16xf32>,
        %mul3A_675 = arith.mulf %get3A_674, %get3A_145 : vector<16xf32>
        %add3A_676 = arith.addf %add3A_670, %mul3A_675 : vector<16xf32>
        %add3A_677 = arith.constant 112 : i32
        %add3A_678 = arith.addi %add3A_637, %add3A_677 : i32
        %get3A_679 = arith.index_cast %add3A_678 : i32 to index
        %get3A_680 = tpu.vector_load %arg7[%get3A_679] {strides = array<i32>} : memref<51200xf32, #tpu.memory_space<vmem>>, vector<16xf32>,
        %mul3A_681 = arith.mulf %get3A_680, %get3A_149 : vector<16xf32>
        %add3A_682 = arith.addf %add3A_676, %mul3A_681 : vector<16xf32>
        %broadcast_in_dim3A_683 = vector.shape_cast %xor3A_53 : vector<16xi32> to vector<16x1xi32>
        %gather3A_684 = vector.shape_cast %broadcast_in_dim3A_683 : vector<16x1xi32> to vector<16xi32>
        %gather3A_685 = tpu.dynamic_gather %add3A_682[%gather3A_684] in [0] : vector<16xf32>, vector<16xi32> -> vector<16xf32>
        %add3A_686 = arith.addf %add3A_682, %gather3A_685 : vector<16xf32>
        %broadcast_in_dim3A_687 = vector.shape_cast %xor3A_56 : vector<16xi32> to vector<16x1xi32>
        %gather3A_688 = vector.shape_cast %broadcast_in_dim3A_687 : vector<16x1xi32> to vector<16xi32>
        %gather3A_689 = tpu.dynamic_gather %add3A_686[%gather3A_688] in [0] : vector<16xf32>, vector<16xi32> -> vector<16xf32>
        %add3A_690 = arith.addf %add3A_686, %gather3A_689 : vector<16xf32>
        %broadcast_in_dim3A_691 = vector.shape_cast %xor3A_59 : vector<16xi32> to vector<16x1xi32>
        %gather3A_692 = vector.shape_cast %broadcast_in_dim3A_691 : vector<16x1xi32> to vector<16xi32>
        %gather3A_693 = tpu.dynamic_gather %add3A_690[%gather3A_692] in [0] : vector<16xf32>, vector<16xi32> -> vector<16xf32>
        %add3A_694 = arith.addf %add3A_690, %gather3A_693 : vector<16xf32>
        %broadcast_in_dim3A_695 = vector.shape_cast %xor3A_62 : vector<16xi32> to vector<16x1xi32>
        %gather3A_696 = vector.shape_cast %broadcast_in_dim3A_695 : vector<16x1xi32> to vector<16xi32>
        %gather3A_697 = tpu.dynamic_gather %add3A_694[%gather3A_696] in [0] : vector<16xf32>, vector<16xi32> -> vector<16xf32>
        %add3A_698 = arith.addf %add3A_694, %gather3A_697 : vector<16xf32>
        %select_n3A_699 = arith.select %eq3A_9, %add3A_698, %select_n3A_635 : vector<16xi1>, vector<16xf32>
        %add3A_700 = arith.constant 256 : i32
        %add3A_701 = arith.addi %add3A_571, %add3A_700 : i32
        %get3A_702 = arith.index_cast %add3A_701 : i32 to index
        %get3A_703 = tpu.vector_load %arg7[%get3A_702] {strides = array<i32>} : memref<51200xf32, #tpu.memory_space<vmem>>, vector<16xf32>,
        %mul3A_704 = arith.mulf %get3A_703, %get3A_121 : vector<16xf32>
        %add3A_705 = arith.constant 16 : i32
        %add3A_706 = arith.addi %add3A_701, %add3A_705 : i32
        %get3A_707 = arith.index_cast %add3A_706 : i32 to index
        %get3A_708 = tpu.vector_load %arg7[%get3A_707] {strides = array<i32>} : memref<51200xf32, #tpu.memory_space<vmem>>, vector<16xf32>,
        %mul3A_709 = arith.mulf %get3A_708, %get3A_125 : vector<16xf32>
        %add3A_710 = arith.addf %mul3A_704, %mul3A_709 : vector<16xf32>
        %add3A_711 = arith.constant 32 : i32
        %add3A_712 = arith.addi %add3A_701, %add3A_711 : i32
        %get3A_713 = arith.index_cast %add3A_712 : i32 to index
        %get3A_714 = tpu.vector_load %arg7[%get3A_713] {strides = array<i32>} : memref<51200xf32, #tpu.memory_space<vmem>>, vector<16xf32>,
        %mul3A_715 = arith.mulf %get3A_714, %get3A_129 : vector<16xf32>
        %add3A_716 = arith.addf %add3A_710, %mul3A_715 : vector<16xf32>
        %add3A_717 = arith.constant 48 : i32
        %add3A_718 = arith.addi %add3A_701, %add3A_717 : i32
        %get3A_719 = arith.index_cast %add3A_718 : i32 to index
        %get3A_720 = tpu.vector_load %arg7[%get3A_719] {strides = array<i32>} : memref<51200xf32, #tpu.memory_space<vmem>>, vector<16xf32>,
        %mul3A_721 = arith.mulf %get3A_720, %get3A_133 : vector<16xf32>
        %add3A_722 = arith.addf %add3A_716, %mul3A_721 : vector<16xf32>
        %add3A_723 = arith.constant 64 : i32
        %add3A_724 = arith.addi %add3A_701, %add3A_723 : i32
        %get3A_725 = arith.index_cast %add3A_724 : i32 to index
        %get3A_726 = tpu.vector_load %arg7[%get3A_725] {strides = array<i32>} : memref<51200xf32, #tpu.memory_space<vmem>>, vector<16xf32>,
        %mul3A_727 = arith.mulf %get3A_726, %get3A_137 : vector<16xf32>
        %add3A_728 = arith.addf %add3A_722, %mul3A_727 : vector<16xf32>
        %add3A_729 = arith.constant 80 : i32
        %add3A_730 = arith.addi %add3A_701, %add3A_729 : i32
        %get3A_731 = arith.index_cast %add3A_730 : i32 to index
        %get3A_732 = tpu.vector_load %arg7[%get3A_731] {strides = array<i32>} : memref<51200xf32, #tpu.memory_space<vmem>>, vector<16xf32>,
        %mul3A_733 = arith.mulf %get3A_732, %get3A_141 : vector<16xf32>
        %add3A_734 = arith.addf %add3A_728, %mul3A_733 : vector<16xf32>
        %add3A_735 = arith.constant 96 : i32
        %add3A_736 = arith.addi %add3A_701, %add3A_735 : i32
        %get3A_737 = arith.index_cast %add3A_736 : i32 to index
        %get3A_738 = tpu.vector_load %arg7[%get3A_737] {strides = array<i32>} : memref<51200xf32, #tpu.memory_space<vmem>>, vector<16xf32>,
        %mul3A_739 = arith.mulf %get3A_738, %get3A_145 : vector<16xf32>
        %add3A_740 = arith.addf %add3A_734, %mul3A_739 : vector<16xf32>
        %add3A_741 = arith.constant 112 : i32
        %add3A_742 = arith.addi %add3A_701, %add3A_741 : i32
        %get3A_743 = arith.index_cast %add3A_742 : i32 to index
        %get3A_744 = tpu.vector_load %arg7[%get3A_743] {strides = array<i32>} : memref<51200xf32, #tpu.memory_space<vmem>>, vector<16xf32>,
        %mul3A_745 = arith.mulf %get3A_744, %get3A_149 : vector<16xf32>
        %add3A_746 = arith.addf %add3A_740, %mul3A_745 : vector<16xf32>
        %broadcast_in_dim3A_747 = vector.shape_cast %xor3A_53 : vector<16xi32> to vector<16x1xi32>
        %gather3A_748 = vector.shape_cast %broadcast_in_dim3A_747 : vector<16x1xi32> to vector<16xi32>
        %gather3A_749 = tpu.dynamic_gather %add3A_746[%gather3A_748] in [0] : vector<16xf32>, vector<16xi32> -> vector<16xf32>
        %add3A_750 = arith.addf %add3A_746, %gather3A_749 : vector<16xf32>
        %broadcast_in_dim3A_751 = vector.shape_cast %xor3A_56 : vector<16xi32> to vector<16x1xi32>
        %gather3A_752 = vector.shape_cast %broadcast_in_dim3A_751 : vector<16x1xi32> to vector<16xi32>
        %gather3A_753 = tpu.dynamic_gather %add3A_750[%gather3A_752] in [0] : vector<16xf32>, vector<16xi32> -> vector<16xf32>
        %add3A_754 = arith.addf %add3A_750, %gather3A_753 : vector<16xf32>
        %broadcast_in_dim3A_755 = vector.shape_cast %xor3A_59 : vector<16xi32> to vector<16x1xi32>
        %gather3A_756 = vector.shape_cast %broadcast_in_dim3A_755 : vector<16x1xi32> to vector<16xi32>
        %gather3A_757 = tpu.dynamic_gather %add3A_754[%gather3A_756] in [0] : vector<16xf32>, vector<16xi32> -> vector<16xf32>
        %add3A_758 = arith.addf %add3A_754, %gather3A_757 : vector<16xf32>
        %broadcast_in_dim3A_759 = vector.shape_cast %xor3A_62 : vector<16xi32> to vector<16x1xi32>
        %gather3A_760 = vector.shape_cast %broadcast_in_dim3A_759 : vector<16x1xi32> to vector<16xi32>
        %gather3A_761 = tpu.dynamic_gather %add3A_758[%gather3A_760] in [0] : vector<16xf32>, vector<16xi32> -> vector<16xf32>
        %add3A_762 = arith.addf %add3A_758, %gather3A_761 : vector<16xf32>
        %select_n3A_763 = arith.select %eq3A_12, %add3A_762, %select_n3A_699 : vector<16xi1>, vector<16xf32>
        %add3A_764 = arith.constant 384 : i32
        %add3A_765 = arith.addi %add3A_571, %add3A_764 : i32
        %get3A_766 = arith.index_cast %add3A_765 : i32 to index
        %get3A_767 = tpu.vector_load %arg7[%get3A_766] {strides = array<i32>} : memref<51200xf32, #tpu.memory_space<vmem>>, vector<16xf32>,
        %mul3A_768 = arith.mulf %get3A_767, %get3A_121 : vector<16xf32>
        %add3A_769 = arith.constant 16 : i32
        %add3A_770 = arith.addi %add3A_765, %add3A_769 : i32
        %get3A_771 = arith.index_cast %add3A_770 : i32 to index
        %get3A_772 = tpu.vector_load %arg7[%get3A_771] {strides = array<i32>} : memref<51200xf32, #tpu.memory_space<vmem>>, vector<16xf32>,
        %mul3A_773 = arith.mulf %get3A_772, %get3A_125 : vector<16xf32>
        %add3A_774 = arith.addf %mul3A_768, %mul3A_773 : vector<16xf32>
        %add3A_775 = arith.constant 32 : i32
        %add3A_776 = arith.addi %add3A_765, %add3A_775 : i32
        %get3A_777 = arith.index_cast %add3A_776 : i32 to index
        %get3A_778 = tpu.vector_load %arg7[%get3A_777] {strides = array<i32>} : memref<51200xf32, #tpu.memory_space<vmem>>, vector<16xf32>,
        %mul3A_779 = arith.mulf %get3A_778, %get3A_129 : vector<16xf32>
        %add3A_780 = arith.addf %add3A_774, %mul3A_779 : vector<16xf32>
        %add3A_781 = arith.constant 48 : i32
        %add3A_782 = arith.addi %add3A_765, %add3A_781 : i32
        %get3A_783 = arith.index_cast %add3A_782 : i32 to index
        %get3A_784 = tpu.vector_load %arg7[%get3A_783] {strides = array<i32>} : memref<51200xf32, #tpu.memory_space<vmem>>, vector<16xf32>,
        %mul3A_785 = arith.mulf %get3A_784, %get3A_133 : vector<16xf32>
        %add3A_786 = arith.addf %add3A_780, %mul3A_785 : vector<16xf32>
        %add3A_787 = arith.constant 64 : i32
        %add3A_788 = arith.addi %add3A_765, %add3A_787 : i32
        %get3A_789 = arith.index_cast %add3A_788 : i32 to index
        %get3A_790 = tpu.vector_load %arg7[%get3A_789] {strides = array<i32>} : memref<51200xf32, #tpu.memory_space<vmem>>, vector<16xf32>,
        %mul3A_791 = arith.mulf %get3A_790, %get3A_137 : vector<16xf32>
        %add3A_792 = arith.addf %add3A_786, %mul3A_791 : vector<16xf32>
        %add3A_793 = arith.constant 80 : i32
        %add3A_794 = arith.addi %add3A_765, %add3A_793 : i32
        %get3A_795 = arith.index_cast %add3A_794 : i32 to index
        %get3A_796 = tpu.vector_load %arg7[%get3A_795] {strides = array<i32>} : memref<51200xf32, #tpu.memory_space<vmem>>, vector<16xf32>,
        %mul3A_797 = arith.mulf %get3A_796, %get3A_141 : vector<16xf32>
        %add3A_798 = arith.addf %add3A_792, %mul3A_797 : vector<16xf32>
        %add3A_799 = arith.constant 96 : i32
        %add3A_800 = arith.addi %add3A_765, %add3A_799 : i32
        %get3A_801 = arith.index_cast %add3A_800 : i32 to index
        %get3A_802 = tpu.vector_load %arg7[%get3A_801] {strides = array<i32>} : memref<51200xf32, #tpu.memory_space<vmem>>, vector<16xf32>,
        %mul3A_803 = arith.mulf %get3A_802, %get3A_145 : vector<16xf32>
        %add3A_804 = arith.addf %add3A_798, %mul3A_803 : vector<16xf32>
        %add3A_805 = arith.constant 112 : i32
        %add3A_806 = arith.addi %add3A_765, %add3A_805 : i32
        %get3A_807 = arith.index_cast %add3A_806 : i32 to index
        %get3A_808 = tpu.vector_load %arg7[%get3A_807] {strides = array<i32>} : memref<51200xf32, #tpu.memory_space<vmem>>, vector<16xf32>,
        %mul3A_809 = arith.mulf %get3A_808, %get3A_149 : vector<16xf32>
        %add3A_810 = arith.addf %add3A_804, %mul3A_809 : vector<16xf32>
        %broadcast_in_dim3A_811 = vector.shape_cast %xor3A_53 : vector<16xi32> to vector<16x1xi32>
        %gather3A_812 = vector.shape_cast %broadcast_in_dim3A_811 : vector<16x1xi32> to vector<16xi32>
        %gather3A_813 = tpu.dynamic_gather %add3A_810[%gather3A_812] in [0] : vector<16xf32>, vector<16xi32> -> vector<16xf32>
        %add3A_814 = arith.addf %add3A_810, %gather3A_813 : vector<16xf32>
        %broadcast_in_dim3A_815 = vector.shape_cast %xor3A_56 : vector<16xi32> to vector<16x1xi32>
        %gather3A_816 = vector.shape_cast %broadcast_in_dim3A_815 : vector<16x1xi32> to vector<16xi32>
        %gather3A_817 = tpu.dynamic_gather %add3A_814[%gather3A_816] in [0] : vector<16xf32>, vector<16xi32> -> vector<16xf32>
        %add3A_818 = arith.addf %add3A_814, %gather3A_817 : vector<16xf32>
        %broadcast_in_dim3A_819 = vector.shape_cast %xor3A_59 : vector<16xi32> to vector<16x1xi32>
        %gather3A_820 = vector.shape_cast %broadcast_in_dim3A_819 : vector<16x1xi32> to vector<16xi32>
        %gather3A_821 = tpu.dynamic_gather %add3A_818[%gather3A_820] in [0] : vector<16xf32>, vector<16xi32> -> vector<16xf32>
        %add3A_822 = arith.addf %add3A_818, %gather3A_821 : vector<16xf32>
        %broadcast_in_dim3A_823 = vector.shape_cast %xor3A_62 : vector<16xi32> to vector<16x1xi32>
        %gather3A_824 = vector.shape_cast %broadcast_in_dim3A_823 : vector<16x1xi32> to vector<16xi32>
        %gather3A_825 = tpu.dynamic_gather %add3A_822[%gather3A_824] in [0] : vector<16xf32>, vector<16xi32> -> vector<16xf32>
        %add3A_826 = arith.addf %add3A_822, %gather3A_825 : vector<16xf32>
        %select_n3A_827 = arith.select %eq3A_15, %add3A_826, %select_n3A_763 : vector<16xi1>, vector<16xf32>
        %add3A_828 = arith.constant 512 : i32
        %add3A_829 = arith.addi %add3A_571, %add3A_828 : i32
        %get3A_830 = arith.index_cast %add3A_829 : i32 to index
        %get3A_831 = tpu.vector_load %arg7[%get3A_830] {strides = array<i32>} : memref<51200xf32, #tpu.memory_space<vmem>>, vector<16xf32>,
        %mul3A_832 = arith.mulf %get3A_831, %get3A_121 : vector<16xf32>
        %add3A_833 = arith.constant 16 : i32
        %add3A_834 = arith.addi %add3A_829, %add3A_833 : i32
        %get3A_835 = arith.index_cast %add3A_834 : i32 to index
        %get3A_836 = tpu.vector_load %arg7[%get3A_835] {strides = array<i32>} : memref<51200xf32, #tpu.memory_space<vmem>>, vector<16xf32>,
        %mul3A_837 = arith.mulf %get3A_836, %get3A_125 : vector<16xf32>
        %add3A_838 = arith.addf %mul3A_832, %mul3A_837 : vector<16xf32>
        %add3A_839 = arith.constant 32 : i32
        %add3A_840 = arith.addi %add3A_829, %add3A_839 : i32
        %get3A_841 = arith.index_cast %add3A_840 : i32 to index
        %get3A_842 = tpu.vector_load %arg7[%get3A_841] {strides = array<i32>} : memref<51200xf32, #tpu.memory_space<vmem>>, vector<16xf32>,
        %mul3A_843 = arith.mulf %get3A_842, %get3A_129 : vector<16xf32>
        %add3A_844 = arith.addf %add3A_838, %mul3A_843 : vector<16xf32>
        %add3A_845 = arith.constant 48 : i32
        %add3A_846 = arith.addi %add3A_829, %add3A_845 : i32
        %get3A_847 = arith.index_cast %add3A_846 : i32 to index
        %get3A_848 = tpu.vector_load %arg7[%get3A_847] {strides = array<i32>} : memref<51200xf32, #tpu.memory_space<vmem>>, vector<16xf32>,
        %mul3A_849 = arith.mulf %get3A_848, %get3A_133 : vector<16xf32>
        %add3A_850 = arith.addf %add3A_844, %mul3A_849 : vector<16xf32>
        %add3A_851 = arith.constant 64 : i32
        %add3A_852 = arith.addi %add3A_829, %add3A_851 : i32
        %get3A_853 = arith.index_cast %add3A_852 : i32 to index
        %get3A_854 = tpu.vector_load %arg7[%get3A_853] {strides = array<i32>} : memref<51200xf32, #tpu.memory_space<vmem>>, vector<16xf32>,
        %mul3A_855 = arith.mulf %get3A_854, %get3A_137 : vector<16xf32>
        %add3A_856 = arith.addf %add3A_850, %mul3A_855 : vector<16xf32>
        %add3A_857 = arith.constant 80 : i32
        %add3A_858 = arith.addi %add3A_829, %add3A_857 : i32
        %get3A_859 = arith.index_cast %add3A_858 : i32 to index
        %get3A_860 = tpu.vector_load %arg7[%get3A_859] {strides = array<i32>} : memref<51200xf32, #tpu.memory_space<vmem>>, vector<16xf32>,
        %mul3A_861 = arith.mulf %get3A_860, %get3A_141 : vector<16xf32>
        %add3A_862 = arith.addf %add3A_856, %mul3A_861 : vector<16xf32>
        %add3A_863 = arith.constant 96 : i32
        %add3A_864 = arith.addi %add3A_829, %add3A_863 : i32
        %get3A_865 = arith.index_cast %add3A_864 : i32 to index
        %get3A_866 = tpu.vector_load %arg7[%get3A_865] {strides = array<i32>} : memref<51200xf32, #tpu.memory_space<vmem>>, vector<16xf32>,
        %mul3A_867 = arith.mulf %get3A_866, %get3A_145 : vector<16xf32>
        %add3A_868 = arith.addf %add3A_862, %mul3A_867 : vector<16xf32>
        %add3A_869 = arith.constant 112 : i32
        %add3A_870 = arith.addi %add3A_829, %add3A_869 : i32
        %get3A_871 = arith.index_cast %add3A_870 : i32 to index
        %get3A_872 = tpu.vector_load %arg7[%get3A_871] {strides = array<i32>} : memref<51200xf32, #tpu.memory_space<vmem>>, vector<16xf32>,
        %mul3A_873 = arith.mulf %get3A_872, %get3A_149 : vector<16xf32>
        %add3A_874 = arith.addf %add3A_868, %mul3A_873 : vector<16xf32>
        %broadcast_in_dim3A_875 = vector.shape_cast %xor3A_53 : vector<16xi32> to vector<16x1xi32>
        %gather3A_876 = vector.shape_cast %broadcast_in_dim3A_875 : vector<16x1xi32> to vector<16xi32>
        %gather3A_877 = tpu.dynamic_gather %add3A_874[%gather3A_876] in [0] : vector<16xf32>, vector<16xi32> -> vector<16xf32>
        %add3A_878 = arith.addf %add3A_874, %gather3A_877 : vector<16xf32>
        %broadcast_in_dim3A_879 = vector.shape_cast %xor3A_56 : vector<16xi32> to vector<16x1xi32>
        %gather3A_880 = vector.shape_cast %broadcast_in_dim3A_879 : vector<16x1xi32> to vector<16xi32>
        %gather3A_881 = tpu.dynamic_gather %add3A_878[%gather3A_880] in [0] : vector<16xf32>, vector<16xi32> -> vector<16xf32>
        %add3A_882 = arith.addf %add3A_878, %gather3A_881 : vector<16xf32>
        %broadcast_in_dim3A_883 = vector.shape_cast %xor3A_59 : vector<16xi32> to vector<16x1xi32>
        %gather3A_884 = vector.shape_cast %broadcast_in_dim3A_883 : vector<16x1xi32> to vector<16xi32>
        %gather3A_885 = tpu.dynamic_gather %add3A_882[%gather3A_884] in [0] : vector<16xf32>, vector<16xi32> -> vector<16xf32>
        %add3A_886 = arith.addf %add3A_882, %gather3A_885 : vector<16xf32>
        %broadcast_in_dim3A_887 = vector.shape_cast %xor3A_62 : vector<16xi32> to vector<16x1xi32>
        %gather3A_888 = vector.shape_cast %broadcast_in_dim3A_887 : vector<16x1xi32> to vector<16xi32>
        %gather3A_889 = tpu.dynamic_gather %add3A_886[%gather3A_888] in [0] : vector<16xf32>, vector<16xi32> -> vector<16xf32>
        %add3A_890 = arith.addf %add3A_886, %gather3A_889 : vector<16xf32>
        %select_n3A_891 = arith.select %eq3A_18, %add3A_890, %select_n3A_827 : vector<16xi1>, vector<16xf32>
        %add3A_892 = arith.constant 640 : i32
        %add3A_893 = arith.addi %add3A_571, %add3A_892 : i32
        %get3A_894 = arith.index_cast %add3A_893 : i32 to index
        %get3A_895 = tpu.vector_load %arg7[%get3A_894] {strides = array<i32>} : memref<51200xf32, #tpu.memory_space<vmem>>, vector<16xf32>,
        %mul3A_896 = arith.mulf %get3A_895, %get3A_121 : vector<16xf32>
        %add3A_897 = arith.constant 16 : i32
        %add3A_898 = arith.addi %add3A_893, %add3A_897 : i32
        %get3A_899 = arith.index_cast %add3A_898 : i32 to index
        %get3A_900 = tpu.vector_load %arg7[%get3A_899] {strides = array<i32>} : memref<51200xf32, #tpu.memory_space<vmem>>, vector<16xf32>,
        %mul3A_901 = arith.mulf %get3A_900, %get3A_125 : vector<16xf32>
        %add3A_902 = arith.addf %mul3A_896, %mul3A_901 : vector<16xf32>
        %add3A_903 = arith.constant 32 : i32
        %add3A_904 = arith.addi %add3A_893, %add3A_903 : i32
        %get3A_905 = arith.index_cast %add3A_904 : i32 to index
        %get3A_906 = tpu.vector_load %arg7[%get3A_905] {strides = array<i32>} : memref<51200xf32, #tpu.memory_space<vmem>>, vector<16xf32>,
        %mul3A_907 = arith.mulf %get3A_906, %get3A_129 : vector<16xf32>
        %add3A_908 = arith.addf %add3A_902, %mul3A_907 : vector<16xf32>
        %add3A_909 = arith.constant 48 : i32
        %add3A_910 = arith.addi %add3A_893, %add3A_909 : i32
        %get3A_911 = arith.index_cast %add3A_910 : i32 to index
        %get3A_912 = tpu.vector_load %arg7[%get3A_911] {strides = array<i32>} : memref<51200xf32, #tpu.memory_space<vmem>>, vector<16xf32>,
        %mul3A_913 = arith.mulf %get3A_912, %get3A_133 : vector<16xf32>
        %add3A_914 = arith.addf %add3A_908, %mul3A_913 : vector<16xf32>
        %add3A_915 = arith.constant 64 : i32
        %add3A_916 = arith.addi %add3A_893, %add3A_915 : i32
        %get3A_917 = arith.index_cast %add3A_916 : i32 to index
        %get3A_918 = tpu.vector_load %arg7[%get3A_917] {strides = array<i32>} : memref<51200xf32, #tpu.memory_space<vmem>>, vector<16xf32>,
        %mul3A_919 = arith.mulf %get3A_918, %get3A_137 : vector<16xf32>
        %add3A_920 = arith.addf %add3A_914, %mul3A_919 : vector<16xf32>
        %add3A_921 = arith.constant 80 : i32
        %add3A_922 = arith.addi %add3A_893, %add3A_921 : i32
        %get3A_923 = arith.index_cast %add3A_922 : i32 to index
        %get3A_924 = tpu.vector_load %arg7[%get3A_923] {strides = array<i32>} : memref<51200xf32, #tpu.memory_space<vmem>>, vector<16xf32>,
        %mul3A_925 = arith.mulf %get3A_924, %get3A_141 : vector<16xf32>
        %add3A_926 = arith.addf %add3A_920, %mul3A_925 : vector<16xf32>
        %add3A_927 = arith.constant 96 : i32
        %add3A_928 = arith.addi %add3A_893, %add3A_927 : i32
        %get3A_929 = arith.index_cast %add3A_928 : i32 to index
        %get3A_930 = tpu.vector_load %arg7[%get3A_929] {strides = array<i32>} : memref<51200xf32, #tpu.memory_space<vmem>>, vector<16xf32>,
        %mul3A_931 = arith.mulf %get3A_930, %get3A_145 : vector<16xf32>
        %add3A_932 = arith.addf %add3A_926, %mul3A_931 : vector<16xf32>
        %add3A_933 = arith.constant 112 : i32
        %add3A_934 = arith.addi %add3A_893, %add3A_933 : i32
        %get3A_935 = arith.index_cast %add3A_934 : i32 to index
        %get3A_936 = tpu.vector_load %arg7[%get3A_935] {strides = array<i32>} : memref<51200xf32, #tpu.memory_space<vmem>>, vector<16xf32>,
        %mul3A_937 = arith.mulf %get3A_936, %get3A_149 : vector<16xf32>
        %add3A_938 = arith.addf %add3A_932, %mul3A_937 : vector<16xf32>
        %broadcast_in_dim3A_939 = vector.shape_cast %xor3A_53 : vector<16xi32> to vector<16x1xi32>
        %gather3A_940 = vector.shape_cast %broadcast_in_dim3A_939 : vector<16x1xi32> to vector<16xi32>
        %gather3A_941 = tpu.dynamic_gather %add3A_938[%gather3A_940] in [0] : vector<16xf32>, vector<16xi32> -> vector<16xf32>
        %add3A_942 = arith.addf %add3A_938, %gather3A_941 : vector<16xf32>
        %broadcast_in_dim3A_943 = vector.shape_cast %xor3A_56 : vector<16xi32> to vector<16x1xi32>
        %gather3A_944 = vector.shape_cast %broadcast_in_dim3A_943 : vector<16x1xi32> to vector<16xi32>
        %gather3A_945 = tpu.dynamic_gather %add3A_942[%gather3A_944] in [0] : vector<16xf32>, vector<16xi32> -> vector<16xf32>
        %add3A_946 = arith.addf %add3A_942, %gather3A_945 : vector<16xf32>
        %broadcast_in_dim3A_947 = vector.shape_cast %xor3A_59 : vector<16xi32> to vector<16x1xi32>
        %gather3A_948 = vector.shape_cast %broadcast_in_dim3A_947 : vector<16x1xi32> to vector<16xi32>
        %gather3A_949 = tpu.dynamic_gather %add3A_946[%gather3A_948] in [0] : vector<16xf32>, vector<16xi32> -> vector<16xf32>
        %add3A_950 = arith.addf %add3A_946, %gather3A_949 : vector<16xf32>
        %broadcast_in_dim3A_951 = vector.shape_cast %xor3A_62 : vector<16xi32> to vector<16x1xi32>
        %gather3A_952 = vector.shape_cast %broadcast_in_dim3A_951 : vector<16x1xi32> to vector<16xi32>
        %gather3A_953 = tpu.dynamic_gather %add3A_950[%gather3A_952] in [0] : vector<16xf32>, vector<16xi32> -> vector<16xf32>
        %add3A_954 = arith.addf %add3A_950, %gather3A_953 : vector<16xf32>
        %select_n3A_955 = arith.select %eq3A_21, %add3A_954, %select_n3A_891 : vector<16xi1>, vector<16xf32>
        %add3A_956 = arith.constant 768 : i32
        %add3A_957 = arith.addi %add3A_571, %add3A_956 : i32
        %get3A_958 = arith.index_cast %add3A_957 : i32 to index
        %get3A_959 = tpu.vector_load %arg7[%get3A_958] {strides = array<i32>} : memref<51200xf32, #tpu.memory_space<vmem>>, vector<16xf32>,
        %mul3A_960 = arith.mulf %get3A_959, %get3A_121 : vector<16xf32>
        %add3A_961 = arith.constant 16 : i32
        %add3A_962 = arith.addi %add3A_957, %add3A_961 : i32
        %get3A_963 = arith.index_cast %add3A_962 : i32 to index
        %get3A_964 = tpu.vector_load %arg7[%get3A_963] {strides = array<i32>} : memref<51200xf32, #tpu.memory_space<vmem>>, vector<16xf32>,
        %mul3A_965 = arith.mulf %get3A_964, %get3A_125 : vector<16xf32>
        %add3A_966 = arith.addf %mul3A_960, %mul3A_965 : vector<16xf32>
        %add3A_967 = arith.constant 32 : i32
        %add3A_968 = arith.addi %add3A_957, %add3A_967 : i32
        %get3A_969 = arith.index_cast %add3A_968 : i32 to index
        %get3A_970 = tpu.vector_load %arg7[%get3A_969] {strides = array<i32>} : memref<51200xf32, #tpu.memory_space<vmem>>, vector<16xf32>,
        %mul3A_971 = arith.mulf %get3A_970, %get3A_129 : vector<16xf32>
        %add3A_972 = arith.addf %add3A_966, %mul3A_971 : vector<16xf32>
        %add3A_973 = arith.constant 48 : i32
        %add3A_974 = arith.addi %add3A_957, %add3A_973 : i32
        %get3A_975 = arith.index_cast %add3A_974 : i32 to index
        %get3A_976 = tpu.vector_load %arg7[%get3A_975] {strides = array<i32>} : memref<51200xf32, #tpu.memory_space<vmem>>, vector<16xf32>,
        %mul3A_977 = arith.mulf %get3A_976, %get3A_133 : vector<16xf32>
        %add3A_978 = arith.addf %add3A_972, %mul3A_977 : vector<16xf32>
        %add3A_979 = arith.constant 64 : i32
        %add3A_980 = arith.addi %add3A_957, %add3A_979 : i32
        %get3A_981 = arith.index_cast %add3A_980 : i32 to index
        %get3A_982 = tpu.vector_load %arg7[%get3A_981] {strides = array<i32>} : memref<51200xf32, #tpu.memory_space<vmem>>, vector<16xf32>,
        %mul3A_983 = arith.mulf %get3A_982, %get3A_137 : vector<16xf32>
        %add3A_984 = arith.addf %add3A_978, %mul3A_983 : vector<16xf32>
        %add3A_985 = arith.constant 80 : i32
        %add3A_986 = arith.addi %add3A_957, %add3A_985 : i32
        %get3A_987 = arith.index_cast %add3A_986 : i32 to index
        %get3A_988 = tpu.vector_load %arg7[%get3A_987] {strides = array<i32>} : memref<51200xf32, #tpu.memory_space<vmem>>, vector<16xf32>,
        %mul3A_989 = arith.mulf %get3A_988, %get3A_141 : vector<16xf32>
        %add3A_990 = arith.addf %add3A_984, %mul3A_989 : vector<16xf32>
        %add3A_991 = arith.constant 96 : i32
        %add3A_992 = arith.addi %add3A_957, %add3A_991 : i32
        %get3A_993 = arith.index_cast %add3A_992 : i32 to index
        %get3A_994 = tpu.vector_load %arg7[%get3A_993] {strides = array<i32>} : memref<51200xf32, #tpu.memory_space<vmem>>, vector<16xf32>,
        %mul3A_995 = arith.mulf %get3A_994, %get3A_145 : vector<16xf32>
        %add3A_996 = arith.addf %add3A_990, %mul3A_995 : vector<16xf32>
        %add3A_997 = arith.constant 112 : i32
        %add3A_998 = arith.addi %add3A_957, %add3A_997 : i32
        %get3A_999 = arith.index_cast %add3A_998 : i32 to index
        %get3A_1000 = tpu.vector_load %arg7[%get3A_999] {strides = array<i32>} : memref<51200xf32, #tpu.memory_space<vmem>>, vector<16xf32>,
        %mul3A_1001 = arith.mulf %get3A_1000, %get3A_149 : vector<16xf32>
        %add3A_1002 = arith.addf %add3A_996, %mul3A_1001 : vector<16xf32>
        %broadcast_in_dim3A_1003 = vector.shape_cast %xor3A_53 : vector<16xi32> to vector<16x1xi32>
        %gather3A_1004 = vector.shape_cast %broadcast_in_dim3A_1003 : vector<16x1xi32> to vector<16xi32>
        %gather3A_1005 = tpu.dynamic_gather %add3A_1002[%gather3A_1004] in [0] : vector<16xf32>, vector<16xi32> -> vector<16xf32>
        %add3A_1006 = arith.addf %add3A_1002, %gather3A_1005 : vector<16xf32>
        %broadcast_in_dim3A_1007 = vector.shape_cast %xor3A_56 : vector<16xi32> to vector<16x1xi32>
        %gather3A_1008 = vector.shape_cast %broadcast_in_dim3A_1007 : vector<16x1xi32> to vector<16xi32>
        %gather3A_1009 = tpu.dynamic_gather %add3A_1006[%gather3A_1008] in [0] : vector<16xf32>, vector<16xi32> -> vector<16xf32>
        %add3A_1010 = arith.addf %add3A_1006, %gather3A_1009 : vector<16xf32>
        %broadcast_in_dim3A_1011 = vector.shape_cast %xor3A_59 : vector<16xi32> to vector<16x1xi32>
        %gather3A_1012 = vector.shape_cast %broadcast_in_dim3A_1011 : vector<16x1xi32> to vector<16xi32>
        %gather3A_1013 = tpu.dynamic_gather %add3A_1010[%gather3A_1012] in [0] : vector<16xf32>, vector<16xi32> -> vector<16xf32>
        %add3A_1014 = arith.addf %add3A_1010, %gather3A_1013 : vector<16xf32>
        %broadcast_in_dim3A_1015 = vector.shape_cast %xor3A_62 : vector<16xi32> to vector<16x1xi32>
        %gather3A_1016 = vector.shape_cast %broadcast_in_dim3A_1015 : vector<16x1xi32> to vector<16xi32>
        %gather3A_1017 = tpu.dynamic_gather %add3A_1014[%gather3A_1016] in [0] : vector<16xf32>, vector<16xi32> -> vector<16xf32>
        %add3A_1018 = arith.addf %add3A_1014, %gather3A_1017 : vector<16xf32>
        %select_n3A_1019 = arith.select %eq3A_24, %add3A_1018, %select_n3A_955 : vector<16xi1>, vector<16xf32>
        %add3A_1020 = arith.constant 896 : i32
        %add3A_1021 = arith.addi %add3A_571, %add3A_1020 : i32
        %get3A_1022 = arith.index_cast %add3A_1021 : i32 to index
        %get3A_1023 = tpu.vector_load %arg7[%get3A_1022] {strides = array<i32>} : memref<51200xf32, #tpu.memory_space<vmem>>, vector<16xf32>,
        %mul3A_1024 = arith.mulf %get3A_1023, %get3A_121 : vector<16xf32>
        %add3A_1025 = arith.constant 16 : i32
        %add3A_1026 = arith.addi %add3A_1021, %add3A_1025 : i32
        %get3A_1027 = arith.index_cast %add3A_1026 : i32 to index
        %get3A_1028 = tpu.vector_load %arg7[%get3A_1027] {strides = array<i32>} : memref<51200xf32, #tpu.memory_space<vmem>>, vector<16xf32>,
        %mul3A_1029 = arith.mulf %get3A_1028, %get3A_125 : vector<16xf32>
        %add3A_1030 = arith.addf %mul3A_1024, %mul3A_1029 : vector<16xf32>
        %add3A_1031 = arith.constant 32 : i32
        %add3A_1032 = arith.addi %add3A_1021, %add3A_1031 : i32
        %get3A_1033 = arith.index_cast %add3A_1032 : i32 to index
        %get3A_1034 = tpu.vector_load %arg7[%get3A_1033] {strides = array<i32>} : memref<51200xf32, #tpu.memory_space<vmem>>, vector<16xf32>,
        %mul3A_1035 = arith.mulf %get3A_1034, %get3A_129 : vector<16xf32>
        %add3A_1036 = arith.addf %add3A_1030, %mul3A_1035 : vector<16xf32>
        %add3A_1037 = arith.constant 48 : i32
        %add3A_1038 = arith.addi %add3A_1021, %add3A_1037 : i32
        %get3A_1039 = arith.index_cast %add3A_1038 : i32 to index
        %get3A_1040 = tpu.vector_load %arg7[%get3A_1039] {strides = array<i32>} : memref<51200xf32, #tpu.memory_space<vmem>>, vector<16xf32>,
        %mul3A_1041 = arith.mulf %get3A_1040, %get3A_133 : vector<16xf32>
        %add3A_1042 = arith.addf %add3A_1036, %mul3A_1041 : vector<16xf32>
        %add3A_1043 = arith.constant 64 : i32
        %add3A_1044 = arith.addi %add3A_1021, %add3A_1043 : i32
        %get3A_1045 = arith.index_cast %add3A_1044 : i32 to index
        %get3A_1046 = tpu.vector_load %arg7[%get3A_1045] {strides = array<i32>} : memref<51200xf32, #tpu.memory_space<vmem>>, vector<16xf32>,
        %mul3A_1047 = arith.mulf %get3A_1046, %get3A_137 : vector<16xf32>
        %add3A_1048 = arith.addf %add3A_1042, %mul3A_1047 : vector<16xf32>
        %add3A_1049 = arith.constant 80 : i32
        %add3A_1050 = arith.addi %add3A_1021, %add3A_1049 : i32
        %get3A_1051 = arith.index_cast %add3A_1050 : i32 to index
        %get3A_1052 = tpu.vector_load %arg7[%get3A_1051] {strides = array<i32>} : memref<51200xf32, #tpu.memory_space<vmem>>, vector<16xf32>,
        %mul3A_1053 = arith.mulf %get3A_1052, %get3A_141 : vector<16xf32>
        %add3A_1054 = arith.addf %add3A_1048, %mul3A_1053 : vector<16xf32>
        %add3A_1055 = arith.constant 96 : i32
        %add3A_1056 = arith.addi %add3A_1021, %add3A_1055 : i32
        %get3A_1057 = arith.index_cast %add3A_1056 : i32 to index
        %get3A_1058 = tpu.vector_load %arg7[%get3A_1057] {strides = array<i32>} : memref<51200xf32, #tpu.memory_space<vmem>>, vector<16xf32>,
        %mul3A_1059 = arith.mulf %get3A_1058, %get3A_145 : vector<16xf32>
        %add3A_1060 = arith.addf %add3A_1054, %mul3A_1059 : vector<16xf32>
        %add3A_1061 = arith.constant 112 : i32
        %add3A_1062 = arith.addi %add3A_1021, %add3A_1061 : i32
        %get3A_1063 = arith.index_cast %add3A_1062 : i32 to index
        %get3A_1064 = tpu.vector_load %arg7[%get3A_1063] {strides = array<i32>} : memref<51200xf32, #tpu.memory_space<vmem>>, vector<16xf32>,
        %mul3A_1065 = arith.mulf %get3A_1064, %get3A_149 : vector<16xf32>
        %add3A_1066 = arith.addf %add3A_1060, %mul3A_1065 : vector<16xf32>
        %broadcast_in_dim3A_1067 = vector.shape_cast %xor3A_53 : vector<16xi32> to vector<16x1xi32>
        %gather3A_1068 = vector.shape_cast %broadcast_in_dim3A_1067 : vector<16x1xi32> to vector<16xi32>
        %gather3A_1069 = tpu.dynamic_gather %add3A_1066[%gather3A_1068] in [0] : vector<16xf32>, vector<16xi32> -> vector<16xf32>
        %add3A_1070 = arith.addf %add3A_1066, %gather3A_1069 : vector<16xf32>
        %broadcast_in_dim3A_1071 = vector.shape_cast %xor3A_56 : vector<16xi32> to vector<16x1xi32>
        %gather3A_1072 = vector.shape_cast %broadcast_in_dim3A_1071 : vector<16x1xi32> to vector<16xi32>
        %gather3A_1073 = tpu.dynamic_gather %add3A_1070[%gather3A_1072] in [0] : vector<16xf32>, vector<16xi32> -> vector<16xf32>
        %add3A_1074 = arith.addf %add3A_1070, %gather3A_1073 : vector<16xf32>
        %broadcast_in_dim3A_1075 = vector.shape_cast %xor3A_59 : vector<16xi32> to vector<16x1xi32>
        %gather3A_1076 = vector.shape_cast %broadcast_in_dim3A_1075 : vector<16x1xi32> to vector<16xi32>
        %gather3A_1077 = tpu.dynamic_gather %add3A_1074[%gather3A_1076] in [0] : vector<16xf32>, vector<16xi32> -> vector<16xf32>
        %add3A_1078 = arith.addf %add3A_1074, %gather3A_1077 : vector<16xf32>
        %broadcast_in_dim3A_1079 = vector.shape_cast %xor3A_62 : vector<16xi32> to vector<16x1xi32>
        %gather3A_1080 = vector.shape_cast %broadcast_in_dim3A_1079 : vector<16x1xi32> to vector<16xi32>
        %gather3A_1081 = tpu.dynamic_gather %add3A_1078[%gather3A_1080] in [0] : vector<16xf32>, vector<16xi32> -> vector<16xf32>
        %add3A_1082 = arith.addf %add3A_1078, %gather3A_1081 : vector<16xf32>
        %select_n3A_1083 = arith.select %eq3A_27, %add3A_1082, %select_n3A_1019 : vector<16xi1>, vector<16xf32>
        %add3A_1084 = arith.constant 1024 : i32
        %add3A_1085 = arith.addi %add3A_571, %add3A_1084 : i32
        %get3A_1086 = arith.index_cast %add3A_1085 : i32 to index
        %get3A_1087 = tpu.vector_load %arg7[%get3A_1086] {strides = array<i32>} : memref<51200xf32, #tpu.memory_space<vmem>>, vector<16xf32>,
        %mul3A_1088 = arith.mulf %get3A_1087, %get3A_121 : vector<16xf32>
        %add3A_1089 = arith.constant 16 : i32
        %add3A_1090 = arith.addi %add3A_1085, %add3A_1089 : i32
        %get3A_1091 = arith.index_cast %add3A_1090 : i32 to index
        %get3A_1092 = tpu.vector_load %arg7[%get3A_1091] {strides = array<i32>} : memref<51200xf32, #tpu.memory_space<vmem>>, vector<16xf32>,
        %mul3A_1093 = arith.mulf %get3A_1092, %get3A_125 : vector<16xf32>
        %add3A_1094 = arith.addf %mul3A_1088, %mul3A_1093 : vector<16xf32>
        %add3A_1095 = arith.constant 32 : i32
        %add3A_1096 = arith.addi %add3A_1085, %add3A_1095 : i32
        %get3A_1097 = arith.index_cast %add3A_1096 : i32 to index
        %get3A_1098 = tpu.vector_load %arg7[%get3A_1097] {strides = array<i32>} : memref<51200xf32, #tpu.memory_space<vmem>>, vector<16xf32>,
        %mul3A_1099 = arith.mulf %get3A_1098, %get3A_129 : vector<16xf32>
        %add3A_1100 = arith.addf %add3A_1094, %mul3A_1099 : vector<16xf32>
        %add3A_1101 = arith.constant 48 : i32
        %add3A_1102 = arith.addi %add3A_1085, %add3A_1101 : i32
        %get3A_1103 = arith.index_cast %add3A_1102 : i32 to index
        %get3A_1104 = tpu.vector_load %arg7[%get3A_1103] {strides = array<i32>} : memref<51200xf32, #tpu.memory_space<vmem>>, vector<16xf32>,
        %mul3A_1105 = arith.mulf %get3A_1104, %get3A_133 : vector<16xf32>
        %add3A_1106 = arith.addf %add3A_1100, %mul3A_1105 : vector<16xf32>
        %add3A_1107 = arith.constant 64 : i32
        %add3A_1108 = arith.addi %add3A_1085, %add3A_1107 : i32
        %get3A_1109 = arith.index_cast %add3A_1108 : i32 to index
        %get3A_1110 = tpu.vector_load %arg7[%get3A_1109] {strides = array<i32>} : memref<51200xf32, #tpu.memory_space<vmem>>, vector<16xf32>,
        %mul3A_1111 = arith.mulf %get3A_1110, %get3A_137 : vector<16xf32>
        %add3A_1112 = arith.addf %add3A_1106, %mul3A_1111 : vector<16xf32>
        %add3A_1113 = arith.constant 80 : i32
        %add3A_1114 = arith.addi %add3A_1085, %add3A_1113 : i32
        %get3A_1115 = arith.index_cast %add3A_1114 : i32 to index
        %get3A_1116 = tpu.vector_load %arg7[%get3A_1115] {strides = array<i32>} : memref<51200xf32, #tpu.memory_space<vmem>>, vector<16xf32>,
        %mul3A_1117 = arith.mulf %get3A_1116, %get3A_141 : vector<16xf32>
        %add3A_1118 = arith.addf %add3A_1112, %mul3A_1117 : vector<16xf32>
        %add3A_1119 = arith.constant 96 : i32
        %add3A_1120 = arith.addi %add3A_1085, %add3A_1119 : i32
        %get3A_1121 = arith.index_cast %add3A_1120 : i32 to index
        %get3A_1122 = tpu.vector_load %arg7[%get3A_1121] {strides = array<i32>} : memref<51200xf32, #tpu.memory_space<vmem>>, vector<16xf32>,
        %mul3A_1123 = arith.mulf %get3A_1122, %get3A_145 : vector<16xf32>
        %add3A_1124 = arith.addf %add3A_1118, %mul3A_1123 : vector<16xf32>
        %add3A_1125 = arith.constant 112 : i32
        %add3A_1126 = arith.addi %add3A_1085, %add3A_1125 : i32
        %get3A_1127 = arith.index_cast %add3A_1126 : i32 to index
        %get3A_1128 = tpu.vector_load %arg7[%get3A_1127] {strides = array<i32>} : memref<51200xf32, #tpu.memory_space<vmem>>, vector<16xf32>,
        %mul3A_1129 = arith.mulf %get3A_1128, %get3A_149 : vector<16xf32>
        %add3A_1130 = arith.addf %add3A_1124, %mul3A_1129 : vector<16xf32>
        %broadcast_in_dim3A_1131 = vector.shape_cast %xor3A_53 : vector<16xi32> to vector<16x1xi32>
        %gather3A_1132 = vector.shape_cast %broadcast_in_dim3A_1131 : vector<16x1xi32> to vector<16xi32>
        %gather3A_1133 = tpu.dynamic_gather %add3A_1130[%gather3A_1132] in [0] : vector<16xf32>, vector<16xi32> -> vector<16xf32>
        %add3A_1134 = arith.addf %add3A_1130, %gather3A_1133 : vector<16xf32>
        %broadcast_in_dim3A_1135 = vector.shape_cast %xor3A_56 : vector<16xi32> to vector<16x1xi32>
        %gather3A_1136 = vector.shape_cast %broadcast_in_dim3A_1135 : vector<16x1xi32> to vector<16xi32>
        %gather3A_1137 = tpu.dynamic_gather %add3A_1134[%gather3A_1136] in [0] : vector<16xf32>, vector<16xi32> -> vector<16xf32>
        %add3A_1138 = arith.addf %add3A_1134, %gather3A_1137 : vector<16xf32>
        %broadcast_in_dim3A_1139 = vector.shape_cast %xor3A_59 : vector<16xi32> to vector<16x1xi32>
        %gather3A_1140 = vector.shape_cast %broadcast_in_dim3A_1139 : vector<16x1xi32> to vector<16xi32>
        %gather3A_1141 = tpu.dynamic_gather %add3A_1138[%gather3A_1140] in [0] : vector<16xf32>, vector<16xi32> -> vector<16xf32>
        %add3A_1142 = arith.addf %add3A_1138, %gather3A_1141 : vector<16xf32>
        %broadcast_in_dim3A_1143 = vector.shape_cast %xor3A_62 : vector<16xi32> to vector<16x1xi32>
        %gather3A_1144 = vector.shape_cast %broadcast_in_dim3A_1143 : vector<16x1xi32> to vector<16xi32>
        %gather3A_1145 = tpu.dynamic_gather %add3A_1142[%gather3A_1144] in [0] : vector<16xf32>, vector<16xi32> -> vector<16xf32>
        %add3A_1146 = arith.addf %add3A_1142, %gather3A_1145 : vector<16xf32>
        %select_n3A_1147 = arith.select %eq3A_30, %add3A_1146, %select_n3A_1083 : vector<16xi1>, vector<16xf32>
        %add3A_1148 = arith.constant 1152 : i32
        %add3A_1149 = arith.addi %add3A_571, %add3A_1148 : i32
        %get3A_1150 = arith.index_cast %add3A_1149 : i32 to index
        %get3A_1151 = tpu.vector_load %arg7[%get3A_1150] {strides = array<i32>} : memref<51200xf32, #tpu.memory_space<vmem>>, vector<16xf32>,
        %mul3A_1152 = arith.mulf %get3A_1151, %get3A_121 : vector<16xf32>
        %add3A_1153 = arith.constant 16 : i32
        %add3A_1154 = arith.addi %add3A_1149, %add3A_1153 : i32
        %get3A_1155 = arith.index_cast %add3A_1154 : i32 to index
        %get3A_1156 = tpu.vector_load %arg7[%get3A_1155] {strides = array<i32>} : memref<51200xf32, #tpu.memory_space<vmem>>, vector<16xf32>,
        %mul3A_1157 = arith.mulf %get3A_1156, %get3A_125 : vector<16xf32>
        %add3A_1158 = arith.addf %mul3A_1152, %mul3A_1157 : vector<16xf32>
        %add3A_1159 = arith.constant 32 : i32
        %add3A_1160 = arith.addi %add3A_1149, %add3A_1159 : i32
        %get3A_1161 = arith.index_cast %add3A_1160 : i32 to index
        %get3A_1162 = tpu.vector_load %arg7[%get3A_1161] {strides = array<i32>} : memref<51200xf32, #tpu.memory_space<vmem>>, vector<16xf32>,
        %mul3A_1163 = arith.mulf %get3A_1162, %get3A_129 : vector<16xf32>
        %add3A_1164 = arith.addf %add3A_1158, %mul3A_1163 : vector<16xf32>
        %add3A_1165 = arith.constant 48 : i32
        %add3A_1166 = arith.addi %add3A_1149, %add3A_1165 : i32
        %get3A_1167 = arith.index_cast %add3A_1166 : i32 to index
        %get3A_1168 = tpu.vector_load %arg7[%get3A_1167] {strides = array<i32>} : memref<51200xf32, #tpu.memory_space<vmem>>, vector<16xf32>,
        %mul3A_1169 = arith.mulf %get3A_1168, %get3A_133 : vector<16xf32>
        %add3A_1170 = arith.addf %add3A_1164, %mul3A_1169 : vector<16xf32>
        %add3A_1171 = arith.constant 64 : i32
        %add3A_1172 = arith.addi %add3A_1149, %add3A_1171 : i32
        %get3A_1173 = arith.index_cast %add3A_1172 : i32 to index
        %get3A_1174 = tpu.vector_load %arg7[%get3A_1173] {strides = array<i32>} : memref<51200xf32, #tpu.memory_space<vmem>>, vector<16xf32>,
        %mul3A_1175 = arith.mulf %get3A_1174, %get3A_137 : vector<16xf32>
        %add3A_1176 = arith.addf %add3A_1170, %mul3A_1175 : vector<16xf32>
        %add3A_1177 = arith.constant 80 : i32
        %add3A_1178 = arith.addi %add3A_1149, %add3A_1177 : i32
        %get3A_1179 = arith.index_cast %add3A_1178 : i32 to index
        %get3A_1180 = tpu.vector_load %arg7[%get3A_1179] {strides = array<i32>} : memref<51200xf32, #tpu.memory_space<vmem>>, vector<16xf32>,
        %mul3A_1181 = arith.mulf %get3A_1180, %get3A_141 : vector<16xf32>
        %add3A_1182 = arith.addf %add3A_1176, %mul3A_1181 : vector<16xf32>
        %add3A_1183 = arith.constant 96 : i32
        %add3A_1184 = arith.addi %add3A_1149, %add3A_1183 : i32
        %get3A_1185 = arith.index_cast %add3A_1184 : i32 to index
        %get3A_1186 = tpu.vector_load %arg7[%get3A_1185] {strides = array<i32>} : memref<51200xf32, #tpu.memory_space<vmem>>, vector<16xf32>,
        %mul3A_1187 = arith.mulf %get3A_1186, %get3A_145 : vector<16xf32>
        %add3A_1188 = arith.addf %add3A_1182, %mul3A_1187 : vector<16xf32>
        %add3A_1189 = arith.constant 112 : i32
        %add3A_1190 = arith.addi %add3A_1149, %add3A_1189 : i32
        %get3A_1191 = arith.index_cast %add3A_1190 : i32 to index
        %get3A_1192 = tpu.vector_load %arg7[%get3A_1191] {strides = array<i32>} : memref<51200xf32, #tpu.memory_space<vmem>>, vector<16xf32>,
        %mul3A_1193 = arith.mulf %get3A_1192, %get3A_149 : vector<16xf32>
        %add3A_1194 = arith.addf %add3A_1188, %mul3A_1193 : vector<16xf32>
        %broadcast_in_dim3A_1195 = vector.shape_cast %xor3A_53 : vector<16xi32> to vector<16x1xi32>
        %gather3A_1196 = vector.shape_cast %broadcast_in_dim3A_1195 : vector<16x1xi32> to vector<16xi32>
        %gather3A_1197 = tpu.dynamic_gather %add3A_1194[%gather3A_1196] in [0] : vector<16xf32>, vector<16xi32> -> vector<16xf32>
        %add3A_1198 = arith.addf %add3A_1194, %gather3A_1197 : vector<16xf32>
        %broadcast_in_dim3A_1199 = vector.shape_cast %xor3A_56 : vector<16xi32> to vector<16x1xi32>
        %gather3A_1200 = vector.shape_cast %broadcast_in_dim3A_1199 : vector<16x1xi32> to vector<16xi32>
        %gather3A_1201 = tpu.dynamic_gather %add3A_1198[%gather3A_1200] in [0] : vector<16xf32>, vector<16xi32> -> vector<16xf32>
        %add3A_1202 = arith.addf %add3A_1198, %gather3A_1201 : vector<16xf32>
        %broadcast_in_dim3A_1203 = vector.shape_cast %xor3A_59 : vector<16xi32> to vector<16x1xi32>
        %gather3A_1204 = vector.shape_cast %broadcast_in_dim3A_1203 : vector<16x1xi32> to vector<16xi32>
        %gather3A_1205 = tpu.dynamic_gather %add3A_1202[%gather3A_1204] in [0] : vector<16xf32>, vector<16xi32> -> vector<16xf32>
        %add3A_1206 = arith.addf %add3A_1202, %gather3A_1205 : vector<16xf32>
        %broadcast_in_dim3A_1207 = vector.shape_cast %xor3A_62 : vector<16xi32> to vector<16x1xi32>
        %gather3A_1208 = vector.shape_cast %broadcast_in_dim3A_1207 : vector<16x1xi32> to vector<16xi32>
        %gather3A_1209 = tpu.dynamic_gather %add3A_1206[%gather3A_1208] in [0] : vector<16xf32>, vector<16xi32> -> vector<16xf32>
        %add3A_1210 = arith.addf %add3A_1206, %gather3A_1209 : vector<16xf32>
        %select_n3A_1211 = arith.select %eq3A_33, %add3A_1210, %select_n3A_1147 : vector<16xi1>, vector<16xf32>
        %add3A_1212 = arith.constant 1280 : i32
        %add3A_1213 = arith.addi %add3A_571, %add3A_1212 : i32
        %get3A_1214 = arith.index_cast %add3A_1213 : i32 to index
        %get3A_1215 = tpu.vector_load %arg7[%get3A_1214] {strides = array<i32>} : memref<51200xf32, #tpu.memory_space<vmem>>, vector<16xf32>,
        %mul3A_1216 = arith.mulf %get3A_1215, %get3A_121 : vector<16xf32>
        %add3A_1217 = arith.constant 16 : i32
        %add3A_1218 = arith.addi %add3A_1213, %add3A_1217 : i32
        %get3A_1219 = arith.index_cast %add3A_1218 : i32 to index
        %get3A_1220 = tpu.vector_load %arg7[%get3A_1219] {strides = array<i32>} : memref<51200xf32, #tpu.memory_space<vmem>>, vector<16xf32>,
        %mul3A_1221 = arith.mulf %get3A_1220, %get3A_125 : vector<16xf32>
        %add3A_1222 = arith.addf %mul3A_1216, %mul3A_1221 : vector<16xf32>
        %add3A_1223 = arith.constant 32 : i32
        %add3A_1224 = arith.addi %add3A_1213, %add3A_1223 : i32
        %get3A_1225 = arith.index_cast %add3A_1224 : i32 to index
        %get3A_1226 = tpu.vector_load %arg7[%get3A_1225] {strides = array<i32>} : memref<51200xf32, #tpu.memory_space<vmem>>, vector<16xf32>,
        %mul3A_1227 = arith.mulf %get3A_1226, %get3A_129 : vector<16xf32>
        %add3A_1228 = arith.addf %add3A_1222, %mul3A_1227 : vector<16xf32>
        %add3A_1229 = arith.constant 48 : i32
        %add3A_1230 = arith.addi %add3A_1213, %add3A_1229 : i32
        %get3A_1231 = arith.index_cast %add3A_1230 : i32 to index
        %get3A_1232 = tpu.vector_load %arg7[%get3A_1231] {strides = array<i32>} : memref<51200xf32, #tpu.memory_space<vmem>>, vector<16xf32>,
        %mul3A_1233 = arith.mulf %get3A_1232, %get3A_133 : vector<16xf32>
        %add3A_1234 = arith.addf %add3A_1228, %mul3A_1233 : vector<16xf32>
        %add3A_1235 = arith.constant 64 : i32
        %add3A_1236 = arith.addi %add3A_1213, %add3A_1235 : i32
        %get3A_1237 = arith.index_cast %add3A_1236 : i32 to index
        %get3A_1238 = tpu.vector_load %arg7[%get3A_1237] {strides = array<i32>} : memref<51200xf32, #tpu.memory_space<vmem>>, vector<16xf32>,
        %mul3A_1239 = arith.mulf %get3A_1238, %get3A_137 : vector<16xf32>
        %add3A_1240 = arith.addf %add3A_1234, %mul3A_1239 : vector<16xf32>
        %add3A_1241 = arith.constant 80 : i32
        %add3A_1242 = arith.addi %add3A_1213, %add3A_1241 : i32
        %get3A_1243 = arith.index_cast %add3A_1242 : i32 to index
        %get3A_1244 = tpu.vector_load %arg7[%get3A_1243] {strides = array<i32>} : memref<51200xf32, #tpu.memory_space<vmem>>, vector<16xf32>,
        %mul3A_1245 = arith.mulf %get3A_1244, %get3A_141 : vector<16xf32>
        %add3A_1246 = arith.addf %add3A_1240, %mul3A_1245 : vector<16xf32>
        %add3A_1247 = arith.constant 96 : i32
        %add3A_1248 = arith.addi %add3A_1213, %add3A_1247 : i32
        %get3A_1249 = arith.index_cast %add3A_1248 : i32 to index
        %get3A_1250 = tpu.vector_load %arg7[%get3A_1249] {strides = array<i32>} : memref<51200xf32, #tpu.memory_space<vmem>>, vector<16xf32>,
        %mul3A_1251 = arith.mulf %get3A_1250, %get3A_145 : vector<16xf32>
        %add3A_1252 = arith.addf %add3A_1246, %mul3A_1251 : vector<16xf32>
        %add3A_1253 = arith.constant 112 : i32
        %add3A_1254 = arith.addi %add3A_1213, %add3A_1253 : i32
        %get3A_1255 = arith.index_cast %add3A_1254 : i32 to index
        %get3A_1256 = tpu.vector_load %arg7[%get3A_1255] {strides = array<i32>} : memref<51200xf32, #tpu.memory_space<vmem>>, vector<16xf32>,
        %mul3A_1257 = arith.mulf %get3A_1256, %get3A_149 : vector<16xf32>
        %add3A_1258 = arith.addf %add3A_1252, %mul3A_1257 : vector<16xf32>
        %broadcast_in_dim3A_1259 = vector.shape_cast %xor3A_53 : vector<16xi32> to vector<16x1xi32>
        %gather3A_1260 = vector.shape_cast %broadcast_in_dim3A_1259 : vector<16x1xi32> to vector<16xi32>
        %gather3A_1261 = tpu.dynamic_gather %add3A_1258[%gather3A_1260] in [0] : vector<16xf32>, vector<16xi32> -> vector<16xf32>
        %add3A_1262 = arith.addf %add3A_1258, %gather3A_1261 : vector<16xf32>
        %broadcast_in_dim3A_1263 = vector.shape_cast %xor3A_56 : vector<16xi32> to vector<16x1xi32>
        %gather3A_1264 = vector.shape_cast %broadcast_in_dim3A_1263 : vector<16x1xi32> to vector<16xi32>
        %gather3A_1265 = tpu.dynamic_gather %add3A_1262[%gather3A_1264] in [0] : vector<16xf32>, vector<16xi32> -> vector<16xf32>
        %add3A_1266 = arith.addf %add3A_1262, %gather3A_1265 : vector<16xf32>
        %broadcast_in_dim3A_1267 = vector.shape_cast %xor3A_59 : vector<16xi32> to vector<16x1xi32>
        %gather3A_1268 = vector.shape_cast %broadcast_in_dim3A_1267 : vector<16x1xi32> to vector<16xi32>
        %gather3A_1269 = tpu.dynamic_gather %add3A_1266[%gather3A_1268] in [0] : vector<16xf32>, vector<16xi32> -> vector<16xf32>
        %add3A_1270 = arith.addf %add3A_1266, %gather3A_1269 : vector<16xf32>
        %broadcast_in_dim3A_1271 = vector.shape_cast %xor3A_62 : vector<16xi32> to vector<16x1xi32>
        %gather3A_1272 = vector.shape_cast %broadcast_in_dim3A_1271 : vector<16x1xi32> to vector<16xi32>
        %gather3A_1273 = tpu.dynamic_gather %add3A_1270[%gather3A_1272] in [0] : vector<16xf32>, vector<16xi32> -> vector<16xf32>
        %add3A_1274 = arith.addf %add3A_1270, %gather3A_1273 : vector<16xf32>
        %select_n3A_1275 = arith.select %eq3A_36, %add3A_1274, %select_n3A_1211 : vector<16xi1>, vector<16xf32>
        %add3A_1276 = arith.constant 1408 : i32
        %add3A_1277 = arith.addi %add3A_571, %add3A_1276 : i32
        %get3A_1278 = arith.index_cast %add3A_1277 : i32 to index
        %get3A_1279 = tpu.vector_load %arg7[%get3A_1278] {strides = array<i32>} : memref<51200xf32, #tpu.memory_space<vmem>>, vector<16xf32>,
        %mul3A_1280 = arith.mulf %get3A_1279, %get3A_121 : vector<16xf32>
        %add3A_1281 = arith.constant 16 : i32
        %add3A_1282 = arith.addi %add3A_1277, %add3A_1281 : i32
        %get3A_1283 = arith.index_cast %add3A_1282 : i32 to index
        %get3A_1284 = tpu.vector_load %arg7[%get3A_1283] {strides = array<i32>} : memref<51200xf32, #tpu.memory_space<vmem>>, vector<16xf32>,
        %mul3A_1285 = arith.mulf %get3A_1284, %get3A_125 : vector<16xf32>
        %add3A_1286 = arith.addf %mul3A_1280, %mul3A_1285 : vector<16xf32>
        %add3A_1287 = arith.constant 32 : i32
        %add3A_1288 = arith.addi %add3A_1277, %add3A_1287 : i32
        %get3A_1289 = arith.index_cast %add3A_1288 : i32 to index
        %get3A_1290 = tpu.vector_load %arg7[%get3A_1289] {strides = array<i32>} : memref<51200xf32, #tpu.memory_space<vmem>>, vector<16xf32>,
        %mul3A_1291 = arith.mulf %get3A_1290, %get3A_129 : vector<16xf32>
        %add3A_1292 = arith.addf %add3A_1286, %mul3A_1291 : vector<16xf32>
        %add3A_1293 = arith.constant 48 : i32
        %add3A_1294 = arith.addi %add3A_1277, %add3A_1293 : i32
        %get3A_1295 = arith.index_cast %add3A_1294 : i32 to index
        %get3A_1296 = tpu.vector_load %arg7[%get3A_1295] {strides = array<i32>} : memref<51200xf32, #tpu.memory_space<vmem>>, vector<16xf32>,
        %mul3A_1297 = arith.mulf %get3A_1296, %get3A_133 : vector<16xf32>
        %add3A_1298 = arith.addf %add3A_1292, %mul3A_1297 : vector<16xf32>
        %add3A_1299 = arith.constant 64 : i32
        %add3A_1300 = arith.addi %add3A_1277, %add3A_1299 : i32
        %get3A_1301 = arith.index_cast %add3A_1300 : i32 to index
        %get3A_1302 = tpu.vector_load %arg7[%get3A_1301] {strides = array<i32>} : memref<51200xf32, #tpu.memory_space<vmem>>, vector<16xf32>,
        %mul3A_1303 = arith.mulf %get3A_1302, %get3A_137 : vector<16xf32>
        %add3A_1304 = arith.addf %add3A_1298, %mul3A_1303 : vector<16xf32>
        %add3A_1305 = arith.constant 80 : i32
        %add3A_1306 = arith.addi %add3A_1277, %add3A_1305 : i32
        %get3A_1307 = arith.index_cast %add3A_1306 : i32 to index
        %get3A_1308 = tpu.vector_load %arg7[%get3A_1307] {strides = array<i32>} : memref<51200xf32, #tpu.memory_space<vmem>>, vector<16xf32>,
        %mul3A_1309 = arith.mulf %get3A_1308, %get3A_141 : vector<16xf32>
        %add3A_1310 = arith.addf %add3A_1304, %mul3A_1309 : vector<16xf32>
        %add3A_1311 = arith.constant 96 : i32
        %add3A_1312 = arith.addi %add3A_1277, %add3A_1311 : i32
        %get3A_1313 = arith.index_cast %add3A_1312 : i32 to index
        %get3A_1314 = tpu.vector_load %arg7[%get3A_1313] {strides = array<i32>} : memref<51200xf32, #tpu.memory_space<vmem>>, vector<16xf32>,
        %mul3A_1315 = arith.mulf %get3A_1314, %get3A_145 : vector<16xf32>
        %add3A_1316 = arith.addf %add3A_1310, %mul3A_1315 : vector<16xf32>
        %add3A_1317 = arith.constant 112 : i32
        %add3A_1318 = arith.addi %add3A_1277, %add3A_1317 : i32
        %get3A_1319 = arith.index_cast %add3A_1318 : i32 to index
        %get3A_1320 = tpu.vector_load %arg7[%get3A_1319] {strides = array<i32>} : memref<51200xf32, #tpu.memory_space<vmem>>, vector<16xf32>,
        %mul3A_1321 = arith.mulf %get3A_1320, %get3A_149 : vector<16xf32>
        %add3A_1322 = arith.addf %add3A_1316, %mul3A_1321 : vector<16xf32>
        %broadcast_in_dim3A_1323 = vector.shape_cast %xor3A_53 : vector<16xi32> to vector<16x1xi32>
        %gather3A_1324 = vector.shape_cast %broadcast_in_dim3A_1323 : vector<16x1xi32> to vector<16xi32>
        %gather3A_1325 = tpu.dynamic_gather %add3A_1322[%gather3A_1324] in [0] : vector<16xf32>, vector<16xi32> -> vector<16xf32>
        %add3A_1326 = arith.addf %add3A_1322, %gather3A_1325 : vector<16xf32>
        %broadcast_in_dim3A_1327 = vector.shape_cast %xor3A_56 : vector<16xi32> to vector<16x1xi32>
        %gather3A_1328 = vector.shape_cast %broadcast_in_dim3A_1327 : vector<16x1xi32> to vector<16xi32>
        %gather3A_1329 = tpu.dynamic_gather %add3A_1326[%gather3A_1328] in [0] : vector<16xf32>, vector<16xi32> -> vector<16xf32>
        %add3A_1330 = arith.addf %add3A_1326, %gather3A_1329 : vector<16xf32>
        %broadcast_in_dim3A_1331 = vector.shape_cast %xor3A_59 : vector<16xi32> to vector<16x1xi32>
        %gather3A_1332 = vector.shape_cast %broadcast_in_dim3A_1331 : vector<16x1xi32> to vector<16xi32>
        %gather3A_1333 = tpu.dynamic_gather %add3A_1330[%gather3A_1332] in [0] : vector<16xf32>, vector<16xi32> -> vector<16xf32>
        %add3A_1334 = arith.addf %add3A_1330, %gather3A_1333 : vector<16xf32>
        %broadcast_in_dim3A_1335 = vector.shape_cast %xor3A_62 : vector<16xi32> to vector<16x1xi32>
        %gather3A_1336 = vector.shape_cast %broadcast_in_dim3A_1335 : vector<16x1xi32> to vector<16xi32>
        %gather3A_1337 = tpu.dynamic_gather %add3A_1334[%gather3A_1336] in [0] : vector<16xf32>, vector<16xi32> -> vector<16xf32>
        %add3A_1338 = arith.addf %add3A_1334, %gather3A_1337 : vector<16xf32>
        %select_n3A_1339 = arith.select %eq3A_39, %add3A_1338, %select_n3A_1275 : vector<16xi1>, vector<16xf32>
        %add3A_1340 = arith.constant 1536 : i32
        %add3A_1341 = arith.addi %add3A_571, %add3A_1340 : i32
        %get3A_1342 = arith.index_cast %add3A_1341 : i32 to index
        %get3A_1343 = tpu.vector_load %arg7[%get3A_1342] {strides = array<i32>} : memref<51200xf32, #tpu.memory_space<vmem>>, vector<16xf32>,
        %mul3A_1344 = arith.mulf %get3A_1343, %get3A_121 : vector<16xf32>
        %add3A_1345 = arith.constant 16 : i32
        %add3A_1346 = arith.addi %add3A_1341, %add3A_1345 : i32
        %get3A_1347 = arith.index_cast %add3A_1346 : i32 to index
        %get3A_1348 = tpu.vector_load %arg7[%get3A_1347] {strides = array<i32>} : memref<51200xf32, #tpu.memory_space<vmem>>, vector<16xf32>,
        %mul3A_1349 = arith.mulf %get3A_1348, %get3A_125 : vector<16xf32>
        %add3A_1350 = arith.addf %mul3A_1344, %mul3A_1349 : vector<16xf32>
        %add3A_1351 = arith.constant 32 : i32
        %add3A_1352 = arith.addi %add3A_1341, %add3A_1351 : i32
        %get3A_1353 = arith.index_cast %add3A_1352 : i32 to index
        %get3A_1354 = tpu.vector_load %arg7[%get3A_1353] {strides = array<i32>} : memref<51200xf32, #tpu.memory_space<vmem>>, vector<16xf32>,
        %mul3A_1355 = arith.mulf %get3A_1354, %get3A_129 : vector<16xf32>
        %add3A_1356 = arith.addf %add3A_1350, %mul3A_1355 : vector<16xf32>
        %add3A_1357 = arith.constant 48 : i32
        %add3A_1358 = arith.addi %add3A_1341, %add3A_1357 : i32
        %get3A_1359 = arith.index_cast %add3A_1358 : i32 to index
        %get3A_1360 = tpu.vector_load %arg7[%get3A_1359] {strides = array<i32>} : memref<51200xf32, #tpu.memory_space<vmem>>, vector<16xf32>,
        %mul3A_1361 = arith.mulf %get3A_1360, %get3A_133 : vector<16xf32>
        %add3A_1362 = arith.addf %add3A_1356, %mul3A_1361 : vector<16xf32>
        %add3A_1363 = arith.constant 64 : i32
        %add3A_1364 = arith.addi %add3A_1341, %add3A_1363 : i32
        %get3A_1365 = arith.index_cast %add3A_1364 : i32 to index
        %get3A_1366 = tpu.vector_load %arg7[%get3A_1365] {strides = array<i32>} : memref<51200xf32, #tpu.memory_space<vmem>>, vector<16xf32>,
        %mul3A_1367 = arith.mulf %get3A_1366, %get3A_137 : vector<16xf32>
        %add3A_1368 = arith.addf %add3A_1362, %mul3A_1367 : vector<16xf32>
        %add3A_1369 = arith.constant 80 : i32
        %add3A_1370 = arith.addi %add3A_1341, %add3A_1369 : i32
        %get3A_1371 = arith.index_cast %add3A_1370 : i32 to index
        %get3A_1372 = tpu.vector_load %arg7[%get3A_1371] {strides = array<i32>} : memref<51200xf32, #tpu.memory_space<vmem>>, vector<16xf32>,
        %mul3A_1373 = arith.mulf %get3A_1372, %get3A_141 : vector<16xf32>
        %add3A_1374 = arith.addf %add3A_1368, %mul3A_1373 : vector<16xf32>
        %add3A_1375 = arith.constant 96 : i32
        %add3A_1376 = arith.addi %add3A_1341, %add3A_1375 : i32
        %get3A_1377 = arith.index_cast %add3A_1376 : i32 to index
        %get3A_1378 = tpu.vector_load %arg7[%get3A_1377] {strides = array<i32>} : memref<51200xf32, #tpu.memory_space<vmem>>, vector<16xf32>,
        %mul3A_1379 = arith.mulf %get3A_1378, %get3A_145 : vector<16xf32>
        %add3A_1380 = arith.addf %add3A_1374, %mul3A_1379 : vector<16xf32>
        %add3A_1381 = arith.constant 112 : i32
        %add3A_1382 = arith.addi %add3A_1341, %add3A_1381 : i32
        %get3A_1383 = arith.index_cast %add3A_1382 : i32 to index
        %get3A_1384 = tpu.vector_load %arg7[%get3A_1383] {strides = array<i32>} : memref<51200xf32, #tpu.memory_space<vmem>>, vector<16xf32>,
        %mul3A_1385 = arith.mulf %get3A_1384, %get3A_149 : vector<16xf32>
        %add3A_1386 = arith.addf %add3A_1380, %mul3A_1385 : vector<16xf32>
        %broadcast_in_dim3A_1387 = vector.shape_cast %xor3A_53 : vector<16xi32> to vector<16x1xi32>
        %gather3A_1388 = vector.shape_cast %broadcast_in_dim3A_1387 : vector<16x1xi32> to vector<16xi32>
        %gather3A_1389 = tpu.dynamic_gather %add3A_1386[%gather3A_1388] in [0] : vector<16xf32>, vector<16xi32> -> vector<16xf32>
        %add3A_1390 = arith.addf %add3A_1386, %gather3A_1389 : vector<16xf32>
        %broadcast_in_dim3A_1391 = vector.shape_cast %xor3A_56 : vector<16xi32> to vector<16x1xi32>
        %gather3A_1392 = vector.shape_cast %broadcast_in_dim3A_1391 : vector<16x1xi32> to vector<16xi32>
        %gather3A_1393 = tpu.dynamic_gather %add3A_1390[%gather3A_1392] in [0] : vector<16xf32>, vector<16xi32> -> vector<16xf32>
        %add3A_1394 = arith.addf %add3A_1390, %gather3A_1393 : vector<16xf32>
        %broadcast_in_dim3A_1395 = vector.shape_cast %xor3A_59 : vector<16xi32> to vector<16x1xi32>
        %gather3A_1396 = vector.shape_cast %broadcast_in_dim3A_1395 : vector<16x1xi32> to vector<16xi32>
        %gather3A_1397 = tpu.dynamic_gather %add3A_1394[%gather3A_1396] in [0] : vector<16xf32>, vector<16xi32> -> vector<16xf32>
        %add3A_1398 = arith.addf %add3A_1394, %gather3A_1397 : vector<16xf32>
        %broadcast_in_dim3A_1399 = vector.shape_cast %xor3A_62 : vector<16xi32> to vector<16x1xi32>
        %gather3A_1400 = vector.shape_cast %broadcast_in_dim3A_1399 : vector<16x1xi32> to vector<16xi32>
        %gather3A_1401 = tpu.dynamic_gather %add3A_1398[%gather3A_1400] in [0] : vector<16xf32>, vector<16xi32> -> vector<16xf32>
        %add3A_1402 = arith.addf %add3A_1398, %gather3A_1401 : vector<16xf32>
        %select_n3A_1403 = arith.select %eq3A_42, %add3A_1402, %select_n3A_1339 : vector<16xi1>, vector<16xf32>
        %add3A_1404 = arith.constant 1664 : i32
        %add3A_1405 = arith.addi %add3A_571, %add3A_1404 : i32
        %get3A_1406 = arith.index_cast %add3A_1405 : i32 to index
        %get3A_1407 = tpu.vector_load %arg7[%get3A_1406] {strides = array<i32>} : memref<51200xf32, #tpu.memory_space<vmem>>, vector<16xf32>,
        %mul3A_1408 = arith.mulf %get3A_1407, %get3A_121 : vector<16xf32>
        %add3A_1409 = arith.constant 16 : i32
        %add3A_1410 = arith.addi %add3A_1405, %add3A_1409 : i32
        %get3A_1411 = arith.index_cast %add3A_1410 : i32 to index
        %get3A_1412 = tpu.vector_load %arg7[%get3A_1411] {strides = array<i32>} : memref<51200xf32, #tpu.memory_space<vmem>>, vector<16xf32>,
        %mul3A_1413 = arith.mulf %get3A_1412, %get3A_125 : vector<16xf32>
        %add3A_1414 = arith.addf %mul3A_1408, %mul3A_1413 : vector<16xf32>
        %add3A_1415 = arith.constant 32 : i32
        %add3A_1416 = arith.addi %add3A_1405, %add3A_1415 : i32
        %get3A_1417 = arith.index_cast %add3A_1416 : i32 to index
        %get3A_1418 = tpu.vector_load %arg7[%get3A_1417] {strides = array<i32>} : memref<51200xf32, #tpu.memory_space<vmem>>, vector<16xf32>,
        %mul3A_1419 = arith.mulf %get3A_1418, %get3A_129 : vector<16xf32>
        %add3A_1420 = arith.addf %add3A_1414, %mul3A_1419 : vector<16xf32>
        %add3A_1421 = arith.constant 48 : i32
        %add3A_1422 = arith.addi %add3A_1405, %add3A_1421 : i32
        %get3A_1423 = arith.index_cast %add3A_1422 : i32 to index
        %get3A_1424 = tpu.vector_load %arg7[%get3A_1423] {strides = array<i32>} : memref<51200xf32, #tpu.memory_space<vmem>>, vector<16xf32>,
        %mul3A_1425 = arith.mulf %get3A_1424, %get3A_133 : vector<16xf32>
        %add3A_1426 = arith.addf %add3A_1420, %mul3A_1425 : vector<16xf32>
        %add3A_1427 = arith.constant 64 : i32
        %add3A_1428 = arith.addi %add3A_1405, %add3A_1427 : i32
        %get3A_1429 = arith.index_cast %add3A_1428 : i32 to index
        %get3A_1430 = tpu.vector_load %arg7[%get3A_1429] {strides = array<i32>} : memref<51200xf32, #tpu.memory_space<vmem>>, vector<16xf32>,
        %mul3A_1431 = arith.mulf %get3A_1430, %get3A_137 : vector<16xf32>
        %add3A_1432 = arith.addf %add3A_1426, %mul3A_1431 : vector<16xf32>
        %add3A_1433 = arith.constant 80 : i32
        %add3A_1434 = arith.addi %add3A_1405, %add3A_1433 : i32
        %get3A_1435 = arith.index_cast %add3A_1434 : i32 to index
        %get3A_1436 = tpu.vector_load %arg7[%get3A_1435] {strides = array<i32>} : memref<51200xf32, #tpu.memory_space<vmem>>, vector<16xf32>,
        %mul3A_1437 = arith.mulf %get3A_1436, %get3A_141 : vector<16xf32>
        %add3A_1438 = arith.addf %add3A_1432, %mul3A_1437 : vector<16xf32>
        %add3A_1439 = arith.constant 96 : i32
        %add3A_1440 = arith.addi %add3A_1405, %add3A_1439 : i32
        %get3A_1441 = arith.index_cast %add3A_1440 : i32 to index
        %get3A_1442 = tpu.vector_load %arg7[%get3A_1441] {strides = array<i32>} : memref<51200xf32, #tpu.memory_space<vmem>>, vector<16xf32>,
        %mul3A_1443 = arith.mulf %get3A_1442, %get3A_145 : vector<16xf32>
        %add3A_1444 = arith.addf %add3A_1438, %mul3A_1443 : vector<16xf32>
        %add3A_1445 = arith.constant 112 : i32
        %add3A_1446 = arith.addi %add3A_1405, %add3A_1445 : i32
        %get3A_1447 = arith.index_cast %add3A_1446 : i32 to index
        %get3A_1448 = tpu.vector_load %arg7[%get3A_1447] {strides = array<i32>} : memref<51200xf32, #tpu.memory_space<vmem>>, vector<16xf32>,
        %mul3A_1449 = arith.mulf %get3A_1448, %get3A_149 : vector<16xf32>
        %add3A_1450 = arith.addf %add3A_1444, %mul3A_1449 : vector<16xf32>
        %broadcast_in_dim3A_1451 = vector.shape_cast %xor3A_53 : vector<16xi32> to vector<16x1xi32>
        %gather3A_1452 = vector.shape_cast %broadcast_in_dim3A_1451 : vector<16x1xi32> to vector<16xi32>
        %gather3A_1453 = tpu.dynamic_gather %add3A_1450[%gather3A_1452] in [0] : vector<16xf32>, vector<16xi32> -> vector<16xf32>
        %add3A_1454 = arith.addf %add3A_1450, %gather3A_1453 : vector<16xf32>
        %broadcast_in_dim3A_1455 = vector.shape_cast %xor3A_56 : vector<16xi32> to vector<16x1xi32>
        %gather3A_1456 = vector.shape_cast %broadcast_in_dim3A_1455 : vector<16x1xi32> to vector<16xi32>
        %gather3A_1457 = tpu.dynamic_gather %add3A_1454[%gather3A_1456] in [0] : vector<16xf32>, vector<16xi32> -> vector<16xf32>
        %add3A_1458 = arith.addf %add3A_1454, %gather3A_1457 : vector<16xf32>
        %broadcast_in_dim3A_1459 = vector.shape_cast %xor3A_59 : vector<16xi32> to vector<16x1xi32>
        %gather3A_1460 = vector.shape_cast %broadcast_in_dim3A_1459 : vector<16x1xi32> to vector<16xi32>
        %gather3A_1461 = tpu.dynamic_gather %add3A_1458[%gather3A_1460] in [0] : vector<16xf32>, vector<16xi32> -> vector<16xf32>
        %add3A_1462 = arith.addf %add3A_1458, %gather3A_1461 : vector<16xf32>
        %broadcast_in_dim3A_1463 = vector.shape_cast %xor3A_62 : vector<16xi32> to vector<16x1xi32>
        %gather3A_1464 = vector.shape_cast %broadcast_in_dim3A_1463 : vector<16x1xi32> to vector<16xi32>
        %gather3A_1465 = tpu.dynamic_gather %add3A_1462[%gather3A_1464] in [0] : vector<16xf32>, vector<16xi32> -> vector<16xf32>
        %add3A_1466 = arith.addf %add3A_1462, %gather3A_1465 : vector<16xf32>
        %select_n3A_1467 = arith.select %eq3A_45, %add3A_1466, %select_n3A_1403 : vector<16xi1>, vector<16xf32>
        %add3A_1468 = arith.constant 1792 : i32
        %add3A_1469 = arith.addi %add3A_571, %add3A_1468 : i32
        %get3A_1470 = arith.index_cast %add3A_1469 : i32 to index
        %get3A_1471 = tpu.vector_load %arg7[%get3A_1470] {strides = array<i32>} : memref<51200xf32, #tpu.memory_space<vmem>>, vector<16xf32>,
        %mul3A_1472 = arith.mulf %get3A_1471, %get3A_121 : vector<16xf32>
        %add3A_1473 = arith.constant 16 : i32
        %add3A_1474 = arith.addi %add3A_1469, %add3A_1473 : i32
        %get3A_1475 = arith.index_cast %add3A_1474 : i32 to index
        %get3A_1476 = tpu.vector_load %arg7[%get3A_1475] {strides = array<i32>} : memref<51200xf32, #tpu.memory_space<vmem>>, vector<16xf32>,
        %mul3A_1477 = arith.mulf %get3A_1476, %get3A_125 : vector<16xf32>
        %add3A_1478 = arith.addf %mul3A_1472, %mul3A_1477 : vector<16xf32>
        %add3A_1479 = arith.constant 32 : i32
        %add3A_1480 = arith.addi %add3A_1469, %add3A_1479 : i32
        %get3A_1481 = arith.index_cast %add3A_1480 : i32 to index
        %get3A_1482 = tpu.vector_load %arg7[%get3A_1481] {strides = array<i32>} : memref<51200xf32, #tpu.memory_space<vmem>>, vector<16xf32>,
        %mul3A_1483 = arith.mulf %get3A_1482, %get3A_129 : vector<16xf32>
        %add3A_1484 = arith.addf %add3A_1478, %mul3A_1483 : vector<16xf32>
        %add3A_1485 = arith.constant 48 : i32
        %add3A_1486 = arith.addi %add3A_1469, %add3A_1485 : i32
        %get3A_1487 = arith.index_cast %add3A_1486 : i32 to index
        %get3A_1488 = tpu.vector_load %arg7[%get3A_1487] {strides = array<i32>} : memref<51200xf32, #tpu.memory_space<vmem>>, vector<16xf32>,
        %mul3A_1489 = arith.mulf %get3A_1488, %get3A_133 : vector<16xf32>
        %add3A_1490 = arith.addf %add3A_1484, %mul3A_1489 : vector<16xf32>
        %add3A_1491 = arith.constant 64 : i32
        %add3A_1492 = arith.addi %add3A_1469, %add3A_1491 : i32
        %get3A_1493 = arith.index_cast %add3A_1492 : i32 to index
        %get3A_1494 = tpu.vector_load %arg7[%get3A_1493] {strides = array<i32>} : memref<51200xf32, #tpu.memory_space<vmem>>, vector<16xf32>,
        %mul3A_1495 = arith.mulf %get3A_1494, %get3A_137 : vector<16xf32>
        %add3A_1496 = arith.addf %add3A_1490, %mul3A_1495 : vector<16xf32>
        %add3A_1497 = arith.constant 80 : i32
        %add3A_1498 = arith.addi %add3A_1469, %add3A_1497 : i32
        %get3A_1499 = arith.index_cast %add3A_1498 : i32 to index
        %get3A_1500 = tpu.vector_load %arg7[%get3A_1499] {strides = array<i32>} : memref<51200xf32, #tpu.memory_space<vmem>>, vector<16xf32>,
        %mul3A_1501 = arith.mulf %get3A_1500, %get3A_141 : vector<16xf32>
        %add3A_1502 = arith.addf %add3A_1496, %mul3A_1501 : vector<16xf32>
        %add3A_1503 = arith.constant 96 : i32
        %add3A_1504 = arith.addi %add3A_1469, %add3A_1503 : i32
        %get3A_1505 = arith.index_cast %add3A_1504 : i32 to index
        %get3A_1506 = tpu.vector_load %arg7[%get3A_1505] {strides = array<i32>} : memref<51200xf32, #tpu.memory_space<vmem>>, vector<16xf32>,
        %mul3A_1507 = arith.mulf %get3A_1506, %get3A_145 : vector<16xf32>
        %add3A_1508 = arith.addf %add3A_1502, %mul3A_1507 : vector<16xf32>
        %add3A_1509 = arith.constant 112 : i32
        %add3A_1510 = arith.addi %add3A_1469, %add3A_1509 : i32
        %get3A_1511 = arith.index_cast %add3A_1510 : i32 to index
        %get3A_1512 = tpu.vector_load %arg7[%get3A_1511] {strides = array<i32>} : memref<51200xf32, #tpu.memory_space<vmem>>, vector<16xf32>,
        %mul3A_1513 = arith.mulf %get3A_1512, %get3A_149 : vector<16xf32>
        %add3A_1514 = arith.addf %add3A_1508, %mul3A_1513 : vector<16xf32>
        %broadcast_in_dim3A_1515 = vector.shape_cast %xor3A_53 : vector<16xi32> to vector<16x1xi32>
        %gather3A_1516 = vector.shape_cast %broadcast_in_dim3A_1515 : vector<16x1xi32> to vector<16xi32>
        %gather3A_1517 = tpu.dynamic_gather %add3A_1514[%gather3A_1516] in [0] : vector<16xf32>, vector<16xi32> -> vector<16xf32>
        %add3A_1518 = arith.addf %add3A_1514, %gather3A_1517 : vector<16xf32>
        %broadcast_in_dim3A_1519 = vector.shape_cast %xor3A_56 : vector<16xi32> to vector<16x1xi32>
        %gather3A_1520 = vector.shape_cast %broadcast_in_dim3A_1519 : vector<16x1xi32> to vector<16xi32>
        %gather3A_1521 = tpu.dynamic_gather %add3A_1518[%gather3A_1520] in [0] : vector<16xf32>, vector<16xi32> -> vector<16xf32>
        %add3A_1522 = arith.addf %add3A_1518, %gather3A_1521 : vector<16xf32>
        %broadcast_in_dim3A_1523 = vector.shape_cast %xor3A_59 : vector<16xi32> to vector<16x1xi32>
        %gather3A_1524 = vector.shape_cast %broadcast_in_dim3A_1523 : vector<16x1xi32> to vector<16xi32>
        %gather3A_1525 = tpu.dynamic_gather %add3A_1522[%gather3A_1524] in [0] : vector<16xf32>, vector<16xi32> -> vector<16xf32>
        %add3A_1526 = arith.addf %add3A_1522, %gather3A_1525 : vector<16xf32>
        %broadcast_in_dim3A_1527 = vector.shape_cast %xor3A_62 : vector<16xi32> to vector<16x1xi32>
        %gather3A_1528 = vector.shape_cast %broadcast_in_dim3A_1527 : vector<16x1xi32> to vector<16xi32>
        %gather3A_1529 = tpu.dynamic_gather %add3A_1526[%gather3A_1528] in [0] : vector<16xf32>, vector<16xi32> -> vector<16xf32>
        %add3A_1530 = arith.addf %add3A_1526, %gather3A_1529 : vector<16xf32>
        %select_n3A_1531 = arith.select %eq3A_48, %add3A_1530, %select_n3A_1467 : vector<16xi1>, vector<16xf32>
        %add3A_1532 = arith.constant 1920 : i32
        %add3A_1533 = arith.addi %add3A_571, %add3A_1532 : i32
        %get3A_1534 = arith.index_cast %add3A_1533 : i32 to index
        %get3A_1535 = tpu.vector_load %arg7[%get3A_1534] {strides = array<i32>} : memref<51200xf32, #tpu.memory_space<vmem>>, vector<16xf32>,
        %mul3A_1536 = arith.mulf %get3A_1535, %get3A_121 : vector<16xf32>
        %add3A_1537 = arith.constant 16 : i32
        %add3A_1538 = arith.addi %add3A_1533, %add3A_1537 : i32
        %get3A_1539 = arith.index_cast %add3A_1538 : i32 to index
        %get3A_1540 = tpu.vector_load %arg7[%get3A_1539] {strides = array<i32>} : memref<51200xf32, #tpu.memory_space<vmem>>, vector<16xf32>,
        %mul3A_1541 = arith.mulf %get3A_1540, %get3A_125 : vector<16xf32>
        %add3A_1542 = arith.addf %mul3A_1536, %mul3A_1541 : vector<16xf32>
        %add3A_1543 = arith.constant 32 : i32
        %add3A_1544 = arith.addi %add3A_1533, %add3A_1543 : i32
        %get3A_1545 = arith.index_cast %add3A_1544 : i32 to index
        %get3A_1546 = tpu.vector_load %arg7[%get3A_1545] {strides = array<i32>} : memref<51200xf32, #tpu.memory_space<vmem>>, vector<16xf32>,
        %mul3A_1547 = arith.mulf %get3A_1546, %get3A_129 : vector<16xf32>
        %add3A_1548 = arith.addf %add3A_1542, %mul3A_1547 : vector<16xf32>
        %add3A_1549 = arith.constant 48 : i32
        %add3A_1550 = arith.addi %add3A_1533, %add3A_1549 : i32
        %get3A_1551 = arith.index_cast %add3A_1550 : i32 to index
        %get3A_1552 = tpu.vector_load %arg7[%get3A_1551] {strides = array<i32>} : memref<51200xf32, #tpu.memory_space<vmem>>, vector<16xf32>,
        %mul3A_1553 = arith.mulf %get3A_1552, %get3A_133 : vector<16xf32>
        %add3A_1554 = arith.addf %add3A_1548, %mul3A_1553 : vector<16xf32>
        %add3A_1555 = arith.constant 64 : i32
        %add3A_1556 = arith.addi %add3A_1533, %add3A_1555 : i32
        %get3A_1557 = arith.index_cast %add3A_1556 : i32 to index
        %get3A_1558 = tpu.vector_load %arg7[%get3A_1557] {strides = array<i32>} : memref<51200xf32, #tpu.memory_space<vmem>>, vector<16xf32>,
        %mul3A_1559 = arith.mulf %get3A_1558, %get3A_137 : vector<16xf32>
        %add3A_1560 = arith.addf %add3A_1554, %mul3A_1559 : vector<16xf32>
        %add3A_1561 = arith.constant 80 : i32
        %add3A_1562 = arith.addi %add3A_1533, %add3A_1561 : i32
        %get3A_1563 = arith.index_cast %add3A_1562 : i32 to index
        %get3A_1564 = tpu.vector_load %arg7[%get3A_1563] {strides = array<i32>} : memref<51200xf32, #tpu.memory_space<vmem>>, vector<16xf32>,
        %mul3A_1565 = arith.mulf %get3A_1564, %get3A_141 : vector<16xf32>
        %add3A_1566 = arith.addf %add3A_1560, %mul3A_1565 : vector<16xf32>
        %add3A_1567 = arith.constant 96 : i32
        %add3A_1568 = arith.addi %add3A_1533, %add3A_1567 : i32
        %get3A_1569 = arith.index_cast %add3A_1568 : i32 to index
        %get3A_1570 = tpu.vector_load %arg7[%get3A_1569] {strides = array<i32>} : memref<51200xf32, #tpu.memory_space<vmem>>, vector<16xf32>,
        %mul3A_1571 = arith.mulf %get3A_1570, %get3A_145 : vector<16xf32>
        %add3A_1572 = arith.addf %add3A_1566, %mul3A_1571 : vector<16xf32>
        %add3A_1573 = arith.constant 112 : i32
        %add3A_1574 = arith.addi %add3A_1533, %add3A_1573 : i32
        %get3A_1575 = arith.index_cast %add3A_1574 : i32 to index
        %get3A_1576 = tpu.vector_load %arg7[%get3A_1575] {strides = array<i32>} : memref<51200xf32, #tpu.memory_space<vmem>>, vector<16xf32>,
        %mul3A_1577 = arith.mulf %get3A_1576, %get3A_149 : vector<16xf32>
        %add3A_1578 = arith.addf %add3A_1572, %mul3A_1577 : vector<16xf32>
        %broadcast_in_dim3A_1579 = vector.shape_cast %xor3A_53 : vector<16xi32> to vector<16x1xi32>
        %gather3A_1580 = vector.shape_cast %broadcast_in_dim3A_1579 : vector<16x1xi32> to vector<16xi32>
        %gather3A_1581 = tpu.dynamic_gather %add3A_1578[%gather3A_1580] in [0] : vector<16xf32>, vector<16xi32> -> vector<16xf32>
        %add3A_1582 = arith.addf %add3A_1578, %gather3A_1581 : vector<16xf32>
        %broadcast_in_dim3A_1583 = vector.shape_cast %xor3A_56 : vector<16xi32> to vector<16x1xi32>
        %gather3A_1584 = vector.shape_cast %broadcast_in_dim3A_1583 : vector<16x1xi32> to vector<16xi32>
        %gather3A_1585 = tpu.dynamic_gather %add3A_1582[%gather3A_1584] in [0] : vector<16xf32>, vector<16xi32> -> vector<16xf32>
        %add3A_1586 = arith.addf %add3A_1582, %gather3A_1585 : vector<16xf32>
        %broadcast_in_dim3A_1587 = vector.shape_cast %xor3A_59 : vector<16xi32> to vector<16x1xi32>
        %gather3A_1588 = vector.shape_cast %broadcast_in_dim3A_1587 : vector<16x1xi32> to vector<16xi32>
        %gather3A_1589 = tpu.dynamic_gather %add3A_1586[%gather3A_1588] in [0] : vector<16xf32>, vector<16xi32> -> vector<16xf32>
        %add3A_1590 = arith.addf %add3A_1586, %gather3A_1589 : vector<16xf32>
        %broadcast_in_dim3A_1591 = vector.shape_cast %xor3A_62 : vector<16xi32> to vector<16x1xi32>
        %gather3A_1592 = vector.shape_cast %broadcast_in_dim3A_1591 : vector<16x1xi32> to vector<16xi32>
        %gather3A_1593 = tpu.dynamic_gather %add3A_1590[%gather3A_1592] in [0] : vector<16xf32>, vector<16xi32> -> vector<16xf32>
        %add3A_1594 = arith.addf %add3A_1590, %gather3A_1593 : vector<16xf32>
        %select_n3A_1595 = arith.select %eq3A_51, %add3A_1594, %select_n3A_1531 : vector<16xi1>, vector<16xf32>
        %swap3A_1596 = arith.index_cast %add3A_107 : i32 to index
        %swap3A_1597 = arith.index_cast %min3A_567 : i32 to index
        %swap3A_1598 = tpu.vector_load %arg9[%swap3A_1596, %swap3A_1597] {strides = array<i32>} : memref<8x200xf32, #tpu.memory_space<vmem>>, vector<16xf32>,
        tpu.vector_store %arg9[%swap3A_1596, %swap3A_1597], %select_n3A_1595 {strides = array<i32>} : memref<8x200xf32, #tpu.memory_space<vmem>>, vector<16xf32>,
      }
      %scan3A_155 = arith.constant 13 : i32
      %lt3A_156 = arith.constant 3 : i32
      %lt3A_157 = arith.cmpi slt, %scan3A_103, %lt3A_156 : i32
      %convert_element_type3A = arith.extui %lt3A_157 : i1 to i32
      %cond3A = arith.constant 0 : i32
      %cond3A_158 = arith.cmpi ne, %convert_element_type3A, %cond3A : i32
      scf.if %cond3A_158 {
        %add3A_564 = arith.constant 2 : i32
        %add3A_565 = arith.addi %add3A_107, %add3A_564 : i32
        %add3A_566 = arith.addi %mul3A_2, %add3A_565 : i32
        %mul3A_567 = arith.constant 25600 : i32
        %mul3A_568 = arith.muli %add3A_566, %mul3A_567 : i32
        %dma_start3A_569 = arith.constant 0 : i32
        %dma_start3A_570 = tpu.memref_slice %arg7[%dma_start3A_569] : memref<51200xf32, #tpu.memory_space<vmem>> -> memref<25600xf32, #tpu.memory_space<vmem>>
        %dma_start3A_571 = tpu.memref_slice %arg3[%mul3A_568] : memref<26214400xf32, #tpu.memory_space<hbm>> -> memref<25600xf32, #tpu.memory_space<hbm>>
        %dma_start3A_572 = arith.constant 0 : i32
        %dma_start3A_573 = tpu.memref_slice %arg7[%dma_start3A_572] : memref<51200xf32, #tpu.memory_space<vmem>> -> memref<25600xf32, #tpu.memory_space<vmem>>
        %dma_start3A_574 = tpu.memref_slice %arg3[%mul3A_568] : memref<26214400xf32, #tpu.memory_space<hbm>> -> memref<25600xf32, #tpu.memory_space<hbm>>
        tpu.enqueue_dma source(%dma_start3A_574 : memref<25600xf32, #tpu.memory_space<hbm>>) target(%dma_start3A_573 : memref<25600xf32, #tpu.memory_space<vmem>>) target_semaphore(%arg11 : memref<!tpu.dma_semaphore, #tpu.memory_space<semaphore_mem>>)
      } else {
      }
      %get3A_159 = arith.index_cast %add3A_107 : i32 to index
      %get3A_160 = arith.constant 0 : index
      %get3A_161 = tpu.vector_load %arg9[%get3A_159, %get3A_160] {strides = array<i32>} : memref<8x200xf32, #tpu.memory_space<vmem>>, vector<16xf32>,
      %get3A_162 = arith.index_cast %add3A_107 : i32 to index
      %get3A_163 = arith.constant 16 : index
      %get3A_164 = tpu.vector_load %arg9[%get3A_162, %get3A_163] {strides = array<i32>} : memref<8x200xf32, #tpu.memory_space<vmem>>, vector<16xf32>,
      %get3A_165 = arith.index_cast %add3A_107 : i32 to index
      %get3A_166 = arith.constant 32 : index
      %get3A_167 = tpu.vector_load %arg9[%get3A_165, %get3A_166] {strides = array<i32>} : memref<8x200xf32, #tpu.memory_space<vmem>>, vector<16xf32>,
      %get3A_168 = arith.index_cast %add3A_107 : i32 to index
      %get3A_169 = arith.constant 48 : index
      %get3A_170 = tpu.vector_load %arg9[%get3A_168, %get3A_169] {strides = array<i32>} : memref<8x200xf32, #tpu.memory_space<vmem>>, vector<16xf32>,
      %get3A_171 = arith.index_cast %add3A_107 : i32 to index
      %get3A_172 = arith.constant 64 : index
      %get3A_173 = tpu.vector_load %arg9[%get3A_171, %get3A_172] {strides = array<i32>} : memref<8x200xf32, #tpu.memory_space<vmem>>, vector<16xf32>,
      %get3A_174 = arith.index_cast %add3A_107 : i32 to index
      %get3A_175 = arith.constant 80 : index
      %get3A_176 = tpu.vector_load %arg9[%get3A_174, %get3A_175] {strides = array<i32>} : memref<8x200xf32, #tpu.memory_space<vmem>>, vector<16xf32>,
      %get3A_177 = arith.index_cast %add3A_107 : i32 to index
      %get3A_178 = arith.constant 96 : index
      %get3A_179 = tpu.vector_load %arg9[%get3A_177, %get3A_178] {strides = array<i32>} : memref<8x200xf32, #tpu.memory_space<vmem>>, vector<16xf32>,
      %get3A_180 = arith.index_cast %add3A_107 : i32 to index
      %get3A_181 = arith.constant 112 : index
      %get3A_182 = tpu.vector_load %arg9[%get3A_180, %get3A_181] {strides = array<i32>} : memref<8x200xf32, #tpu.memory_space<vmem>>, vector<16xf32>,
      %get3A_183 = arith.index_cast %add3A_107 : i32 to index
      %get3A_184 = arith.constant 128 : index
      %get3A_185 = tpu.vector_load %arg9[%get3A_183, %get3A_184] {strides = array<i32>} : memref<8x200xf32, #tpu.memory_space<vmem>>, vector<16xf32>,
      %get3A_186 = arith.index_cast %add3A_107 : i32 to index
      %get3A_187 = arith.constant 144 : index
      %get3A_188 = tpu.vector_load %arg9[%get3A_186, %get3A_187] {strides = array<i32>} : memref<8x200xf32, #tpu.memory_space<vmem>>, vector<16xf32>,
      %get3A_189 = arith.index_cast %add3A_107 : i32 to index
      %get3A_190 = arith.constant 160 : index
      %get3A_191 = tpu.vector_load %arg9[%get3A_189, %get3A_190] {strides = array<i32>} : memref<8x200xf32, #tpu.memory_space<vmem>>, vector<16xf32>,
      %get3A_192 = arith.index_cast %add3A_107 : i32 to index
      %get3A_193 = arith.constant 176 : index
      %get3A_194 = tpu.vector_load %arg9[%get3A_192, %get3A_193] {strides = array<i32>} : memref<8x200xf32, #tpu.memory_space<vmem>>, vector<16xf32>,
      %get3A_195 = arith.index_cast %add3A_107 : i32 to index
      %get3A_196 = arith.constant 184 : index
      %get3A_197 = tpu.vector_load %arg9[%get3A_195, %get3A_196] {strides = array<i32>} : memref<8x200xf32, #tpu.memory_space<vmem>>, vector<16xf32>,
      %max3A = arith.maximumf %get3A_161, %get3A_164 : vector<16xf32>
      %max3A_198 = arith.maximumf %max3A, %get3A_167 : vector<16xf32>
      %max3A_199 = arith.maximumf %max3A_198, %get3A_170 : vector<16xf32>
      %max3A_200 = arith.maximumf %max3A_199, %get3A_173 : vector<16xf32>
      %max3A_201 = arith.maximumf %max3A_200, %get3A_176 : vector<16xf32>
      %max3A_202 = arith.maximumf %max3A_201, %get3A_179 : vector<16xf32>
      %max3A_203 = arith.maximumf %max3A_202, %get3A_182 : vector<16xf32>
      %max3A_204 = arith.maximumf %max3A_203, %get3A_185 : vector<16xf32>
      %max3A_205 = arith.maximumf %max3A_204, %get3A_188 : vector<16xf32>
      %max3A_206 = arith.maximumf %max3A_205, %get3A_191 : vector<16xf32>
      %max3A_207 = arith.maximumf %max3A_206, %get3A_194 : vector<16xf32>
      %max3A_208 = arith.maximumf %max3A_207, %get3A_197 : vector<16xf32>
      %broadcast_in_dim3A_209 = vector.shape_cast %xor3A_53 : vector<16xi32> to vector<16x1xi32>
      %gather3A = vector.shape_cast %broadcast_in_dim3A_209 : vector<16x1xi32> to vector<16xi32>
      %gather3A_210 = tpu.dynamic_gather %max3A_208[%gather3A] in [0] : vector<16xf32>, vector<16xi32> -> vector<16xf32>
      %max3A_211 = arith.maximumf %max3A_208, %gather3A_210 : vector<16xf32>
      %broadcast_in_dim3A_212 = vector.shape_cast %xor3A_56 : vector<16xi32> to vector<16x1xi32>
      %gather3A_213 = vector.shape_cast %broadcast_in_dim3A_212 : vector<16x1xi32> to vector<16xi32>
      %gather3A_214 = tpu.dynamic_gather %max3A_211[%gather3A_213] in [0] : vector<16xf32>, vector<16xi32> -> vector<16xf32>
      %max3A_215 = arith.maximumf %max3A_211, %gather3A_214 : vector<16xf32>
      %broadcast_in_dim3A_216 = vector.shape_cast %xor3A_59 : vector<16xi32> to vector<16x1xi32>
      %gather3A_217 = vector.shape_cast %broadcast_in_dim3A_216 : vector<16x1xi32> to vector<16xi32>
      %gather3A_218 = tpu.dynamic_gather %max3A_215[%gather3A_217] in [0] : vector<16xf32>, vector<16xi32> -> vector<16xf32>
      %max3A_219 = arith.maximumf %max3A_215, %gather3A_218 : vector<16xf32>
      %broadcast_in_dim3A_220 = vector.shape_cast %xor3A_62 : vector<16xi32> to vector<16x1xi32>
      %gather3A_221 = vector.shape_cast %broadcast_in_dim3A_220 : vector<16x1xi32> to vector<16xi32>
      %gather3A_222 = tpu.dynamic_gather %max3A_219[%gather3A_221] in [0] : vector<16xf32>, vector<16xi32> -> vector<16xf32>
      %max3A_223 = arith.maximumf %max3A_219, %gather3A_222 : vector<16xf32>
      %sub3A = arith.subf %get3A_161, %max3A_223 : vector<16xf32>
      %exp3A = math.exp %sub3A : vector<16xf32>
      %sub3A_224 = arith.subf %get3A_164, %max3A_223 : vector<16xf32>
      %exp3A_225 = math.exp %sub3A_224 : vector<16xf32>
      %sub3A_226 = arith.subf %get3A_167, %max3A_223 : vector<16xf32>
      %exp3A_227 = math.exp %sub3A_226 : vector<16xf32>
      %sub3A_228 = arith.subf %get3A_170, %max3A_223 : vector<16xf32>
      %exp3A_229 = math.exp %sub3A_228 : vector<16xf32>
      %sub3A_230 = arith.subf %get3A_173, %max3A_223 : vector<16xf32>
      %exp3A_231 = math.exp %sub3A_230 : vector<16xf32>
      %sub3A_232 = arith.subf %get3A_176, %max3A_223 : vector<16xf32>
      %exp3A_233 = math.exp %sub3A_232 : vector<16xf32>
      %sub3A_234 = arith.subf %get3A_179, %max3A_223 : vector<16xf32>
      %exp3A_235 = math.exp %sub3A_234 : vector<16xf32>
      %sub3A_236 = arith.subf %get3A_182, %max3A_223 : vector<16xf32>
      %exp3A_237 = math.exp %sub3A_236 : vector<16xf32>
      %sub3A_238 = arith.subf %get3A_185, %max3A_223 : vector<16xf32>
      %exp3A_239 = math.exp %sub3A_238 : vector<16xf32>
      %sub3A_240 = arith.subf %get3A_188, %max3A_223 : vector<16xf32>
      %exp3A_241 = math.exp %sub3A_240 : vector<16xf32>
      %sub3A_242 = arith.subf %get3A_191, %max3A_223 : vector<16xf32>
      %exp3A_243 = math.exp %sub3A_242 : vector<16xf32>
      %sub3A_244 = arith.subf %get3A_194, %max3A_223 : vector<16xf32>
      %exp3A_245 = math.exp %sub3A_244 : vector<16xf32>
      %sub3A_246 = arith.subf %get3A_197, %max3A_223 : vector<16xf32>
      %exp3A_247 = math.exp %sub3A_246 : vector<16xf32>
      %select_n3A = arith.select %lt3A_4, %broadcast_in_dim3A_63, %exp3A_247 : vector<16xi1>, vector<16xf32>
      %add3A_248 = arith.addf %select_n3A, %exp3A : vector<16xf32>
      %add3A_249 = arith.addf %add3A_248, %exp3A_225 : vector<16xf32>
      %add3A_250 = arith.addf %add3A_249, %exp3A_227 : vector<16xf32>
      %add3A_251 = arith.addf %add3A_250, %exp3A_229 : vector<16xf32>
      %add3A_252 = arith.addf %add3A_251, %exp3A_231 : vector<16xf32>
      %add3A_253 = arith.addf %add3A_252, %exp3A_233 : vector<16xf32>
      %add3A_254 = arith.addf %add3A_253, %exp3A_235 : vector<16xf32>
      %add3A_255 = arith.addf %add3A_254, %exp3A_237 : vector<16xf32>
      %add3A_256 = arith.addf %add3A_255, %exp3A_239 : vector<16xf32>
      %add3A_257 = arith.addf %add3A_256, %exp3A_241 : vector<16xf32>
      %add3A_258 = arith.addf %add3A_257, %exp3A_243 : vector<16xf32>
      %add3A_259 = arith.addf %add3A_258, %exp3A_245 : vector<16xf32>
      %broadcast_in_dim3A_260 = vector.shape_cast %xor3A_53 : vector<16xi32> to vector<16x1xi32>
      %gather3A_261 = vector.shape_cast %broadcast_in_dim3A_260 : vector<16x1xi32> to vector<16xi32>
      %gather3A_262 = tpu.dynamic_gather %add3A_259[%gather3A_261] in [0] : vector<16xf32>, vector<16xi32> -> vector<16xf32>
      %add3A_263 = arith.addf %add3A_259, %gather3A_262 : vector<16xf32>
      %broadcast_in_dim3A_264 = vector.shape_cast %xor3A_56 : vector<16xi32> to vector<16x1xi32>
      %gather3A_265 = vector.shape_cast %broadcast_in_dim3A_264 : vector<16x1xi32> to vector<16xi32>
      %gather3A_266 = tpu.dynamic_gather %add3A_263[%gather3A_265] in [0] : vector<16xf32>, vector<16xi32> -> vector<16xf32>
      %add3A_267 = arith.addf %add3A_263, %gather3A_266 : vector<16xf32>
      %broadcast_in_dim3A_268 = vector.shape_cast %xor3A_59 : vector<16xi32> to vector<16x1xi32>
      %gather3A_269 = vector.shape_cast %broadcast_in_dim3A_268 : vector<16x1xi32> to vector<16xi32>
      %gather3A_270 = tpu.dynamic_gather %add3A_267[%gather3A_269] in [0] : vector<16xf32>, vector<16xi32> -> vector<16xf32>
      %add3A_271 = arith.addf %add3A_267, %gather3A_270 : vector<16xf32>
      %broadcast_in_dim3A_272 = vector.shape_cast %xor3A_62 : vector<16xi32> to vector<16x1xi32>
      %gather3A_273 = vector.shape_cast %broadcast_in_dim3A_272 : vector<16x1xi32> to vector<16xi32>
      %gather3A_274 = tpu.dynamic_gather %add3A_271[%gather3A_273] in [0] : vector<16xf32>, vector<16xi32> -> vector<16xf32>
      %add3A_275 = arith.addf %add3A_271, %gather3A_274 : vector<16xf32>
      %broadcast_in_dim3A_276 = arith.constant 1.000000e+00 : f32
      %broadcast_in_dim3A_277 = vector.broadcast %broadcast_in_dim3A_276 : f32 to vector<16xf32>
      %div3A = arith.divf %broadcast_in_dim3A_277, %add3A_275 : vector<16xf32>
      %mul3A_278 = arith.mulf %exp3A, %div3A : vector<16xf32>
      %swap3A = arith.index_cast %add3A_107 : i32 to index
      %swap3A_279 = arith.constant 0 : index
      %swap3A_280 = tpu.vector_load %arg8[%swap3A, %swap3A_279] {strides = array<i32>} : memref<8x200xf32, #tpu.memory_space<vmem>>, vector<16xf32>,
      tpu.vector_store %arg8[%swap3A, %swap3A_279], %mul3A_278 {strides = array<i32>} : memref<8x200xf32, #tpu.memory_space<vmem>>, vector<16xf32>,
      %mul3A_281 = arith.mulf %exp3A_225, %div3A : vector<16xf32>
      %swap3A_282 = arith.index_cast %add3A_107 : i32 to index
      %swap3A_283 = arith.constant 16 : index
      %swap3A_284 = tpu.vector_load %arg8[%swap3A_282, %swap3A_283] {strides = array<i32>} : memref<8x200xf32, #tpu.memory_space<vmem>>, vector<16xf32>,
      tpu.vector_store %arg8[%swap3A_282, %swap3A_283], %mul3A_281 {strides = array<i32>} : memref<8x200xf32, #tpu.memory_space<vmem>>, vector<16xf32>,
      %mul3A_285 = arith.mulf %exp3A_227, %div3A : vector<16xf32>
      %swap3A_286 = arith.index_cast %add3A_107 : i32 to index
      %swap3A_287 = arith.constant 32 : index
      %swap3A_288 = tpu.vector_load %arg8[%swap3A_286, %swap3A_287] {strides = array<i32>} : memref<8x200xf32, #tpu.memory_space<vmem>>, vector<16xf32>,
      tpu.vector_store %arg8[%swap3A_286, %swap3A_287], %mul3A_285 {strides = array<i32>} : memref<8x200xf32, #tpu.memory_space<vmem>>, vector<16xf32>,
      %mul3A_289 = arith.mulf %exp3A_229, %div3A : vector<16xf32>
      %swap3A_290 = arith.index_cast %add3A_107 : i32 to index
      %swap3A_291 = arith.constant 48 : index
      %swap3A_292 = tpu.vector_load %arg8[%swap3A_290, %swap3A_291] {strides = array<i32>} : memref<8x200xf32, #tpu.memory_space<vmem>>, vector<16xf32>,
      tpu.vector_store %arg8[%swap3A_290, %swap3A_291], %mul3A_289 {strides = array<i32>} : memref<8x200xf32, #tpu.memory_space<vmem>>, vector<16xf32>,
      %mul3A_293 = arith.mulf %exp3A_231, %div3A : vector<16xf32>
      %swap3A_294 = arith.index_cast %add3A_107 : i32 to index
      %swap3A_295 = arith.constant 64 : index
      %swap3A_296 = tpu.vector_load %arg8[%swap3A_294, %swap3A_295] {strides = array<i32>} : memref<8x200xf32, #tpu.memory_space<vmem>>, vector<16xf32>,
      tpu.vector_store %arg8[%swap3A_294, %swap3A_295], %mul3A_293 {strides = array<i32>} : memref<8x200xf32, #tpu.memory_space<vmem>>, vector<16xf32>,
      %mul3A_297 = arith.mulf %exp3A_233, %div3A : vector<16xf32>
      %swap3A_298 = arith.index_cast %add3A_107 : i32 to index
      %swap3A_299 = arith.constant 80 : index
      %swap3A_300 = tpu.vector_load %arg8[%swap3A_298, %swap3A_299] {strides = array<i32>} : memref<8x200xf32, #tpu.memory_space<vmem>>, vector<16xf32>,
      tpu.vector_store %arg8[%swap3A_298, %swap3A_299], %mul3A_297 {strides = array<i32>} : memref<8x200xf32, #tpu.memory_space<vmem>>, vector<16xf32>,
      %mul3A_301 = arith.mulf %exp3A_235, %div3A : vector<16xf32>
      %swap3A_302 = arith.index_cast %add3A_107 : i32 to index
      %swap3A_303 = arith.constant 96 : index
      %swap3A_304 = tpu.vector_load %arg8[%swap3A_302, %swap3A_303] {strides = array<i32>} : memref<8x200xf32, #tpu.memory_space<vmem>>, vector<16xf32>,
      tpu.vector_store %arg8[%swap3A_302, %swap3A_303], %mul3A_301 {strides = array<i32>} : memref<8x200xf32, #tpu.memory_space<vmem>>, vector<16xf32>,
      %mul3A_305 = arith.mulf %exp3A_237, %div3A : vector<16xf32>
      %swap3A_306 = arith.index_cast %add3A_107 : i32 to index
      %swap3A_307 = arith.constant 112 : index
      %swap3A_308 = tpu.vector_load %arg8[%swap3A_306, %swap3A_307] {strides = array<i32>} : memref<8x200xf32, #tpu.memory_space<vmem>>, vector<16xf32>,
      tpu.vector_store %arg8[%swap3A_306, %swap3A_307], %mul3A_305 {strides = array<i32>} : memref<8x200xf32, #tpu.memory_space<vmem>>, vector<16xf32>,
      %mul3A_309 = arith.mulf %exp3A_239, %div3A : vector<16xf32>
      %swap3A_310 = arith.index_cast %add3A_107 : i32 to index
      %swap3A_311 = arith.constant 128 : index
      %swap3A_312 = tpu.vector_load %arg8[%swap3A_310, %swap3A_311] {strides = array<i32>} : memref<8x200xf32, #tpu.memory_space<vmem>>, vector<16xf32>,
      tpu.vector_store %arg8[%swap3A_310, %swap3A_311], %mul3A_309 {strides = array<i32>} : memref<8x200xf32, #tpu.memory_space<vmem>>, vector<16xf32>,
      %mul3A_313 = arith.mulf %exp3A_241, %div3A : vector<16xf32>
      %swap3A_314 = arith.index_cast %add3A_107 : i32 to index
      %swap3A_315 = arith.constant 144 : index
      %swap3A_316 = tpu.vector_load %arg8[%swap3A_314, %swap3A_315] {strides = array<i32>} : memref<8x200xf32, #tpu.memory_space<vmem>>, vector<16xf32>,
      tpu.vector_store %arg8[%swap3A_314, %swap3A_315], %mul3A_313 {strides = array<i32>} : memref<8x200xf32, #tpu.memory_space<vmem>>, vector<16xf32>,
      %mul3A_317 = arith.mulf %exp3A_243, %div3A : vector<16xf32>
      %swap3A_318 = arith.index_cast %add3A_107 : i32 to index
      %swap3A_319 = arith.constant 160 : index
      %swap3A_320 = tpu.vector_load %arg8[%swap3A_318, %swap3A_319] {strides = array<i32>} : memref<8x200xf32, #tpu.memory_space<vmem>>, vector<16xf32>,
      tpu.vector_store %arg8[%swap3A_318, %swap3A_319], %mul3A_317 {strides = array<i32>} : memref<8x200xf32, #tpu.memory_space<vmem>>, vector<16xf32>,
      %mul3A_321 = arith.mulf %exp3A_245, %div3A : vector<16xf32>
      %swap3A_322 = arith.index_cast %add3A_107 : i32 to index
      %swap3A_323 = arith.constant 176 : index
      %swap3A_324 = tpu.vector_load %arg8[%swap3A_322, %swap3A_323] {strides = array<i32>} : memref<8x200xf32, #tpu.memory_space<vmem>>, vector<16xf32>,
      tpu.vector_store %arg8[%swap3A_322, %swap3A_323], %mul3A_321 {strides = array<i32>} : memref<8x200xf32, #tpu.memory_space<vmem>>, vector<16xf32>,
      %mul3A_325 = arith.mulf %exp3A_247, %div3A : vector<16xf32>
      %swap3A_326 = arith.index_cast %add3A_107 : i32 to index
      %swap3A_327 = arith.constant 184 : index
      %swap3A_328 = tpu.vector_load %arg8[%swap3A_326, %swap3A_327] {strides = array<i32>} : memref<8x200xf32, #tpu.memory_space<vmem>>, vector<16xf32>,
      tpu.vector_store %arg8[%swap3A_326, %swap3A_327], %mul3A_325 {strides = array<i32>} : memref<8x200xf32, #tpu.memory_space<vmem>>, vector<16xf32>,
      %mul3A_329 = arith.constant 2 : i32
      %mul3A_330 = arith.muli %mul3A_329, %scan3A_103 : i32
      %add3A_331 = arith.constant 1 : i32
      %add3A_332 = arith.addi %mul3A_330, %add3A_331 : i32
      %add3A_333 = arith.addi %mul3A_2, %add3A_332 : i32
      %mul3A_334 = arith.constant 25600 : i32
      %mul3A_335 = arith.muli %add3A_333, %mul3A_334 : i32
      %dma_wait3A_336 = arith.constant 25600 : i32
      %dma_wait3A_337 = tpu.memref_slice %arg7[%dma_wait3A_336] : memref<51200xf32, #tpu.memory_space<vmem>> -> memref<25600xf32, #tpu.memory_space<vmem>>
      %dma_wait3A_338 = tpu.memref_slice %arg3[%mul3A_335] : memref<26214400xf32, #tpu.memory_space<hbm>> -> memref<25600xf32, #tpu.memory_space<hbm>>
      %dma_wait3A_339 = arith.constant 25600 : i32
      %dma_wait3A_340 = tpu.memref_slice %arg7[%dma_wait3A_339] : memref<51200xf32, #tpu.memory_space<vmem>> -> memref<25600xf32, #tpu.memory_space<vmem>>
      %dma_wait3A_341 = tpu.memref_slice %arg3[%mul3A_335] : memref<26214400xf32, #tpu.memory_space<hbm>> -> memref<25600xf32, #tpu.memory_space<hbm>>
      tpu.wait_dma2 semaphore(%arg12 : memref<!tpu.dma_semaphore, #tpu.memory_space<semaphore_mem>>) src(%dma_wait3A_341 : memref<25600xf32, #tpu.memory_space<hbm>>) dst(%dma_wait3A_340 : memref<25600xf32, #tpu.memory_space<vmem>>)
      %mul3A_342 = arith.constant 128 : i32
      %mul3A_343 = arith.muli %add3A_332, %mul3A_342 : i32
      %add3A_344 = arith.constant 0 : i32
      %add3A_345 = arith.addi %mul3A_343, %add3A_344 : i32
      %get3A_346 = arith.index_cast %add3A_345 : i32 to index
      %get3A_347 = tpu.vector_load %arg6[%get3A_346] {strides = array<i32>} : memref<1024xf32, #tpu.memory_space<vmem>>, vector<16xf32>,
      %add3A_348 = arith.constant 16 : i32
      %add3A_349 = arith.addi %mul3A_343, %add3A_348 : i32
      %get3A_350 = arith.index_cast %add3A_349 : i32 to index
      %get3A_351 = tpu.vector_load %arg6[%get3A_350] {strides = array<i32>} : memref<1024xf32, #tpu.memory_space<vmem>>, vector<16xf32>,
      %add3A_352 = arith.constant 32 : i32
      %add3A_353 = arith.addi %mul3A_343, %add3A_352 : i32
      %get3A_354 = arith.index_cast %add3A_353 : i32 to index
      %get3A_355 = tpu.vector_load %arg6[%get3A_354] {strides = array<i32>} : memref<1024xf32, #tpu.memory_space<vmem>>, vector<16xf32>,
      %add3A_356 = arith.constant 48 : i32
      %add3A_357 = arith.addi %mul3A_343, %add3A_356 : i32
      %get3A_358 = arith.index_cast %add3A_357 : i32 to index
      %get3A_359 = tpu.vector_load %arg6[%get3A_358] {strides = array<i32>} : memref<1024xf32, #tpu.memory_space<vmem>>, vector<16xf32>,
      %add3A_360 = arith.constant 64 : i32
      %add3A_361 = arith.addi %mul3A_343, %add3A_360 : i32
      %get3A_362 = arith.index_cast %add3A_361 : i32 to index
      %get3A_363 = tpu.vector_load %arg6[%get3A_362] {strides = array<i32>} : memref<1024xf32, #tpu.memory_space<vmem>>, vector<16xf32>,
      %add3A_364 = arith.constant 80 : i32
      %add3A_365 = arith.addi %mul3A_343, %add3A_364 : i32
      %get3A_366 = arith.index_cast %add3A_365 : i32 to index
      %get3A_367 = tpu.vector_load %arg6[%get3A_366] {strides = array<i32>} : memref<1024xf32, #tpu.memory_space<vmem>>, vector<16xf32>,
      %add3A_368 = arith.constant 96 : i32
      %add3A_369 = arith.addi %mul3A_343, %add3A_368 : i32
      %get3A_370 = arith.index_cast %add3A_369 : i32 to index
      %get3A_371 = tpu.vector_load %arg6[%get3A_370] {strides = array<i32>} : memref<1024xf32, #tpu.memory_space<vmem>>, vector<16xf32>,
      %add3A_372 = arith.constant 112 : i32
      %add3A_373 = arith.addi %mul3A_343, %add3A_372 : i32
      %get3A_374 = arith.index_cast %add3A_373 : i32 to index
      %get3A_375 = tpu.vector_load %arg6[%get3A_374] {strides = array<i32>} : memref<1024xf32, #tpu.memory_space<vmem>>, vector<16xf32>,
      %scan3A_376 = arith.constant 0 : i32
      %scan3A_377 = arith.constant 0 : i32
      %scan3A_378 = arith.constant 13 : i32
      %scan3A_379 = arith.addi %scan3A_377, %scan3A_378 : i32
      %scan3A_380 = arith.constant 1 : i32
      scf.for %scan3A_564 = %scan3A_377 to %scan3A_379 step %scan3A_380  : i32 {
        %mul3A_565 = arith.constant 16 : i32
        %mul3A_566 = arith.muli %scan3A_564, %mul3A_565 : i32
        %min3A = arith.constant 184 : i32
        %min3A_567 = arith.minsi %mul3A_566, %min3A : i32
        %mul3A_568 = arith.constant 128 : i32
        %mul3A_569 = arith.muli %min3A_567, %mul3A_568 : i32
        %add3A_570 = arith.constant 25600 : i32
        %add3A_571 = arith.addi %add3A_570, %mul3A_569 : i32
        %add3A_572 = arith.constant 0 : i32
        %add3A_573 = arith.addi %add3A_571, %add3A_572 : i32
        %get3A_574 = arith.index_cast %add3A_573 : i32 to index
        %get3A_575 = tpu.vector_load %arg7[%get3A_574] {strides = array<i32>} : memref<51200xf32, #tpu.memory_space<vmem>>, vector<16xf32>,
        %mul3A_576 = arith.mulf %get3A_575, %get3A_347 : vector<16xf32>
        %add3A_577 = arith.constant 16 : i32
        %add3A_578 = arith.addi %add3A_573, %add3A_577 : i32
        %get3A_579 = arith.index_cast %add3A_578 : i32 to index
        %get3A_580 = tpu.vector_load %arg7[%get3A_579] {strides = array<i32>} : memref<51200xf32, #tpu.memory_space<vmem>>, vector<16xf32>,
        %mul3A_581 = arith.mulf %get3A_580, %get3A_351 : vector<16xf32>
        %add3A_582 = arith.addf %mul3A_576, %mul3A_581 : vector<16xf32>
        %add3A_583 = arith.constant 32 : i32
        %add3A_584 = arith.addi %add3A_573, %add3A_583 : i32
        %get3A_585 = arith.index_cast %add3A_584 : i32 to index
        %get3A_586 = tpu.vector_load %arg7[%get3A_585] {strides = array<i32>} : memref<51200xf32, #tpu.memory_space<vmem>>, vector<16xf32>,
        %mul3A_587 = arith.mulf %get3A_586, %get3A_355 : vector<16xf32>
        %add3A_588 = arith.addf %add3A_582, %mul3A_587 : vector<16xf32>
        %add3A_589 = arith.constant 48 : i32
        %add3A_590 = arith.addi %add3A_573, %add3A_589 : i32
        %get3A_591 = arith.index_cast %add3A_590 : i32 to index
        %get3A_592 = tpu.vector_load %arg7[%get3A_591] {strides = array<i32>} : memref<51200xf32, #tpu.memory_space<vmem>>, vector<16xf32>,
        %mul3A_593 = arith.mulf %get3A_592, %get3A_359 : vector<16xf32>
        %add3A_594 = arith.addf %add3A_588, %mul3A_593 : vector<16xf32>
        %add3A_595 = arith.constant 64 : i32
        %add3A_596 = arith.addi %add3A_573, %add3A_595 : i32
        %get3A_597 = arith.index_cast %add3A_596 : i32 to index
        %get3A_598 = tpu.vector_load %arg7[%get3A_597] {strides = array<i32>} : memref<51200xf32, #tpu.memory_space<vmem>>, vector<16xf32>,
        %mul3A_599 = arith.mulf %get3A_598, %get3A_363 : vector<16xf32>
        %add3A_600 = arith.addf %add3A_594, %mul3A_599 : vector<16xf32>
        %add3A_601 = arith.constant 80 : i32
        %add3A_602 = arith.addi %add3A_573, %add3A_601 : i32
        %get3A_603 = arith.index_cast %add3A_602 : i32 to index
        %get3A_604 = tpu.vector_load %arg7[%get3A_603] {strides = array<i32>} : memref<51200xf32, #tpu.memory_space<vmem>>, vector<16xf32>,
        %mul3A_605 = arith.mulf %get3A_604, %get3A_367 : vector<16xf32>
        %add3A_606 = arith.addf %add3A_600, %mul3A_605 : vector<16xf32>
        %add3A_607 = arith.constant 96 : i32
        %add3A_608 = arith.addi %add3A_573, %add3A_607 : i32
        %get3A_609 = arith.index_cast %add3A_608 : i32 to index
        %get3A_610 = tpu.vector_load %arg7[%get3A_609] {strides = array<i32>} : memref<51200xf32, #tpu.memory_space<vmem>>, vector<16xf32>,
        %mul3A_611 = arith.mulf %get3A_610, %get3A_371 : vector<16xf32>
        %add3A_612 = arith.addf %add3A_606, %mul3A_611 : vector<16xf32>
        %add3A_613 = arith.constant 112 : i32
        %add3A_614 = arith.addi %add3A_573, %add3A_613 : i32
        %get3A_615 = arith.index_cast %add3A_614 : i32 to index
        %get3A_616 = tpu.vector_load %arg7[%get3A_615] {strides = array<i32>} : memref<51200xf32, #tpu.memory_space<vmem>>, vector<16xf32>,
        %mul3A_617 = arith.mulf %get3A_616, %get3A_375 : vector<16xf32>
        %add3A_618 = arith.addf %add3A_612, %mul3A_617 : vector<16xf32>
        %broadcast_in_dim3A_619 = vector.shape_cast %xor3A_53 : vector<16xi32> to vector<16x1xi32>
        %gather3A_620 = vector.shape_cast %broadcast_in_dim3A_619 : vector<16x1xi32> to vector<16xi32>
        %gather3A_621 = tpu.dynamic_gather %add3A_618[%gather3A_620] in [0] : vector<16xf32>, vector<16xi32> -> vector<16xf32>
        %add3A_622 = arith.addf %add3A_618, %gather3A_621 : vector<16xf32>
        %broadcast_in_dim3A_623 = vector.shape_cast %xor3A_56 : vector<16xi32> to vector<16x1xi32>
        %gather3A_624 = vector.shape_cast %broadcast_in_dim3A_623 : vector<16x1xi32> to vector<16xi32>
        %gather3A_625 = tpu.dynamic_gather %add3A_622[%gather3A_624] in [0] : vector<16xf32>, vector<16xi32> -> vector<16xf32>
        %add3A_626 = arith.addf %add3A_622, %gather3A_625 : vector<16xf32>
        %broadcast_in_dim3A_627 = vector.shape_cast %xor3A_59 : vector<16xi32> to vector<16x1xi32>
        %gather3A_628 = vector.shape_cast %broadcast_in_dim3A_627 : vector<16x1xi32> to vector<16xi32>
        %gather3A_629 = tpu.dynamic_gather %add3A_626[%gather3A_628] in [0] : vector<16xf32>, vector<16xi32> -> vector<16xf32>
        %add3A_630 = arith.addf %add3A_626, %gather3A_629 : vector<16xf32>
        %broadcast_in_dim3A_631 = vector.shape_cast %xor3A_62 : vector<16xi32> to vector<16x1xi32>
        %gather3A_632 = vector.shape_cast %broadcast_in_dim3A_631 : vector<16x1xi32> to vector<16xi32>
        %gather3A_633 = tpu.dynamic_gather %add3A_630[%gather3A_632] in [0] : vector<16xf32>, vector<16xi32> -> vector<16xf32>
        %add3A_634 = arith.addf %add3A_630, %gather3A_633 : vector<16xf32>
        %select_n3A_635 = arith.select %eq3A_6, %add3A_634, %broadcast_in_dim3A_63 : vector<16xi1>, vector<16xf32>
        %add3A_636 = arith.constant 128 : i32
        %add3A_637 = arith.addi %add3A_571, %add3A_636 : i32
        %get3A_638 = arith.index_cast %add3A_637 : i32 to index
        %get3A_639 = tpu.vector_load %arg7[%get3A_638] {strides = array<i32>} : memref<51200xf32, #tpu.memory_space<vmem>>, vector<16xf32>,
        %mul3A_640 = arith.mulf %get3A_639, %get3A_347 : vector<16xf32>
        %add3A_641 = arith.constant 16 : i32
        %add3A_642 = arith.addi %add3A_637, %add3A_641 : i32
        %get3A_643 = arith.index_cast %add3A_642 : i32 to index
        %get3A_644 = tpu.vector_load %arg7[%get3A_643] {strides = array<i32>} : memref<51200xf32, #tpu.memory_space<vmem>>, vector<16xf32>,
        %mul3A_645 = arith.mulf %get3A_644, %get3A_351 : vector<16xf32>
        %add3A_646 = arith.addf %mul3A_640, %mul3A_645 : vector<16xf32>
        %add3A_647 = arith.constant 32 : i32
        %add3A_648 = arith.addi %add3A_637, %add3A_647 : i32
        %get3A_649 = arith.index_cast %add3A_648 : i32 to index
        %get3A_650 = tpu.vector_load %arg7[%get3A_649] {strides = array<i32>} : memref<51200xf32, #tpu.memory_space<vmem>>, vector<16xf32>,
        %mul3A_651 = arith.mulf %get3A_650, %get3A_355 : vector<16xf32>
        %add3A_652 = arith.addf %add3A_646, %mul3A_651 : vector<16xf32>
        %add3A_653 = arith.constant 48 : i32
        %add3A_654 = arith.addi %add3A_637, %add3A_653 : i32
        %get3A_655 = arith.index_cast %add3A_654 : i32 to index
        %get3A_656 = tpu.vector_load %arg7[%get3A_655] {strides = array<i32>} : memref<51200xf32, #tpu.memory_space<vmem>>, vector<16xf32>,
        %mul3A_657 = arith.mulf %get3A_656, %get3A_359 : vector<16xf32>
        %add3A_658 = arith.addf %add3A_652, %mul3A_657 : vector<16xf32>
        %add3A_659 = arith.constant 64 : i32
        %add3A_660 = arith.addi %add3A_637, %add3A_659 : i32
        %get3A_661 = arith.index_cast %add3A_660 : i32 to index
        %get3A_662 = tpu.vector_load %arg7[%get3A_661] {strides = array<i32>} : memref<51200xf32, #tpu.memory_space<vmem>>, vector<16xf32>,
        %mul3A_663 = arith.mulf %get3A_662, %get3A_363 : vector<16xf32>
        %add3A_664 = arith.addf %add3A_658, %mul3A_663 : vector<16xf32>
        %add3A_665 = arith.constant 80 : i32
        %add3A_666 = arith.addi %add3A_637, %add3A_665 : i32
        %get3A_667 = arith.index_cast %add3A_666 : i32 to index
        %get3A_668 = tpu.vector_load %arg7[%get3A_667] {strides = array<i32>} : memref<51200xf32, #tpu.memory_space<vmem>>, vector<16xf32>,
        %mul3A_669 = arith.mulf %get3A_668, %get3A_367 : vector<16xf32>
        %add3A_670 = arith.addf %add3A_664, %mul3A_669 : vector<16xf32>
        %add3A_671 = arith.constant 96 : i32
        %add3A_672 = arith.addi %add3A_637, %add3A_671 : i32
        %get3A_673 = arith.index_cast %add3A_672 : i32 to index
        %get3A_674 = tpu.vector_load %arg7[%get3A_673] {strides = array<i32>} : memref<51200xf32, #tpu.memory_space<vmem>>, vector<16xf32>,
        %mul3A_675 = arith.mulf %get3A_674, %get3A_371 : vector<16xf32>
        %add3A_676 = arith.addf %add3A_670, %mul3A_675 : vector<16xf32>
        %add3A_677 = arith.constant 112 : i32
        %add3A_678 = arith.addi %add3A_637, %add3A_677 : i32
        %get3A_679 = arith.index_cast %add3A_678 : i32 to index
        %get3A_680 = tpu.vector_load %arg7[%get3A_679] {strides = array<i32>} : memref<51200xf32, #tpu.memory_space<vmem>>, vector<16xf32>,
        %mul3A_681 = arith.mulf %get3A_680, %get3A_375 : vector<16xf32>
        %add3A_682 = arith.addf %add3A_676, %mul3A_681 : vector<16xf32>
        %broadcast_in_dim3A_683 = vector.shape_cast %xor3A_53 : vector<16xi32> to vector<16x1xi32>
        %gather3A_684 = vector.shape_cast %broadcast_in_dim3A_683 : vector<16x1xi32> to vector<16xi32>
        %gather3A_685 = tpu.dynamic_gather %add3A_682[%gather3A_684] in [0] : vector<16xf32>, vector<16xi32> -> vector<16xf32>
        %add3A_686 = arith.addf %add3A_682, %gather3A_685 : vector<16xf32>
        %broadcast_in_dim3A_687 = vector.shape_cast %xor3A_56 : vector<16xi32> to vector<16x1xi32>
        %gather3A_688 = vector.shape_cast %broadcast_in_dim3A_687 : vector<16x1xi32> to vector<16xi32>
        %gather3A_689 = tpu.dynamic_gather %add3A_686[%gather3A_688] in [0] : vector<16xf32>, vector<16xi32> -> vector<16xf32>
        %add3A_690 = arith.addf %add3A_686, %gather3A_689 : vector<16xf32>
        %broadcast_in_dim3A_691 = vector.shape_cast %xor3A_59 : vector<16xi32> to vector<16x1xi32>
        %gather3A_692 = vector.shape_cast %broadcast_in_dim3A_691 : vector<16x1xi32> to vector<16xi32>
        %gather3A_693 = tpu.dynamic_gather %add3A_690[%gather3A_692] in [0] : vector<16xf32>, vector<16xi32> -> vector<16xf32>
        %add3A_694 = arith.addf %add3A_690, %gather3A_693 : vector<16xf32>
        %broadcast_in_dim3A_695 = vector.shape_cast %xor3A_62 : vector<16xi32> to vector<16x1xi32>
        %gather3A_696 = vector.shape_cast %broadcast_in_dim3A_695 : vector<16x1xi32> to vector<16xi32>
        %gather3A_697 = tpu.dynamic_gather %add3A_694[%gather3A_696] in [0] : vector<16xf32>, vector<16xi32> -> vector<16xf32>
        %add3A_698 = arith.addf %add3A_694, %gather3A_697 : vector<16xf32>
        %select_n3A_699 = arith.select %eq3A_9, %add3A_698, %select_n3A_635 : vector<16xi1>, vector<16xf32>
        %add3A_700 = arith.constant 256 : i32
        %add3A_701 = arith.addi %add3A_571, %add3A_700 : i32
        %get3A_702 = arith.index_cast %add3A_701 : i32 to index
        %get3A_703 = tpu.vector_load %arg7[%get3A_702] {strides = array<i32>} : memref<51200xf32, #tpu.memory_space<vmem>>, vector<16xf32>,
        %mul3A_704 = arith.mulf %get3A_703, %get3A_347 : vector<16xf32>
        %add3A_705 = arith.constant 16 : i32
        %add3A_706 = arith.addi %add3A_701, %add3A_705 : i32
        %get3A_707 = arith.index_cast %add3A_706 : i32 to index
        %get3A_708 = tpu.vector_load %arg7[%get3A_707] {strides = array<i32>} : memref<51200xf32, #tpu.memory_space<vmem>>, vector<16xf32>,
        %mul3A_709 = arith.mulf %get3A_708, %get3A_351 : vector<16xf32>
        %add3A_710 = arith.addf %mul3A_704, %mul3A_709 : vector<16xf32>
        %add3A_711 = arith.constant 32 : i32
        %add3A_712 = arith.addi %add3A_701, %add3A_711 : i32
        %get3A_713 = arith.index_cast %add3A_712 : i32 to index
        %get3A_714 = tpu.vector_load %arg7[%get3A_713] {strides = array<i32>} : memref<51200xf32, #tpu.memory_space<vmem>>, vector<16xf32>,
        %mul3A_715 = arith.mulf %get3A_714, %get3A_355 : vector<16xf32>
        %add3A_716 = arith.addf %add3A_710, %mul3A_715 : vector<16xf32>
        %add3A_717 = arith.constant 48 : i32
        %add3A_718 = arith.addi %add3A_701, %add3A_717 : i32
        %get3A_719 = arith.index_cast %add3A_718 : i32 to index
        %get3A_720 = tpu.vector_load %arg7[%get3A_719] {strides = array<i32>} : memref<51200xf32, #tpu.memory_space<vmem>>, vector<16xf32>,
        %mul3A_721 = arith.mulf %get3A_720, %get3A_359 : vector<16xf32>
        %add3A_722 = arith.addf %add3A_716, %mul3A_721 : vector<16xf32>
        %add3A_723 = arith.constant 64 : i32
        %add3A_724 = arith.addi %add3A_701, %add3A_723 : i32
        %get3A_725 = arith.index_cast %add3A_724 : i32 to index
        %get3A_726 = tpu.vector_load %arg7[%get3A_725] {strides = array<i32>} : memref<51200xf32, #tpu.memory_space<vmem>>, vector<16xf32>,
        %mul3A_727 = arith.mulf %get3A_726, %get3A_363 : vector<16xf32>
        %add3A_728 = arith.addf %add3A_722, %mul3A_727 : vector<16xf32>
        %add3A_729 = arith.constant 80 : i32
        %add3A_730 = arith.addi %add3A_701, %add3A_729 : i32
        %get3A_731 = arith.index_cast %add3A_730 : i32 to index
        %get3A_732 = tpu.vector_load %arg7[%get3A_731] {strides = array<i32>} : memref<51200xf32, #tpu.memory_space<vmem>>, vector<16xf32>,
        %mul3A_733 = arith.mulf %get3A_732, %get3A_367 : vector<16xf32>
        %add3A_734 = arith.addf %add3A_728, %mul3A_733 : vector<16xf32>
        %add3A_735 = arith.constant 96 : i32
        %add3A_736 = arith.addi %add3A_701, %add3A_735 : i32
        %get3A_737 = arith.index_cast %add3A_736 : i32 to index
        %get3A_738 = tpu.vector_load %arg7[%get3A_737] {strides = array<i32>} : memref<51200xf32, #tpu.memory_space<vmem>>, vector<16xf32>,
        %mul3A_739 = arith.mulf %get3A_738, %get3A_371 : vector<16xf32>
        %add3A_740 = arith.addf %add3A_734, %mul3A_739 : vector<16xf32>
        %add3A_741 = arith.constant 112 : i32
        %add3A_742 = arith.addi %add3A_701, %add3A_741 : i32
        %get3A_743 = arith.index_cast %add3A_742 : i32 to index
        %get3A_744 = tpu.vector_load %arg7[%get3A_743] {strides = array<i32>} : memref<51200xf32, #tpu.memory_space<vmem>>, vector<16xf32>,
        %mul3A_745 = arith.mulf %get3A_744, %get3A_375 : vector<16xf32>
        %add3A_746 = arith.addf %add3A_740, %mul3A_745 : vector<16xf32>
        %broadcast_in_dim3A_747 = vector.shape_cast %xor3A_53 : vector<16xi32> to vector<16x1xi32>
        %gather3A_748 = vector.shape_cast %broadcast_in_dim3A_747 : vector<16x1xi32> to vector<16xi32>
        %gather3A_749 = tpu.dynamic_gather %add3A_746[%gather3A_748] in [0] : vector<16xf32>, vector<16xi32> -> vector<16xf32>
        %add3A_750 = arith.addf %add3A_746, %gather3A_749 : vector<16xf32>
        %broadcast_in_dim3A_751 = vector.shape_cast %xor3A_56 : vector<16xi32> to vector<16x1xi32>
        %gather3A_752 = vector.shape_cast %broadcast_in_dim3A_751 : vector<16x1xi32> to vector<16xi32>
        %gather3A_753 = tpu.dynamic_gather %add3A_750[%gather3A_752] in [0] : vector<16xf32>, vector<16xi32> -> vector<16xf32>
        %add3A_754 = arith.addf %add3A_750, %gather3A_753 : vector<16xf32>
        %broadcast_in_dim3A_755 = vector.shape_cast %xor3A_59 : vector<16xi32> to vector<16x1xi32>
        %gather3A_756 = vector.shape_cast %broadcast_in_dim3A_755 : vector<16x1xi32> to vector<16xi32>
        %gather3A_757 = tpu.dynamic_gather %add3A_754[%gather3A_756] in [0] : vector<16xf32>, vector<16xi32> -> vector<16xf32>
        %add3A_758 = arith.addf %add3A_754, %gather3A_757 : vector<16xf32>
        %broadcast_in_dim3A_759 = vector.shape_cast %xor3A_62 : vector<16xi32> to vector<16x1xi32>
        %gather3A_760 = vector.shape_cast %broadcast_in_dim3A_759 : vector<16x1xi32> to vector<16xi32>
        %gather3A_761 = tpu.dynamic_gather %add3A_758[%gather3A_760] in [0] : vector<16xf32>, vector<16xi32> -> vector<16xf32>
        %add3A_762 = arith.addf %add3A_758, %gather3A_761 : vector<16xf32>
        %select_n3A_763 = arith.select %eq3A_12, %add3A_762, %select_n3A_699 : vector<16xi1>, vector<16xf32>
        %add3A_764 = arith.constant 384 : i32
        %add3A_765 = arith.addi %add3A_571, %add3A_764 : i32
        %get3A_766 = arith.index_cast %add3A_765 : i32 to index
        %get3A_767 = tpu.vector_load %arg7[%get3A_766] {strides = array<i32>} : memref<51200xf32, #tpu.memory_space<vmem>>, vector<16xf32>,
        %mul3A_768 = arith.mulf %get3A_767, %get3A_347 : vector<16xf32>
        %add3A_769 = arith.constant 16 : i32
        %add3A_770 = arith.addi %add3A_765, %add3A_769 : i32
        %get3A_771 = arith.index_cast %add3A_770 : i32 to index
        %get3A_772 = tpu.vector_load %arg7[%get3A_771] {strides = array<i32>} : memref<51200xf32, #tpu.memory_space<vmem>>, vector<16xf32>,
        %mul3A_773 = arith.mulf %get3A_772, %get3A_351 : vector<16xf32>
        %add3A_774 = arith.addf %mul3A_768, %mul3A_773 : vector<16xf32>
        %add3A_775 = arith.constant 32 : i32
        %add3A_776 = arith.addi %add3A_765, %add3A_775 : i32
        %get3A_777 = arith.index_cast %add3A_776 : i32 to index
        %get3A_778 = tpu.vector_load %arg7[%get3A_777] {strides = array<i32>} : memref<51200xf32, #tpu.memory_space<vmem>>, vector<16xf32>,
        %mul3A_779 = arith.mulf %get3A_778, %get3A_355 : vector<16xf32>
        %add3A_780 = arith.addf %add3A_774, %mul3A_779 : vector<16xf32>
        %add3A_781 = arith.constant 48 : i32
        %add3A_782 = arith.addi %add3A_765, %add3A_781 : i32
        %get3A_783 = arith.index_cast %add3A_782 : i32 to index
        %get3A_784 = tpu.vector_load %arg7[%get3A_783] {strides = array<i32>} : memref<51200xf32, #tpu.memory_space<vmem>>, vector<16xf32>,
        %mul3A_785 = arith.mulf %get3A_784, %get3A_359 : vector<16xf32>
        %add3A_786 = arith.addf %add3A_780, %mul3A_785 : vector<16xf32>
        %add3A_787 = arith.constant 64 : i32
        %add3A_788 = arith.addi %add3A_765, %add3A_787 : i32
        %get3A_789 = arith.index_cast %add3A_788 : i32 to index
        %get3A_790 = tpu.vector_load %arg7[%get3A_789] {strides = array<i32>} : memref<51200xf32, #tpu.memory_space<vmem>>, vector<16xf32>,
        %mul3A_791 = arith.mulf %get3A_790, %get3A_363 : vector<16xf32>
        %add3A_792 = arith.addf %add3A_786, %mul3A_791 : vector<16xf32>
        %add3A_793 = arith.constant 80 : i32
        %add3A_794 = arith.addi %add3A_765, %add3A_793 : i32
        %get3A_795 = arith.index_cast %add3A_794 : i32 to index
        %get3A_796 = tpu.vector_load %arg7[%get3A_795] {strides = array<i32>} : memref<51200xf32, #tpu.memory_space<vmem>>, vector<16xf32>,
        %mul3A_797 = arith.mulf %get3A_796, %get3A_367 : vector<16xf32>
        %add3A_798 = arith.addf %add3A_792, %mul3A_797 : vector<16xf32>
        %add3A_799 = arith.constant 96 : i32
        %add3A_800 = arith.addi %add3A_765, %add3A_799 : i32
        %get3A_801 = arith.index_cast %add3A_800 : i32 to index
        %get3A_802 = tpu.vector_load %arg7[%get3A_801] {strides = array<i32>} : memref<51200xf32, #tpu.memory_space<vmem>>, vector<16xf32>,
        %mul3A_803 = arith.mulf %get3A_802, %get3A_371 : vector<16xf32>
        %add3A_804 = arith.addf %add3A_798, %mul3A_803 : vector<16xf32>
        %add3A_805 = arith.constant 112 : i32
        %add3A_806 = arith.addi %add3A_765, %add3A_805 : i32
        %get3A_807 = arith.index_cast %add3A_806 : i32 to index
        %get3A_808 = tpu.vector_load %arg7[%get3A_807] {strides = array<i32>} : memref<51200xf32, #tpu.memory_space<vmem>>, vector<16xf32>,
        %mul3A_809 = arith.mulf %get3A_808, %get3A_375 : vector<16xf32>
        %add3A_810 = arith.addf %add3A_804, %mul3A_809 : vector<16xf32>
        %broadcast_in_dim3A_811 = vector.shape_cast %xor3A_53 : vector<16xi32> to vector<16x1xi32>
        %gather3A_812 = vector.shape_cast %broadcast_in_dim3A_811 : vector<16x1xi32> to vector<16xi32>
        %gather3A_813 = tpu.dynamic_gather %add3A_810[%gather3A_812] in [0] : vector<16xf32>, vector<16xi32> -> vector<16xf32>
        %add3A_814 = arith.addf %add3A_810, %gather3A_813 : vector<16xf32>
        %broadcast_in_dim3A_815 = vector.shape_cast %xor3A_56 : vector<16xi32> to vector<16x1xi32>
        %gather3A_816 = vector.shape_cast %broadcast_in_dim3A_815 : vector<16x1xi32> to vector<16xi32>
        %gather3A_817 = tpu.dynamic_gather %add3A_814[%gather3A_816] in [0] : vector<16xf32>, vector<16xi32> -> vector<16xf32>
        %add3A_818 = arith.addf %add3A_814, %gather3A_817 : vector<16xf32>
        %broadcast_in_dim3A_819 = vector.shape_cast %xor3A_59 : vector<16xi32> to vector<16x1xi32>
        %gather3A_820 = vector.shape_cast %broadcast_in_dim3A_819 : vector<16x1xi32> to vector<16xi32>
        %gather3A_821 = tpu.dynamic_gather %add3A_818[%gather3A_820] in [0] : vector<16xf32>, vector<16xi32> -> vector<16xf32>
        %add3A_822 = arith.addf %add3A_818, %gather3A_821 : vector<16xf32>
        %broadcast_in_dim3A_823 = vector.shape_cast %xor3A_62 : vector<16xi32> to vector<16x1xi32>
        %gather3A_824 = vector.shape_cast %broadcast_in_dim3A_823 : vector<16x1xi32> to vector<16xi32>
        %gather3A_825 = tpu.dynamic_gather %add3A_822[%gather3A_824] in [0] : vector<16xf32>, vector<16xi32> -> vector<16xf32>
        %add3A_826 = arith.addf %add3A_822, %gather3A_825 : vector<16xf32>
        %select_n3A_827 = arith.select %eq3A_15, %add3A_826, %select_n3A_763 : vector<16xi1>, vector<16xf32>
        %add3A_828 = arith.constant 512 : i32
        %add3A_829 = arith.addi %add3A_571, %add3A_828 : i32
        %get3A_830 = arith.index_cast %add3A_829 : i32 to index
        %get3A_831 = tpu.vector_load %arg7[%get3A_830] {strides = array<i32>} : memref<51200xf32, #tpu.memory_space<vmem>>, vector<16xf32>,
        %mul3A_832 = arith.mulf %get3A_831, %get3A_347 : vector<16xf32>
        %add3A_833 = arith.constant 16 : i32
        %add3A_834 = arith.addi %add3A_829, %add3A_833 : i32
        %get3A_835 = arith.index_cast %add3A_834 : i32 to index
        %get3A_836 = tpu.vector_load %arg7[%get3A_835] {strides = array<i32>} : memref<51200xf32, #tpu.memory_space<vmem>>, vector<16xf32>,
        %mul3A_837 = arith.mulf %get3A_836, %get3A_351 : vector<16xf32>
        %add3A_838 = arith.addf %mul3A_832, %mul3A_837 : vector<16xf32>
        %add3A_839 = arith.constant 32 : i32
        %add3A_840 = arith.addi %add3A_829, %add3A_839 : i32
        %get3A_841 = arith.index_cast %add3A_840 : i32 to index
        %get3A_842 = tpu.vector_load %arg7[%get3A_841] {strides = array<i32>} : memref<51200xf32, #tpu.memory_space<vmem>>, vector<16xf32>,
        %mul3A_843 = arith.mulf %get3A_842, %get3A_355 : vector<16xf32>
        %add3A_844 = arith.addf %add3A_838, %mul3A_843 : vector<16xf32>
        %add3A_845 = arith.constant 48 : i32
        %add3A_846 = arith.addi %add3A_829, %add3A_845 : i32
        %get3A_847 = arith.index_cast %add3A_846 : i32 to index
        %get3A_848 = tpu.vector_load %arg7[%get3A_847] {strides = array<i32>} : memref<51200xf32, #tpu.memory_space<vmem>>, vector<16xf32>,
        %mul3A_849 = arith.mulf %get3A_848, %get3A_359 : vector<16xf32>
        %add3A_850 = arith.addf %add3A_844, %mul3A_849 : vector<16xf32>
        %add3A_851 = arith.constant 64 : i32
        %add3A_852 = arith.addi %add3A_829, %add3A_851 : i32
        %get3A_853 = arith.index_cast %add3A_852 : i32 to index
        %get3A_854 = tpu.vector_load %arg7[%get3A_853] {strides = array<i32>} : memref<51200xf32, #tpu.memory_space<vmem>>, vector<16xf32>,
        %mul3A_855 = arith.mulf %get3A_854, %get3A_363 : vector<16xf32>
        %add3A_856 = arith.addf %add3A_850, %mul3A_855 : vector<16xf32>
        %add3A_857 = arith.constant 80 : i32
        %add3A_858 = arith.addi %add3A_829, %add3A_857 : i32
        %get3A_859 = arith.index_cast %add3A_858 : i32 to index
        %get3A_860 = tpu.vector_load %arg7[%get3A_859] {strides = array<i32>} : memref<51200xf32, #tpu.memory_space<vmem>>, vector<16xf32>,
        %mul3A_861 = arith.mulf %get3A_860, %get3A_367 : vector<16xf32>
        %add3A_862 = arith.addf %add3A_856, %mul3A_861 : vector<16xf32>
        %add3A_863 = arith.constant 96 : i32
        %add3A_864 = arith.addi %add3A_829, %add3A_863 : i32
        %get3A_865 = arith.index_cast %add3A_864 : i32 to index
        %get3A_866 = tpu.vector_load %arg7[%get3A_865] {strides = array<i32>} : memref<51200xf32, #tpu.memory_space<vmem>>, vector<16xf32>,
        %mul3A_867 = arith.mulf %get3A_866, %get3A_371 : vector<16xf32>
        %add3A_868 = arith.addf %add3A_862, %mul3A_867 : vector<16xf32>
        %add3A_869 = arith.constant 112 : i32
        %add3A_870 = arith.addi %add3A_829, %add3A_869 : i32
        %get3A_871 = arith.index_cast %add3A_870 : i32 to index
        %get3A_872 = tpu.vector_load %arg7[%get3A_871] {strides = array<i32>} : memref<51200xf32, #tpu.memory_space<vmem>>, vector<16xf32>,
        %mul3A_873 = arith.mulf %get3A_872, %get3A_375 : vector<16xf32>
        %add3A_874 = arith.addf %add3A_868, %mul3A_873 : vector<16xf32>
        %broadcast_in_dim3A_875 = vector.shape_cast %xor3A_53 : vector<16xi32> to vector<16x1xi32>
        %gather3A_876 = vector.shape_cast %broadcast_in_dim3A_875 : vector<16x1xi32> to vector<16xi32>
        %gather3A_877 = tpu.dynamic_gather %add3A_874[%gather3A_876] in [0] : vector<16xf32>, vector<16xi32> -> vector<16xf32>
        %add3A_878 = arith.addf %add3A_874, %gather3A_877 : vector<16xf32>
        %broadcast_in_dim3A_879 = vector.shape_cast %xor3A_56 : vector<16xi32> to vector<16x1xi32>
        %gather3A_880 = vector.shape_cast %broadcast_in_dim3A_879 : vector<16x1xi32> to vector<16xi32>
        %gather3A_881 = tpu.dynamic_gather %add3A_878[%gather3A_880] in [0] : vector<16xf32>, vector<16xi32> -> vector<16xf32>
        %add3A_882 = arith.addf %add3A_878, %gather3A_881 : vector<16xf32>
        %broadcast_in_dim3A_883 = vector.shape_cast %xor3A_59 : vector<16xi32> to vector<16x1xi32>
        %gather3A_884 = vector.shape_cast %broadcast_in_dim3A_883 : vector<16x1xi32> to vector<16xi32>
        %gather3A_885 = tpu.dynamic_gather %add3A_882[%gather3A_884] in [0] : vector<16xf32>, vector<16xi32> -> vector<16xf32>
        %add3A_886 = arith.addf %add3A_882, %gather3A_885 : vector<16xf32>
        %broadcast_in_dim3A_887 = vector.shape_cast %xor3A_62 : vector<16xi32> to vector<16x1xi32>
        %gather3A_888 = vector.shape_cast %broadcast_in_dim3A_887 : vector<16x1xi32> to vector<16xi32>
        %gather3A_889 = tpu.dynamic_gather %add3A_886[%gather3A_888] in [0] : vector<16xf32>, vector<16xi32> -> vector<16xf32>
        %add3A_890 = arith.addf %add3A_886, %gather3A_889 : vector<16xf32>
        %select_n3A_891 = arith.select %eq3A_18, %add3A_890, %select_n3A_827 : vector<16xi1>, vector<16xf32>
        %add3A_892 = arith.constant 640 : i32
        %add3A_893 = arith.addi %add3A_571, %add3A_892 : i32
        %get3A_894 = arith.index_cast %add3A_893 : i32 to index
        %get3A_895 = tpu.vector_load %arg7[%get3A_894] {strides = array<i32>} : memref<51200xf32, #tpu.memory_space<vmem>>, vector<16xf32>,
        %mul3A_896 = arith.mulf %get3A_895, %get3A_347 : vector<16xf32>
        %add3A_897 = arith.constant 16 : i32
        %add3A_898 = arith.addi %add3A_893, %add3A_897 : i32
        %get3A_899 = arith.index_cast %add3A_898 : i32 to index
        %get3A_900 = tpu.vector_load %arg7[%get3A_899] {strides = array<i32>} : memref<51200xf32, #tpu.memory_space<vmem>>, vector<16xf32>,
        %mul3A_901 = arith.mulf %get3A_900, %get3A_351 : vector<16xf32>
        %add3A_902 = arith.addf %mul3A_896, %mul3A_901 : vector<16xf32>
        %add3A_903 = arith.constant 32 : i32
        %add3A_904 = arith.addi %add3A_893, %add3A_903 : i32
        %get3A_905 = arith.index_cast %add3A_904 : i32 to index
        %get3A_906 = tpu.vector_load %arg7[%get3A_905] {strides = array<i32>} : memref<51200xf32, #tpu.memory_space<vmem>>, vector<16xf32>,
        %mul3A_907 = arith.mulf %get3A_906, %get3A_355 : vector<16xf32>
        %add3A_908 = arith.addf %add3A_902, %mul3A_907 : vector<16xf32>
        %add3A_909 = arith.constant 48 : i32
        %add3A_910 = arith.addi %add3A_893, %add3A_909 : i32
        %get3A_911 = arith.index_cast %add3A_910 : i32 to index
        %get3A_912 = tpu.vector_load %arg7[%get3A_911] {strides = array<i32>} : memref<51200xf32, #tpu.memory_space<vmem>>, vector<16xf32>,
        %mul3A_913 = arith.mulf %get3A_912, %get3A_359 : vector<16xf32>
        %add3A_914 = arith.addf %add3A_908, %mul3A_913 : vector<16xf32>
        %add3A_915 = arith.constant 64 : i32
        %add3A_916 = arith.addi %add3A_893, %add3A_915 : i32
        %get3A_917 = arith.index_cast %add3A_916 : i32 to index
        %get3A_918 = tpu.vector_load %arg7[%get3A_917] {strides = array<i32>} : memref<51200xf32, #tpu.memory_space<vmem>>, vector<16xf32>,
        %mul3A_919 = arith.mulf %get3A_918, %get3A_363 : vector<16xf32>
        %add3A_920 = arith.addf %add3A_914, %mul3A_919 : vector<16xf32>
        %add3A_921 = arith.constant 80 : i32
        %add3A_922 = arith.addi %add3A_893, %add3A_921 : i32
        %get3A_923 = arith.index_cast %add3A_922 : i32 to index
        %get3A_924 = tpu.vector_load %arg7[%get3A_923] {strides = array<i32>} : memref<51200xf32, #tpu.memory_space<vmem>>, vector<16xf32>,
        %mul3A_925 = arith.mulf %get3A_924, %get3A_367 : vector<16xf32>
        %add3A_926 = arith.addf %add3A_920, %mul3A_925 : vector<16xf32>
        %add3A_927 = arith.constant 96 : i32
        %add3A_928 = arith.addi %add3A_893, %add3A_927 : i32
        %get3A_929 = arith.index_cast %add3A_928 : i32 to index
        %get3A_930 = tpu.vector_load %arg7[%get3A_929] {strides = array<i32>} : memref<51200xf32, #tpu.memory_space<vmem>>, vector<16xf32>,
        %mul3A_931 = arith.mulf %get3A_930, %get3A_371 : vector<16xf32>
        %add3A_932 = arith.addf %add3A_926, %mul3A_931 : vector<16xf32>
        %add3A_933 = arith.constant 112 : i32
        %add3A_934 = arith.addi %add3A_893, %add3A_933 : i32
        %get3A_935 = arith.index_cast %add3A_934 : i32 to index
        %get3A_936 = tpu.vector_load %arg7[%get3A_935] {strides = array<i32>} : memref<51200xf32, #tpu.memory_space<vmem>>, vector<16xf32>,
        %mul3A_937 = arith.mulf %get3A_936, %get3A_375 : vector<16xf32>
        %add3A_938 = arith.addf %add3A_932, %mul3A_937 : vector<16xf32>
        %broadcast_in_dim3A_939 = vector.shape_cast %xor3A_53 : vector<16xi32> to vector<16x1xi32>
        %gather3A_940 = vector.shape_cast %broadcast_in_dim3A_939 : vector<16x1xi32> to vector<16xi32>
        %gather3A_941 = tpu.dynamic_gather %add3A_938[%gather3A_940] in [0] : vector<16xf32>, vector<16xi32> -> vector<16xf32>
        %add3A_942 = arith.addf %add3A_938, %gather3A_941 : vector<16xf32>
        %broadcast_in_dim3A_943 = vector.shape_cast %xor3A_56 : vector<16xi32> to vector<16x1xi32>
        %gather3A_944 = vector.shape_cast %broadcast_in_dim3A_943 : vector<16x1xi32> to vector<16xi32>
        %gather3A_945 = tpu.dynamic_gather %add3A_942[%gather3A_944] in [0] : vector<16xf32>, vector<16xi32> -> vector<16xf32>
        %add3A_946 = arith.addf %add3A_942, %gather3A_945 : vector<16xf32>
        %broadcast_in_dim3A_947 = vector.shape_cast %xor3A_59 : vector<16xi32> to vector<16x1xi32>
        %gather3A_948 = vector.shape_cast %broadcast_in_dim3A_947 : vector<16x1xi32> to vector<16xi32>
        %gather3A_949 = tpu.dynamic_gather %add3A_946[%gather3A_948] in [0] : vector<16xf32>, vector<16xi32> -> vector<16xf32>
        %add3A_950 = arith.addf %add3A_946, %gather3A_949 : vector<16xf32>
        %broadcast_in_dim3A_951 = vector.shape_cast %xor3A_62 : vector<16xi32> to vector<16x1xi32>
        %gather3A_952 = vector.shape_cast %broadcast_in_dim3A_951 : vector<16x1xi32> to vector<16xi32>
        %gather3A_953 = tpu.dynamic_gather %add3A_950[%gather3A_952] in [0] : vector<16xf32>, vector<16xi32> -> vector<16xf32>
        %add3A_954 = arith.addf %add3A_950, %gather3A_953 : vector<16xf32>
        %select_n3A_955 = arith.select %eq3A_21, %add3A_954, %select_n3A_891 : vector<16xi1>, vector<16xf32>
        %add3A_956 = arith.constant 768 : i32
        %add3A_957 = arith.addi %add3A_571, %add3A_956 : i32
        %get3A_958 = arith.index_cast %add3A_957 : i32 to index
        %get3A_959 = tpu.vector_load %arg7[%get3A_958] {strides = array<i32>} : memref<51200xf32, #tpu.memory_space<vmem>>, vector<16xf32>,
        %mul3A_960 = arith.mulf %get3A_959, %get3A_347 : vector<16xf32>
        %add3A_961 = arith.constant 16 : i32
        %add3A_962 = arith.addi %add3A_957, %add3A_961 : i32
        %get3A_963 = arith.index_cast %add3A_962 : i32 to index
        %get3A_964 = tpu.vector_load %arg7[%get3A_963] {strides = array<i32>} : memref<51200xf32, #tpu.memory_space<vmem>>, vector<16xf32>,
        %mul3A_965 = arith.mulf %get3A_964, %get3A_351 : vector<16xf32>
        %add3A_966 = arith.addf %mul3A_960, %mul3A_965 : vector<16xf32>
        %add3A_967 = arith.constant 32 : i32
        %add3A_968 = arith.addi %add3A_957, %add3A_967 : i32
        %get3A_969 = arith.index_cast %add3A_968 : i32 to index
        %get3A_970 = tpu.vector_load %arg7[%get3A_969] {strides = array<i32>} : memref<51200xf32, #tpu.memory_space<vmem>>, vector<16xf32>,
        %mul3A_971 = arith.mulf %get3A_970, %get3A_355 : vector<16xf32>
        %add3A_972 = arith.addf %add3A_966, %mul3A_971 : vector<16xf32>
        %add3A_973 = arith.constant 48 : i32
        %add3A_974 = arith.addi %add3A_957, %add3A_973 : i32
        %get3A_975 = arith.index_cast %add3A_974 : i32 to index
        %get3A_976 = tpu.vector_load %arg7[%get3A_975] {strides = array<i32>} : memref<51200xf32, #tpu.memory_space<vmem>>, vector<16xf32>,
        %mul3A_977 = arith.mulf %get3A_976, %get3A_359 : vector<16xf32>
        %add3A_978 = arith.addf %add3A_972, %mul3A_977 : vector<16xf32>
        %add3A_979 = arith.constant 64 : i32
        %add3A_980 = arith.addi %add3A_957, %add3A_979 : i32
        %get3A_981 = arith.index_cast %add3A_980 : i32 to index
        %get3A_982 = tpu.vector_load %arg7[%get3A_981] {strides = array<i32>} : memref<51200xf32, #tpu.memory_space<vmem>>, vector<16xf32>,
        %mul3A_983 = arith.mulf %get3A_982, %get3A_363 : vector<16xf32>
        %add3A_984 = arith.addf %add3A_978, %mul3A_983 : vector<16xf32>
        %add3A_985 = arith.constant 80 : i32
        %add3A_986 = arith.addi %add3A_957, %add3A_985 : i32
        %get3A_987 = arith.index_cast %add3A_986 : i32 to index
        %get3A_988 = tpu.vector_load %arg7[%get3A_987] {strides = array<i32>} : memref<51200xf32, #tpu.memory_space<vmem>>, vector<16xf32>,
        %mul3A_989 = arith.mulf %get3A_988, %get3A_367 : vector<16xf32>
        %add3A_990 = arith.addf %add3A_984, %mul3A_989 : vector<16xf32>
        %add3A_991 = arith.constant 96 : i32
        %add3A_992 = arith.addi %add3A_957, %add3A_991 : i32
        %get3A_993 = arith.index_cast %add3A_992 : i32 to index
        %get3A_994 = tpu.vector_load %arg7[%get3A_993] {strides = array<i32>} : memref<51200xf32, #tpu.memory_space<vmem>>, vector<16xf32>,
        %mul3A_995 = arith.mulf %get3A_994, %get3A_371 : vector<16xf32>
        %add3A_996 = arith.addf %add3A_990, %mul3A_995 : vector<16xf32>
        %add3A_997 = arith.constant 112 : i32
        %add3A_998 = arith.addi %add3A_957, %add3A_997 : i32
        %get3A_999 = arith.index_cast %add3A_998 : i32 to index
        %get3A_1000 = tpu.vector_load %arg7[%get3A_999] {strides = array<i32>} : memref<51200xf32, #tpu.memory_space<vmem>>, vector<16xf32>,
        %mul3A_1001 = arith.mulf %get3A_1000, %get3A_375 : vector<16xf32>
        %add3A_1002 = arith.addf %add3A_996, %mul3A_1001 : vector<16xf32>
        %broadcast_in_dim3A_1003 = vector.shape_cast %xor3A_53 : vector<16xi32> to vector<16x1xi32>
        %gather3A_1004 = vector.shape_cast %broadcast_in_dim3A_1003 : vector<16x1xi32> to vector<16xi32>
        %gather3A_1005 = tpu.dynamic_gather %add3A_1002[%gather3A_1004] in [0] : vector<16xf32>, vector<16xi32> -> vector<16xf32>
        %add3A_1006 = arith.addf %add3A_1002, %gather3A_1005 : vector<16xf32>
        %broadcast_in_dim3A_1007 = vector.shape_cast %xor3A_56 : vector<16xi32> to vector<16x1xi32>
        %gather3A_1008 = vector.shape_cast %broadcast_in_dim3A_1007 : vector<16x1xi32> to vector<16xi32>
        %gather3A_1009 = tpu.dynamic_gather %add3A_1006[%gather3A_1008] in [0] : vector<16xf32>, vector<16xi32> -> vector<16xf32>
        %add3A_1010 = arith.addf %add3A_1006, %gather3A_1009 : vector<16xf32>
        %broadcast_in_dim3A_1011 = vector.shape_cast %xor3A_59 : vector<16xi32> to vector<16x1xi32>
        %gather3A_1012 = vector.shape_cast %broadcast_in_dim3A_1011 : vector<16x1xi32> to vector<16xi32>
        %gather3A_1013 = tpu.dynamic_gather %add3A_1010[%gather3A_1012] in [0] : vector<16xf32>, vector<16xi32> -> vector<16xf32>
        %add3A_1014 = arith.addf %add3A_1010, %gather3A_1013 : vector<16xf32>
        %broadcast_in_dim3A_1015 = vector.shape_cast %xor3A_62 : vector<16xi32> to vector<16x1xi32>
        %gather3A_1016 = vector.shape_cast %broadcast_in_dim3A_1015 : vector<16x1xi32> to vector<16xi32>
        %gather3A_1017 = tpu.dynamic_gather %add3A_1014[%gather3A_1016] in [0] : vector<16xf32>, vector<16xi32> -> vector<16xf32>
        %add3A_1018 = arith.addf %add3A_1014, %gather3A_1017 : vector<16xf32>
        %select_n3A_1019 = arith.select %eq3A_24, %add3A_1018, %select_n3A_955 : vector<16xi1>, vector<16xf32>
        %add3A_1020 = arith.constant 896 : i32
        %add3A_1021 = arith.addi %add3A_571, %add3A_1020 : i32
        %get3A_1022 = arith.index_cast %add3A_1021 : i32 to index
        %get3A_1023 = tpu.vector_load %arg7[%get3A_1022] {strides = array<i32>} : memref<51200xf32, #tpu.memory_space<vmem>>, vector<16xf32>,
        %mul3A_1024 = arith.mulf %get3A_1023, %get3A_347 : vector<16xf32>
        %add3A_1025 = arith.constant 16 : i32
        %add3A_1026 = arith.addi %add3A_1021, %add3A_1025 : i32
        %get3A_1027 = arith.index_cast %add3A_1026 : i32 to index
        %get3A_1028 = tpu.vector_load %arg7[%get3A_1027] {strides = array<i32>} : memref<51200xf32, #tpu.memory_space<vmem>>, vector<16xf32>,
        %mul3A_1029 = arith.mulf %get3A_1028, %get3A_351 : vector<16xf32>
        %add3A_1030 = arith.addf %mul3A_1024, %mul3A_1029 : vector<16xf32>
        %add3A_1031 = arith.constant 32 : i32
        %add3A_1032 = arith.addi %add3A_1021, %add3A_1031 : i32
        %get3A_1033 = arith.index_cast %add3A_1032 : i32 to index
        %get3A_1034 = tpu.vector_load %arg7[%get3A_1033] {strides = array<i32>} : memref<51200xf32, #tpu.memory_space<vmem>>, vector<16xf32>,
        %mul3A_1035 = arith.mulf %get3A_1034, %get3A_355 : vector<16xf32>
        %add3A_1036 = arith.addf %add3A_1030, %mul3A_1035 : vector<16xf32>
        %add3A_1037 = arith.constant 48 : i32
        %add3A_1038 = arith.addi %add3A_1021, %add3A_1037 : i32
        %get3A_1039 = arith.index_cast %add3A_1038 : i32 to index
        %get3A_1040 = tpu.vector_load %arg7[%get3A_1039] {strides = array<i32>} : memref<51200xf32, #tpu.memory_space<vmem>>, vector<16xf32>,
        %mul3A_1041 = arith.mulf %get3A_1040, %get3A_359 : vector<16xf32>
        %add3A_1042 = arith.addf %add3A_1036, %mul3A_1041 : vector<16xf32>
        %add3A_1043 = arith.constant 64 : i32
        %add3A_1044 = arith.addi %add3A_1021, %add3A_1043 : i32
        %get3A_1045 = arith.index_cast %add3A_1044 : i32 to index
        %get3A_1046 = tpu.vector_load %arg7[%get3A_1045] {strides = array<i32>} : memref<51200xf32, #tpu.memory_space<vmem>>, vector<16xf32>,
        %mul3A_1047 = arith.mulf %get3A_1046, %get3A_363 : vector<16xf32>
        %add3A_1048 = arith.addf %add3A_1042, %mul3A_1047 : vector<16xf32>
        %add3A_1049 = arith.constant 80 : i32
        %add3A_1050 = arith.addi %add3A_1021, %add3A_1049 : i32
        %get3A_1051 = arith.index_cast %add3A_1050 : i32 to index
        %get3A_1052 = tpu.vector_load %arg7[%get3A_1051] {strides = array<i32>} : memref<51200xf32, #tpu.memory_space<vmem>>, vector<16xf32>,
        %mul3A_1053 = arith.mulf %get3A_1052, %get3A_367 : vector<16xf32>
        %add3A_1054 = arith.addf %add3A_1048, %mul3A_1053 : vector<16xf32>
        %add3A_1055 = arith.constant 96 : i32
        %add3A_1056 = arith.addi %add3A_1021, %add3A_1055 : i32
        %get3A_1057 = arith.index_cast %add3A_1056 : i32 to index
        %get3A_1058 = tpu.vector_load %arg7[%get3A_1057] {strides = array<i32>} : memref<51200xf32, #tpu.memory_space<vmem>>, vector<16xf32>,
        %mul3A_1059 = arith.mulf %get3A_1058, %get3A_371 : vector<16xf32>
        %add3A_1060 = arith.addf %add3A_1054, %mul3A_1059 : vector<16xf32>
        %add3A_1061 = arith.constant 112 : i32
        %add3A_1062 = arith.addi %add3A_1021, %add3A_1061 : i32
        %get3A_1063 = arith.index_cast %add3A_1062 : i32 to index
        %get3A_1064 = tpu.vector_load %arg7[%get3A_1063] {strides = array<i32>} : memref<51200xf32, #tpu.memory_space<vmem>>, vector<16xf32>,
        %mul3A_1065 = arith.mulf %get3A_1064, %get3A_375 : vector<16xf32>
        %add3A_1066 = arith.addf %add3A_1060, %mul3A_1065 : vector<16xf32>
        %broadcast_in_dim3A_1067 = vector.shape_cast %xor3A_53 : vector<16xi32> to vector<16x1xi32>
        %gather3A_1068 = vector.shape_cast %broadcast_in_dim3A_1067 : vector<16x1xi32> to vector<16xi32>
        %gather3A_1069 = tpu.dynamic_gather %add3A_1066[%gather3A_1068] in [0] : vector<16xf32>, vector<16xi32> -> vector<16xf32>
        %add3A_1070 = arith.addf %add3A_1066, %gather3A_1069 : vector<16xf32>
        %broadcast_in_dim3A_1071 = vector.shape_cast %xor3A_56 : vector<16xi32> to vector<16x1xi32>
        %gather3A_1072 = vector.shape_cast %broadcast_in_dim3A_1071 : vector<16x1xi32> to vector<16xi32>
        %gather3A_1073 = tpu.dynamic_gather %add3A_1070[%gather3A_1072] in [0] : vector<16xf32>, vector<16xi32> -> vector<16xf32>
        %add3A_1074 = arith.addf %add3A_1070, %gather3A_1073 : vector<16xf32>
        %broadcast_in_dim3A_1075 = vector.shape_cast %xor3A_59 : vector<16xi32> to vector<16x1xi32>
        %gather3A_1076 = vector.shape_cast %broadcast_in_dim3A_1075 : vector<16x1xi32> to vector<16xi32>
        %gather3A_1077 = tpu.dynamic_gather %add3A_1074[%gather3A_1076] in [0] : vector<16xf32>, vector<16xi32> -> vector<16xf32>
        %add3A_1078 = arith.addf %add3A_1074, %gather3A_1077 : vector<16xf32>
        %broadcast_in_dim3A_1079 = vector.shape_cast %xor3A_62 : vector<16xi32> to vector<16x1xi32>
        %gather3A_1080 = vector.shape_cast %broadcast_in_dim3A_1079 : vector<16x1xi32> to vector<16xi32>
        %gather3A_1081 = tpu.dynamic_gather %add3A_1078[%gather3A_1080] in [0] : vector<16xf32>, vector<16xi32> -> vector<16xf32>
        %add3A_1082 = arith.addf %add3A_1078, %gather3A_1081 : vector<16xf32>
        %select_n3A_1083 = arith.select %eq3A_27, %add3A_1082, %select_n3A_1019 : vector<16xi1>, vector<16xf32>
        %add3A_1084 = arith.constant 1024 : i32
        %add3A_1085 = arith.addi %add3A_571, %add3A_1084 : i32
        %get3A_1086 = arith.index_cast %add3A_1085 : i32 to index
        %get3A_1087 = tpu.vector_load %arg7[%get3A_1086] {strides = array<i32>} : memref<51200xf32, #tpu.memory_space<vmem>>, vector<16xf32>,
        %mul3A_1088 = arith.mulf %get3A_1087, %get3A_347 : vector<16xf32>
        %add3A_1089 = arith.constant 16 : i32
        %add3A_1090 = arith.addi %add3A_1085, %add3A_1089 : i32
        %get3A_1091 = arith.index_cast %add3A_1090 : i32 to index
        %get3A_1092 = tpu.vector_load %arg7[%get3A_1091] {strides = array<i32>} : memref<51200xf32, #tpu.memory_space<vmem>>, vector<16xf32>,
        %mul3A_1093 = arith.mulf %get3A_1092, %get3A_351 : vector<16xf32>
        %add3A_1094 = arith.addf %mul3A_1088, %mul3A_1093 : vector<16xf32>
        %add3A_1095 = arith.constant 32 : i32
        %add3A_1096 = arith.addi %add3A_1085, %add3A_1095 : i32
        %get3A_1097 = arith.index_cast %add3A_1096 : i32 to index
        %get3A_1098 = tpu.vector_load %arg7[%get3A_1097] {strides = array<i32>} : memref<51200xf32, #tpu.memory_space<vmem>>, vector<16xf32>,
        %mul3A_1099 = arith.mulf %get3A_1098, %get3A_355 : vector<16xf32>
        %add3A_1100 = arith.addf %add3A_1094, %mul3A_1099 : vector<16xf32>
        %add3A_1101 = arith.constant 48 : i32
        %add3A_1102 = arith.addi %add3A_1085, %add3A_1101 : i32
        %get3A_1103 = arith.index_cast %add3A_1102 : i32 to index
        %get3A_1104 = tpu.vector_load %arg7[%get3A_1103] {strides = array<i32>} : memref<51200xf32, #tpu.memory_space<vmem>>, vector<16xf32>,
        %mul3A_1105 = arith.mulf %get3A_1104, %get3A_359 : vector<16xf32>
        %add3A_1106 = arith.addf %add3A_1100, %mul3A_1105 : vector<16xf32>
        %add3A_1107 = arith.constant 64 : i32
        %add3A_1108 = arith.addi %add3A_1085, %add3A_1107 : i32
        %get3A_1109 = arith.index_cast %add3A_1108 : i32 to index
        %get3A_1110 = tpu.vector_load %arg7[%get3A_1109] {strides = array<i32>} : memref<51200xf32, #tpu.memory_space<vmem>>, vector<16xf32>,
        %mul3A_1111 = arith.mulf %get3A_1110, %get3A_363 : vector<16xf32>
        %add3A_1112 = arith.addf %add3A_1106, %mul3A_1111 : vector<16xf32>
        %add3A_1113 = arith.constant 80 : i32
        %add3A_1114 = arith.addi %add3A_1085, %add3A_1113 : i32
        %get3A_1115 = arith.index_cast %add3A_1114 : i32 to index
        %get3A_1116 = tpu.vector_load %arg7[%get3A_1115] {strides = array<i32>} : memref<51200xf32, #tpu.memory_space<vmem>>, vector<16xf32>,
        %mul3A_1117 = arith.mulf %get3A_1116, %get3A_367 : vector<16xf32>
        %add3A_1118 = arith.addf %add3A_1112, %mul3A_1117 : vector<16xf32>
        %add3A_1119 = arith.constant 96 : i32
        %add3A_1120 = arith.addi %add3A_1085, %add3A_1119 : i32
        %get3A_1121 = arith.index_cast %add3A_1120 : i32 to index
        %get3A_1122 = tpu.vector_load %arg7[%get3A_1121] {strides = array<i32>} : memref<51200xf32, #tpu.memory_space<vmem>>, vector<16xf32>,
        %mul3A_1123 = arith.mulf %get3A_1122, %get3A_371 : vector<16xf32>
        %add3A_1124 = arith.addf %add3A_1118, %mul3A_1123 : vector<16xf32>
        %add3A_1125 = arith.constant 112 : i32
        %add3A_1126 = arith.addi %add3A_1085, %add3A_1125 : i32
        %get3A_1127 = arith.index_cast %add3A_1126 : i32 to index
        %get3A_1128 = tpu.vector_load %arg7[%get3A_1127] {strides = array<i32>} : memref<51200xf32, #tpu.memory_space<vmem>>, vector<16xf32>,
        %mul3A_1129 = arith.mulf %get3A_1128, %get3A_375 : vector<16xf32>
        %add3A_1130 = arith.addf %add3A_1124, %mul3A_1129 : vector<16xf32>
        %broadcast_in_dim3A_1131 = vector.shape_cast %xor3A_53 : vector<16xi32> to vector<16x1xi32>
        %gather3A_1132 = vector.shape_cast %broadcast_in_dim3A_1131 : vector<16x1xi32> to vector<16xi32>
        %gather3A_1133 = tpu.dynamic_gather %add3A_1130[%gather3A_1132] in [0] : vector<16xf32>, vector<16xi32> -> vector<16xf32>
        %add3A_1134 = arith.addf %add3A_1130, %gather3A_1133 : vector<16xf32>
        %broadcast_in_dim3A_1135 = vector.shape_cast %xor3A_56 : vector<16xi32> to vector<16x1xi32>
        %gather3A_1136 = vector.shape_cast %broadcast_in_dim3A_1135 : vector<16x1xi32> to vector<16xi32>
        %gather3A_1137 = tpu.dynamic_gather %add3A_1134[%gather3A_1136] in [0] : vector<16xf32>, vector<16xi32> -> vector<16xf32>
        %add3A_1138 = arith.addf %add3A_1134, %gather3A_1137 : vector<16xf32>
        %broadcast_in_dim3A_1139 = vector.shape_cast %xor3A_59 : vector<16xi32> to vector<16x1xi32>
        %gather3A_1140 = vector.shape_cast %broadcast_in_dim3A_1139 : vector<16x1xi32> to vector<16xi32>
        %gather3A_1141 = tpu.dynamic_gather %add3A_1138[%gather3A_1140] in [0] : vector<16xf32>, vector<16xi32> -> vector<16xf32>
        %add3A_1142 = arith.addf %add3A_1138, %gather3A_1141 : vector<16xf32>
        %broadcast_in_dim3A_1143 = vector.shape_cast %xor3A_62 : vector<16xi32> to vector<16x1xi32>
        %gather3A_1144 = vector.shape_cast %broadcast_in_dim3A_1143 : vector<16x1xi32> to vector<16xi32>
        %gather3A_1145 = tpu.dynamic_gather %add3A_1142[%gather3A_1144] in [0] : vector<16xf32>, vector<16xi32> -> vector<16xf32>
        %add3A_1146 = arith.addf %add3A_1142, %gather3A_1145 : vector<16xf32>
        %select_n3A_1147 = arith.select %eq3A_30, %add3A_1146, %select_n3A_1083 : vector<16xi1>, vector<16xf32>
        %add3A_1148 = arith.constant 1152 : i32
        %add3A_1149 = arith.addi %add3A_571, %add3A_1148 : i32
        %get3A_1150 = arith.index_cast %add3A_1149 : i32 to index
        %get3A_1151 = tpu.vector_load %arg7[%get3A_1150] {strides = array<i32>} : memref<51200xf32, #tpu.memory_space<vmem>>, vector<16xf32>,
        %mul3A_1152 = arith.mulf %get3A_1151, %get3A_347 : vector<16xf32>
        %add3A_1153 = arith.constant 16 : i32
        %add3A_1154 = arith.addi %add3A_1149, %add3A_1153 : i32
        %get3A_1155 = arith.index_cast %add3A_1154 : i32 to index
        %get3A_1156 = tpu.vector_load %arg7[%get3A_1155] {strides = array<i32>} : memref<51200xf32, #tpu.memory_space<vmem>>, vector<16xf32>,
        %mul3A_1157 = arith.mulf %get3A_1156, %get3A_351 : vector<16xf32>
        %add3A_1158 = arith.addf %mul3A_1152, %mul3A_1157 : vector<16xf32>
        %add3A_1159 = arith.constant 32 : i32
        %add3A_1160 = arith.addi %add3A_1149, %add3A_1159 : i32
        %get3A_1161 = arith.index_cast %add3A_1160 : i32 to index
        %get3A_1162 = tpu.vector_load %arg7[%get3A_1161] {strides = array<i32>} : memref<51200xf32, #tpu.memory_space<vmem>>, vector<16xf32>,
        %mul3A_1163 = arith.mulf %get3A_1162, %get3A_355 : vector<16xf32>
        %add3A_1164 = arith.addf %add3A_1158, %mul3A_1163 : vector<16xf32>
        %add3A_1165 = arith.constant 48 : i32
        %add3A_1166 = arith.addi %add3A_1149, %add3A_1165 : i32
        %get3A_1167 = arith.index_cast %add3A_1166 : i32 to index
        %get3A_1168 = tpu.vector_load %arg7[%get3A_1167] {strides = array<i32>} : memref<51200xf32, #tpu.memory_space<vmem>>, vector<16xf32>,
        %mul3A_1169 = arith.mulf %get3A_1168, %get3A_359 : vector<16xf32>
        %add3A_1170 = arith.addf %add3A_1164, %mul3A_1169 : vector<16xf32>
        %add3A_1171 = arith.constant 64 : i32
        %add3A_1172 = arith.addi %add3A_1149, %add3A_1171 : i32
        %get3A_1173 = arith.index_cast %add3A_1172 : i32 to index
        %get3A_1174 = tpu.vector_load %arg7[%get3A_1173] {strides = array<i32>} : memref<51200xf32, #tpu.memory_space<vmem>>, vector<16xf32>,
        %mul3A_1175 = arith.mulf %get3A_1174, %get3A_363 : vector<16xf32>
        %add3A_1176 = arith.addf %add3A_1170, %mul3A_1175 : vector<16xf32>
        %add3A_1177 = arith.constant 80 : i32
        %add3A_1178 = arith.addi %add3A_1149, %add3A_1177 : i32
        %get3A_1179 = arith.index_cast %add3A_1178 : i32 to index
        %get3A_1180 = tpu.vector_load %arg7[%get3A_1179] {strides = array<i32>} : memref<51200xf32, #tpu.memory_space<vmem>>, vector<16xf32>,
        %mul3A_1181 = arith.mulf %get3A_1180, %get3A_367 : vector<16xf32>
        %add3A_1182 = arith.addf %add3A_1176, %mul3A_1181 : vector<16xf32>
        %add3A_1183 = arith.constant 96 : i32
        %add3A_1184 = arith.addi %add3A_1149, %add3A_1183 : i32
        %get3A_1185 = arith.index_cast %add3A_1184 : i32 to index
        %get3A_1186 = tpu.vector_load %arg7[%get3A_1185] {strides = array<i32>} : memref<51200xf32, #tpu.memory_space<vmem>>, vector<16xf32>,
        %mul3A_1187 = arith.mulf %get3A_1186, %get3A_371 : vector<16xf32>
        %add3A_1188 = arith.addf %add3A_1182, %mul3A_1187 : vector<16xf32>
        %add3A_1189 = arith.constant 112 : i32
        %add3A_1190 = arith.addi %add3A_1149, %add3A_1189 : i32
        %get3A_1191 = arith.index_cast %add3A_1190 : i32 to index
        %get3A_1192 = tpu.vector_load %arg7[%get3A_1191] {strides = array<i32>} : memref<51200xf32, #tpu.memory_space<vmem>>, vector<16xf32>,
        %mul3A_1193 = arith.mulf %get3A_1192, %get3A_375 : vector<16xf32>
        %add3A_1194 = arith.addf %add3A_1188, %mul3A_1193 : vector<16xf32>
        %broadcast_in_dim3A_1195 = vector.shape_cast %xor3A_53 : vector<16xi32> to vector<16x1xi32>
        %gather3A_1196 = vector.shape_cast %broadcast_in_dim3A_1195 : vector<16x1xi32> to vector<16xi32>
        %gather3A_1197 = tpu.dynamic_gather %add3A_1194[%gather3A_1196] in [0] : vector<16xf32>, vector<16xi32> -> vector<16xf32>
        %add3A_1198 = arith.addf %add3A_1194, %gather3A_1197 : vector<16xf32>
        %broadcast_in_dim3A_1199 = vector.shape_cast %xor3A_56 : vector<16xi32> to vector<16x1xi32>
        %gather3A_1200 = vector.shape_cast %broadcast_in_dim3A_1199 : vector<16x1xi32> to vector<16xi32>
        %gather3A_1201 = tpu.dynamic_gather %add3A_1198[%gather3A_1200] in [0] : vector<16xf32>, vector<16xi32> -> vector<16xf32>
        %add3A_1202 = arith.addf %add3A_1198, %gather3A_1201 : vector<16xf32>
        %broadcast_in_dim3A_1203 = vector.shape_cast %xor3A_59 : vector<16xi32> to vector<16x1xi32>
        %gather3A_1204 = vector.shape_cast %broadcast_in_dim3A_1203 : vector<16x1xi32> to vector<16xi32>
        %gather3A_1205 = tpu.dynamic_gather %add3A_1202[%gather3A_1204] in [0] : vector<16xf32>, vector<16xi32> -> vector<16xf32>
        %add3A_1206 = arith.addf %add3A_1202, %gather3A_1205 : vector<16xf32>
        %broadcast_in_dim3A_1207 = vector.shape_cast %xor3A_62 : vector<16xi32> to vector<16x1xi32>
        %gather3A_1208 = vector.shape_cast %broadcast_in_dim3A_1207 : vector<16x1xi32> to vector<16xi32>
        %gather3A_1209 = tpu.dynamic_gather %add3A_1206[%gather3A_1208] in [0] : vector<16xf32>, vector<16xi32> -> vector<16xf32>
        %add3A_1210 = arith.addf %add3A_1206, %gather3A_1209 : vector<16xf32>
        %select_n3A_1211 = arith.select %eq3A_33, %add3A_1210, %select_n3A_1147 : vector<16xi1>, vector<16xf32>
        %add3A_1212 = arith.constant 1280 : i32
        %add3A_1213 = arith.addi %add3A_571, %add3A_1212 : i32
        %get3A_1214 = arith.index_cast %add3A_1213 : i32 to index
        %get3A_1215 = tpu.vector_load %arg7[%get3A_1214] {strides = array<i32>} : memref<51200xf32, #tpu.memory_space<vmem>>, vector<16xf32>,
        %mul3A_1216 = arith.mulf %get3A_1215, %get3A_347 : vector<16xf32>
        %add3A_1217 = arith.constant 16 : i32
        %add3A_1218 = arith.addi %add3A_1213, %add3A_1217 : i32
        %get3A_1219 = arith.index_cast %add3A_1218 : i32 to index
        %get3A_1220 = tpu.vector_load %arg7[%get3A_1219] {strides = array<i32>} : memref<51200xf32, #tpu.memory_space<vmem>>, vector<16xf32>,
        %mul3A_1221 = arith.mulf %get3A_1220, %get3A_351 : vector<16xf32>
        %add3A_1222 = arith.addf %mul3A_1216, %mul3A_1221 : vector<16xf32>
        %add3A_1223 = arith.constant 32 : i32
        %add3A_1224 = arith.addi %add3A_1213, %add3A_1223 : i32
        %get3A_1225 = arith.index_cast %add3A_1224 : i32 to index
        %get3A_1226 = tpu.vector_load %arg7[%get3A_1225] {strides = array<i32>} : memref<51200xf32, #tpu.memory_space<vmem>>, vector<16xf32>,
        %mul3A_1227 = arith.mulf %get3A_1226, %get3A_355 : vector<16xf32>
        %add3A_1228 = arith.addf %add3A_1222, %mul3A_1227 : vector<16xf32>
        %add3A_1229 = arith.constant 48 : i32
        %add3A_1230 = arith.addi %add3A_1213, %add3A_1229 : i32
        %get3A_1231 = arith.index_cast %add3A_1230 : i32 to index
        %get3A_1232 = tpu.vector_load %arg7[%get3A_1231] {strides = array<i32>} : memref<51200xf32, #tpu.memory_space<vmem>>, vector<16xf32>,
        %mul3A_1233 = arith.mulf %get3A_1232, %get3A_359 : vector<16xf32>
        %add3A_1234 = arith.addf %add3A_1228, %mul3A_1233 : vector<16xf32>
        %add3A_1235 = arith.constant 64 : i32
        %add3A_1236 = arith.addi %add3A_1213, %add3A_1235 : i32
        %get3A_1237 = arith.index_cast %add3A_1236 : i32 to index
        %get3A_1238 = tpu.vector_load %arg7[%get3A_1237] {strides = array<i32>} : memref<51200xf32, #tpu.memory_space<vmem>>, vector<16xf32>,
        %mul3A_1239 = arith.mulf %get3A_1238, %get3A_363 : vector<16xf32>
        %add3A_1240 = arith.addf %add3A_1234, %mul3A_1239 : vector<16xf32>
        %add3A_1241 = arith.constant 80 : i32
        %add3A_1242 = arith.addi %add3A_1213, %add3A_1241 : i32
        %get3A_1243 = arith.index_cast %add3A_1242 : i32 to index
        %get3A_1244 = tpu.vector_load %arg7[%get3A_1243] {strides = array<i32>} : memref<51200xf32, #tpu.memory_space<vmem>>, vector<16xf32>,
        %mul3A_1245 = arith.mulf %get3A_1244, %get3A_367 : vector<16xf32>
        %add3A_1246 = arith.addf %add3A_1240, %mul3A_1245 : vector<16xf32>
        %add3A_1247 = arith.constant 96 : i32
        %add3A_1248 = arith.addi %add3A_1213, %add3A_1247 : i32
        %get3A_1249 = arith.index_cast %add3A_1248 : i32 to index
        %get3A_1250 = tpu.vector_load %arg7[%get3A_1249] {strides = array<i32>} : memref<51200xf32, #tpu.memory_space<vmem>>, vector<16xf32>,
        %mul3A_1251 = arith.mulf %get3A_1250, %get3A_371 : vector<16xf32>
        %add3A_1252 = arith.addf %add3A_1246, %mul3A_1251 : vector<16xf32>
        %add3A_1253 = arith.constant 112 : i32
        %add3A_1254 = arith.addi %add3A_1213, %add3A_1253 : i32
        %get3A_1255 = arith.index_cast %add3A_1254 : i32 to index
        %get3A_1256 = tpu.vector_load %arg7[%get3A_1255] {strides = array<i32>} : memref<51200xf32, #tpu.memory_space<vmem>>, vector<16xf32>,
        %mul3A_1257 = arith.mulf %get3A_1256, %get3A_375 : vector<16xf32>
        %add3A_1258 = arith.addf %add3A_1252, %mul3A_1257 : vector<16xf32>
        %broadcast_in_dim3A_1259 = vector.shape_cast %xor3A_53 : vector<16xi32> to vector<16x1xi32>
        %gather3A_1260 = vector.shape_cast %broadcast_in_dim3A_1259 : vector<16x1xi32> to vector<16xi32>
        %gather3A_1261 = tpu.dynamic_gather %add3A_1258[%gather3A_1260] in [0] : vector<16xf32>, vector<16xi32> -> vector<16xf32>
        %add3A_1262 = arith.addf %add3A_1258, %gather3A_1261 : vector<16xf32>
        %broadcast_in_dim3A_1263 = vector.shape_cast %xor3A_56 : vector<16xi32> to vector<16x1xi32>
        %gather3A_1264 = vector.shape_cast %broadcast_in_dim3A_1263 : vector<16x1xi32> to vector<16xi32>
        %gather3A_1265 = tpu.dynamic_gather %add3A_1262[%gather3A_1264] in [0] : vector<16xf32>, vector<16xi32> -> vector<16xf32>
        %add3A_1266 = arith.addf %add3A_1262, %gather3A_1265 : vector<16xf32>
        %broadcast_in_dim3A_1267 = vector.shape_cast %xor3A_59 : vector<16xi32> to vector<16x1xi32>
        %gather3A_1268 = vector.shape_cast %broadcast_in_dim3A_1267 : vector<16x1xi32> to vector<16xi32>
        %gather3A_1269 = tpu.dynamic_gather %add3A_1266[%gather3A_1268] in [0] : vector<16xf32>, vector<16xi32> -> vector<16xf32>
        %add3A_1270 = arith.addf %add3A_1266, %gather3A_1269 : vector<16xf32>
        %broadcast_in_dim3A_1271 = vector.shape_cast %xor3A_62 : vector<16xi32> to vector<16x1xi32>
        %gather3A_1272 = vector.shape_cast %broadcast_in_dim3A_1271 : vector<16x1xi32> to vector<16xi32>
        %gather3A_1273 = tpu.dynamic_gather %add3A_1270[%gather3A_1272] in [0] : vector<16xf32>, vector<16xi32> -> vector<16xf32>
        %add3A_1274 = arith.addf %add3A_1270, %gather3A_1273 : vector<16xf32>
        %select_n3A_1275 = arith.select %eq3A_36, %add3A_1274, %select_n3A_1211 : vector<16xi1>, vector<16xf32>
        %add3A_1276 = arith.constant 1408 : i32
        %add3A_1277 = arith.addi %add3A_571, %add3A_1276 : i32
        %get3A_1278 = arith.index_cast %add3A_1277 : i32 to index
        %get3A_1279 = tpu.vector_load %arg7[%get3A_1278] {strides = array<i32>} : memref<51200xf32, #tpu.memory_space<vmem>>, vector<16xf32>,
        %mul3A_1280 = arith.mulf %get3A_1279, %get3A_347 : vector<16xf32>
        %add3A_1281 = arith.constant 16 : i32
        %add3A_1282 = arith.addi %add3A_1277, %add3A_1281 : i32
        %get3A_1283 = arith.index_cast %add3A_1282 : i32 to index
        %get3A_1284 = tpu.vector_load %arg7[%get3A_1283] {strides = array<i32>} : memref<51200xf32, #tpu.memory_space<vmem>>, vector<16xf32>,
        %mul3A_1285 = arith.mulf %get3A_1284, %get3A_351 : vector<16xf32>
        %add3A_1286 = arith.addf %mul3A_1280, %mul3A_1285 : vector<16xf32>
        %add3A_1287 = arith.constant 32 : i32
        %add3A_1288 = arith.addi %add3A_1277, %add3A_1287 : i32
        %get3A_1289 = arith.index_cast %add3A_1288 : i32 to index
        %get3A_1290 = tpu.vector_load %arg7[%get3A_1289] {strides = array<i32>} : memref<51200xf32, #tpu.memory_space<vmem>>, vector<16xf32>,
        %mul3A_1291 = arith.mulf %get3A_1290, %get3A_355 : vector<16xf32>
        %add3A_1292 = arith.addf %add3A_1286, %mul3A_1291 : vector<16xf32>
        %add3A_1293 = arith.constant 48 : i32
        %add3A_1294 = arith.addi %add3A_1277, %add3A_1293 : i32
        %get3A_1295 = arith.index_cast %add3A_1294 : i32 to index
        %get3A_1296 = tpu.vector_load %arg7[%get3A_1295] {strides = array<i32>} : memref<51200xf32, #tpu.memory_space<vmem>>, vector<16xf32>,
        %mul3A_1297 = arith.mulf %get3A_1296, %get3A_359 : vector<16xf32>
        %add3A_1298 = arith.addf %add3A_1292, %mul3A_1297 : vector<16xf32>
        %add3A_1299 = arith.constant 64 : i32
        %add3A_1300 = arith.addi %add3A_1277, %add3A_1299 : i32
        %get3A_1301 = arith.index_cast %add3A_1300 : i32 to index
        %get3A_1302 = tpu.vector_load %arg7[%get3A_1301] {strides = array<i32>} : memref<51200xf32, #tpu.memory_space<vmem>>, vector<16xf32>,
        %mul3A_1303 = arith.mulf %get3A_1302, %get3A_363 : vector<16xf32>
        %add3A_1304 = arith.addf %add3A_1298, %mul3A_1303 : vector<16xf32>
        %add3A_1305 = arith.constant 80 : i32
        %add3A_1306 = arith.addi %add3A_1277, %add3A_1305 : i32
        %get3A_1307 = arith.index_cast %add3A_1306 : i32 to index
        %get3A_1308 = tpu.vector_load %arg7[%get3A_1307] {strides = array<i32>} : memref<51200xf32, #tpu.memory_space<vmem>>, vector<16xf32>,
        %mul3A_1309 = arith.mulf %get3A_1308, %get3A_367 : vector<16xf32>
        %add3A_1310 = arith.addf %add3A_1304, %mul3A_1309 : vector<16xf32>
        %add3A_1311 = arith.constant 96 : i32
        %add3A_1312 = arith.addi %add3A_1277, %add3A_1311 : i32
        %get3A_1313 = arith.index_cast %add3A_1312 : i32 to index
        %get3A_1314 = tpu.vector_load %arg7[%get3A_1313] {strides = array<i32>} : memref<51200xf32, #tpu.memory_space<vmem>>, vector<16xf32>,
        %mul3A_1315 = arith.mulf %get3A_1314, %get3A_371 : vector<16xf32>
        %add3A_1316 = arith.addf %add3A_1310, %mul3A_1315 : vector<16xf32>
        %add3A_1317 = arith.constant 112 : i32
        %add3A_1318 = arith.addi %add3A_1277, %add3A_1317 : i32
        %get3A_1319 = arith.index_cast %add3A_1318 : i32 to index
        %get3A_1320 = tpu.vector_load %arg7[%get3A_1319] {strides = array<i32>} : memref<51200xf32, #tpu.memory_space<vmem>>, vector<16xf32>,
        %mul3A_1321 = arith.mulf %get3A_1320, %get3A_375 : vector<16xf32>
        %add3A_1322 = arith.addf %add3A_1316, %mul3A_1321 : vector<16xf32>
        %broadcast_in_dim3A_1323 = vector.shape_cast %xor3A_53 : vector<16xi32> to vector<16x1xi32>
        %gather3A_1324 = vector.shape_cast %broadcast_in_dim3A_1323 : vector<16x1xi32> to vector<16xi32>
        %gather3A_1325 = tpu.dynamic_gather %add3A_1322[%gather3A_1324] in [0] : vector<16xf32>, vector<16xi32> -> vector<16xf32>
        %add3A_1326 = arith.addf %add3A_1322, %gather3A_1325 : vector<16xf32>
        %broadcast_in_dim3A_1327 = vector.shape_cast %xor3A_56 : vector<16xi32> to vector<16x1xi32>
        %gather3A_1328 = vector.shape_cast %broadcast_in_dim3A_1327 : vector<16x1xi32> to vector<16xi32>
        %gather3A_1329 = tpu.dynamic_gather %add3A_1326[%gather3A_1328] in [0] : vector<16xf32>, vector<16xi32> -> vector<16xf32>
        %add3A_1330 = arith.addf %add3A_1326, %gather3A_1329 : vector<16xf32>
        %broadcast_in_dim3A_1331 = vector.shape_cast %xor3A_59 : vector<16xi32> to vector<16x1xi32>
        %gather3A_1332 = vector.shape_cast %broadcast_in_dim3A_1331 : vector<16x1xi32> to vector<16xi32>
        %gather3A_1333 = tpu.dynamic_gather %add3A_1330[%gather3A_1332] in [0] : vector<16xf32>, vector<16xi32> -> vector<16xf32>
        %add3A_1334 = arith.addf %add3A_1330, %gather3A_1333 : vector<16xf32>
        %broadcast_in_dim3A_1335 = vector.shape_cast %xor3A_62 : vector<16xi32> to vector<16x1xi32>
        %gather3A_1336 = vector.shape_cast %broadcast_in_dim3A_1335 : vector<16x1xi32> to vector<16xi32>
        %gather3A_1337 = tpu.dynamic_gather %add3A_1334[%gather3A_1336] in [0] : vector<16xf32>, vector<16xi32> -> vector<16xf32>
        %add3A_1338 = arith.addf %add3A_1334, %gather3A_1337 : vector<16xf32>
        %select_n3A_1339 = arith.select %eq3A_39, %add3A_1338, %select_n3A_1275 : vector<16xi1>, vector<16xf32>
        %add3A_1340 = arith.constant 1536 : i32
        %add3A_1341 = arith.addi %add3A_571, %add3A_1340 : i32
        %get3A_1342 = arith.index_cast %add3A_1341 : i32 to index
        %get3A_1343 = tpu.vector_load %arg7[%get3A_1342] {strides = array<i32>} : memref<51200xf32, #tpu.memory_space<vmem>>, vector<16xf32>,
        %mul3A_1344 = arith.mulf %get3A_1343, %get3A_347 : vector<16xf32>
        %add3A_1345 = arith.constant 16 : i32
        %add3A_1346 = arith.addi %add3A_1341, %add3A_1345 : i32
        %get3A_1347 = arith.index_cast %add3A_1346 : i32 to index
        %get3A_1348 = tpu.vector_load %arg7[%get3A_1347] {strides = array<i32>} : memref<51200xf32, #tpu.memory_space<vmem>>, vector<16xf32>,
        %mul3A_1349 = arith.mulf %get3A_1348, %get3A_351 : vector<16xf32>
        %add3A_1350 = arith.addf %mul3A_1344, %mul3A_1349 : vector<16xf32>
        %add3A_1351 = arith.constant 32 : i32
        %add3A_1352 = arith.addi %add3A_1341, %add3A_1351 : i32
        %get3A_1353 = arith.index_cast %add3A_1352 : i32 to index
        %get3A_1354 = tpu.vector_load %arg7[%get3A_1353] {strides = array<i32>} : memref<51200xf32, #tpu.memory_space<vmem>>, vector<16xf32>,
        %mul3A_1355 = arith.mulf %get3A_1354, %get3A_355 : vector<16xf32>
        %add3A_1356 = arith.addf %add3A_1350, %mul3A_1355 : vector<16xf32>
        %add3A_1357 = arith.constant 48 : i32
        %add3A_1358 = arith.addi %add3A_1341, %add3A_1357 : i32
        %get3A_1359 = arith.index_cast %add3A_1358 : i32 to index
        %get3A_1360 = tpu.vector_load %arg7[%get3A_1359] {strides = array<i32>} : memref<51200xf32, #tpu.memory_space<vmem>>, vector<16xf32>,
        %mul3A_1361 = arith.mulf %get3A_1360, %get3A_359 : vector<16xf32>
        %add3A_1362 = arith.addf %add3A_1356, %mul3A_1361 : vector<16xf32>
        %add3A_1363 = arith.constant 64 : i32
        %add3A_1364 = arith.addi %add3A_1341, %add3A_1363 : i32
        %get3A_1365 = arith.index_cast %add3A_1364 : i32 to index
        %get3A_1366 = tpu.vector_load %arg7[%get3A_1365] {strides = array<i32>} : memref<51200xf32, #tpu.memory_space<vmem>>, vector<16xf32>,
        %mul3A_1367 = arith.mulf %get3A_1366, %get3A_363 : vector<16xf32>
        %add3A_1368 = arith.addf %add3A_1362, %mul3A_1367 : vector<16xf32>
        %add3A_1369 = arith.constant 80 : i32
        %add3A_1370 = arith.addi %add3A_1341, %add3A_1369 : i32
        %get3A_1371 = arith.index_cast %add3A_1370 : i32 to index
        %get3A_1372 = tpu.vector_load %arg7[%get3A_1371] {strides = array<i32>} : memref<51200xf32, #tpu.memory_space<vmem>>, vector<16xf32>,
        %mul3A_1373 = arith.mulf %get3A_1372, %get3A_367 : vector<16xf32>
        %add3A_1374 = arith.addf %add3A_1368, %mul3A_1373 : vector<16xf32>
        %add3A_1375 = arith.constant 96 : i32
        %add3A_1376 = arith.addi %add3A_1341, %add3A_1375 : i32
        %get3A_1377 = arith.index_cast %add3A_1376 : i32 to index
        %get3A_1378 = tpu.vector_load %arg7[%get3A_1377] {strides = array<i32>} : memref<51200xf32, #tpu.memory_space<vmem>>, vector<16xf32>,
        %mul3A_1379 = arith.mulf %get3A_1378, %get3A_371 : vector<16xf32>
        %add3A_1380 = arith.addf %add3A_1374, %mul3A_1379 : vector<16xf32>
        %add3A_1381 = arith.constant 112 : i32
        %add3A_1382 = arith.addi %add3A_1341, %add3A_1381 : i32
        %get3A_1383 = arith.index_cast %add3A_1382 : i32 to index
        %get3A_1384 = tpu.vector_load %arg7[%get3A_1383] {strides = array<i32>} : memref<51200xf32, #tpu.memory_space<vmem>>, vector<16xf32>,
        %mul3A_1385 = arith.mulf %get3A_1384, %get3A_375 : vector<16xf32>
        %add3A_1386 = arith.addf %add3A_1380, %mul3A_1385 : vector<16xf32>
        %broadcast_in_dim3A_1387 = vector.shape_cast %xor3A_53 : vector<16xi32> to vector<16x1xi32>
        %gather3A_1388 = vector.shape_cast %broadcast_in_dim3A_1387 : vector<16x1xi32> to vector<16xi32>
        %gather3A_1389 = tpu.dynamic_gather %add3A_1386[%gather3A_1388] in [0] : vector<16xf32>, vector<16xi32> -> vector<16xf32>
        %add3A_1390 = arith.addf %add3A_1386, %gather3A_1389 : vector<16xf32>
        %broadcast_in_dim3A_1391 = vector.shape_cast %xor3A_56 : vector<16xi32> to vector<16x1xi32>
        %gather3A_1392 = vector.shape_cast %broadcast_in_dim3A_1391 : vector<16x1xi32> to vector<16xi32>
        %gather3A_1393 = tpu.dynamic_gather %add3A_1390[%gather3A_1392] in [0] : vector<16xf32>, vector<16xi32> -> vector<16xf32>
        %add3A_1394 = arith.addf %add3A_1390, %gather3A_1393 : vector<16xf32>
        %broadcast_in_dim3A_1395 = vector.shape_cast %xor3A_59 : vector<16xi32> to vector<16x1xi32>
        %gather3A_1396 = vector.shape_cast %broadcast_in_dim3A_1395 : vector<16x1xi32> to vector<16xi32>
        %gather3A_1397 = tpu.dynamic_gather %add3A_1394[%gather3A_1396] in [0] : vector<16xf32>, vector<16xi32> -> vector<16xf32>
        %add3A_1398 = arith.addf %add3A_1394, %gather3A_1397 : vector<16xf32>
        %broadcast_in_dim3A_1399 = vector.shape_cast %xor3A_62 : vector<16xi32> to vector<16x1xi32>
        %gather3A_1400 = vector.shape_cast %broadcast_in_dim3A_1399 : vector<16x1xi32> to vector<16xi32>
        %gather3A_1401 = tpu.dynamic_gather %add3A_1398[%gather3A_1400] in [0] : vector<16xf32>, vector<16xi32> -> vector<16xf32>
        %add3A_1402 = arith.addf %add3A_1398, %gather3A_1401 : vector<16xf32>
        %select_n3A_1403 = arith.select %eq3A_42, %add3A_1402, %select_n3A_1339 : vector<16xi1>, vector<16xf32>
        %add3A_1404 = arith.constant 1664 : i32
        %add3A_1405 = arith.addi %add3A_571, %add3A_1404 : i32
        %get3A_1406 = arith.index_cast %add3A_1405 : i32 to index
        %get3A_1407 = tpu.vector_load %arg7[%get3A_1406] {strides = array<i32>} : memref<51200xf32, #tpu.memory_space<vmem>>, vector<16xf32>,
        %mul3A_1408 = arith.mulf %get3A_1407, %get3A_347 : vector<16xf32>
        %add3A_1409 = arith.constant 16 : i32
        %add3A_1410 = arith.addi %add3A_1405, %add3A_1409 : i32
        %get3A_1411 = arith.index_cast %add3A_1410 : i32 to index
        %get3A_1412 = tpu.vector_load %arg7[%get3A_1411] {strides = array<i32>} : memref<51200xf32, #tpu.memory_space<vmem>>, vector<16xf32>,
        %mul3A_1413 = arith.mulf %get3A_1412, %get3A_351 : vector<16xf32>
        %add3A_1414 = arith.addf %mul3A_1408, %mul3A_1413 : vector<16xf32>
        %add3A_1415 = arith.constant 32 : i32
        %add3A_1416 = arith.addi %add3A_1405, %add3A_1415 : i32
        %get3A_1417 = arith.index_cast %add3A_1416 : i32 to index
        %get3A_1418 = tpu.vector_load %arg7[%get3A_1417] {strides = array<i32>} : memref<51200xf32, #tpu.memory_space<vmem>>, vector<16xf32>,
        %mul3A_1419 = arith.mulf %get3A_1418, %get3A_355 : vector<16xf32>
        %add3A_1420 = arith.addf %add3A_1414, %mul3A_1419 : vector<16xf32>
        %add3A_1421 = arith.constant 48 : i32
        %add3A_1422 = arith.addi %add3A_1405, %add3A_1421 : i32
        %get3A_1423 = arith.index_cast %add3A_1422 : i32 to index
        %get3A_1424 = tpu.vector_load %arg7[%get3A_1423] {strides = array<i32>} : memref<51200xf32, #tpu.memory_space<vmem>>, vector<16xf32>,
        %mul3A_1425 = arith.mulf %get3A_1424, %get3A_359 : vector<16xf32>
        %add3A_1426 = arith.addf %add3A_1420, %mul3A_1425 : vector<16xf32>
        %add3A_1427 = arith.constant 64 : i32
        %add3A_1428 = arith.addi %add3A_1405, %add3A_1427 : i32
        %get3A_1429 = arith.index_cast %add3A_1428 : i32 to index
        %get3A_1430 = tpu.vector_load %arg7[%get3A_1429] {strides = array<i32>} : memref<51200xf32, #tpu.memory_space<vmem>>, vector<16xf32>,
        %mul3A_1431 = arith.mulf %get3A_1430, %get3A_363 : vector<16xf32>
        %add3A_1432 = arith.addf %add3A_1426, %mul3A_1431 : vector<16xf32>
        %add3A_1433 = arith.constant 80 : i32
        %add3A_1434 = arith.addi %add3A_1405, %add3A_1433 : i32
        %get3A_1435 = arith.index_cast %add3A_1434 : i32 to index
        %get3A_1436 = tpu.vector_load %arg7[%get3A_1435] {strides = array<i32>} : memref<51200xf32, #tpu.memory_space<vmem>>, vector<16xf32>,
        %mul3A_1437 = arith.mulf %get3A_1436, %get3A_367 : vector<16xf32>
        %add3A_1438 = arith.addf %add3A_1432, %mul3A_1437 : vector<16xf32>
        %add3A_1439 = arith.constant 96 : i32
        %add3A_1440 = arith.addi %add3A_1405, %add3A_1439 : i32
        %get3A_1441 = arith.index_cast %add3A_1440 : i32 to index
        %get3A_1442 = tpu.vector_load %arg7[%get3A_1441] {strides = array<i32>} : memref<51200xf32, #tpu.memory_space<vmem>>, vector<16xf32>,
        %mul3A_1443 = arith.mulf %get3A_1442, %get3A_371 : vector<16xf32>
        %add3A_1444 = arith.addf %add3A_1438, %mul3A_1443 : vector<16xf32>
        %add3A_1445 = arith.constant 112 : i32
        %add3A_1446 = arith.addi %add3A_1405, %add3A_1445 : i32
        %get3A_1447 = arith.index_cast %add3A_1446 : i32 to index
        %get3A_1448 = tpu.vector_load %arg7[%get3A_1447] {strides = array<i32>} : memref<51200xf32, #tpu.memory_space<vmem>>, vector<16xf32>,
        %mul3A_1449 = arith.mulf %get3A_1448, %get3A_375 : vector<16xf32>
        %add3A_1450 = arith.addf %add3A_1444, %mul3A_1449 : vector<16xf32>
        %broadcast_in_dim3A_1451 = vector.shape_cast %xor3A_53 : vector<16xi32> to vector<16x1xi32>
        %gather3A_1452 = vector.shape_cast %broadcast_in_dim3A_1451 : vector<16x1xi32> to vector<16xi32>
        %gather3A_1453 = tpu.dynamic_gather %add3A_1450[%gather3A_1452] in [0] : vector<16xf32>, vector<16xi32> -> vector<16xf32>
        %add3A_1454 = arith.addf %add3A_1450, %gather3A_1453 : vector<16xf32>
        %broadcast_in_dim3A_1455 = vector.shape_cast %xor3A_56 : vector<16xi32> to vector<16x1xi32>
        %gather3A_1456 = vector.shape_cast %broadcast_in_dim3A_1455 : vector<16x1xi32> to vector<16xi32>
        %gather3A_1457 = tpu.dynamic_gather %add3A_1454[%gather3A_1456] in [0] : vector<16xf32>, vector<16xi32> -> vector<16xf32>
        %add3A_1458 = arith.addf %add3A_1454, %gather3A_1457 : vector<16xf32>
        %broadcast_in_dim3A_1459 = vector.shape_cast %xor3A_59 : vector<16xi32> to vector<16x1xi32>
        %gather3A_1460 = vector.shape_cast %broadcast_in_dim3A_1459 : vector<16x1xi32> to vector<16xi32>
        %gather3A_1461 = tpu.dynamic_gather %add3A_1458[%gather3A_1460] in [0] : vector<16xf32>, vector<16xi32> -> vector<16xf32>
        %add3A_1462 = arith.addf %add3A_1458, %gather3A_1461 : vector<16xf32>
        %broadcast_in_dim3A_1463 = vector.shape_cast %xor3A_62 : vector<16xi32> to vector<16x1xi32>
        %gather3A_1464 = vector.shape_cast %broadcast_in_dim3A_1463 : vector<16x1xi32> to vector<16xi32>
        %gather3A_1465 = tpu.dynamic_gather %add3A_1462[%gather3A_1464] in [0] : vector<16xf32>, vector<16xi32> -> vector<16xf32>
        %add3A_1466 = arith.addf %add3A_1462, %gather3A_1465 : vector<16xf32>
        %select_n3A_1467 = arith.select %eq3A_45, %add3A_1466, %select_n3A_1403 : vector<16xi1>, vector<16xf32>
        %add3A_1468 = arith.constant 1792 : i32
        %add3A_1469 = arith.addi %add3A_571, %add3A_1468 : i32
        %get3A_1470 = arith.index_cast %add3A_1469 : i32 to index
        %get3A_1471 = tpu.vector_load %arg7[%get3A_1470] {strides = array<i32>} : memref<51200xf32, #tpu.memory_space<vmem>>, vector<16xf32>,
        %mul3A_1472 = arith.mulf %get3A_1471, %get3A_347 : vector<16xf32>
        %add3A_1473 = arith.constant 16 : i32
        %add3A_1474 = arith.addi %add3A_1469, %add3A_1473 : i32
        %get3A_1475 = arith.index_cast %add3A_1474 : i32 to index
        %get3A_1476 = tpu.vector_load %arg7[%get3A_1475] {strides = array<i32>} : memref<51200xf32, #tpu.memory_space<vmem>>, vector<16xf32>,
        %mul3A_1477 = arith.mulf %get3A_1476, %get3A_351 : vector<16xf32>
        %add3A_1478 = arith.addf %mul3A_1472, %mul3A_1477 : vector<16xf32>
        %add3A_1479 = arith.constant 32 : i32
        %add3A_1480 = arith.addi %add3A_1469, %add3A_1479 : i32
        %get3A_1481 = arith.index_cast %add3A_1480 : i32 to index
        %get3A_1482 = tpu.vector_load %arg7[%get3A_1481] {strides = array<i32>} : memref<51200xf32, #tpu.memory_space<vmem>>, vector<16xf32>,
        %mul3A_1483 = arith.mulf %get3A_1482, %get3A_355 : vector<16xf32>
        %add3A_1484 = arith.addf %add3A_1478, %mul3A_1483 : vector<16xf32>
        %add3A_1485 = arith.constant 48 : i32
        %add3A_1486 = arith.addi %add3A_1469, %add3A_1485 : i32
        %get3A_1487 = arith.index_cast %add3A_1486 : i32 to index
        %get3A_1488 = tpu.vector_load %arg7[%get3A_1487] {strides = array<i32>} : memref<51200xf32, #tpu.memory_space<vmem>>, vector<16xf32>,
        %mul3A_1489 = arith.mulf %get3A_1488, %get3A_359 : vector<16xf32>
        %add3A_1490 = arith.addf %add3A_1484, %mul3A_1489 : vector<16xf32>
        %add3A_1491 = arith.constant 64 : i32
        %add3A_1492 = arith.addi %add3A_1469, %add3A_1491 : i32
        %get3A_1493 = arith.index_cast %add3A_1492 : i32 to index
        %get3A_1494 = tpu.vector_load %arg7[%get3A_1493] {strides = array<i32>} : memref<51200xf32, #tpu.memory_space<vmem>>, vector<16xf32>,
        %mul3A_1495 = arith.mulf %get3A_1494, %get3A_363 : vector<16xf32>
        %add3A_1496 = arith.addf %add3A_1490, %mul3A_1495 : vector<16xf32>
        %add3A_1497 = arith.constant 80 : i32
        %add3A_1498 = arith.addi %add3A_1469, %add3A_1497 : i32
        %get3A_1499 = arith.index_cast %add3A_1498 : i32 to index
        %get3A_1500 = tpu.vector_load %arg7[%get3A_1499] {strides = array<i32>} : memref<51200xf32, #tpu.memory_space<vmem>>, vector<16xf32>,
        %mul3A_1501 = arith.mulf %get3A_1500, %get3A_367 : vector<16xf32>
        %add3A_1502 = arith.addf %add3A_1496, %mul3A_1501 : vector<16xf32>
        %add3A_1503 = arith.constant 96 : i32
        %add3A_1504 = arith.addi %add3A_1469, %add3A_1503 : i32
        %get3A_1505 = arith.index_cast %add3A_1504 : i32 to index
        %get3A_1506 = tpu.vector_load %arg7[%get3A_1505] {strides = array<i32>} : memref<51200xf32, #tpu.memory_space<vmem>>, vector<16xf32>,
        %mul3A_1507 = arith.mulf %get3A_1506, %get3A_371 : vector<16xf32>
        %add3A_1508 = arith.addf %add3A_1502, %mul3A_1507 : vector<16xf32>
        %add3A_1509 = arith.constant 112 : i32
        %add3A_1510 = arith.addi %add3A_1469, %add3A_1509 : i32
        %get3A_1511 = arith.index_cast %add3A_1510 : i32 to index
        %get3A_1512 = tpu.vector_load %arg7[%get3A_1511] {strides = array<i32>} : memref<51200xf32, #tpu.memory_space<vmem>>, vector<16xf32>,
        %mul3A_1513 = arith.mulf %get3A_1512, %get3A_375 : vector<16xf32>
        %add3A_1514 = arith.addf %add3A_1508, %mul3A_1513 : vector<16xf32>
        %broadcast_in_dim3A_1515 = vector.shape_cast %xor3A_53 : vector<16xi32> to vector<16x1xi32>
        %gather3A_1516 = vector.shape_cast %broadcast_in_dim3A_1515 : vector<16x1xi32> to vector<16xi32>
        %gather3A_1517 = tpu.dynamic_gather %add3A_1514[%gather3A_1516] in [0] : vector<16xf32>, vector<16xi32> -> vector<16xf32>
        %add3A_1518 = arith.addf %add3A_1514, %gather3A_1517 : vector<16xf32>
        %broadcast_in_dim3A_1519 = vector.shape_cast %xor3A_56 : vector<16xi32> to vector<16x1xi32>
        %gather3A_1520 = vector.shape_cast %broadcast_in_dim3A_1519 : vector<16x1xi32> to vector<16xi32>
        %gather3A_1521 = tpu.dynamic_gather %add3A_1518[%gather3A_1520] in [0] : vector<16xf32>, vector<16xi32> -> vector<16xf32>
        %add3A_1522 = arith.addf %add3A_1518, %gather3A_1521 : vector<16xf32>
        %broadcast_in_dim3A_1523 = vector.shape_cast %xor3A_59 : vector<16xi32> to vector<16x1xi32>
        %gather3A_1524 = vector.shape_cast %broadcast_in_dim3A_1523 : vector<16x1xi32> to vector<16xi32>
        %gather3A_1525 = tpu.dynamic_gather %add3A_1522[%gather3A_1524] in [0] : vector<16xf32>, vector<16xi32> -> vector<16xf32>
        %add3A_1526 = arith.addf %add3A_1522, %gather3A_1525 : vector<16xf32>
        %broadcast_in_dim3A_1527 = vector.shape_cast %xor3A_62 : vector<16xi32> to vector<16x1xi32>
        %gather3A_1528 = vector.shape_cast %broadcast_in_dim3A_1527 : vector<16x1xi32> to vector<16xi32>
        %gather3A_1529 = tpu.dynamic_gather %add3A_1526[%gather3A_1528] in [0] : vector<16xf32>, vector<16xi32> -> vector<16xf32>
        %add3A_1530 = arith.addf %add3A_1526, %gather3A_1529 : vector<16xf32>
        %select_n3A_1531 = arith.select %eq3A_48, %add3A_1530, %select_n3A_1467 : vector<16xi1>, vector<16xf32>
        %add3A_1532 = arith.constant 1920 : i32
        %add3A_1533 = arith.addi %add3A_571, %add3A_1532 : i32
        %get3A_1534 = arith.index_cast %add3A_1533 : i32 to index
        %get3A_1535 = tpu.vector_load %arg7[%get3A_1534] {strides = array<i32>} : memref<51200xf32, #tpu.memory_space<vmem>>, vector<16xf32>,
        %mul3A_1536 = arith.mulf %get3A_1535, %get3A_347 : vector<16xf32>
        %add3A_1537 = arith.constant 16 : i32
        %add3A_1538 = arith.addi %add3A_1533, %add3A_1537 : i32
        %get3A_1539 = arith.index_cast %add3A_1538 : i32 to index
        %get3A_1540 = tpu.vector_load %arg7[%get3A_1539] {strides = array<i32>} : memref<51200xf32, #tpu.memory_space<vmem>>, vector<16xf32>,
        %mul3A_1541 = arith.mulf %get3A_1540, %get3A_351 : vector<16xf32>
        %add3A_1542 = arith.addf %mul3A_1536, %mul3A_1541 : vector<16xf32>
        %add3A_1543 = arith.constant 32 : i32
        %add3A_1544 = arith.addi %add3A_1533, %add3A_1543 : i32
        %get3A_1545 = arith.index_cast %add3A_1544 : i32 to index
        %get3A_1546 = tpu.vector_load %arg7[%get3A_1545] {strides = array<i32>} : memref<51200xf32, #tpu.memory_space<vmem>>, vector<16xf32>,
        %mul3A_1547 = arith.mulf %get3A_1546, %get3A_355 : vector<16xf32>
        %add3A_1548 = arith.addf %add3A_1542, %mul3A_1547 : vector<16xf32>
        %add3A_1549 = arith.constant 48 : i32
        %add3A_1550 = arith.addi %add3A_1533, %add3A_1549 : i32
        %get3A_1551 = arith.index_cast %add3A_1550 : i32 to index
        %get3A_1552 = tpu.vector_load %arg7[%get3A_1551] {strides = array<i32>} : memref<51200xf32, #tpu.memory_space<vmem>>, vector<16xf32>,
        %mul3A_1553 = arith.mulf %get3A_1552, %get3A_359 : vector<16xf32>
        %add3A_1554 = arith.addf %add3A_1548, %mul3A_1553 : vector<16xf32>
        %add3A_1555 = arith.constant 64 : i32
        %add3A_1556 = arith.addi %add3A_1533, %add3A_1555 : i32
        %get3A_1557 = arith.index_cast %add3A_1556 : i32 to index
        %get3A_1558 = tpu.vector_load %arg7[%get3A_1557] {strides = array<i32>} : memref<51200xf32, #tpu.memory_space<vmem>>, vector<16xf32>,
        %mul3A_1559 = arith.mulf %get3A_1558, %get3A_363 : vector<16xf32>
        %add3A_1560 = arith.addf %add3A_1554, %mul3A_1559 : vector<16xf32>
        %add3A_1561 = arith.constant 80 : i32
        %add3A_1562 = arith.addi %add3A_1533, %add3A_1561 : i32
        %get3A_1563 = arith.index_cast %add3A_1562 : i32 to index
        %get3A_1564 = tpu.vector_load %arg7[%get3A_1563] {strides = array<i32>} : memref<51200xf32, #tpu.memory_space<vmem>>, vector<16xf32>,
        %mul3A_1565 = arith.mulf %get3A_1564, %get3A_367 : vector<16xf32>
        %add3A_1566 = arith.addf %add3A_1560, %mul3A_1565 : vector<16xf32>
        %add3A_1567 = arith.constant 96 : i32
        %add3A_1568 = arith.addi %add3A_1533, %add3A_1567 : i32
        %get3A_1569 = arith.index_cast %add3A_1568 : i32 to index
        %get3A_1570 = tpu.vector_load %arg7[%get3A_1569] {strides = array<i32>} : memref<51200xf32, #tpu.memory_space<vmem>>, vector<16xf32>,
        %mul3A_1571 = arith.mulf %get3A_1570, %get3A_371 : vector<16xf32>
        %add3A_1572 = arith.addf %add3A_1566, %mul3A_1571 : vector<16xf32>
        %add3A_1573 = arith.constant 112 : i32
        %add3A_1574 = arith.addi %add3A_1533, %add3A_1573 : i32
        %get3A_1575 = arith.index_cast %add3A_1574 : i32 to index
        %get3A_1576 = tpu.vector_load %arg7[%get3A_1575] {strides = array<i32>} : memref<51200xf32, #tpu.memory_space<vmem>>, vector<16xf32>,
        %mul3A_1577 = arith.mulf %get3A_1576, %get3A_375 : vector<16xf32>
        %add3A_1578 = arith.addf %add3A_1572, %mul3A_1577 : vector<16xf32>
        %broadcast_in_dim3A_1579 = vector.shape_cast %xor3A_53 : vector<16xi32> to vector<16x1xi32>
        %gather3A_1580 = vector.shape_cast %broadcast_in_dim3A_1579 : vector<16x1xi32> to vector<16xi32>
        %gather3A_1581 = tpu.dynamic_gather %add3A_1578[%gather3A_1580] in [0] : vector<16xf32>, vector<16xi32> -> vector<16xf32>
        %add3A_1582 = arith.addf %add3A_1578, %gather3A_1581 : vector<16xf32>
        %broadcast_in_dim3A_1583 = vector.shape_cast %xor3A_56 : vector<16xi32> to vector<16x1xi32>
        %gather3A_1584 = vector.shape_cast %broadcast_in_dim3A_1583 : vector<16x1xi32> to vector<16xi32>
        %gather3A_1585 = tpu.dynamic_gather %add3A_1582[%gather3A_1584] in [0] : vector<16xf32>, vector<16xi32> -> vector<16xf32>
        %add3A_1586 = arith.addf %add3A_1582, %gather3A_1585 : vector<16xf32>
        %broadcast_in_dim3A_1587 = vector.shape_cast %xor3A_59 : vector<16xi32> to vector<16x1xi32>
        %gather3A_1588 = vector.shape_cast %broadcast_in_dim3A_1587 : vector<16x1xi32> to vector<16xi32>
        %gather3A_1589 = tpu.dynamic_gather %add3A_1586[%gather3A_1588] in [0] : vector<16xf32>, vector<16xi32> -> vector<16xf32>
        %add3A_1590 = arith.addf %add3A_1586, %gather3A_1589 : vector<16xf32>
        %broadcast_in_dim3A_1591 = vector.shape_cast %xor3A_62 : vector<16xi32> to vector<16x1xi32>
        %gather3A_1592 = vector.shape_cast %broadcast_in_dim3A_1591 : vector<16x1xi32> to vector<16xi32>
        %gather3A_1593 = tpu.dynamic_gather %add3A_1590[%gather3A_1592] in [0] : vector<16xf32>, vector<16xi32> -> vector<16xf32>
        %add3A_1594 = arith.addf %add3A_1590, %gather3A_1593 : vector<16xf32>
        %select_n3A_1595 = arith.select %eq3A_51, %add3A_1594, %select_n3A_1531 : vector<16xi1>, vector<16xf32>
        %swap3A_1596 = arith.index_cast %add3A_332 : i32 to index
        %swap3A_1597 = arith.index_cast %min3A_567 : i32 to index
        %swap3A_1598 = tpu.vector_load %arg9[%swap3A_1596, %swap3A_1597] {strides = array<i32>} : memref<8x200xf32, #tpu.memory_space<vmem>>, vector<16xf32>,
        tpu.vector_store %arg9[%swap3A_1596, %swap3A_1597], %select_n3A_1595 {strides = array<i32>} : memref<8x200xf32, #tpu.memory_space<vmem>>, vector<16xf32>,
      }
      %scan3A_381 = arith.constant 13 : i32
      %lt3A_382 = arith.constant 3 : i32
      %lt3A_383 = arith.cmpi slt, %scan3A_103, %lt3A_382 : i32
      %convert_element_type3A_384 = arith.extui %lt3A_383 : i1 to i32
      %cond3A_385 = arith.constant 0 : i32
      %cond3A_386 = arith.cmpi ne, %convert_element_type3A_384, %cond3A_385 : i32
      scf.if %cond3A_386 {
        %add3A_564 = arith.constant 2 : i32
        %add3A_565 = arith.addi %add3A_332, %add3A_564 : i32
        %add3A_566 = arith.addi %mul3A_2, %add3A_565 : i32
        %mul3A_567 = arith.constant 25600 : i32
        %mul3A_568 = arith.muli %add3A_566, %mul3A_567 : i32
        %dma_start3A_569 = arith.constant 25600 : i32
        %dma_start3A_570 = tpu.memref_slice %arg7[%dma_start3A_569] : memref<51200xf32, #tpu.memory_space<vmem>> -> memref<25600xf32, #tpu.memory_space<vmem>>
        %dma_start3A_571 = tpu.memref_slice %arg3[%mul3A_568] : memref<26214400xf32, #tpu.memory_space<hbm>> -> memref<25600xf32, #tpu.memory_space<hbm>>
        %dma_start3A_572 = arith.constant 25600 : i32
        %dma_start3A_573 = tpu.memref_slice %arg7[%dma_start3A_572] : memref<51200xf32, #tpu.memory_space<vmem>> -> memref<25600xf32, #tpu.memory_space<vmem>>
        %dma_start3A_574 = tpu.memref_slice %arg3[%mul3A_568] : memref<26214400xf32, #tpu.memory_space<hbm>> -> memref<25600xf32, #tpu.memory_space<hbm>>
        tpu.enqueue_dma source(%dma_start3A_574 : memref<25600xf32, #tpu.memory_space<hbm>>) target(%dma_start3A_573 : memref<25600xf32, #tpu.memory_space<vmem>>) target_semaphore(%arg12 : memref<!tpu.dma_semaphore, #tpu.memory_space<semaphore_mem>>)
      } else {
      }
      %get3A_387 = arith.index_cast %add3A_332 : i32 to index
      %get3A_388 = arith.constant 0 : index
      %get3A_389 = tpu.vector_load %arg9[%get3A_387, %get3A_388] {strides = array<i32>} : memref<8x200xf32, #tpu.memory_space<vmem>>, vector<16xf32>,
      %get3A_390 = arith.index_cast %add3A_332 : i32 to index
      %get3A_391 = arith.constant 16 : index
      %get3A_392 = tpu.vector_load %arg9[%get3A_390, %get3A_391] {strides = array<i32>} : memref<8x200xf32, #tpu.memory_space<vmem>>, vector<16xf32>,
      %get3A_393 = arith.index_cast %add3A_332 : i32 to index
      %get3A_394 = arith.constant 32 : index
      %get3A_395 = tpu.vector_load %arg9[%get3A_393, %get3A_394] {strides = array<i32>} : memref<8x200xf32, #tpu.memory_space<vmem>>, vector<16xf32>,
      %get3A_396 = arith.index_cast %add3A_332 : i32 to index
      %get3A_397 = arith.constant 48 : index
      %get3A_398 = tpu.vector_load %arg9[%get3A_396, %get3A_397] {strides = array<i32>} : memref<8x200xf32, #tpu.memory_space<vmem>>, vector<16xf32>,
      %get3A_399 = arith.index_cast %add3A_332 : i32 to index
      %get3A_400 = arith.constant 64 : index
      %get3A_401 = tpu.vector_load %arg9[%get3A_399, %get3A_400] {strides = array<i32>} : memref<8x200xf32, #tpu.memory_space<vmem>>, vector<16xf32>,
      %get3A_402 = arith.index_cast %add3A_332 : i32 to index
      %get3A_403 = arith.constant 80 : index
      %get3A_404 = tpu.vector_load %arg9[%get3A_402, %get3A_403] {strides = array<i32>} : memref<8x200xf32, #tpu.memory_space<vmem>>, vector<16xf32>,
      %get3A_405 = arith.index_cast %add3A_332 : i32 to index
      %get3A_406 = arith.constant 96 : index
      %get3A_407 = tpu.vector_load %arg9[%get3A_405, %get3A_406] {strides = array<i32>} : memref<8x200xf32, #tpu.memory_space<vmem>>, vector<16xf32>,
      %get3A_408 = arith.index_cast %add3A_332 : i32 to index
      %get3A_409 = arith.constant 112 : index
      %get3A_410 = tpu.vector_load %arg9[%get3A_408, %get3A_409] {strides = array<i32>} : memref<8x200xf32, #tpu.memory_space<vmem>>, vector<16xf32>,
      %get3A_411 = arith.index_cast %add3A_332 : i32 to index
      %get3A_412 = arith.constant 128 : index
      %get3A_413 = tpu.vector_load %arg9[%get3A_411, %get3A_412] {strides = array<i32>} : memref<8x200xf32, #tpu.memory_space<vmem>>, vector<16xf32>,
      %get3A_414 = arith.index_cast %add3A_332 : i32 to index
      %get3A_415 = arith.constant 144 : index
      %get3A_416 = tpu.vector_load %arg9[%get3A_414, %get3A_415] {strides = array<i32>} : memref<8x200xf32, #tpu.memory_space<vmem>>, vector<16xf32>,
      %get3A_417 = arith.index_cast %add3A_332 : i32 to index
      %get3A_418 = arith.constant 160 : index
      %get3A_419 = tpu.vector_load %arg9[%get3A_417, %get3A_418] {strides = array<i32>} : memref<8x200xf32, #tpu.memory_space<vmem>>, vector<16xf32>,
      %get3A_420 = arith.index_cast %add3A_332 : i32 to index
      %get3A_421 = arith.constant 176 : index
      %get3A_422 = tpu.vector_load %arg9[%get3A_420, %get3A_421] {strides = array<i32>} : memref<8x200xf32, #tpu.memory_space<vmem>>, vector<16xf32>,
      %get3A_423 = arith.index_cast %add3A_332 : i32 to index
      %get3A_424 = arith.constant 184 : index
      %get3A_425 = tpu.vector_load %arg9[%get3A_423, %get3A_424] {strides = array<i32>} : memref<8x200xf32, #tpu.memory_space<vmem>>, vector<16xf32>,
      %max3A_426 = arith.maximumf %get3A_389, %get3A_392 : vector<16xf32>
      %max3A_427 = arith.maximumf %max3A_426, %get3A_395 : vector<16xf32>
      %max3A_428 = arith.maximumf %max3A_427, %get3A_398 : vector<16xf32>
      %max3A_429 = arith.maximumf %max3A_428, %get3A_401 : vector<16xf32>
      %max3A_430 = arith.maximumf %max3A_429, %get3A_404 : vector<16xf32>
      %max3A_431 = arith.maximumf %max3A_430, %get3A_407 : vector<16xf32>
      %max3A_432 = arith.maximumf %max3A_431, %get3A_410 : vector<16xf32>
      %max3A_433 = arith.maximumf %max3A_432, %get3A_413 : vector<16xf32>
      %max3A_434 = arith.maximumf %max3A_433, %get3A_416 : vector<16xf32>
      %max3A_435 = arith.maximumf %max3A_434, %get3A_419 : vector<16xf32>
      %max3A_436 = arith.maximumf %max3A_435, %get3A_422 : vector<16xf32>
      %max3A_437 = arith.maximumf %max3A_436, %get3A_425 : vector<16xf32>
      %broadcast_in_dim3A_438 = vector.shape_cast %xor3A_53 : vector<16xi32> to vector<16x1xi32>
      %gather3A_439 = vector.shape_cast %broadcast_in_dim3A_438 : vector<16x1xi32> to vector<16xi32>
      %gather3A_440 = tpu.dynamic_gather %max3A_437[%gather3A_439] in [0] : vector<16xf32>, vector<16xi32> -> vector<16xf32>
      %max3A_441 = arith.maximumf %max3A_437, %gather3A_440 : vector<16xf32>
      %broadcast_in_dim3A_442 = vector.shape_cast %xor3A_56 : vector<16xi32> to vector<16x1xi32>
      %gather3A_443 = vector.shape_cast %broadcast_in_dim3A_442 : vector<16x1xi32> to vector<16xi32>
      %gather3A_444 = tpu.dynamic_gather %max3A_441[%gather3A_443] in [0] : vector<16xf32>, vector<16xi32> -> vector<16xf32>
      %max3A_445 = arith.maximumf %max3A_441, %gather3A_444 : vector<16xf32>
      %broadcast_in_dim3A_446 = vector.shape_cast %xor3A_59 : vector<16xi32> to vector<16x1xi32>
      %gather3A_447 = vector.shape_cast %broadcast_in_dim3A_446 : vector<16x1xi32> to vector<16xi32>
      %gather3A_448 = tpu.dynamic_gather %max3A_445[%gather3A_447] in [0] : vector<16xf32>, vector<16xi32> -> vector<16xf32>
      %max3A_449 = arith.maximumf %max3A_445, %gather3A_448 : vector<16xf32>
      %broadcast_in_dim3A_450 = vector.shape_cast %xor3A_62 : vector<16xi32> to vector<16x1xi32>
      %gather3A_451 = vector.shape_cast %broadcast_in_dim3A_450 : vector<16x1xi32> to vector<16xi32>
      %gather3A_452 = tpu.dynamic_gather %max3A_449[%gather3A_451] in [0] : vector<16xf32>, vector<16xi32> -> vector<16xf32>
      %max3A_453 = arith.maximumf %max3A_449, %gather3A_452 : vector<16xf32>
      %sub3A_454 = arith.subf %get3A_389, %max3A_453 : vector<16xf32>
      %exp3A_455 = math.exp %sub3A_454 : vector<16xf32>
      %sub3A_456 = arith.subf %get3A_392, %max3A_453 : vector<16xf32>
      %exp3A_457 = math.exp %sub3A_456 : vector<16xf32>
      %sub3A_458 = arith.subf %get3A_395, %max3A_453 : vector<16xf32>
      %exp3A_459 = math.exp %sub3A_458 : vector<16xf32>
      %sub3A_460 = arith.subf %get3A_398, %max3A_453 : vector<16xf32>
      %exp3A_461 = math.exp %sub3A_460 : vector<16xf32>
      %sub3A_462 = arith.subf %get3A_401, %max3A_453 : vector<16xf32>
      %exp3A_463 = math.exp %sub3A_462 : vector<16xf32>
      %sub3A_464 = arith.subf %get3A_404, %max3A_453 : vector<16xf32>
      %exp3A_465 = math.exp %sub3A_464 : vector<16xf32>
      %sub3A_466 = arith.subf %get3A_407, %max3A_453 : vector<16xf32>
      %exp3A_467 = math.exp %sub3A_466 : vector<16xf32>
      %sub3A_468 = arith.subf %get3A_410, %max3A_453 : vector<16xf32>
      %exp3A_469 = math.exp %sub3A_468 : vector<16xf32>
      %sub3A_470 = arith.subf %get3A_413, %max3A_453 : vector<16xf32>
      %exp3A_471 = math.exp %sub3A_470 : vector<16xf32>
      %sub3A_472 = arith.subf %get3A_416, %max3A_453 : vector<16xf32>
      %exp3A_473 = math.exp %sub3A_472 : vector<16xf32>
      %sub3A_474 = arith.subf %get3A_419, %max3A_453 : vector<16xf32>
      %exp3A_475 = math.exp %sub3A_474 : vector<16xf32>
      %sub3A_476 = arith.subf %get3A_422, %max3A_453 : vector<16xf32>
      %exp3A_477 = math.exp %sub3A_476 : vector<16xf32>
      %sub3A_478 = arith.subf %get3A_425, %max3A_453 : vector<16xf32>
      %exp3A_479 = math.exp %sub3A_478 : vector<16xf32>
      %select_n3A_480 = arith.select %lt3A_4, %broadcast_in_dim3A_63, %exp3A_479 : vector<16xi1>, vector<16xf32>
      %add3A_481 = arith.addf %select_n3A_480, %exp3A_455 : vector<16xf32>
      %add3A_482 = arith.addf %add3A_481, %exp3A_457 : vector<16xf32>
      %add3A_483 = arith.addf %add3A_482, %exp3A_459 : vector<16xf32>
      %add3A_484 = arith.addf %add3A_483, %exp3A_461 : vector<16xf32>
      %add3A_485 = arith.addf %add3A_484, %exp3A_463 : vector<16xf32>
      %add3A_486 = arith.addf %add3A_485, %exp3A_465 : vector<16xf32>
      %add3A_487 = arith.addf %add3A_486, %exp3A_467 : vector<16xf32>
      %add3A_488 = arith.addf %add3A_487, %exp3A_469 : vector<16xf32>
      %add3A_489 = arith.addf %add3A_488, %exp3A_471 : vector<16xf32>
      %add3A_490 = arith.addf %add3A_489, %exp3A_473 : vector<16xf32>
      %add3A_491 = arith.addf %add3A_490, %exp3A_475 : vector<16xf32>
      %add3A_492 = arith.addf %add3A_491, %exp3A_477 : vector<16xf32>
      %broadcast_in_dim3A_493 = vector.shape_cast %xor3A_53 : vector<16xi32> to vector<16x1xi32>
      %gather3A_494 = vector.shape_cast %broadcast_in_dim3A_493 : vector<16x1xi32> to vector<16xi32>
      %gather3A_495 = tpu.dynamic_gather %add3A_492[%gather3A_494] in [0] : vector<16xf32>, vector<16xi32> -> vector<16xf32>
      %add3A_496 = arith.addf %add3A_492, %gather3A_495 : vector<16xf32>
      %broadcast_in_dim3A_497 = vector.shape_cast %xor3A_56 : vector<16xi32> to vector<16x1xi32>
      %gather3A_498 = vector.shape_cast %broadcast_in_dim3A_497 : vector<16x1xi32> to vector<16xi32>
      %gather3A_499 = tpu.dynamic_gather %add3A_496[%gather3A_498] in [0] : vector<16xf32>, vector<16xi32> -> vector<16xf32>
      %add3A_500 = arith.addf %add3A_496, %gather3A_499 : vector<16xf32>
      %broadcast_in_dim3A_501 = vector.shape_cast %xor3A_59 : vector<16xi32> to vector<16x1xi32>
      %gather3A_502 = vector.shape_cast %broadcast_in_dim3A_501 : vector<16x1xi32> to vector<16xi32>
      %gather3A_503 = tpu.dynamic_gather %add3A_500[%gather3A_502] in [0] : vector<16xf32>, vector<16xi32> -> vector<16xf32>
      %add3A_504 = arith.addf %add3A_500, %gather3A_503 : vector<16xf32>
      %broadcast_in_dim3A_505 = vector.shape_cast %xor3A_62 : vector<16xi32> to vector<16x1xi32>
      %gather3A_506 = vector.shape_cast %broadcast_in_dim3A_505 : vector<16x1xi32> to vector<16xi32>
      %gather3A_507 = tpu.dynamic_gather %add3A_504[%gather3A_506] in [0] : vector<16xf32>, vector<16xi32> -> vector<16xf32>
      %add3A_508 = arith.addf %add3A_504, %gather3A_507 : vector<16xf32>
      %broadcast_in_dim3A_509 = arith.constant 1.000000e+00 : f32
      %broadcast_in_dim3A_510 = vector.broadcast %broadcast_in_dim3A_509 : f32 to vector<16xf32>
      %div3A_511 = arith.divf %broadcast_in_dim3A_510, %add3A_508 : vector<16xf32>
      %mul3A_512 = arith.mulf %exp3A_455, %div3A_511 : vector<16xf32>
      %swap3A_513 = arith.index_cast %add3A_332 : i32 to index
      %swap3A_514 = arith.constant 0 : index
      %swap3A_515 = tpu.vector_load %arg8[%swap3A_513, %swap3A_514] {strides = array<i32>} : memref<8x200xf32, #tpu.memory_space<vmem>>, vector<16xf32>,
      tpu.vector_store %arg8[%swap3A_513, %swap3A_514], %mul3A_512 {strides = array<i32>} : memref<8x200xf32, #tpu.memory_space<vmem>>, vector<16xf32>,
      %mul3A_516 = arith.mulf %exp3A_457, %div3A_511 : vector<16xf32>
      %swap3A_517 = arith.index_cast %add3A_332 : i32 to index
      %swap3A_518 = arith.constant 16 : index
      %swap3A_519 = tpu.vector_load %arg8[%swap3A_517, %swap3A_518] {strides = array<i32>} : memref<8x200xf32, #tpu.memory_space<vmem>>, vector<16xf32>,
      tpu.vector_store %arg8[%swap3A_517, %swap3A_518], %mul3A_516 {strides = array<i32>} : memref<8x200xf32, #tpu.memory_space<vmem>>, vector<16xf32>,
      %mul3A_520 = arith.mulf %exp3A_459, %div3A_511 : vector<16xf32>
      %swap3A_521 = arith.index_cast %add3A_332 : i32 to index
      %swap3A_522 = arith.constant 32 : index
      %swap3A_523 = tpu.vector_load %arg8[%swap3A_521, %swap3A_522] {strides = array<i32>} : memref<8x200xf32, #tpu.memory_space<vmem>>, vector<16xf32>,
      tpu.vector_store %arg8[%swap3A_521, %swap3A_522], %mul3A_520 {strides = array<i32>} : memref<8x200xf32, #tpu.memory_space<vmem>>, vector<16xf32>,
      %mul3A_524 = arith.mulf %exp3A_461, %div3A_511 : vector<16xf32>
      %swap3A_525 = arith.index_cast %add3A_332 : i32 to index
      %swap3A_526 = arith.constant 48 : index
      %swap3A_527 = tpu.vector_load %arg8[%swap3A_525, %swap3A_526] {strides = array<i32>} : memref<8x200xf32, #tpu.memory_space<vmem>>, vector<16xf32>,
      tpu.vector_store %arg8[%swap3A_525, %swap3A_526], %mul3A_524 {strides = array<i32>} : memref<8x200xf32, #tpu.memory_space<vmem>>, vector<16xf32>,
      %mul3A_528 = arith.mulf %exp3A_463, %div3A_511 : vector<16xf32>
      %swap3A_529 = arith.index_cast %add3A_332 : i32 to index
      %swap3A_530 = arith.constant 64 : index
      %swap3A_531 = tpu.vector_load %arg8[%swap3A_529, %swap3A_530] {strides = array<i32>} : memref<8x200xf32, #tpu.memory_space<vmem>>, vector<16xf32>,
      tpu.vector_store %arg8[%swap3A_529, %swap3A_530], %mul3A_528 {strides = array<i32>} : memref<8x200xf32, #tpu.memory_space<vmem>>, vector<16xf32>,
      %mul3A_532 = arith.mulf %exp3A_465, %div3A_511 : vector<16xf32>
      %swap3A_533 = arith.index_cast %add3A_332 : i32 to index
      %swap3A_534 = arith.constant 80 : index
      %swap3A_535 = tpu.vector_load %arg8[%swap3A_533, %swap3A_534] {strides = array<i32>} : memref<8x200xf32, #tpu.memory_space<vmem>>, vector<16xf32>,
      tpu.vector_store %arg8[%swap3A_533, %swap3A_534], %mul3A_532 {strides = array<i32>} : memref<8x200xf32, #tpu.memory_space<vmem>>, vector<16xf32>,
      %mul3A_536 = arith.mulf %exp3A_467, %div3A_511 : vector<16xf32>
      %swap3A_537 = arith.index_cast %add3A_332 : i32 to index
      %swap3A_538 = arith.constant 96 : index
      %swap3A_539 = tpu.vector_load %arg8[%swap3A_537, %swap3A_538] {strides = array<i32>} : memref<8x200xf32, #tpu.memory_space<vmem>>, vector<16xf32>,
      tpu.vector_store %arg8[%swap3A_537, %swap3A_538], %mul3A_536 {strides = array<i32>} : memref<8x200xf32, #tpu.memory_space<vmem>>, vector<16xf32>,
      %mul3A_540 = arith.mulf %exp3A_469, %div3A_511 : vector<16xf32>
      %swap3A_541 = arith.index_cast %add3A_332 : i32 to index
      %swap3A_542 = arith.constant 112 : index
      %swap3A_543 = tpu.vector_load %arg8[%swap3A_541, %swap3A_542] {strides = array<i32>} : memref<8x200xf32, #tpu.memory_space<vmem>>, vector<16xf32>,
      tpu.vector_store %arg8[%swap3A_541, %swap3A_542], %mul3A_540 {strides = array<i32>} : memref<8x200xf32, #tpu.memory_space<vmem>>, vector<16xf32>,
      %mul3A_544 = arith.mulf %exp3A_471, %div3A_511 : vector<16xf32>
      %swap3A_545 = arith.index_cast %add3A_332 : i32 to index
      %swap3A_546 = arith.constant 128 : index
      %swap3A_547 = tpu.vector_load %arg8[%swap3A_545, %swap3A_546] {strides = array<i32>} : memref<8x200xf32, #tpu.memory_space<vmem>>, vector<16xf32>,
      tpu.vector_store %arg8[%swap3A_545, %swap3A_546], %mul3A_544 {strides = array<i32>} : memref<8x200xf32, #tpu.memory_space<vmem>>, vector<16xf32>,
      %mul3A_548 = arith.mulf %exp3A_473, %div3A_511 : vector<16xf32>
      %swap3A_549 = arith.index_cast %add3A_332 : i32 to index
      %swap3A_550 = arith.constant 144 : index
      %swap3A_551 = tpu.vector_load %arg8[%swap3A_549, %swap3A_550] {strides = array<i32>} : memref<8x200xf32, #tpu.memory_space<vmem>>, vector<16xf32>,
      tpu.vector_store %arg8[%swap3A_549, %swap3A_550], %mul3A_548 {strides = array<i32>} : memref<8x200xf32, #tpu.memory_space<vmem>>, vector<16xf32>,
      %mul3A_552 = arith.mulf %exp3A_475, %div3A_511 : vector<16xf32>
      %swap3A_553 = arith.index_cast %add3A_332 : i32 to index
      %swap3A_554 = arith.constant 160 : index
      %swap3A_555 = tpu.vector_load %arg8[%swap3A_553, %swap3A_554] {strides = array<i32>} : memref<8x200xf32, #tpu.memory_space<vmem>>, vector<16xf32>,
      tpu.vector_store %arg8[%swap3A_553, %swap3A_554], %mul3A_552 {strides = array<i32>} : memref<8x200xf32, #tpu.memory_space<vmem>>, vector<16xf32>,
      %mul3A_556 = arith.mulf %exp3A_477, %div3A_511 : vector<16xf32>
      %swap3A_557 = arith.index_cast %add3A_332 : i32 to index
      %swap3A_558 = arith.constant 176 : index
      %swap3A_559 = tpu.vector_load %arg8[%swap3A_557, %swap3A_558] {strides = array<i32>} : memref<8x200xf32, #tpu.memory_space<vmem>>, vector<16xf32>,
      tpu.vector_store %arg8[%swap3A_557, %swap3A_558], %mul3A_556 {strides = array<i32>} : memref<8x200xf32, #tpu.memory_space<vmem>>, vector<16xf32>,
      %mul3A_560 = arith.mulf %exp3A_479, %div3A_511 : vector<16xf32>
      %swap3A_561 = arith.index_cast %add3A_332 : i32 to index
      %swap3A_562 = arith.constant 184 : index
      %swap3A_563 = tpu.vector_load %arg8[%swap3A_561, %swap3A_562] {strides = array<i32>} : memref<8x200xf32, #tpu.memory_space<vmem>>, vector<16xf32>,
      tpu.vector_store %arg8[%swap3A_561, %swap3A_562], %mul3A_560 {strides = array<i32>} : memref<8x200xf32, #tpu.memory_space<vmem>>, vector<16xf32>,
    }
    %scan3A_94 = arith.constant 4 : i32
    %dma_start3A_95 = arith.constant 0 : i32
    %dma_start3A_96 = tpu.memref_slice %arg4[%mul3A_2, %dma_start3A_95] : memref<256x200xf32, #tpu.memory_space<hbm>> -> memref<8x200xf32, #tpu.memory_space<hbm>>
    %dma_start3A_97 = arith.constant 0 : i32
    %dma_start3A_98 = tpu.memref_slice %arg4[%mul3A_2, %dma_start3A_97] : memref<256x200xf32, #tpu.memory_space<hbm>> -> memref<8x200xf32, #tpu.memory_space<hbm>>
    tpu.enqueue_dma source(%arg8 : memref<8x200xf32, #tpu.memory_space<vmem>>) target(%dma_start3A_98 : memref<8x200xf32, #tpu.memory_space<hbm>>) target_semaphore(%arg13 : memref<!tpu.dma_semaphore, #tpu.memory_space<semaphore_mem>>)
    %dma_wait3A_99 = arith.constant 0 : i32
    %dma_wait3A_100 = tpu.memref_slice %arg4[%mul3A_2, %dma_wait3A_99] : memref<256x200xf32, #tpu.memory_space<hbm>> -> memref<8x200xf32, #tpu.memory_space<hbm>>
    %dma_wait3A_101 = arith.constant 0 : i32
    %dma_wait3A_102 = tpu.memref_slice %arg4[%mul3A_2, %dma_wait3A_101] : memref<256x200xf32, #tpu.memory_space<hbm>> -> memref<8x200xf32, #tpu.memory_space<hbm>>
    tpu.wait_dma2 semaphore(%arg13 : memref<!tpu.dma_semaphore, #tpu.memory_space<semaphore_mem>>) src(%arg8 : memref<8x200xf32, #tpu.memory_space<vmem>>) dst(%dma_wait3A_102 : memref<8x200xf32, #tpu.memory_space<hbm>>)
    "tpu.region"() ({
      %run_scoped3A = tpu.sem_alloc : memref<!tpu.dma_semaphore, #tpu.memory_space<semaphore_mem>>
      %dma_start3A_103 = arith.constant 0 : i32
      %dma_start3A_104 = tpu.memref_slice %arg5[%mul3A_2, %dma_start3A_103] : memref<256x200xf32, #tpu.memory_space<hbm>> -> memref<8x200xf32, #tpu.memory_space<hbm>>
      %dma_start3A_105 = arith.constant 0 : i32
      %dma_start3A_106 = tpu.memref_slice %arg5[%mul3A_2, %dma_start3A_105] : memref<256x200xf32, #tpu.memory_space<hbm>> -> memref<8x200xf32, #tpu.memory_space<hbm>>
      tpu.enqueue_dma source(%arg9 : memref<8x200xf32, #tpu.memory_space<vmem>>) target(%dma_start3A_106 : memref<8x200xf32, #tpu.memory_space<hbm>>) target_semaphore(%run_scoped3A : memref<!tpu.dma_semaphore, #tpu.memory_space<semaphore_mem>>)
      %dma_wait3A_107 = arith.constant 0 : i32
      %dma_wait3A_108 = tpu.memref_slice %arg5[%mul3A_2, %dma_wait3A_107] : memref<256x200xf32, #tpu.memory_space<hbm>> -> memref<8x200xf32, #tpu.memory_space<hbm>>
      %dma_wait3A_109 = arith.constant 0 : i32
      %dma_wait3A_110 = tpu.memref_slice %arg5[%mul3A_2, %dma_wait3A_109] : memref<256x200xf32, #tpu.memory_space<hbm>> -> memref<8x200xf32, #tpu.memory_space<hbm>>
      tpu.wait_dma2 semaphore(%run_scoped3A : memref<!tpu.dma_semaphore, #tpu.memory_space<semaphore_mem>>) src(%arg9 : memref<8x200xf32, #tpu.memory_space<vmem>>) dst(%dma_wait3A_110 : memref<8x200xf32, #tpu.memory_space<hbm>>)
      tpu.yield
    }) : () -> ()
    return
  }
}

module attributes {stable_mosaic.version = 14 : i64} {
  func.func @_tc_body(%arg0: i32, %arg1: memref<64x128xf32, #tpu.memory_space<vmem>>, %arg2: memref<64x200x128xf32, #tpu.memory_space<vmem>>, %arg3: memref<64x200xf32, #tpu.memory_space<vmem>>, %arg4: memref<64x200xf32, #tpu.memory_space<vmem>>, %arg5: memref<200x64xf32, #tpu.memory_space<vmem>>) attributes {dimension_semantics = [#tpu.dimension_semantics<arbitrary>], iteration_bounds = array<i64: 12>, scalar_prefetch = 0 : i64, scratch_operands = 1 : i64, tpu.core_type = #tpu.core_type<tc>, window_params = [{transform_indices = @transform_0, window_bounds = array<i64: 64, 128>}, {transform_indices = @transform_1, window_bounds = array<i64: 64, 200, 128>}, {transform_indices = @transform_2, window_bounds = array<i64: 64, 200>}, {transform_indices = @transform_3, window_bounds = array<i64: 64, 200>}]} {
    %get3A = arith.constant 0 : index
    %get3A_0 = arith.constant 0 : index
    %get3A_1 = vector.load %arg1[%get3A, %get3A_0] : memref<64x128xf32, #tpu.memory_space<vmem>>, vector<64x128xf32>
    %transpose3A = tpu.transpose %get3A_1, [1, 0] : vector<64x128xf32> -> vector<128x64xf32>
    %get3A_2 = arith.constant 0 : index
    %get3A_3 = arith.constant 0 : index
    %get3A_4 = arith.constant 0 : index
    %get3A_5 = vector.load %arg2[%get3A_2, %get3A_3, %get3A_4] : memref<64x200x128xf32, #tpu.memory_space<vmem>>, vector<1x200x128xf32>
    %get3A_6 = vector.shape_cast %get3A_5 : vector<1x200x128xf32> to vector<200x128xf32>
    %slice3A = vector.extract_strided_slice %transpose3A {offsets = [0, 0], sizes = [128, 1], strides = [1, 1]} : vector<128x64xf32> to vector<128x1xf32>
    %dot_general3A = arith.constant dense<0.000000e+00> : vector<200x1xf32>
    %dot_general3A_7 = tpu.matmul %get3A_6, %slice3A, %dot_general3A {dimension_numbers = #tpu.dot_dimension_numbers<[1], [0], [0], [1], [0, 0, 1, 1], [], []>, transpose_lhs_hint = false} : vector<200x128xf32>, vector<128x1xf32>, vector<200x1xf32> -> vector<200x1xf32>
    %swap3A = arith.constant 0 : index
    %swap3A_8 = arith.constant 0 : index
    %swap3A_9 = vector.load %arg5[%swap3A, %swap3A_8] : memref<200x64xf32, #tpu.memory_space<vmem>>, vector<200x1xf32>
    tpu.vector_store %arg5[%swap3A, %swap3A_8], %dot_general3A_7 {strides = array<i32>} : memref<200x64xf32, #tpu.memory_space<vmem>>, vector<200x1xf32>,
    %get3A_10 = arith.constant 1 : index
    %get3A_11 = arith.constant 0 : index
    %get3A_12 = arith.constant 0 : index
    %get3A_13 = vector.load %arg2[%get3A_10, %get3A_11, %get3A_12] : memref<64x200x128xf32, #tpu.memory_space<vmem>>, vector<1x200x128xf32>
    %get3A_14 = vector.shape_cast %get3A_13 : vector<1x200x128xf32> to vector<200x128xf32>
    %slice3A_15 = vector.extract_strided_slice %transpose3A {offsets = [0, 1], sizes = [128, 1], strides = [1, 1]} : vector<128x64xf32> to vector<128x1xf32>
    %dot_general3A_16 = arith.constant dense<0.000000e+00> : vector<200x1xf32>
    %dot_general3A_17 = tpu.matmul %get3A_14, %slice3A_15, %dot_general3A_16 {dimension_numbers = #tpu.dot_dimension_numbers<[1], [0], [0], [1], [0, 0, 1, 1], [], []>, transpose_lhs_hint = false} : vector<200x128xf32>, vector<128x1xf32>, vector<200x1xf32> -> vector<200x1xf32>
    %swap3A_18 = arith.constant 0 : index
    %swap3A_19 = arith.constant 1 : index
    %swap3A_20 = vector.load %arg5[%swap3A_18, %swap3A_19] : memref<200x64xf32, #tpu.memory_space<vmem>>, vector<200x1xf32>
    tpu.vector_store %arg5[%swap3A_18, %swap3A_19], %dot_general3A_17 {strides = array<i32>} : memref<200x64xf32, #tpu.memory_space<vmem>>, vector<200x1xf32>,
    %get3A_21 = arith.constant 2 : index
    %get3A_22 = arith.constant 0 : index
    %get3A_23 = arith.constant 0 : index
    %get3A_24 = vector.load %arg2[%get3A_21, %get3A_22, %get3A_23] : memref<64x200x128xf32, #tpu.memory_space<vmem>>, vector<1x200x128xf32>
    %get3A_25 = vector.shape_cast %get3A_24 : vector<1x200x128xf32> to vector<200x128xf32>
    %slice3A_26 = vector.extract_strided_slice %transpose3A {offsets = [0, 2], sizes = [128, 1], strides = [1, 1]} : vector<128x64xf32> to vector<128x1xf32>
    %dot_general3A_27 = arith.constant dense<0.000000e+00> : vector<200x1xf32>
    %dot_general3A_28 = tpu.matmul %get3A_25, %slice3A_26, %dot_general3A_27 {dimension_numbers = #tpu.dot_dimension_numbers<[1], [0], [0], [1], [0, 0, 1, 1], [], []>, transpose_lhs_hint = false} : vector<200x128xf32>, vector<128x1xf32>, vector<200x1xf32> -> vector<200x1xf32>
    %swap3A_29 = arith.constant 0 : index
    %swap3A_30 = arith.constant 2 : index
    %swap3A_31 = vector.load %arg5[%swap3A_29, %swap3A_30] : memref<200x64xf32, #tpu.memory_space<vmem>>, vector<200x1xf32>
    tpu.vector_store %arg5[%swap3A_29, %swap3A_30], %dot_general3A_28 {strides = array<i32>} : memref<200x64xf32, #tpu.memory_space<vmem>>, vector<200x1xf32>,
    %get3A_32 = arith.constant 3 : index
    %get3A_33 = arith.constant 0 : index
    %get3A_34 = arith.constant 0 : index
    %get3A_35 = vector.load %arg2[%get3A_32, %get3A_33, %get3A_34] : memref<64x200x128xf32, #tpu.memory_space<vmem>>, vector<1x200x128xf32>
    %get3A_36 = vector.shape_cast %get3A_35 : vector<1x200x128xf32> to vector<200x128xf32>
    %slice3A_37 = vector.extract_strided_slice %transpose3A {offsets = [0, 3], sizes = [128, 1], strides = [1, 1]} : vector<128x64xf32> to vector<128x1xf32>
    %dot_general3A_38 = arith.constant dense<0.000000e+00> : vector<200x1xf32>
    %dot_general3A_39 = tpu.matmul %get3A_36, %slice3A_37, %dot_general3A_38 {dimension_numbers = #tpu.dot_dimension_numbers<[1], [0], [0], [1], [0, 0, 1, 1], [], []>, transpose_lhs_hint = false} : vector<200x128xf32>, vector<128x1xf32>, vector<200x1xf32> -> vector<200x1xf32>
    %swap3A_40 = arith.constant 0 : index
    %swap3A_41 = arith.constant 3 : index
    %swap3A_42 = vector.load %arg5[%swap3A_40, %swap3A_41] : memref<200x64xf32, #tpu.memory_space<vmem>>, vector<200x1xf32>
    tpu.vector_store %arg5[%swap3A_40, %swap3A_41], %dot_general3A_39 {strides = array<i32>} : memref<200x64xf32, #tpu.memory_space<vmem>>, vector<200x1xf32>,
    %get3A_43 = arith.constant 4 : index
    %get3A_44 = arith.constant 0 : index
    %get3A_45 = arith.constant 0 : index
    %get3A_46 = vector.load %arg2[%get3A_43, %get3A_44, %get3A_45] : memref<64x200x128xf32, #tpu.memory_space<vmem>>, vector<1x200x128xf32>
    %get3A_47 = vector.shape_cast %get3A_46 : vector<1x200x128xf32> to vector<200x128xf32>
    %slice3A_48 = vector.extract_strided_slice %transpose3A {offsets = [0, 4], sizes = [128, 1], strides = [1, 1]} : vector<128x64xf32> to vector<128x1xf32>
    %dot_general3A_49 = arith.constant dense<0.000000e+00> : vector<200x1xf32>
    %dot_general3A_50 = tpu.matmul %get3A_47, %slice3A_48, %dot_general3A_49 {dimension_numbers = #tpu.dot_dimension_numbers<[1], [0], [0], [1], [0, 0, 1, 1], [], []>, transpose_lhs_hint = false} : vector<200x128xf32>, vector<128x1xf32>, vector<200x1xf32> -> vector<200x1xf32>
    %swap3A_51 = arith.constant 0 : index
    %swap3A_52 = arith.constant 4 : index
    %swap3A_53 = vector.load %arg5[%swap3A_51, %swap3A_52] : memref<200x64xf32, #tpu.memory_space<vmem>>, vector<200x1xf32>
    tpu.vector_store %arg5[%swap3A_51, %swap3A_52], %dot_general3A_50 {strides = array<i32>} : memref<200x64xf32, #tpu.memory_space<vmem>>, vector<200x1xf32>,
    %get3A_54 = arith.constant 5 : index
    %get3A_55 = arith.constant 0 : index
    %get3A_56 = arith.constant 0 : index
    %get3A_57 = vector.load %arg2[%get3A_54, %get3A_55, %get3A_56] : memref<64x200x128xf32, #tpu.memory_space<vmem>>, vector<1x200x128xf32>
    %get3A_58 = vector.shape_cast %get3A_57 : vector<1x200x128xf32> to vector<200x128xf32>
    %slice3A_59 = vector.extract_strided_slice %transpose3A {offsets = [0, 5], sizes = [128, 1], strides = [1, 1]} : vector<128x64xf32> to vector<128x1xf32>
    %dot_general3A_60 = arith.constant dense<0.000000e+00> : vector<200x1xf32>
    %dot_general3A_61 = tpu.matmul %get3A_58, %slice3A_59, %dot_general3A_60 {dimension_numbers = #tpu.dot_dimension_numbers<[1], [0], [0], [1], [0, 0, 1, 1], [], []>, transpose_lhs_hint = false} : vector<200x128xf32>, vector<128x1xf32>, vector<200x1xf32> -> vector<200x1xf32>
    %swap3A_62 = arith.constant 0 : index
    %swap3A_63 = arith.constant 5 : index
    %swap3A_64 = vector.load %arg5[%swap3A_62, %swap3A_63] : memref<200x64xf32, #tpu.memory_space<vmem>>, vector<200x1xf32>
    tpu.vector_store %arg5[%swap3A_62, %swap3A_63], %dot_general3A_61 {strides = array<i32>} : memref<200x64xf32, #tpu.memory_space<vmem>>, vector<200x1xf32>,
    %get3A_65 = arith.constant 6 : index
    %get3A_66 = arith.constant 0 : index
    %get3A_67 = arith.constant 0 : index
    %get3A_68 = vector.load %arg2[%get3A_65, %get3A_66, %get3A_67] : memref<64x200x128xf32, #tpu.memory_space<vmem>>, vector<1x200x128xf32>
    %get3A_69 = vector.shape_cast %get3A_68 : vector<1x200x128xf32> to vector<200x128xf32>
    %slice3A_70 = vector.extract_strided_slice %transpose3A {offsets = [0, 6], sizes = [128, 1], strides = [1, 1]} : vector<128x64xf32> to vector<128x1xf32>
    %dot_general3A_71 = arith.constant dense<0.000000e+00> : vector<200x1xf32>
    %dot_general3A_72 = tpu.matmul %get3A_69, %slice3A_70, %dot_general3A_71 {dimension_numbers = #tpu.dot_dimension_numbers<[1], [0], [0], [1], [0, 0, 1, 1], [], []>, transpose_lhs_hint = false} : vector<200x128xf32>, vector<128x1xf32>, vector<200x1xf32> -> vector<200x1xf32>
    %swap3A_73 = arith.constant 0 : index
    %swap3A_74 = arith.constant 6 : index
    %swap3A_75 = vector.load %arg5[%swap3A_73, %swap3A_74] : memref<200x64xf32, #tpu.memory_space<vmem>>, vector<200x1xf32>
    tpu.vector_store %arg5[%swap3A_73, %swap3A_74], %dot_general3A_72 {strides = array<i32>} : memref<200x64xf32, #tpu.memory_space<vmem>>, vector<200x1xf32>,
    %get3A_76 = arith.constant 7 : index
    %get3A_77 = arith.constant 0 : index
    %get3A_78 = arith.constant 0 : index
    %get3A_79 = vector.load %arg2[%get3A_76, %get3A_77, %get3A_78] : memref<64x200x128xf32, #tpu.memory_space<vmem>>, vector<1x200x128xf32>
    %get3A_80 = vector.shape_cast %get3A_79 : vector<1x200x128xf32> to vector<200x128xf32>
    %slice3A_81 = vector.extract_strided_slice %transpose3A {offsets = [0, 7], sizes = [128, 1], strides = [1, 1]} : vector<128x64xf32> to vector<128x1xf32>
    %dot_general3A_82 = arith.constant dense<0.000000e+00> : vector<200x1xf32>
    %dot_general3A_83 = tpu.matmul %get3A_80, %slice3A_81, %dot_general3A_82 {dimension_numbers = #tpu.dot_dimension_numbers<[1], [0], [0], [1], [0, 0, 1, 1], [], []>, transpose_lhs_hint = false} : vector<200x128xf32>, vector<128x1xf32>, vector<200x1xf32> -> vector<200x1xf32>
    %swap3A_84 = arith.constant 0 : index
    %swap3A_85 = arith.constant 7 : index
    %swap3A_86 = vector.load %arg5[%swap3A_84, %swap3A_85] : memref<200x64xf32, #tpu.memory_space<vmem>>, vector<200x1xf32>
    tpu.vector_store %arg5[%swap3A_84, %swap3A_85], %dot_general3A_83 {strides = array<i32>} : memref<200x64xf32, #tpu.memory_space<vmem>>, vector<200x1xf32>,
    %get3A_87 = arith.constant 8 : index
    %get3A_88 = arith.constant 0 : index
    %get3A_89 = arith.constant 0 : index
    %get3A_90 = vector.load %arg2[%get3A_87, %get3A_88, %get3A_89] : memref<64x200x128xf32, #tpu.memory_space<vmem>>, vector<1x200x128xf32>
    %get3A_91 = vector.shape_cast %get3A_90 : vector<1x200x128xf32> to vector<200x128xf32>
    %slice3A_92 = vector.extract_strided_slice %transpose3A {offsets = [0, 8], sizes = [128, 1], strides = [1, 1]} : vector<128x64xf32> to vector<128x1xf32>
    %dot_general3A_93 = arith.constant dense<0.000000e+00> : vector<200x1xf32>
    %dot_general3A_94 = tpu.matmul %get3A_91, %slice3A_92, %dot_general3A_93 {dimension_numbers = #tpu.dot_dimension_numbers<[1], [0], [0], [1], [0, 0, 1, 1], [], []>, transpose_lhs_hint = false} : vector<200x128xf32>, vector<128x1xf32>, vector<200x1xf32> -> vector<200x1xf32>
    %swap3A_95 = arith.constant 0 : index
    %swap3A_96 = arith.constant 8 : index
    %swap3A_97 = vector.load %arg5[%swap3A_95, %swap3A_96] : memref<200x64xf32, #tpu.memory_space<vmem>>, vector<200x1xf32>
    tpu.vector_store %arg5[%swap3A_95, %swap3A_96], %dot_general3A_94 {strides = array<i32>} : memref<200x64xf32, #tpu.memory_space<vmem>>, vector<200x1xf32>,
    %get3A_98 = arith.constant 9 : index
    %get3A_99 = arith.constant 0 : index
    %get3A_100 = arith.constant 0 : index
    %get3A_101 = vector.load %arg2[%get3A_98, %get3A_99, %get3A_100] : memref<64x200x128xf32, #tpu.memory_space<vmem>>, vector<1x200x128xf32>
    %get3A_102 = vector.shape_cast %get3A_101 : vector<1x200x128xf32> to vector<200x128xf32>
    %slice3A_103 = vector.extract_strided_slice %transpose3A {offsets = [0, 9], sizes = [128, 1], strides = [1, 1]} : vector<128x64xf32> to vector<128x1xf32>
    %dot_general3A_104 = arith.constant dense<0.000000e+00> : vector<200x1xf32>
    %dot_general3A_105 = tpu.matmul %get3A_102, %slice3A_103, %dot_general3A_104 {dimension_numbers = #tpu.dot_dimension_numbers<[1], [0], [0], [1], [0, 0, 1, 1], [], []>, transpose_lhs_hint = false} : vector<200x128xf32>, vector<128x1xf32>, vector<200x1xf32> -> vector<200x1xf32>
    %swap3A_106 = arith.constant 0 : index
    %swap3A_107 = arith.constant 9 : index
    %swap3A_108 = vector.load %arg5[%swap3A_106, %swap3A_107] : memref<200x64xf32, #tpu.memory_space<vmem>>, vector<200x1xf32>
    tpu.vector_store %arg5[%swap3A_106, %swap3A_107], %dot_general3A_105 {strides = array<i32>} : memref<200x64xf32, #tpu.memory_space<vmem>>, vector<200x1xf32>,
    %get3A_109 = arith.constant 10 : index
    %get3A_110 = arith.constant 0 : index
    %get3A_111 = arith.constant 0 : index
    %get3A_112 = vector.load %arg2[%get3A_109, %get3A_110, %get3A_111] : memref<64x200x128xf32, #tpu.memory_space<vmem>>, vector<1x200x128xf32>
    %get3A_113 = vector.shape_cast %get3A_112 : vector<1x200x128xf32> to vector<200x128xf32>
    %slice3A_114 = vector.extract_strided_slice %transpose3A {offsets = [0, 10], sizes = [128, 1], strides = [1, 1]} : vector<128x64xf32> to vector<128x1xf32>
    %dot_general3A_115 = arith.constant dense<0.000000e+00> : vector<200x1xf32>
    %dot_general3A_116 = tpu.matmul %get3A_113, %slice3A_114, %dot_general3A_115 {dimension_numbers = #tpu.dot_dimension_numbers<[1], [0], [0], [1], [0, 0, 1, 1], [], []>, transpose_lhs_hint = false} : vector<200x128xf32>, vector<128x1xf32>, vector<200x1xf32> -> vector<200x1xf32>
    %swap3A_117 = arith.constant 0 : index
    %swap3A_118 = arith.constant 10 : index
    %swap3A_119 = vector.load %arg5[%swap3A_117, %swap3A_118] : memref<200x64xf32, #tpu.memory_space<vmem>>, vector<200x1xf32>
    tpu.vector_store %arg5[%swap3A_117, %swap3A_118], %dot_general3A_116 {strides = array<i32>} : memref<200x64xf32, #tpu.memory_space<vmem>>, vector<200x1xf32>,
    %get3A_120 = arith.constant 11 : index
    %get3A_121 = arith.constant 0 : index
    %get3A_122 = arith.constant 0 : index
    %get3A_123 = vector.load %arg2[%get3A_120, %get3A_121, %get3A_122] : memref<64x200x128xf32, #tpu.memory_space<vmem>>, vector<1x200x128xf32>
    %get3A_124 = vector.shape_cast %get3A_123 : vector<1x200x128xf32> to vector<200x128xf32>
    %slice3A_125 = vector.extract_strided_slice %transpose3A {offsets = [0, 11], sizes = [128, 1], strides = [1, 1]} : vector<128x64xf32> to vector<128x1xf32>
    %dot_general3A_126 = arith.constant dense<0.000000e+00> : vector<200x1xf32>
    %dot_general3A_127 = tpu.matmul %get3A_124, %slice3A_125, %dot_general3A_126 {dimension_numbers = #tpu.dot_dimension_numbers<[1], [0], [0], [1], [0, 0, 1, 1], [], []>, transpose_lhs_hint = false} : vector<200x128xf32>, vector<128x1xf32>, vector<200x1xf32> -> vector<200x1xf32>
    %swap3A_128 = arith.constant 0 : index
    %swap3A_129 = arith.constant 11 : index
    %swap3A_130 = vector.load %arg5[%swap3A_128, %swap3A_129] : memref<200x64xf32, #tpu.memory_space<vmem>>, vector<200x1xf32>
    tpu.vector_store %arg5[%swap3A_128, %swap3A_129], %dot_general3A_127 {strides = array<i32>} : memref<200x64xf32, #tpu.memory_space<vmem>>, vector<200x1xf32>,
    %get3A_131 = arith.constant 12 : index
    %get3A_132 = arith.constant 0 : index
    %get3A_133 = arith.constant 0 : index
    %get3A_134 = vector.load %arg2[%get3A_131, %get3A_132, %get3A_133] : memref<64x200x128xf32, #tpu.memory_space<vmem>>, vector<1x200x128xf32>
    %get3A_135 = vector.shape_cast %get3A_134 : vector<1x200x128xf32> to vector<200x128xf32>
    %slice3A_136 = vector.extract_strided_slice %transpose3A {offsets = [0, 12], sizes = [128, 1], strides = [1, 1]} : vector<128x64xf32> to vector<128x1xf32>
    %dot_general3A_137 = arith.constant dense<0.000000e+00> : vector<200x1xf32>
    %dot_general3A_138 = tpu.matmul %get3A_135, %slice3A_136, %dot_general3A_137 {dimension_numbers = #tpu.dot_dimension_numbers<[1], [0], [0], [1], [0, 0, 1, 1], [], []>, transpose_lhs_hint = false} : vector<200x128xf32>, vector<128x1xf32>, vector<200x1xf32> -> vector<200x1xf32>
    %swap3A_139 = arith.constant 0 : index
    %swap3A_140 = arith.constant 12 : index
    %swap3A_141 = vector.load %arg5[%swap3A_139, %swap3A_140] : memref<200x64xf32, #tpu.memory_space<vmem>>, vector<200x1xf32>
    tpu.vector_store %arg5[%swap3A_139, %swap3A_140], %dot_general3A_138 {strides = array<i32>} : memref<200x64xf32, #tpu.memory_space<vmem>>, vector<200x1xf32>,
    %get3A_142 = arith.constant 13 : index
    %get3A_143 = arith.constant 0 : index
    %get3A_144 = arith.constant 0 : index
    %get3A_145 = vector.load %arg2[%get3A_142, %get3A_143, %get3A_144] : memref<64x200x128xf32, #tpu.memory_space<vmem>>, vector<1x200x128xf32>
    %get3A_146 = vector.shape_cast %get3A_145 : vector<1x200x128xf32> to vector<200x128xf32>
    %slice3A_147 = vector.extract_strided_slice %transpose3A {offsets = [0, 13], sizes = [128, 1], strides = [1, 1]} : vector<128x64xf32> to vector<128x1xf32>
    %dot_general3A_148 = arith.constant dense<0.000000e+00> : vector<200x1xf32>
    %dot_general3A_149 = tpu.matmul %get3A_146, %slice3A_147, %dot_general3A_148 {dimension_numbers = #tpu.dot_dimension_numbers<[1], [0], [0], [1], [0, 0, 1, 1], [], []>, transpose_lhs_hint = false} : vector<200x128xf32>, vector<128x1xf32>, vector<200x1xf32> -> vector<200x1xf32>
    %swap3A_150 = arith.constant 0 : index
    %swap3A_151 = arith.constant 13 : index
    %swap3A_152 = vector.load %arg5[%swap3A_150, %swap3A_151] : memref<200x64xf32, #tpu.memory_space<vmem>>, vector<200x1xf32>
    tpu.vector_store %arg5[%swap3A_150, %swap3A_151], %dot_general3A_149 {strides = array<i32>} : memref<200x64xf32, #tpu.memory_space<vmem>>, vector<200x1xf32>,
    %get3A_153 = arith.constant 14 : index
    %get3A_154 = arith.constant 0 : index
    %get3A_155 = arith.constant 0 : index
    %get3A_156 = vector.load %arg2[%get3A_153, %get3A_154, %get3A_155] : memref<64x200x128xf32, #tpu.memory_space<vmem>>, vector<1x200x128xf32>
    %get3A_157 = vector.shape_cast %get3A_156 : vector<1x200x128xf32> to vector<200x128xf32>
    %slice3A_158 = vector.extract_strided_slice %transpose3A {offsets = [0, 14], sizes = [128, 1], strides = [1, 1]} : vector<128x64xf32> to vector<128x1xf32>
    %dot_general3A_159 = arith.constant dense<0.000000e+00> : vector<200x1xf32>
    %dot_general3A_160 = tpu.matmul %get3A_157, %slice3A_158, %dot_general3A_159 {dimension_numbers = #tpu.dot_dimension_numbers<[1], [0], [0], [1], [0, 0, 1, 1], [], []>, transpose_lhs_hint = false} : vector<200x128xf32>, vector<128x1xf32>, vector<200x1xf32> -> vector<200x1xf32>
    %swap3A_161 = arith.constant 0 : index
    %swap3A_162 = arith.constant 14 : index
    %swap3A_163 = vector.load %arg5[%swap3A_161, %swap3A_162] : memref<200x64xf32, #tpu.memory_space<vmem>>, vector<200x1xf32>
    tpu.vector_store %arg5[%swap3A_161, %swap3A_162], %dot_general3A_160 {strides = array<i32>} : memref<200x64xf32, #tpu.memory_space<vmem>>, vector<200x1xf32>,
    %get3A_164 = arith.constant 15 : index
    %get3A_165 = arith.constant 0 : index
    %get3A_166 = arith.constant 0 : index
    %get3A_167 = vector.load %arg2[%get3A_164, %get3A_165, %get3A_166] : memref<64x200x128xf32, #tpu.memory_space<vmem>>, vector<1x200x128xf32>
    %get3A_168 = vector.shape_cast %get3A_167 : vector<1x200x128xf32> to vector<200x128xf32>
    %slice3A_169 = vector.extract_strided_slice %transpose3A {offsets = [0, 15], sizes = [128, 1], strides = [1, 1]} : vector<128x64xf32> to vector<128x1xf32>
    %dot_general3A_170 = arith.constant dense<0.000000e+00> : vector<200x1xf32>
    %dot_general3A_171 = tpu.matmul %get3A_168, %slice3A_169, %dot_general3A_170 {dimension_numbers = #tpu.dot_dimension_numbers<[1], [0], [0], [1], [0, 0, 1, 1], [], []>, transpose_lhs_hint = false} : vector<200x128xf32>, vector<128x1xf32>, vector<200x1xf32> -> vector<200x1xf32>
    %swap3A_172 = arith.constant 0 : index
    %swap3A_173 = arith.constant 15 : index
    %swap3A_174 = vector.load %arg5[%swap3A_172, %swap3A_173] : memref<200x64xf32, #tpu.memory_space<vmem>>, vector<200x1xf32>
    tpu.vector_store %arg5[%swap3A_172, %swap3A_173], %dot_general3A_171 {strides = array<i32>} : memref<200x64xf32, #tpu.memory_space<vmem>>, vector<200x1xf32>,
    %get3A_175 = arith.constant 16 : index
    %get3A_176 = arith.constant 0 : index
    %get3A_177 = arith.constant 0 : index
    %get3A_178 = vector.load %arg2[%get3A_175, %get3A_176, %get3A_177] : memref<64x200x128xf32, #tpu.memory_space<vmem>>, vector<1x200x128xf32>
    %get3A_179 = vector.shape_cast %get3A_178 : vector<1x200x128xf32> to vector<200x128xf32>
    %slice3A_180 = vector.extract_strided_slice %transpose3A {offsets = [0, 16], sizes = [128, 1], strides = [1, 1]} : vector<128x64xf32> to vector<128x1xf32>
    %dot_general3A_181 = arith.constant dense<0.000000e+00> : vector<200x1xf32>
    %dot_general3A_182 = tpu.matmul %get3A_179, %slice3A_180, %dot_general3A_181 {dimension_numbers = #tpu.dot_dimension_numbers<[1], [0], [0], [1], [0, 0, 1, 1], [], []>, transpose_lhs_hint = false} : vector<200x128xf32>, vector<128x1xf32>, vector<200x1xf32> -> vector<200x1xf32>
    %swap3A_183 = arith.constant 0 : index
    %swap3A_184 = arith.constant 16 : index
    %swap3A_185 = vector.load %arg5[%swap3A_183, %swap3A_184] : memref<200x64xf32, #tpu.memory_space<vmem>>, vector<200x1xf32>
    tpu.vector_store %arg5[%swap3A_183, %swap3A_184], %dot_general3A_182 {strides = array<i32>} : memref<200x64xf32, #tpu.memory_space<vmem>>, vector<200x1xf32>,
    %get3A_186 = arith.constant 17 : index
    %get3A_187 = arith.constant 0 : index
    %get3A_188 = arith.constant 0 : index
    %get3A_189 = vector.load %arg2[%get3A_186, %get3A_187, %get3A_188] : memref<64x200x128xf32, #tpu.memory_space<vmem>>, vector<1x200x128xf32>
    %get3A_190 = vector.shape_cast %get3A_189 : vector<1x200x128xf32> to vector<200x128xf32>
    %slice3A_191 = vector.extract_strided_slice %transpose3A {offsets = [0, 17], sizes = [128, 1], strides = [1, 1]} : vector<128x64xf32> to vector<128x1xf32>
    %dot_general3A_192 = arith.constant dense<0.000000e+00> : vector<200x1xf32>
    %dot_general3A_193 = tpu.matmul %get3A_190, %slice3A_191, %dot_general3A_192 {dimension_numbers = #tpu.dot_dimension_numbers<[1], [0], [0], [1], [0, 0, 1, 1], [], []>, transpose_lhs_hint = false} : vector<200x128xf32>, vector<128x1xf32>, vector<200x1xf32> -> vector<200x1xf32>
    %swap3A_194 = arith.constant 0 : index
    %swap3A_195 = arith.constant 17 : index
    %swap3A_196 = vector.load %arg5[%swap3A_194, %swap3A_195] : memref<200x64xf32, #tpu.memory_space<vmem>>, vector<200x1xf32>
    tpu.vector_store %arg5[%swap3A_194, %swap3A_195], %dot_general3A_193 {strides = array<i32>} : memref<200x64xf32, #tpu.memory_space<vmem>>, vector<200x1xf32>,
    %get3A_197 = arith.constant 18 : index
    %get3A_198 = arith.constant 0 : index
    %get3A_199 = arith.constant 0 : index
    %get3A_200 = vector.load %arg2[%get3A_197, %get3A_198, %get3A_199] : memref<64x200x128xf32, #tpu.memory_space<vmem>>, vector<1x200x128xf32>
    %get3A_201 = vector.shape_cast %get3A_200 : vector<1x200x128xf32> to vector<200x128xf32>
    %slice3A_202 = vector.extract_strided_slice %transpose3A {offsets = [0, 18], sizes = [128, 1], strides = [1, 1]} : vector<128x64xf32> to vector<128x1xf32>
    %dot_general3A_203 = arith.constant dense<0.000000e+00> : vector<200x1xf32>
    %dot_general3A_204 = tpu.matmul %get3A_201, %slice3A_202, %dot_general3A_203 {dimension_numbers = #tpu.dot_dimension_numbers<[1], [0], [0], [1], [0, 0, 1, 1], [], []>, transpose_lhs_hint = false} : vector<200x128xf32>, vector<128x1xf32>, vector<200x1xf32> -> vector<200x1xf32>
    %swap3A_205 = arith.constant 0 : index
    %swap3A_206 = arith.constant 18 : index
    %swap3A_207 = vector.load %arg5[%swap3A_205, %swap3A_206] : memref<200x64xf32, #tpu.memory_space<vmem>>, vector<200x1xf32>
    tpu.vector_store %arg5[%swap3A_205, %swap3A_206], %dot_general3A_204 {strides = array<i32>} : memref<200x64xf32, #tpu.memory_space<vmem>>, vector<200x1xf32>,
    %get3A_208 = arith.constant 19 : index
    %get3A_209 = arith.constant 0 : index
    %get3A_210 = arith.constant 0 : index
    %get3A_211 = vector.load %arg2[%get3A_208, %get3A_209, %get3A_210] : memref<64x200x128xf32, #tpu.memory_space<vmem>>, vector<1x200x128xf32>
    %get3A_212 = vector.shape_cast %get3A_211 : vector<1x200x128xf32> to vector<200x128xf32>
    %slice3A_213 = vector.extract_strided_slice %transpose3A {offsets = [0, 19], sizes = [128, 1], strides = [1, 1]} : vector<128x64xf32> to vector<128x1xf32>
    %dot_general3A_214 = arith.constant dense<0.000000e+00> : vector<200x1xf32>
    %dot_general3A_215 = tpu.matmul %get3A_212, %slice3A_213, %dot_general3A_214 {dimension_numbers = #tpu.dot_dimension_numbers<[1], [0], [0], [1], [0, 0, 1, 1], [], []>, transpose_lhs_hint = false} : vector<200x128xf32>, vector<128x1xf32>, vector<200x1xf32> -> vector<200x1xf32>
    %swap3A_216 = arith.constant 0 : index
    %swap3A_217 = arith.constant 19 : index
    %swap3A_218 = vector.load %arg5[%swap3A_216, %swap3A_217] : memref<200x64xf32, #tpu.memory_space<vmem>>, vector<200x1xf32>
    tpu.vector_store %arg5[%swap3A_216, %swap3A_217], %dot_general3A_215 {strides = array<i32>} : memref<200x64xf32, #tpu.memory_space<vmem>>, vector<200x1xf32>,
    %get3A_219 = arith.constant 20 : index
    %get3A_220 = arith.constant 0 : index
    %get3A_221 = arith.constant 0 : index
    %get3A_222 = vector.load %arg2[%get3A_219, %get3A_220, %get3A_221] : memref<64x200x128xf32, #tpu.memory_space<vmem>>, vector<1x200x128xf32>
    %get3A_223 = vector.shape_cast %get3A_222 : vector<1x200x128xf32> to vector<200x128xf32>
    %slice3A_224 = vector.extract_strided_slice %transpose3A {offsets = [0, 20], sizes = [128, 1], strides = [1, 1]} : vector<128x64xf32> to vector<128x1xf32>
    %dot_general3A_225 = arith.constant dense<0.000000e+00> : vector<200x1xf32>
    %dot_general3A_226 = tpu.matmul %get3A_223, %slice3A_224, %dot_general3A_225 {dimension_numbers = #tpu.dot_dimension_numbers<[1], [0], [0], [1], [0, 0, 1, 1], [], []>, transpose_lhs_hint = false} : vector<200x128xf32>, vector<128x1xf32>, vector<200x1xf32> -> vector<200x1xf32>
    %swap3A_227 = arith.constant 0 : index
    %swap3A_228 = arith.constant 20 : index
    %swap3A_229 = vector.load %arg5[%swap3A_227, %swap3A_228] : memref<200x64xf32, #tpu.memory_space<vmem>>, vector<200x1xf32>
    tpu.vector_store %arg5[%swap3A_227, %swap3A_228], %dot_general3A_226 {strides = array<i32>} : memref<200x64xf32, #tpu.memory_space<vmem>>, vector<200x1xf32>,
    %get3A_230 = arith.constant 21 : index
    %get3A_231 = arith.constant 0 : index
    %get3A_232 = arith.constant 0 : index
    %get3A_233 = vector.load %arg2[%get3A_230, %get3A_231, %get3A_232] : memref<64x200x128xf32, #tpu.memory_space<vmem>>, vector<1x200x128xf32>
    %get3A_234 = vector.shape_cast %get3A_233 : vector<1x200x128xf32> to vector<200x128xf32>
    %slice3A_235 = vector.extract_strided_slice %transpose3A {offsets = [0, 21], sizes = [128, 1], strides = [1, 1]} : vector<128x64xf32> to vector<128x1xf32>
    %dot_general3A_236 = arith.constant dense<0.000000e+00> : vector<200x1xf32>
    %dot_general3A_237 = tpu.matmul %get3A_234, %slice3A_235, %dot_general3A_236 {dimension_numbers = #tpu.dot_dimension_numbers<[1], [0], [0], [1], [0, 0, 1, 1], [], []>, transpose_lhs_hint = false} : vector<200x128xf32>, vector<128x1xf32>, vector<200x1xf32> -> vector<200x1xf32>
    %swap3A_238 = arith.constant 0 : index
    %swap3A_239 = arith.constant 21 : index
    %swap3A_240 = vector.load %arg5[%swap3A_238, %swap3A_239] : memref<200x64xf32, #tpu.memory_space<vmem>>, vector<200x1xf32>
    tpu.vector_store %arg5[%swap3A_238, %swap3A_239], %dot_general3A_237 {strides = array<i32>} : memref<200x64xf32, #tpu.memory_space<vmem>>, vector<200x1xf32>,
    %get3A_241 = arith.constant 22 : index
    %get3A_242 = arith.constant 0 : index
    %get3A_243 = arith.constant 0 : index
    %get3A_244 = vector.load %arg2[%get3A_241, %get3A_242, %get3A_243] : memref<64x200x128xf32, #tpu.memory_space<vmem>>, vector<1x200x128xf32>
    %get3A_245 = vector.shape_cast %get3A_244 : vector<1x200x128xf32> to vector<200x128xf32>
    %slice3A_246 = vector.extract_strided_slice %transpose3A {offsets = [0, 22], sizes = [128, 1], strides = [1, 1]} : vector<128x64xf32> to vector<128x1xf32>
    %dot_general3A_247 = arith.constant dense<0.000000e+00> : vector<200x1xf32>
    %dot_general3A_248 = tpu.matmul %get3A_245, %slice3A_246, %dot_general3A_247 {dimension_numbers = #tpu.dot_dimension_numbers<[1], [0], [0], [1], [0, 0, 1, 1], [], []>, transpose_lhs_hint = false} : vector<200x128xf32>, vector<128x1xf32>, vector<200x1xf32> -> vector<200x1xf32>
    %swap3A_249 = arith.constant 0 : index
    %swap3A_250 = arith.constant 22 : index
    %swap3A_251 = vector.load %arg5[%swap3A_249, %swap3A_250] : memref<200x64xf32, #tpu.memory_space<vmem>>, vector<200x1xf32>
    tpu.vector_store %arg5[%swap3A_249, %swap3A_250], %dot_general3A_248 {strides = array<i32>} : memref<200x64xf32, #tpu.memory_space<vmem>>, vector<200x1xf32>,
    %get3A_252 = arith.constant 23 : index
    %get3A_253 = arith.constant 0 : index
    %get3A_254 = arith.constant 0 : index
    %get3A_255 = vector.load %arg2[%get3A_252, %get3A_253, %get3A_254] : memref<64x200x128xf32, #tpu.memory_space<vmem>>, vector<1x200x128xf32>
    %get3A_256 = vector.shape_cast %get3A_255 : vector<1x200x128xf32> to vector<200x128xf32>
    %slice3A_257 = vector.extract_strided_slice %transpose3A {offsets = [0, 23], sizes = [128, 1], strides = [1, 1]} : vector<128x64xf32> to vector<128x1xf32>
    %dot_general3A_258 = arith.constant dense<0.000000e+00> : vector<200x1xf32>
    %dot_general3A_259 = tpu.matmul %get3A_256, %slice3A_257, %dot_general3A_258 {dimension_numbers = #tpu.dot_dimension_numbers<[1], [0], [0], [1], [0, 0, 1, 1], [], []>, transpose_lhs_hint = false} : vector<200x128xf32>, vector<128x1xf32>, vector<200x1xf32> -> vector<200x1xf32>
    %swap3A_260 = arith.constant 0 : index
    %swap3A_261 = arith.constant 23 : index
    %swap3A_262 = vector.load %arg5[%swap3A_260, %swap3A_261] : memref<200x64xf32, #tpu.memory_space<vmem>>, vector<200x1xf32>
    tpu.vector_store %arg5[%swap3A_260, %swap3A_261], %dot_general3A_259 {strides = array<i32>} : memref<200x64xf32, #tpu.memory_space<vmem>>, vector<200x1xf32>,
    %get3A_263 = arith.constant 24 : index
    %get3A_264 = arith.constant 0 : index
    %get3A_265 = arith.constant 0 : index
    %get3A_266 = vector.load %arg2[%get3A_263, %get3A_264, %get3A_265] : memref<64x200x128xf32, #tpu.memory_space<vmem>>, vector<1x200x128xf32>
    %get3A_267 = vector.shape_cast %get3A_266 : vector<1x200x128xf32> to vector<200x128xf32>
    %slice3A_268 = vector.extract_strided_slice %transpose3A {offsets = [0, 24], sizes = [128, 1], strides = [1, 1]} : vector<128x64xf32> to vector<128x1xf32>
    %dot_general3A_269 = arith.constant dense<0.000000e+00> : vector<200x1xf32>
    %dot_general3A_270 = tpu.matmul %get3A_267, %slice3A_268, %dot_general3A_269 {dimension_numbers = #tpu.dot_dimension_numbers<[1], [0], [0], [1], [0, 0, 1, 1], [], []>, transpose_lhs_hint = false} : vector<200x128xf32>, vector<128x1xf32>, vector<200x1xf32> -> vector<200x1xf32>
    %swap3A_271 = arith.constant 0 : index
    %swap3A_272 = arith.constant 24 : index
    %swap3A_273 = vector.load %arg5[%swap3A_271, %swap3A_272] : memref<200x64xf32, #tpu.memory_space<vmem>>, vector<200x1xf32>
    tpu.vector_store %arg5[%swap3A_271, %swap3A_272], %dot_general3A_270 {strides = array<i32>} : memref<200x64xf32, #tpu.memory_space<vmem>>, vector<200x1xf32>,
    %get3A_274 = arith.constant 25 : index
    %get3A_275 = arith.constant 0 : index
    %get3A_276 = arith.constant 0 : index
    %get3A_277 = vector.load %arg2[%get3A_274, %get3A_275, %get3A_276] : memref<64x200x128xf32, #tpu.memory_space<vmem>>, vector<1x200x128xf32>
    %get3A_278 = vector.shape_cast %get3A_277 : vector<1x200x128xf32> to vector<200x128xf32>
    %slice3A_279 = vector.extract_strided_slice %transpose3A {offsets = [0, 25], sizes = [128, 1], strides = [1, 1]} : vector<128x64xf32> to vector<128x1xf32>
    %dot_general3A_280 = arith.constant dense<0.000000e+00> : vector<200x1xf32>
    %dot_general3A_281 = tpu.matmul %get3A_278, %slice3A_279, %dot_general3A_280 {dimension_numbers = #tpu.dot_dimension_numbers<[1], [0], [0], [1], [0, 0, 1, 1], [], []>, transpose_lhs_hint = false} : vector<200x128xf32>, vector<128x1xf32>, vector<200x1xf32> -> vector<200x1xf32>
    %swap3A_282 = arith.constant 0 : index
    %swap3A_283 = arith.constant 25 : index
    %swap3A_284 = vector.load %arg5[%swap3A_282, %swap3A_283] : memref<200x64xf32, #tpu.memory_space<vmem>>, vector<200x1xf32>
    tpu.vector_store %arg5[%swap3A_282, %swap3A_283], %dot_general3A_281 {strides = array<i32>} : memref<200x64xf32, #tpu.memory_space<vmem>>, vector<200x1xf32>,
    %get3A_285 = arith.constant 26 : index
    %get3A_286 = arith.constant 0 : index
    %get3A_287 = arith.constant 0 : index
    %get3A_288 = vector.load %arg2[%get3A_285, %get3A_286, %get3A_287] : memref<64x200x128xf32, #tpu.memory_space<vmem>>, vector<1x200x128xf32>
    %get3A_289 = vector.shape_cast %get3A_288 : vector<1x200x128xf32> to vector<200x128xf32>
    %slice3A_290 = vector.extract_strided_slice %transpose3A {offsets = [0, 26], sizes = [128, 1], strides = [1, 1]} : vector<128x64xf32> to vector<128x1xf32>
    %dot_general3A_291 = arith.constant dense<0.000000e+00> : vector<200x1xf32>
    %dot_general3A_292 = tpu.matmul %get3A_289, %slice3A_290, %dot_general3A_291 {dimension_numbers = #tpu.dot_dimension_numbers<[1], [0], [0], [1], [0, 0, 1, 1], [], []>, transpose_lhs_hint = false} : vector<200x128xf32>, vector<128x1xf32>, vector<200x1xf32> -> vector<200x1xf32>
    %swap3A_293 = arith.constant 0 : index
    %swap3A_294 = arith.constant 26 : index
    %swap3A_295 = vector.load %arg5[%swap3A_293, %swap3A_294] : memref<200x64xf32, #tpu.memory_space<vmem>>, vector<200x1xf32>
    tpu.vector_store %arg5[%swap3A_293, %swap3A_294], %dot_general3A_292 {strides = array<i32>} : memref<200x64xf32, #tpu.memory_space<vmem>>, vector<200x1xf32>,
    %get3A_296 = arith.constant 27 : index
    %get3A_297 = arith.constant 0 : index
    %get3A_298 = arith.constant 0 : index
    %get3A_299 = vector.load %arg2[%get3A_296, %get3A_297, %get3A_298] : memref<64x200x128xf32, #tpu.memory_space<vmem>>, vector<1x200x128xf32>
    %get3A_300 = vector.shape_cast %get3A_299 : vector<1x200x128xf32> to vector<200x128xf32>
    %slice3A_301 = vector.extract_strided_slice %transpose3A {offsets = [0, 27], sizes = [128, 1], strides = [1, 1]} : vector<128x64xf32> to vector<128x1xf32>
    %dot_general3A_302 = arith.constant dense<0.000000e+00> : vector<200x1xf32>
    %dot_general3A_303 = tpu.matmul %get3A_300, %slice3A_301, %dot_general3A_302 {dimension_numbers = #tpu.dot_dimension_numbers<[1], [0], [0], [1], [0, 0, 1, 1], [], []>, transpose_lhs_hint = false} : vector<200x128xf32>, vector<128x1xf32>, vector<200x1xf32> -> vector<200x1xf32>
    %swap3A_304 = arith.constant 0 : index
    %swap3A_305 = arith.constant 27 : index
    %swap3A_306 = vector.load %arg5[%swap3A_304, %swap3A_305] : memref<200x64xf32, #tpu.memory_space<vmem>>, vector<200x1xf32>
    tpu.vector_store %arg5[%swap3A_304, %swap3A_305], %dot_general3A_303 {strides = array<i32>} : memref<200x64xf32, #tpu.memory_space<vmem>>, vector<200x1xf32>,
    %get3A_307 = arith.constant 28 : index
    %get3A_308 = arith.constant 0 : index
    %get3A_309 = arith.constant 0 : index
    %get3A_310 = vector.load %arg2[%get3A_307, %get3A_308, %get3A_309] : memref<64x200x128xf32, #tpu.memory_space<vmem>>, vector<1x200x128xf32>
    %get3A_311 = vector.shape_cast %get3A_310 : vector<1x200x128xf32> to vector<200x128xf32>
    %slice3A_312 = vector.extract_strided_slice %transpose3A {offsets = [0, 28], sizes = [128, 1], strides = [1, 1]} : vector<128x64xf32> to vector<128x1xf32>
    %dot_general3A_313 = arith.constant dense<0.000000e+00> : vector<200x1xf32>
    %dot_general3A_314 = tpu.matmul %get3A_311, %slice3A_312, %dot_general3A_313 {dimension_numbers = #tpu.dot_dimension_numbers<[1], [0], [0], [1], [0, 0, 1, 1], [], []>, transpose_lhs_hint = false} : vector<200x128xf32>, vector<128x1xf32>, vector<200x1xf32> -> vector<200x1xf32>
    %swap3A_315 = arith.constant 0 : index
    %swap3A_316 = arith.constant 28 : index
    %swap3A_317 = vector.load %arg5[%swap3A_315, %swap3A_316] : memref<200x64xf32, #tpu.memory_space<vmem>>, vector<200x1xf32>
    tpu.vector_store %arg5[%swap3A_315, %swap3A_316], %dot_general3A_314 {strides = array<i32>} : memref<200x64xf32, #tpu.memory_space<vmem>>, vector<200x1xf32>,
    %get3A_318 = arith.constant 29 : index
    %get3A_319 = arith.constant 0 : index
    %get3A_320 = arith.constant 0 : index
    %get3A_321 = vector.load %arg2[%get3A_318, %get3A_319, %get3A_320] : memref<64x200x128xf32, #tpu.memory_space<vmem>>, vector<1x200x128xf32>
    %get3A_322 = vector.shape_cast %get3A_321 : vector<1x200x128xf32> to vector<200x128xf32>
    %slice3A_323 = vector.extract_strided_slice %transpose3A {offsets = [0, 29], sizes = [128, 1], strides = [1, 1]} : vector<128x64xf32> to vector<128x1xf32>
    %dot_general3A_324 = arith.constant dense<0.000000e+00> : vector<200x1xf32>
    %dot_general3A_325 = tpu.matmul %get3A_322, %slice3A_323, %dot_general3A_324 {dimension_numbers = #tpu.dot_dimension_numbers<[1], [0], [0], [1], [0, 0, 1, 1], [], []>, transpose_lhs_hint = false} : vector<200x128xf32>, vector<128x1xf32>, vector<200x1xf32> -> vector<200x1xf32>
    %swap3A_326 = arith.constant 0 : index
    %swap3A_327 = arith.constant 29 : index
    %swap3A_328 = vector.load %arg5[%swap3A_326, %swap3A_327] : memref<200x64xf32, #tpu.memory_space<vmem>>, vector<200x1xf32>
    tpu.vector_store %arg5[%swap3A_326, %swap3A_327], %dot_general3A_325 {strides = array<i32>} : memref<200x64xf32, #tpu.memory_space<vmem>>, vector<200x1xf32>,
    %get3A_329 = arith.constant 30 : index
    %get3A_330 = arith.constant 0 : index
    %get3A_331 = arith.constant 0 : index
    %get3A_332 = vector.load %arg2[%get3A_329, %get3A_330, %get3A_331] : memref<64x200x128xf32, #tpu.memory_space<vmem>>, vector<1x200x128xf32>
    %get3A_333 = vector.shape_cast %get3A_332 : vector<1x200x128xf32> to vector<200x128xf32>
    %slice3A_334 = vector.extract_strided_slice %transpose3A {offsets = [0, 30], sizes = [128, 1], strides = [1, 1]} : vector<128x64xf32> to vector<128x1xf32>
    %dot_general3A_335 = arith.constant dense<0.000000e+00> : vector<200x1xf32>
    %dot_general3A_336 = tpu.matmul %get3A_333, %slice3A_334, %dot_general3A_335 {dimension_numbers = #tpu.dot_dimension_numbers<[1], [0], [0], [1], [0, 0, 1, 1], [], []>, transpose_lhs_hint = false} : vector<200x128xf32>, vector<128x1xf32>, vector<200x1xf32> -> vector<200x1xf32>
    %swap3A_337 = arith.constant 0 : index
    %swap3A_338 = arith.constant 30 : index
    %swap3A_339 = vector.load %arg5[%swap3A_337, %swap3A_338] : memref<200x64xf32, #tpu.memory_space<vmem>>, vector<200x1xf32>
    tpu.vector_store %arg5[%swap3A_337, %swap3A_338], %dot_general3A_336 {strides = array<i32>} : memref<200x64xf32, #tpu.memory_space<vmem>>, vector<200x1xf32>,
    %get3A_340 = arith.constant 31 : index
    %get3A_341 = arith.constant 0 : index
    %get3A_342 = arith.constant 0 : index
    %get3A_343 = vector.load %arg2[%get3A_340, %get3A_341, %get3A_342] : memref<64x200x128xf32, #tpu.memory_space<vmem>>, vector<1x200x128xf32>
    %get3A_344 = vector.shape_cast %get3A_343 : vector<1x200x128xf32> to vector<200x128xf32>
    %slice3A_345 = vector.extract_strided_slice %transpose3A {offsets = [0, 31], sizes = [128, 1], strides = [1, 1]} : vector<128x64xf32> to vector<128x1xf32>
    %dot_general3A_346 = arith.constant dense<0.000000e+00> : vector<200x1xf32>
    %dot_general3A_347 = tpu.matmul %get3A_344, %slice3A_345, %dot_general3A_346 {dimension_numbers = #tpu.dot_dimension_numbers<[1], [0], [0], [1], [0, 0, 1, 1], [], []>, transpose_lhs_hint = false} : vector<200x128xf32>, vector<128x1xf32>, vector<200x1xf32> -> vector<200x1xf32>
    %swap3A_348 = arith.constant 0 : index
    %swap3A_349 = arith.constant 31 : index
    %swap3A_350 = vector.load %arg5[%swap3A_348, %swap3A_349] : memref<200x64xf32, #tpu.memory_space<vmem>>, vector<200x1xf32>
    tpu.vector_store %arg5[%swap3A_348, %swap3A_349], %dot_general3A_347 {strides = array<i32>} : memref<200x64xf32, #tpu.memory_space<vmem>>, vector<200x1xf32>,
    %get3A_351 = arith.constant 32 : index
    %get3A_352 = arith.constant 0 : index
    %get3A_353 = arith.constant 0 : index
    %get3A_354 = vector.load %arg2[%get3A_351, %get3A_352, %get3A_353] : memref<64x200x128xf32, #tpu.memory_space<vmem>>, vector<1x200x128xf32>
    %get3A_355 = vector.shape_cast %get3A_354 : vector<1x200x128xf32> to vector<200x128xf32>
    %slice3A_356 = vector.extract_strided_slice %transpose3A {offsets = [0, 32], sizes = [128, 1], strides = [1, 1]} : vector<128x64xf32> to vector<128x1xf32>
    %dot_general3A_357 = arith.constant dense<0.000000e+00> : vector<200x1xf32>
    %dot_general3A_358 = tpu.matmul %get3A_355, %slice3A_356, %dot_general3A_357 {dimension_numbers = #tpu.dot_dimension_numbers<[1], [0], [0], [1], [0, 0, 1, 1], [], []>, transpose_lhs_hint = false} : vector<200x128xf32>, vector<128x1xf32>, vector<200x1xf32> -> vector<200x1xf32>
    %swap3A_359 = arith.constant 0 : index
    %swap3A_360 = arith.constant 32 : index
    %swap3A_361 = vector.load %arg5[%swap3A_359, %swap3A_360] : memref<200x64xf32, #tpu.memory_space<vmem>>, vector<200x1xf32>
    tpu.vector_store %arg5[%swap3A_359, %swap3A_360], %dot_general3A_358 {strides = array<i32>} : memref<200x64xf32, #tpu.memory_space<vmem>>, vector<200x1xf32>,
    %get3A_362 = arith.constant 33 : index
    %get3A_363 = arith.constant 0 : index
    %get3A_364 = arith.constant 0 : index
    %get3A_365 = vector.load %arg2[%get3A_362, %get3A_363, %get3A_364] : memref<64x200x128xf32, #tpu.memory_space<vmem>>, vector<1x200x128xf32>
    %get3A_366 = vector.shape_cast %get3A_365 : vector<1x200x128xf32> to vector<200x128xf32>
    %slice3A_367 = vector.extract_strided_slice %transpose3A {offsets = [0, 33], sizes = [128, 1], strides = [1, 1]} : vector<128x64xf32> to vector<128x1xf32>
    %dot_general3A_368 = arith.constant dense<0.000000e+00> : vector<200x1xf32>
    %dot_general3A_369 = tpu.matmul %get3A_366, %slice3A_367, %dot_general3A_368 {dimension_numbers = #tpu.dot_dimension_numbers<[1], [0], [0], [1], [0, 0, 1, 1], [], []>, transpose_lhs_hint = false} : vector<200x128xf32>, vector<128x1xf32>, vector<200x1xf32> -> vector<200x1xf32>
    %swap3A_370 = arith.constant 0 : index
    %swap3A_371 = arith.constant 33 : index
    %swap3A_372 = vector.load %arg5[%swap3A_370, %swap3A_371] : memref<200x64xf32, #tpu.memory_space<vmem>>, vector<200x1xf32>
    tpu.vector_store %arg5[%swap3A_370, %swap3A_371], %dot_general3A_369 {strides = array<i32>} : memref<200x64xf32, #tpu.memory_space<vmem>>, vector<200x1xf32>,
    %get3A_373 = arith.constant 34 : index
    %get3A_374 = arith.constant 0 : index
    %get3A_375 = arith.constant 0 : index
    %get3A_376 = vector.load %arg2[%get3A_373, %get3A_374, %get3A_375] : memref<64x200x128xf32, #tpu.memory_space<vmem>>, vector<1x200x128xf32>
    %get3A_377 = vector.shape_cast %get3A_376 : vector<1x200x128xf32> to vector<200x128xf32>
    %slice3A_378 = vector.extract_strided_slice %transpose3A {offsets = [0, 34], sizes = [128, 1], strides = [1, 1]} : vector<128x64xf32> to vector<128x1xf32>
    %dot_general3A_379 = arith.constant dense<0.000000e+00> : vector<200x1xf32>
    %dot_general3A_380 = tpu.matmul %get3A_377, %slice3A_378, %dot_general3A_379 {dimension_numbers = #tpu.dot_dimension_numbers<[1], [0], [0], [1], [0, 0, 1, 1], [], []>, transpose_lhs_hint = false} : vector<200x128xf32>, vector<128x1xf32>, vector<200x1xf32> -> vector<200x1xf32>
    %swap3A_381 = arith.constant 0 : index
    %swap3A_382 = arith.constant 34 : index
    %swap3A_383 = vector.load %arg5[%swap3A_381, %swap3A_382] : memref<200x64xf32, #tpu.memory_space<vmem>>, vector<200x1xf32>
    tpu.vector_store %arg5[%swap3A_381, %swap3A_382], %dot_general3A_380 {strides = array<i32>} : memref<200x64xf32, #tpu.memory_space<vmem>>, vector<200x1xf32>,
    %get3A_384 = arith.constant 35 : index
    %get3A_385 = arith.constant 0 : index
    %get3A_386 = arith.constant 0 : index
    %get3A_387 = vector.load %arg2[%get3A_384, %get3A_385, %get3A_386] : memref<64x200x128xf32, #tpu.memory_space<vmem>>, vector<1x200x128xf32>
    %get3A_388 = vector.shape_cast %get3A_387 : vector<1x200x128xf32> to vector<200x128xf32>
    %slice3A_389 = vector.extract_strided_slice %transpose3A {offsets = [0, 35], sizes = [128, 1], strides = [1, 1]} : vector<128x64xf32> to vector<128x1xf32>
    %dot_general3A_390 = arith.constant dense<0.000000e+00> : vector<200x1xf32>
    %dot_general3A_391 = tpu.matmul %get3A_388, %slice3A_389, %dot_general3A_390 {dimension_numbers = #tpu.dot_dimension_numbers<[1], [0], [0], [1], [0, 0, 1, 1], [], []>, transpose_lhs_hint = false} : vector<200x128xf32>, vector<128x1xf32>, vector<200x1xf32> -> vector<200x1xf32>
    %swap3A_392 = arith.constant 0 : index
    %swap3A_393 = arith.constant 35 : index
    %swap3A_394 = vector.load %arg5[%swap3A_392, %swap3A_393] : memref<200x64xf32, #tpu.memory_space<vmem>>, vector<200x1xf32>
    tpu.vector_store %arg5[%swap3A_392, %swap3A_393], %dot_general3A_391 {strides = array<i32>} : memref<200x64xf32, #tpu.memory_space<vmem>>, vector<200x1xf32>,
    %get3A_395 = arith.constant 36 : index
    %get3A_396 = arith.constant 0 : index
    %get3A_397 = arith.constant 0 : index
    %get3A_398 = vector.load %arg2[%get3A_395, %get3A_396, %get3A_397] : memref<64x200x128xf32, #tpu.memory_space<vmem>>, vector<1x200x128xf32>
    %get3A_399 = vector.shape_cast %get3A_398 : vector<1x200x128xf32> to vector<200x128xf32>
    %slice3A_400 = vector.extract_strided_slice %transpose3A {offsets = [0, 36], sizes = [128, 1], strides = [1, 1]} : vector<128x64xf32> to vector<128x1xf32>
    %dot_general3A_401 = arith.constant dense<0.000000e+00> : vector<200x1xf32>
    %dot_general3A_402 = tpu.matmul %get3A_399, %slice3A_400, %dot_general3A_401 {dimension_numbers = #tpu.dot_dimension_numbers<[1], [0], [0], [1], [0, 0, 1, 1], [], []>, transpose_lhs_hint = false} : vector<200x128xf32>, vector<128x1xf32>, vector<200x1xf32> -> vector<200x1xf32>
    %swap3A_403 = arith.constant 0 : index
    %swap3A_404 = arith.constant 36 : index
    %swap3A_405 = vector.load %arg5[%swap3A_403, %swap3A_404] : memref<200x64xf32, #tpu.memory_space<vmem>>, vector<200x1xf32>
    tpu.vector_store %arg5[%swap3A_403, %swap3A_404], %dot_general3A_402 {strides = array<i32>} : memref<200x64xf32, #tpu.memory_space<vmem>>, vector<200x1xf32>,
    %get3A_406 = arith.constant 37 : index
    %get3A_407 = arith.constant 0 : index
    %get3A_408 = arith.constant 0 : index
    %get3A_409 = vector.load %arg2[%get3A_406, %get3A_407, %get3A_408] : memref<64x200x128xf32, #tpu.memory_space<vmem>>, vector<1x200x128xf32>
    %get3A_410 = vector.shape_cast %get3A_409 : vector<1x200x128xf32> to vector<200x128xf32>
    %slice3A_411 = vector.extract_strided_slice %transpose3A {offsets = [0, 37], sizes = [128, 1], strides = [1, 1]} : vector<128x64xf32> to vector<128x1xf32>
    %dot_general3A_412 = arith.constant dense<0.000000e+00> : vector<200x1xf32>
    %dot_general3A_413 = tpu.matmul %get3A_410, %slice3A_411, %dot_general3A_412 {dimension_numbers = #tpu.dot_dimension_numbers<[1], [0], [0], [1], [0, 0, 1, 1], [], []>, transpose_lhs_hint = false} : vector<200x128xf32>, vector<128x1xf32>, vector<200x1xf32> -> vector<200x1xf32>
    %swap3A_414 = arith.constant 0 : index
    %swap3A_415 = arith.constant 37 : index
    %swap3A_416 = vector.load %arg5[%swap3A_414, %swap3A_415] : memref<200x64xf32, #tpu.memory_space<vmem>>, vector<200x1xf32>
    tpu.vector_store %arg5[%swap3A_414, %swap3A_415], %dot_general3A_413 {strides = array<i32>} : memref<200x64xf32, #tpu.memory_space<vmem>>, vector<200x1xf32>,
    %get3A_417 = arith.constant 38 : index
    %get3A_418 = arith.constant 0 : index
    %get3A_419 = arith.constant 0 : index
    %get3A_420 = vector.load %arg2[%get3A_417, %get3A_418, %get3A_419] : memref<64x200x128xf32, #tpu.memory_space<vmem>>, vector<1x200x128xf32>
    %get3A_421 = vector.shape_cast %get3A_420 : vector<1x200x128xf32> to vector<200x128xf32>
    %slice3A_422 = vector.extract_strided_slice %transpose3A {offsets = [0, 38], sizes = [128, 1], strides = [1, 1]} : vector<128x64xf32> to vector<128x1xf32>
    %dot_general3A_423 = arith.constant dense<0.000000e+00> : vector<200x1xf32>
    %dot_general3A_424 = tpu.matmul %get3A_421, %slice3A_422, %dot_general3A_423 {dimension_numbers = #tpu.dot_dimension_numbers<[1], [0], [0], [1], [0, 0, 1, 1], [], []>, transpose_lhs_hint = false} : vector<200x128xf32>, vector<128x1xf32>, vector<200x1xf32> -> vector<200x1xf32>
    %swap3A_425 = arith.constant 0 : index
    %swap3A_426 = arith.constant 38 : index
    %swap3A_427 = vector.load %arg5[%swap3A_425, %swap3A_426] : memref<200x64xf32, #tpu.memory_space<vmem>>, vector<200x1xf32>
    tpu.vector_store %arg5[%swap3A_425, %swap3A_426], %dot_general3A_424 {strides = array<i32>} : memref<200x64xf32, #tpu.memory_space<vmem>>, vector<200x1xf32>,
    %get3A_428 = arith.constant 39 : index
    %get3A_429 = arith.constant 0 : index
    %get3A_430 = arith.constant 0 : index
    %get3A_431 = vector.load %arg2[%get3A_428, %get3A_429, %get3A_430] : memref<64x200x128xf32, #tpu.memory_space<vmem>>, vector<1x200x128xf32>
    %get3A_432 = vector.shape_cast %get3A_431 : vector<1x200x128xf32> to vector<200x128xf32>
    %slice3A_433 = vector.extract_strided_slice %transpose3A {offsets = [0, 39], sizes = [128, 1], strides = [1, 1]} : vector<128x64xf32> to vector<128x1xf32>
    %dot_general3A_434 = arith.constant dense<0.000000e+00> : vector<200x1xf32>
    %dot_general3A_435 = tpu.matmul %get3A_432, %slice3A_433, %dot_general3A_434 {dimension_numbers = #tpu.dot_dimension_numbers<[1], [0], [0], [1], [0, 0, 1, 1], [], []>, transpose_lhs_hint = false} : vector<200x128xf32>, vector<128x1xf32>, vector<200x1xf32> -> vector<200x1xf32>
    %swap3A_436 = arith.constant 0 : index
    %swap3A_437 = arith.constant 39 : index
    %swap3A_438 = vector.load %arg5[%swap3A_436, %swap3A_437] : memref<200x64xf32, #tpu.memory_space<vmem>>, vector<200x1xf32>
    tpu.vector_store %arg5[%swap3A_436, %swap3A_437], %dot_general3A_435 {strides = array<i32>} : memref<200x64xf32, #tpu.memory_space<vmem>>, vector<200x1xf32>,
    %get3A_439 = arith.constant 40 : index
    %get3A_440 = arith.constant 0 : index
    %get3A_441 = arith.constant 0 : index
    %get3A_442 = vector.load %arg2[%get3A_439, %get3A_440, %get3A_441] : memref<64x200x128xf32, #tpu.memory_space<vmem>>, vector<1x200x128xf32>
    %get3A_443 = vector.shape_cast %get3A_442 : vector<1x200x128xf32> to vector<200x128xf32>
    %slice3A_444 = vector.extract_strided_slice %transpose3A {offsets = [0, 40], sizes = [128, 1], strides = [1, 1]} : vector<128x64xf32> to vector<128x1xf32>
    %dot_general3A_445 = arith.constant dense<0.000000e+00> : vector<200x1xf32>
    %dot_general3A_446 = tpu.matmul %get3A_443, %slice3A_444, %dot_general3A_445 {dimension_numbers = #tpu.dot_dimension_numbers<[1], [0], [0], [1], [0, 0, 1, 1], [], []>, transpose_lhs_hint = false} : vector<200x128xf32>, vector<128x1xf32>, vector<200x1xf32> -> vector<200x1xf32>
    %swap3A_447 = arith.constant 0 : index
    %swap3A_448 = arith.constant 40 : index
    %swap3A_449 = vector.load %arg5[%swap3A_447, %swap3A_448] : memref<200x64xf32, #tpu.memory_space<vmem>>, vector<200x1xf32>
    tpu.vector_store %arg5[%swap3A_447, %swap3A_448], %dot_general3A_446 {strides = array<i32>} : memref<200x64xf32, #tpu.memory_space<vmem>>, vector<200x1xf32>,
    %get3A_450 = arith.constant 41 : index
    %get3A_451 = arith.constant 0 : index
    %get3A_452 = arith.constant 0 : index
    %get3A_453 = vector.load %arg2[%get3A_450, %get3A_451, %get3A_452] : memref<64x200x128xf32, #tpu.memory_space<vmem>>, vector<1x200x128xf32>
    %get3A_454 = vector.shape_cast %get3A_453 : vector<1x200x128xf32> to vector<200x128xf32>
    %slice3A_455 = vector.extract_strided_slice %transpose3A {offsets = [0, 41], sizes = [128, 1], strides = [1, 1]} : vector<128x64xf32> to vector<128x1xf32>
    %dot_general3A_456 = arith.constant dense<0.000000e+00> : vector<200x1xf32>
    %dot_general3A_457 = tpu.matmul %get3A_454, %slice3A_455, %dot_general3A_456 {dimension_numbers = #tpu.dot_dimension_numbers<[1], [0], [0], [1], [0, 0, 1, 1], [], []>, transpose_lhs_hint = false} : vector<200x128xf32>, vector<128x1xf32>, vector<200x1xf32> -> vector<200x1xf32>
    %swap3A_458 = arith.constant 0 : index
    %swap3A_459 = arith.constant 41 : index
    %swap3A_460 = vector.load %arg5[%swap3A_458, %swap3A_459] : memref<200x64xf32, #tpu.memory_space<vmem>>, vector<200x1xf32>
    tpu.vector_store %arg5[%swap3A_458, %swap3A_459], %dot_general3A_457 {strides = array<i32>} : memref<200x64xf32, #tpu.memory_space<vmem>>, vector<200x1xf32>,
    %get3A_461 = arith.constant 42 : index
    %get3A_462 = arith.constant 0 : index
    %get3A_463 = arith.constant 0 : index
    %get3A_464 = vector.load %arg2[%get3A_461, %get3A_462, %get3A_463] : memref<64x200x128xf32, #tpu.memory_space<vmem>>, vector<1x200x128xf32>
    %get3A_465 = vector.shape_cast %get3A_464 : vector<1x200x128xf32> to vector<200x128xf32>
    %slice3A_466 = vector.extract_strided_slice %transpose3A {offsets = [0, 42], sizes = [128, 1], strides = [1, 1]} : vector<128x64xf32> to vector<128x1xf32>
    %dot_general3A_467 = arith.constant dense<0.000000e+00> : vector<200x1xf32>
    %dot_general3A_468 = tpu.matmul %get3A_465, %slice3A_466, %dot_general3A_467 {dimension_numbers = #tpu.dot_dimension_numbers<[1], [0], [0], [1], [0, 0, 1, 1], [], []>, transpose_lhs_hint = false} : vector<200x128xf32>, vector<128x1xf32>, vector<200x1xf32> -> vector<200x1xf32>
    %swap3A_469 = arith.constant 0 : index
    %swap3A_470 = arith.constant 42 : index
    %swap3A_471 = vector.load %arg5[%swap3A_469, %swap3A_470] : memref<200x64xf32, #tpu.memory_space<vmem>>, vector<200x1xf32>
    tpu.vector_store %arg5[%swap3A_469, %swap3A_470], %dot_general3A_468 {strides = array<i32>} : memref<200x64xf32, #tpu.memory_space<vmem>>, vector<200x1xf32>,
    %get3A_472 = arith.constant 43 : index
    %get3A_473 = arith.constant 0 : index
    %get3A_474 = arith.constant 0 : index
    %get3A_475 = vector.load %arg2[%get3A_472, %get3A_473, %get3A_474] : memref<64x200x128xf32, #tpu.memory_space<vmem>>, vector<1x200x128xf32>
    %get3A_476 = vector.shape_cast %get3A_475 : vector<1x200x128xf32> to vector<200x128xf32>
    %slice3A_477 = vector.extract_strided_slice %transpose3A {offsets = [0, 43], sizes = [128, 1], strides = [1, 1]} : vector<128x64xf32> to vector<128x1xf32>
    %dot_general3A_478 = arith.constant dense<0.000000e+00> : vector<200x1xf32>
    %dot_general3A_479 = tpu.matmul %get3A_476, %slice3A_477, %dot_general3A_478 {dimension_numbers = #tpu.dot_dimension_numbers<[1], [0], [0], [1], [0, 0, 1, 1], [], []>, transpose_lhs_hint = false} : vector<200x128xf32>, vector<128x1xf32>, vector<200x1xf32> -> vector<200x1xf32>
    %swap3A_480 = arith.constant 0 : index
    %swap3A_481 = arith.constant 43 : index
    %swap3A_482 = vector.load %arg5[%swap3A_480, %swap3A_481] : memref<200x64xf32, #tpu.memory_space<vmem>>, vector<200x1xf32>
    tpu.vector_store %arg5[%swap3A_480, %swap3A_481], %dot_general3A_479 {strides = array<i32>} : memref<200x64xf32, #tpu.memory_space<vmem>>, vector<200x1xf32>,
    %get3A_483 = arith.constant 44 : index
    %get3A_484 = arith.constant 0 : index
    %get3A_485 = arith.constant 0 : index
    %get3A_486 = vector.load %arg2[%get3A_483, %get3A_484, %get3A_485] : memref<64x200x128xf32, #tpu.memory_space<vmem>>, vector<1x200x128xf32>
    %get3A_487 = vector.shape_cast %get3A_486 : vector<1x200x128xf32> to vector<200x128xf32>
    %slice3A_488 = vector.extract_strided_slice %transpose3A {offsets = [0, 44], sizes = [128, 1], strides = [1, 1]} : vector<128x64xf32> to vector<128x1xf32>
    %dot_general3A_489 = arith.constant dense<0.000000e+00> : vector<200x1xf32>
    %dot_general3A_490 = tpu.matmul %get3A_487, %slice3A_488, %dot_general3A_489 {dimension_numbers = #tpu.dot_dimension_numbers<[1], [0], [0], [1], [0, 0, 1, 1], [], []>, transpose_lhs_hint = false} : vector<200x128xf32>, vector<128x1xf32>, vector<200x1xf32> -> vector<200x1xf32>
    %swap3A_491 = arith.constant 0 : index
    %swap3A_492 = arith.constant 44 : index
    %swap3A_493 = vector.load %arg5[%swap3A_491, %swap3A_492] : memref<200x64xf32, #tpu.memory_space<vmem>>, vector<200x1xf32>
    tpu.vector_store %arg5[%swap3A_491, %swap3A_492], %dot_general3A_490 {strides = array<i32>} : memref<200x64xf32, #tpu.memory_space<vmem>>, vector<200x1xf32>,
    %get3A_494 = arith.constant 45 : index
    %get3A_495 = arith.constant 0 : index
    %get3A_496 = arith.constant 0 : index
    %get3A_497 = vector.load %arg2[%get3A_494, %get3A_495, %get3A_496] : memref<64x200x128xf32, #tpu.memory_space<vmem>>, vector<1x200x128xf32>
    %get3A_498 = vector.shape_cast %get3A_497 : vector<1x200x128xf32> to vector<200x128xf32>
    %slice3A_499 = vector.extract_strided_slice %transpose3A {offsets = [0, 45], sizes = [128, 1], strides = [1, 1]} : vector<128x64xf32> to vector<128x1xf32>
    %dot_general3A_500 = arith.constant dense<0.000000e+00> : vector<200x1xf32>
    %dot_general3A_501 = tpu.matmul %get3A_498, %slice3A_499, %dot_general3A_500 {dimension_numbers = #tpu.dot_dimension_numbers<[1], [0], [0], [1], [0, 0, 1, 1], [], []>, transpose_lhs_hint = false} : vector<200x128xf32>, vector<128x1xf32>, vector<200x1xf32> -> vector<200x1xf32>
    %swap3A_502 = arith.constant 0 : index
    %swap3A_503 = arith.constant 45 : index
    %swap3A_504 = vector.load %arg5[%swap3A_502, %swap3A_503] : memref<200x64xf32, #tpu.memory_space<vmem>>, vector<200x1xf32>
    tpu.vector_store %arg5[%swap3A_502, %swap3A_503], %dot_general3A_501 {strides = array<i32>} : memref<200x64xf32, #tpu.memory_space<vmem>>, vector<200x1xf32>,
    %get3A_505 = arith.constant 46 : index
    %get3A_506 = arith.constant 0 : index
    %get3A_507 = arith.constant 0 : index
    %get3A_508 = vector.load %arg2[%get3A_505, %get3A_506, %get3A_507] : memref<64x200x128xf32, #tpu.memory_space<vmem>>, vector<1x200x128xf32>
    %get3A_509 = vector.shape_cast %get3A_508 : vector<1x200x128xf32> to vector<200x128xf32>
    %slice3A_510 = vector.extract_strided_slice %transpose3A {offsets = [0, 46], sizes = [128, 1], strides = [1, 1]} : vector<128x64xf32> to vector<128x1xf32>
    %dot_general3A_511 = arith.constant dense<0.000000e+00> : vector<200x1xf32>
    %dot_general3A_512 = tpu.matmul %get3A_509, %slice3A_510, %dot_general3A_511 {dimension_numbers = #tpu.dot_dimension_numbers<[1], [0], [0], [1], [0, 0, 1, 1], [], []>, transpose_lhs_hint = false} : vector<200x128xf32>, vector<128x1xf32>, vector<200x1xf32> -> vector<200x1xf32>
    %swap3A_513 = arith.constant 0 : index
    %swap3A_514 = arith.constant 46 : index
    %swap3A_515 = vector.load %arg5[%swap3A_513, %swap3A_514] : memref<200x64xf32, #tpu.memory_space<vmem>>, vector<200x1xf32>
    tpu.vector_store %arg5[%swap3A_513, %swap3A_514], %dot_general3A_512 {strides = array<i32>} : memref<200x64xf32, #tpu.memory_space<vmem>>, vector<200x1xf32>,
    %get3A_516 = arith.constant 47 : index
    %get3A_517 = arith.constant 0 : index
    %get3A_518 = arith.constant 0 : index
    %get3A_519 = vector.load %arg2[%get3A_516, %get3A_517, %get3A_518] : memref<64x200x128xf32, #tpu.memory_space<vmem>>, vector<1x200x128xf32>
    %get3A_520 = vector.shape_cast %get3A_519 : vector<1x200x128xf32> to vector<200x128xf32>
    %slice3A_521 = vector.extract_strided_slice %transpose3A {offsets = [0, 47], sizes = [128, 1], strides = [1, 1]} : vector<128x64xf32> to vector<128x1xf32>
    %dot_general3A_522 = arith.constant dense<0.000000e+00> : vector<200x1xf32>
    %dot_general3A_523 = tpu.matmul %get3A_520, %slice3A_521, %dot_general3A_522 {dimension_numbers = #tpu.dot_dimension_numbers<[1], [0], [0], [1], [0, 0, 1, 1], [], []>, transpose_lhs_hint = false} : vector<200x128xf32>, vector<128x1xf32>, vector<200x1xf32> -> vector<200x1xf32>
    %swap3A_524 = arith.constant 0 : index
    %swap3A_525 = arith.constant 47 : index
    %swap3A_526 = vector.load %arg5[%swap3A_524, %swap3A_525] : memref<200x64xf32, #tpu.memory_space<vmem>>, vector<200x1xf32>
    tpu.vector_store %arg5[%swap3A_524, %swap3A_525], %dot_general3A_523 {strides = array<i32>} : memref<200x64xf32, #tpu.memory_space<vmem>>, vector<200x1xf32>,
    %get3A_527 = arith.constant 48 : index
    %get3A_528 = arith.constant 0 : index
    %get3A_529 = arith.constant 0 : index
    %get3A_530 = vector.load %arg2[%get3A_527, %get3A_528, %get3A_529] : memref<64x200x128xf32, #tpu.memory_space<vmem>>, vector<1x200x128xf32>
    %get3A_531 = vector.shape_cast %get3A_530 : vector<1x200x128xf32> to vector<200x128xf32>
    %slice3A_532 = vector.extract_strided_slice %transpose3A {offsets = [0, 48], sizes = [128, 1], strides = [1, 1]} : vector<128x64xf32> to vector<128x1xf32>
    %dot_general3A_533 = arith.constant dense<0.000000e+00> : vector<200x1xf32>
    %dot_general3A_534 = tpu.matmul %get3A_531, %slice3A_532, %dot_general3A_533 {dimension_numbers = #tpu.dot_dimension_numbers<[1], [0], [0], [1], [0, 0, 1, 1], [], []>, transpose_lhs_hint = false} : vector<200x128xf32>, vector<128x1xf32>, vector<200x1xf32> -> vector<200x1xf32>
    %swap3A_535 = arith.constant 0 : index
    %swap3A_536 = arith.constant 48 : index
    %swap3A_537 = vector.load %arg5[%swap3A_535, %swap3A_536] : memref<200x64xf32, #tpu.memory_space<vmem>>, vector<200x1xf32>
    tpu.vector_store %arg5[%swap3A_535, %swap3A_536], %dot_general3A_534 {strides = array<i32>} : memref<200x64xf32, #tpu.memory_space<vmem>>, vector<200x1xf32>,
    %get3A_538 = arith.constant 49 : index
    %get3A_539 = arith.constant 0 : index
    %get3A_540 = arith.constant 0 : index
    %get3A_541 = vector.load %arg2[%get3A_538, %get3A_539, %get3A_540] : memref<64x200x128xf32, #tpu.memory_space<vmem>>, vector<1x200x128xf32>
    %get3A_542 = vector.shape_cast %get3A_541 : vector<1x200x128xf32> to vector<200x128xf32>
    %slice3A_543 = vector.extract_strided_slice %transpose3A {offsets = [0, 49], sizes = [128, 1], strides = [1, 1]} : vector<128x64xf32> to vector<128x1xf32>
    %dot_general3A_544 = arith.constant dense<0.000000e+00> : vector<200x1xf32>
    %dot_general3A_545 = tpu.matmul %get3A_542, %slice3A_543, %dot_general3A_544 {dimension_numbers = #tpu.dot_dimension_numbers<[1], [0], [0], [1], [0, 0, 1, 1], [], []>, transpose_lhs_hint = false} : vector<200x128xf32>, vector<128x1xf32>, vector<200x1xf32> -> vector<200x1xf32>
    %swap3A_546 = arith.constant 0 : index
    %swap3A_547 = arith.constant 49 : index
    %swap3A_548 = vector.load %arg5[%swap3A_546, %swap3A_547] : memref<200x64xf32, #tpu.memory_space<vmem>>, vector<200x1xf32>
    tpu.vector_store %arg5[%swap3A_546, %swap3A_547], %dot_general3A_545 {strides = array<i32>} : memref<200x64xf32, #tpu.memory_space<vmem>>, vector<200x1xf32>,
    %get3A_549 = arith.constant 50 : index
    %get3A_550 = arith.constant 0 : index
    %get3A_551 = arith.constant 0 : index
    %get3A_552 = vector.load %arg2[%get3A_549, %get3A_550, %get3A_551] : memref<64x200x128xf32, #tpu.memory_space<vmem>>, vector<1x200x128xf32>
    %get3A_553 = vector.shape_cast %get3A_552 : vector<1x200x128xf32> to vector<200x128xf32>
    %slice3A_554 = vector.extract_strided_slice %transpose3A {offsets = [0, 50], sizes = [128, 1], strides = [1, 1]} : vector<128x64xf32> to vector<128x1xf32>
    %dot_general3A_555 = arith.constant dense<0.000000e+00> : vector<200x1xf32>
    %dot_general3A_556 = tpu.matmul %get3A_553, %slice3A_554, %dot_general3A_555 {dimension_numbers = #tpu.dot_dimension_numbers<[1], [0], [0], [1], [0, 0, 1, 1], [], []>, transpose_lhs_hint = false} : vector<200x128xf32>, vector<128x1xf32>, vector<200x1xf32> -> vector<200x1xf32>
    %swap3A_557 = arith.constant 0 : index
    %swap3A_558 = arith.constant 50 : index
    %swap3A_559 = vector.load %arg5[%swap3A_557, %swap3A_558] : memref<200x64xf32, #tpu.memory_space<vmem>>, vector<200x1xf32>
    tpu.vector_store %arg5[%swap3A_557, %swap3A_558], %dot_general3A_556 {strides = array<i32>} : memref<200x64xf32, #tpu.memory_space<vmem>>, vector<200x1xf32>,
    %get3A_560 = arith.constant 51 : index
    %get3A_561 = arith.constant 0 : index
    %get3A_562 = arith.constant 0 : index
    %get3A_563 = vector.load %arg2[%get3A_560, %get3A_561, %get3A_562] : memref<64x200x128xf32, #tpu.memory_space<vmem>>, vector<1x200x128xf32>
    %get3A_564 = vector.shape_cast %get3A_563 : vector<1x200x128xf32> to vector<200x128xf32>
    %slice3A_565 = vector.extract_strided_slice %transpose3A {offsets = [0, 51], sizes = [128, 1], strides = [1, 1]} : vector<128x64xf32> to vector<128x1xf32>
    %dot_general3A_566 = arith.constant dense<0.000000e+00> : vector<200x1xf32>
    %dot_general3A_567 = tpu.matmul %get3A_564, %slice3A_565, %dot_general3A_566 {dimension_numbers = #tpu.dot_dimension_numbers<[1], [0], [0], [1], [0, 0, 1, 1], [], []>, transpose_lhs_hint = false} : vector<200x128xf32>, vector<128x1xf32>, vector<200x1xf32> -> vector<200x1xf32>
    %swap3A_568 = arith.constant 0 : index
    %swap3A_569 = arith.constant 51 : index
    %swap3A_570 = vector.load %arg5[%swap3A_568, %swap3A_569] : memref<200x64xf32, #tpu.memory_space<vmem>>, vector<200x1xf32>
    tpu.vector_store %arg5[%swap3A_568, %swap3A_569], %dot_general3A_567 {strides = array<i32>} : memref<200x64xf32, #tpu.memory_space<vmem>>, vector<200x1xf32>,
    %get3A_571 = arith.constant 52 : index
    %get3A_572 = arith.constant 0 : index
    %get3A_573 = arith.constant 0 : index
    %get3A_574 = vector.load %arg2[%get3A_571, %get3A_572, %get3A_573] : memref<64x200x128xf32, #tpu.memory_space<vmem>>, vector<1x200x128xf32>
    %get3A_575 = vector.shape_cast %get3A_574 : vector<1x200x128xf32> to vector<200x128xf32>
    %slice3A_576 = vector.extract_strided_slice %transpose3A {offsets = [0, 52], sizes = [128, 1], strides = [1, 1]} : vector<128x64xf32> to vector<128x1xf32>
    %dot_general3A_577 = arith.constant dense<0.000000e+00> : vector<200x1xf32>
    %dot_general3A_578 = tpu.matmul %get3A_575, %slice3A_576, %dot_general3A_577 {dimension_numbers = #tpu.dot_dimension_numbers<[1], [0], [0], [1], [0, 0, 1, 1], [], []>, transpose_lhs_hint = false} : vector<200x128xf32>, vector<128x1xf32>, vector<200x1xf32> -> vector<200x1xf32>
    %swap3A_579 = arith.constant 0 : index
    %swap3A_580 = arith.constant 52 : index
    %swap3A_581 = vector.load %arg5[%swap3A_579, %swap3A_580] : memref<200x64xf32, #tpu.memory_space<vmem>>, vector<200x1xf32>
    tpu.vector_store %arg5[%swap3A_579, %swap3A_580], %dot_general3A_578 {strides = array<i32>} : memref<200x64xf32, #tpu.memory_space<vmem>>, vector<200x1xf32>,
    %get3A_582 = arith.constant 53 : index
    %get3A_583 = arith.constant 0 : index
    %get3A_584 = arith.constant 0 : index
    %get3A_585 = vector.load %arg2[%get3A_582, %get3A_583, %get3A_584] : memref<64x200x128xf32, #tpu.memory_space<vmem>>, vector<1x200x128xf32>
    %get3A_586 = vector.shape_cast %get3A_585 : vector<1x200x128xf32> to vector<200x128xf32>
    %slice3A_587 = vector.extract_strided_slice %transpose3A {offsets = [0, 53], sizes = [128, 1], strides = [1, 1]} : vector<128x64xf32> to vector<128x1xf32>
    %dot_general3A_588 = arith.constant dense<0.000000e+00> : vector<200x1xf32>
    %dot_general3A_589 = tpu.matmul %get3A_586, %slice3A_587, %dot_general3A_588 {dimension_numbers = #tpu.dot_dimension_numbers<[1], [0], [0], [1], [0, 0, 1, 1], [], []>, transpose_lhs_hint = false} : vector<200x128xf32>, vector<128x1xf32>, vector<200x1xf32> -> vector<200x1xf32>
    %swap3A_590 = arith.constant 0 : index
    %swap3A_591 = arith.constant 53 : index
    %swap3A_592 = vector.load %arg5[%swap3A_590, %swap3A_591] : memref<200x64xf32, #tpu.memory_space<vmem>>, vector<200x1xf32>
    tpu.vector_store %arg5[%swap3A_590, %swap3A_591], %dot_general3A_589 {strides = array<i32>} : memref<200x64xf32, #tpu.memory_space<vmem>>, vector<200x1xf32>,
    %get3A_593 = arith.constant 54 : index
    %get3A_594 = arith.constant 0 : index
    %get3A_595 = arith.constant 0 : index
    %get3A_596 = vector.load %arg2[%get3A_593, %get3A_594, %get3A_595] : memref<64x200x128xf32, #tpu.memory_space<vmem>>, vector<1x200x128xf32>
    %get3A_597 = vector.shape_cast %get3A_596 : vector<1x200x128xf32> to vector<200x128xf32>
    %slice3A_598 = vector.extract_strided_slice %transpose3A {offsets = [0, 54], sizes = [128, 1], strides = [1, 1]} : vector<128x64xf32> to vector<128x1xf32>
    %dot_general3A_599 = arith.constant dense<0.000000e+00> : vector<200x1xf32>
    %dot_general3A_600 = tpu.matmul %get3A_597, %slice3A_598, %dot_general3A_599 {dimension_numbers = #tpu.dot_dimension_numbers<[1], [0], [0], [1], [0, 0, 1, 1], [], []>, transpose_lhs_hint = false} : vector<200x128xf32>, vector<128x1xf32>, vector<200x1xf32> -> vector<200x1xf32>
    %swap3A_601 = arith.constant 0 : index
    %swap3A_602 = arith.constant 54 : index
    %swap3A_603 = vector.load %arg5[%swap3A_601, %swap3A_602] : memref<200x64xf32, #tpu.memory_space<vmem>>, vector<200x1xf32>
    tpu.vector_store %arg5[%swap3A_601, %swap3A_602], %dot_general3A_600 {strides = array<i32>} : memref<200x64xf32, #tpu.memory_space<vmem>>, vector<200x1xf32>,
    %get3A_604 = arith.constant 55 : index
    %get3A_605 = arith.constant 0 : index
    %get3A_606 = arith.constant 0 : index
    %get3A_607 = vector.load %arg2[%get3A_604, %get3A_605, %get3A_606] : memref<64x200x128xf32, #tpu.memory_space<vmem>>, vector<1x200x128xf32>
    %get3A_608 = vector.shape_cast %get3A_607 : vector<1x200x128xf32> to vector<200x128xf32>
    %slice3A_609 = vector.extract_strided_slice %transpose3A {offsets = [0, 55], sizes = [128, 1], strides = [1, 1]} : vector<128x64xf32> to vector<128x1xf32>
    %dot_general3A_610 = arith.constant dense<0.000000e+00> : vector<200x1xf32>
    %dot_general3A_611 = tpu.matmul %get3A_608, %slice3A_609, %dot_general3A_610 {dimension_numbers = #tpu.dot_dimension_numbers<[1], [0], [0], [1], [0, 0, 1, 1], [], []>, transpose_lhs_hint = false} : vector<200x128xf32>, vector<128x1xf32>, vector<200x1xf32> -> vector<200x1xf32>
    %swap3A_612 = arith.constant 0 : index
    %swap3A_613 = arith.constant 55 : index
    %swap3A_614 = vector.load %arg5[%swap3A_612, %swap3A_613] : memref<200x64xf32, #tpu.memory_space<vmem>>, vector<200x1xf32>
    tpu.vector_store %arg5[%swap3A_612, %swap3A_613], %dot_general3A_611 {strides = array<i32>} : memref<200x64xf32, #tpu.memory_space<vmem>>, vector<200x1xf32>,
    %get3A_615 = arith.constant 56 : index
    %get3A_616 = arith.constant 0 : index
    %get3A_617 = arith.constant 0 : index
    %get3A_618 = vector.load %arg2[%get3A_615, %get3A_616, %get3A_617] : memref<64x200x128xf32, #tpu.memory_space<vmem>>, vector<1x200x128xf32>
    %get3A_619 = vector.shape_cast %get3A_618 : vector<1x200x128xf32> to vector<200x128xf32>
    %slice3A_620 = vector.extract_strided_slice %transpose3A {offsets = [0, 56], sizes = [128, 1], strides = [1, 1]} : vector<128x64xf32> to vector<128x1xf32>
    %dot_general3A_621 = arith.constant dense<0.000000e+00> : vector<200x1xf32>
    %dot_general3A_622 = tpu.matmul %get3A_619, %slice3A_620, %dot_general3A_621 {dimension_numbers = #tpu.dot_dimension_numbers<[1], [0], [0], [1], [0, 0, 1, 1], [], []>, transpose_lhs_hint = false} : vector<200x128xf32>, vector<128x1xf32>, vector<200x1xf32> -> vector<200x1xf32>
    %swap3A_623 = arith.constant 0 : index
    %swap3A_624 = arith.constant 56 : index
    %swap3A_625 = vector.load %arg5[%swap3A_623, %swap3A_624] : memref<200x64xf32, #tpu.memory_space<vmem>>, vector<200x1xf32>
    tpu.vector_store %arg5[%swap3A_623, %swap3A_624], %dot_general3A_622 {strides = array<i32>} : memref<200x64xf32, #tpu.memory_space<vmem>>, vector<200x1xf32>,
    %get3A_626 = arith.constant 57 : index
    %get3A_627 = arith.constant 0 : index
    %get3A_628 = arith.constant 0 : index
    %get3A_629 = vector.load %arg2[%get3A_626, %get3A_627, %get3A_628] : memref<64x200x128xf32, #tpu.memory_space<vmem>>, vector<1x200x128xf32>
    %get3A_630 = vector.shape_cast %get3A_629 : vector<1x200x128xf32> to vector<200x128xf32>
    %slice3A_631 = vector.extract_strided_slice %transpose3A {offsets = [0, 57], sizes = [128, 1], strides = [1, 1]} : vector<128x64xf32> to vector<128x1xf32>
    %dot_general3A_632 = arith.constant dense<0.000000e+00> : vector<200x1xf32>
    %dot_general3A_633 = tpu.matmul %get3A_630, %slice3A_631, %dot_general3A_632 {dimension_numbers = #tpu.dot_dimension_numbers<[1], [0], [0], [1], [0, 0, 1, 1], [], []>, transpose_lhs_hint = false} : vector<200x128xf32>, vector<128x1xf32>, vector<200x1xf32> -> vector<200x1xf32>
    %swap3A_634 = arith.constant 0 : index
    %swap3A_635 = arith.constant 57 : index
    %swap3A_636 = vector.load %arg5[%swap3A_634, %swap3A_635] : memref<200x64xf32, #tpu.memory_space<vmem>>, vector<200x1xf32>
    tpu.vector_store %arg5[%swap3A_634, %swap3A_635], %dot_general3A_633 {strides = array<i32>} : memref<200x64xf32, #tpu.memory_space<vmem>>, vector<200x1xf32>,
    %get3A_637 = arith.constant 58 : index
    %get3A_638 = arith.constant 0 : index
    %get3A_639 = arith.constant 0 : index
    %get3A_640 = vector.load %arg2[%get3A_637, %get3A_638, %get3A_639] : memref<64x200x128xf32, #tpu.memory_space<vmem>>, vector<1x200x128xf32>
    %get3A_641 = vector.shape_cast %get3A_640 : vector<1x200x128xf32> to vector<200x128xf32>
    %slice3A_642 = vector.extract_strided_slice %transpose3A {offsets = [0, 58], sizes = [128, 1], strides = [1, 1]} : vector<128x64xf32> to vector<128x1xf32>
    %dot_general3A_643 = arith.constant dense<0.000000e+00> : vector<200x1xf32>
    %dot_general3A_644 = tpu.matmul %get3A_641, %slice3A_642, %dot_general3A_643 {dimension_numbers = #tpu.dot_dimension_numbers<[1], [0], [0], [1], [0, 0, 1, 1], [], []>, transpose_lhs_hint = false} : vector<200x128xf32>, vector<128x1xf32>, vector<200x1xf32> -> vector<200x1xf32>
    %swap3A_645 = arith.constant 0 : index
    %swap3A_646 = arith.constant 58 : index
    %swap3A_647 = vector.load %arg5[%swap3A_645, %swap3A_646] : memref<200x64xf32, #tpu.memory_space<vmem>>, vector<200x1xf32>
    tpu.vector_store %arg5[%swap3A_645, %swap3A_646], %dot_general3A_644 {strides = array<i32>} : memref<200x64xf32, #tpu.memory_space<vmem>>, vector<200x1xf32>,
    %get3A_648 = arith.constant 59 : index
    %get3A_649 = arith.constant 0 : index
    %get3A_650 = arith.constant 0 : index
    %get3A_651 = vector.load %arg2[%get3A_648, %get3A_649, %get3A_650] : memref<64x200x128xf32, #tpu.memory_space<vmem>>, vector<1x200x128xf32>
    %get3A_652 = vector.shape_cast %get3A_651 : vector<1x200x128xf32> to vector<200x128xf32>
    %slice3A_653 = vector.extract_strided_slice %transpose3A {offsets = [0, 59], sizes = [128, 1], strides = [1, 1]} : vector<128x64xf32> to vector<128x1xf32>
    %dot_general3A_654 = arith.constant dense<0.000000e+00> : vector<200x1xf32>
    %dot_general3A_655 = tpu.matmul %get3A_652, %slice3A_653, %dot_general3A_654 {dimension_numbers = #tpu.dot_dimension_numbers<[1], [0], [0], [1], [0, 0, 1, 1], [], []>, transpose_lhs_hint = false} : vector<200x128xf32>, vector<128x1xf32>, vector<200x1xf32> -> vector<200x1xf32>
    %swap3A_656 = arith.constant 0 : index
    %swap3A_657 = arith.constant 59 : index
    %swap3A_658 = vector.load %arg5[%swap3A_656, %swap3A_657] : memref<200x64xf32, #tpu.memory_space<vmem>>, vector<200x1xf32>
    tpu.vector_store %arg5[%swap3A_656, %swap3A_657], %dot_general3A_655 {strides = array<i32>} : memref<200x64xf32, #tpu.memory_space<vmem>>, vector<200x1xf32>,
    %get3A_659 = arith.constant 60 : index
    %get3A_660 = arith.constant 0 : index
    %get3A_661 = arith.constant 0 : index
    %get3A_662 = vector.load %arg2[%get3A_659, %get3A_660, %get3A_661] : memref<64x200x128xf32, #tpu.memory_space<vmem>>, vector<1x200x128xf32>
    %get3A_663 = vector.shape_cast %get3A_662 : vector<1x200x128xf32> to vector<200x128xf32>
    %slice3A_664 = vector.extract_strided_slice %transpose3A {offsets = [0, 60], sizes = [128, 1], strides = [1, 1]} : vector<128x64xf32> to vector<128x1xf32>
    %dot_general3A_665 = arith.constant dense<0.000000e+00> : vector<200x1xf32>
    %dot_general3A_666 = tpu.matmul %get3A_663, %slice3A_664, %dot_general3A_665 {dimension_numbers = #tpu.dot_dimension_numbers<[1], [0], [0], [1], [0, 0, 1, 1], [], []>, transpose_lhs_hint = false} : vector<200x128xf32>, vector<128x1xf32>, vector<200x1xf32> -> vector<200x1xf32>
    %swap3A_667 = arith.constant 0 : index
    %swap3A_668 = arith.constant 60 : index
    %swap3A_669 = vector.load %arg5[%swap3A_667, %swap3A_668] : memref<200x64xf32, #tpu.memory_space<vmem>>, vector<200x1xf32>
    tpu.vector_store %arg5[%swap3A_667, %swap3A_668], %dot_general3A_666 {strides = array<i32>} : memref<200x64xf32, #tpu.memory_space<vmem>>, vector<200x1xf32>,
    %get3A_670 = arith.constant 61 : index
    %get3A_671 = arith.constant 0 : index
    %get3A_672 = arith.constant 0 : index
    %get3A_673 = vector.load %arg2[%get3A_670, %get3A_671, %get3A_672] : memref<64x200x128xf32, #tpu.memory_space<vmem>>, vector<1x200x128xf32>
    %get3A_674 = vector.shape_cast %get3A_673 : vector<1x200x128xf32> to vector<200x128xf32>
    %slice3A_675 = vector.extract_strided_slice %transpose3A {offsets = [0, 61], sizes = [128, 1], strides = [1, 1]} : vector<128x64xf32> to vector<128x1xf32>
    %dot_general3A_676 = arith.constant dense<0.000000e+00> : vector<200x1xf32>
    %dot_general3A_677 = tpu.matmul %get3A_674, %slice3A_675, %dot_general3A_676 {dimension_numbers = #tpu.dot_dimension_numbers<[1], [0], [0], [1], [0, 0, 1, 1], [], []>, transpose_lhs_hint = false} : vector<200x128xf32>, vector<128x1xf32>, vector<200x1xf32> -> vector<200x1xf32>
    %swap3A_678 = arith.constant 0 : index
    %swap3A_679 = arith.constant 61 : index
    %swap3A_680 = vector.load %arg5[%swap3A_678, %swap3A_679] : memref<200x64xf32, #tpu.memory_space<vmem>>, vector<200x1xf32>
    tpu.vector_store %arg5[%swap3A_678, %swap3A_679], %dot_general3A_677 {strides = array<i32>} : memref<200x64xf32, #tpu.memory_space<vmem>>, vector<200x1xf32>,
    %get3A_681 = arith.constant 62 : index
    %get3A_682 = arith.constant 0 : index
    %get3A_683 = arith.constant 0 : index
    %get3A_684 = vector.load %arg2[%get3A_681, %get3A_682, %get3A_683] : memref<64x200x128xf32, #tpu.memory_space<vmem>>, vector<1x200x128xf32>
    %get3A_685 = vector.shape_cast %get3A_684 : vector<1x200x128xf32> to vector<200x128xf32>
    %slice3A_686 = vector.extract_strided_slice %transpose3A {offsets = [0, 62], sizes = [128, 1], strides = [1, 1]} : vector<128x64xf32> to vector<128x1xf32>
    %dot_general3A_687 = arith.constant dense<0.000000e+00> : vector<200x1xf32>
    %dot_general3A_688 = tpu.matmul %get3A_685, %slice3A_686, %dot_general3A_687 {dimension_numbers = #tpu.dot_dimension_numbers<[1], [0], [0], [1], [0, 0, 1, 1], [], []>, transpose_lhs_hint = false} : vector<200x128xf32>, vector<128x1xf32>, vector<200x1xf32> -> vector<200x1xf32>
    %swap3A_689 = arith.constant 0 : index
    %swap3A_690 = arith.constant 62 : index
    %swap3A_691 = vector.load %arg5[%swap3A_689, %swap3A_690] : memref<200x64xf32, #tpu.memory_space<vmem>>, vector<200x1xf32>
    tpu.vector_store %arg5[%swap3A_689, %swap3A_690], %dot_general3A_688 {strides = array<i32>} : memref<200x64xf32, #tpu.memory_space<vmem>>, vector<200x1xf32>,
    %get3A_692 = arith.constant 63 : index
    %get3A_693 = arith.constant 0 : index
    %get3A_694 = arith.constant 0 : index
    %get3A_695 = vector.load %arg2[%get3A_692, %get3A_693, %get3A_694] : memref<64x200x128xf32, #tpu.memory_space<vmem>>, vector<1x200x128xf32>
    %get3A_696 = vector.shape_cast %get3A_695 : vector<1x200x128xf32> to vector<200x128xf32>
    %slice3A_697 = vector.extract_strided_slice %transpose3A {offsets = [0, 63], sizes = [128, 1], strides = [1, 1]} : vector<128x64xf32> to vector<128x1xf32>
    %dot_general3A_698 = arith.constant dense<0.000000e+00> : vector<200x1xf32>
    %dot_general3A_699 = tpu.matmul %get3A_696, %slice3A_697, %dot_general3A_698 {dimension_numbers = #tpu.dot_dimension_numbers<[1], [0], [0], [1], [0, 0, 1, 1], [], []>, transpose_lhs_hint = false} : vector<200x128xf32>, vector<128x1xf32>, vector<200x1xf32> -> vector<200x1xf32>
    %swap3A_700 = arith.constant 0 : index
    %swap3A_701 = arith.constant 63 : index
    %swap3A_702 = vector.load %arg5[%swap3A_700, %swap3A_701] : memref<200x64xf32, #tpu.memory_space<vmem>>, vector<200x1xf32>
    tpu.vector_store %arg5[%swap3A_700, %swap3A_701], %dot_general3A_699 {strides = array<i32>} : memref<200x64xf32, #tpu.memory_space<vmem>>, vector<200x1xf32>,
    %get3A_703 = arith.constant 0 : index
    %get3A_704 = arith.constant 0 : index
    %get3A_705 = vector.load %arg5[%get3A_703, %get3A_704] : memref<200x64xf32, #tpu.memory_space<vmem>>, vector<200x64xf32>
    %transpose3A_706 = tpu.transpose %get3A_705, [1, 0] : vector<200x64xf32> -> vector<64x200xf32>
    %swap3A_707 = arith.constant 0 : index
    %swap3A_708 = arith.constant 0 : index
    %swap3A_709 = vector.load %arg4[%swap3A_707, %swap3A_708] : memref<64x200xf32, #tpu.memory_space<vmem>>, vector<64x200xf32>
    tpu.vector_store %arg4[%swap3A_707, %swap3A_708], %transpose3A_706 {strides = array<i32>} : memref<64x200xf32, #tpu.memory_space<vmem>>, vector<64x200xf32>,
    %reduce_max3A = arith.constant dense<0xFF800000> : vector<64xf32>
    %reduce_max3A_710 = vector.multi_reduction <maximumf>, %get3A_705, %reduce_max3A [0] : vector<200x64xf32> to vector<64xf32>
    %broadcast_in_dim3A = vector.shape_cast %reduce_max3A_710 : vector<64xf32> to vector<1x64xf32>
    %sub3A = vector.broadcast %broadcast_in_dim3A : vector<1x64xf32> to vector<200x64xf32>
    %sub3A_711 = arith.subf %get3A_705, %sub3A : vector<200x64xf32>
    %exp3A = math.exp %sub3A_711 : vector<200x64xf32>
    %reduce_sum3A = arith.constant dense<0.000000e+00> : vector<64xf32>
    %reduce_sum3A_712 = vector.multi_reduction <add>, %exp3A, %reduce_sum3A [0] : vector<200x64xf32> to vector<64xf32>
    %broadcast_in_dim3A_713 = vector.shape_cast %reduce_sum3A_712 : vector<64xf32> to vector<1x64xf32>
    %div3A = vector.broadcast %broadcast_in_dim3A_713 : vector<1x64xf32> to vector<200x64xf32>
    %div3A_714 = arith.divf %exp3A, %div3A : vector<200x64xf32>
    %transpose3A_715 = tpu.transpose %div3A_714, [1, 0] : vector<200x64xf32> -> vector<64x200xf32>
    %swap3A_716 = arith.constant 0 : index
    %swap3A_717 = arith.constant 0 : index
    %swap3A_718 = vector.load %arg3[%swap3A_716, %swap3A_717] : memref<64x200xf32, #tpu.memory_space<vmem>>, vector<64x200xf32>
    tpu.vector_store %arg3[%swap3A_716, %swap3A_717], %transpose3A_715 {strides = array<i32>} : memref<64x200xf32, #tpu.memory_space<vmem>>, vector<64x200xf32>,
    return
  }
  func.func @transform_0(%arg0: i32) -> (i32, i32) {
    %add3A = arith.constant 4 : i32
    %add3A_0 = arith.addi %arg0, %add3A : i32
    %c0_i32 = arith.constant 0 : i32
    %c0_i32_1 = arith.constant 0 : i32
    return %add3A_0, %c0_i32 : i32, i32
  }
  func.func @transform_1(%arg0: i32) -> (i32, i32, i32) {
    %add3A = arith.constant 4 : i32
    %add3A_0 = arith.addi %arg0, %add3A : i32
    %c0_i32 = arith.constant 0 : i32
    %c0_i32_1 = arith.constant 0 : i32
    %c0_i32_2 = arith.constant 0 : i32
    return %add3A_0, %c0_i32, %c0_i32_1 : i32, i32, i32
  }
  func.func @transform_2(%arg0: i32) -> (i32, i32) {
    %c0_i32 = arith.constant 0 : i32
    %c0_i32_0 = arith.constant 0 : i32
    return %arg0, %c0_i32 : i32, i32
  }
  func.func @transform_3(%arg0: i32) -> (i32, i32) {
    %c0_i32 = arith.constant 0 : i32
    %c0_i32_0 = arith.constant 0 : i32
    return %arg0, %c0_i32 : i32, i32
  }
}

</mosaic_0001>

<sc_bundles>
// kernel: kernel.4.cloned.1.call-start
scs
__scs_entry_jumppad:
0x0: {  	(pc) =	sbr.rel $0x88, $3  }
0x1: {  	(tag) =	ssettag $0x0;
	lr =	simm.s32 $0x1  }
0x2: {  	[smem:$0x3F9F] =	sst lr;
	_ =	strace $0xD0000000  }
0x3: {  	_ = 	snop  }
0x4: {  	_ = 	snop  }
0x5: {  	_ = 	snop  }
0x6: {  	_ = 	snop  }
0x7: {  	_ = 	snop  }
__scs_overlays_trampoline_lowered:
0x8: {  	[smem:$0x3FAE] =	sst s0  }
0x9: {  	[smem:$0x3FAF] =	sst s1  }
0xa: {  	[smem:$0x3FB0] =	sst s2  }
0xb: {  	[smem:$0x3FB1] =	sst s3  }
0xc: {  	[smem:$0x3FB2] =	sst s4  }
0xd: {  	[smem:$0x3FB3] =	sst s5  }
0xe: {  	[smem:$0x3FB4] =	sst s6  }
0xf: {  	[smem:$0x3FB5] =	sst s7  }
0x10: {  	[smem:$0x3FB6] =	sst s8  }
0x11: {  	[smem:$0x3FB7] =	sst s9;
	s0 =	simm.s32 @!p0 $0x0  }
0x12: {  	s1 =	sld [smem:$0x3F9D];
	s0 =	simm.s32 @p0 $0x1  }
0x13: {  	[smem:$0x3FB8] =	sst s0;
	s0 =	simm.s32 @!p1 $0x0  }
0x14: {  	s2 =	sld [smem:$0x3F9C];
	s0 =	simm.s32 @p1 $0x1  }
0x15: {  	[smem:$0x3FB9] =	sst s0;
	s0 =	simm.s32 @!p2 $0x0  }
0x16: {  	s3 =	sld [smem:$0x3FDB];
	s0 =	simm.s32 @p2 $0x1  }
0x17: {  	s4 =	simm.s32 $0x1BF5;
	[smem:$0x3FBB] =	sst s0  }
0x18: {  	s0 =	sld [smem:$0x3F9E];
	_ =	swait.ge [sflag:s4], $0x0  }
0x19: {  	s7 =	sld [smem:$0x3F9F]  }
0x1a: {  	s8 =	sadd.s32 $0xFFFFE003, lr  }
0x1b: {  	s9 =	sadd.s32 $0xFFFFFEF7, lr;
	s5 =	simm.s32 $0xFFFFFFFF;
	p2 =	slt.u32 s8, $0xFFFFF086  }
0x1c: {  	p1 =	slt.u32 s9, $0xF7A;
	s5 =	simm.s32 @!p2 $0x0  }
0x1d: {  	s5 =	simm.s32 @p1 $0x1;
	p0 =	seq.s32 s7, s2  }
0x1e: {  	s7 =	smul.u32 @!p0 $0xF7A, s2;
	p2 =	seq.s32 @!p0 s5, $0x0  }
0x1f: {  	s9 =	smul.u32 $0xF7A, s1;
	s8 =	simm.s32 @!p0 $0x1BF5;
	p2 =	por !p2, p0  }
0x20: {  	[sflag:s8] =	ssyncset.s32 @!p0 $0xFFFFF086;
	s6 =	sadd.s32 @!p0 s3, s7;
	s7 =	simm.s32 @!p0 $0x108  }
0x21: {  	s3 =	sadd.s32 s3, s9;
	s6 =	sadd.s32 @!p0 $0x88, s6;
	s7 =	simm.s32 @p2 $0x1082  }
0x22: {  	[simem:s7], [sflag:s8] =	dma.local @!p0 [hbm:s6], $0xF7A  }
0x23: {  	s9 =	sor.u32 $0xD0000000, s2;
	s6 =	simm.s32 $0x108;
	_ =	swait.ge @!p0 [sflag:s8], $0x0  }
0x24: {  	s3 =	sadd.s32 $0x88, s3;
	s6 =	simm.s32 @!p1 $0x1082;
	[sflag:s4] =	ssyncset.s32 $0xFFFFF086  }
0x25: {  	[simem:s6], [sflag:s4] =	dma.local [hbm:s3], $0xF7A  }
0x26: {  	[smem:$0x3F9F] =	sst s1;
	(tag) =	ssettag s2;
	_ =	strace s9  }
0x27: {  	s1 =	sld [smem:$0x3FAF]  }
0x28: {  	s2 =	sld [smem:$0x3FB0]  }
0x29: {  	s4 =	sld [smem:$0x3FB2]  }
0x2a: {  	p0 =	seq.s32 s5, $0x0;
	s5 =	sld [smem:$0x3FB3]  }
0x2b: {  	s6 =	sld [smem:$0x3FB4]  }
0x2c: {  	s7 =	sld [smem:$0x3FB5]  }
0x2d: {  	s3 =	simm.s32 $0x108;
	s8 =	sld [smem:$0x3FB6]  }
0x2e: {  	s3 =	simm.s32 @!p0 $0x1082;
	s9 =	sld [smem:$0x3FB7]  }
0x2f: {  	lr =	sadd.s32 s0, s3;
	s0 =	sld [smem:$0x3FAE]  }
0x30: {  	s3 =	sld [smem:$0x3FB1]  }
0x31: {  	[smem:$0x3FBA] =	sst s10  }
0x32: {  	s10 =	sld [smem:$0x3FB8];
	_ =	sdelay $0x3  }
0x33: {  	p0 =	seq.s32 s10, $0x1;
	s10 =	sld [smem:$0x3FBA];
	_ =	sdelay $0x3  }
0x34: {  	[smem:$0x3FBA] =	sst s10  }
0x35: {  	s10 =	sld [smem:$0x3FB9];
	_ =	sdelay $0x3  }
0x36: {  	p1 =	seq.s32 s10, $0x1;
	s10 =	sld [smem:$0x3FBA];
	_ =	sdelay $0x3  }
0x37: {  	[smem:$0x3FBA] =	sst s10  }
0x38: {  	s10 =	sld [smem:$0x3FBB]  }
0x39: {  	_ = 	snop;
	(pc) =	sbr.ind lr, $3  }
0x3a: {  	_ = 	snop  }
0x3b: {  	_ = 	snop  }
0x3c: {  	p2 =	seq.s32 s10, $0x1;
	s10 =	sld [smem:$0x3FBA]  }
0x3d: {  	_ =	shalt  }
0x3e: {  	_ =	shalt  }
0x3f: {  	_ =	shalt  }
0x40: {  	_ =	shalt  }
0x41: {  	_ =	shalt  }
0x42: {  	_ =	shalt  }
0x43: {  	_ =	shalt  }
0x44: {  	_ =	shalt  }
0x45: {  	_ =	shalt  }
0x46: {  	_ =	shalt  }
0x47: {  	_ =	shalt  }
0x48: {  	_ =	shalt  }
0x49: {  	_ =	shalt  }
0x4a: {  	_ =	shalt  }
0x4b: {  	_ =	shalt  }
0x4c: {  	_ =	shalt  }
0x4d: {  	_ =	shalt  }
0x4e: {  	_ =	shalt  }
0x4f: {  	_ =	shalt  }
0x50: {  	_ =	shalt  }
0x51: {  	_ =	shalt  }
0x52: {  	_ =	shalt  }
0x53: {  	_ =	shalt  }
0x54: {  	_ =	shalt  }
0x55: {  	_ =	shalt  }
0x56: {  	_ =	shalt  }
0x57: {  	_ =	shalt  }
0x58: {  	_ =	shalt  }
0x59: {  	_ =	shalt  }
0x5a: {  	_ =	shalt  }
0x5b: {  	_ =	shalt  }
0x5c: {  	_ =	shalt  }
0x5d: {  	_ =	shalt  }
0x5e: {  	_ =	shalt  }
0x5f: {  	_ =	shalt  }
0x60: {  	_ =	shalt  }
0x61: {  	_ =	shalt  }
0x62: {  	_ =	shalt  }
0x63: {  	_ =	shalt  }
0x64: {  	_ =	shalt  }
0x65: {  	_ =	shalt  }
0x66: {  	_ =	shalt  }
0x67: {  	_ =	shalt  }
0x68: {  	_ =	shalt  }
0x69: {  	_ =	shalt  }
0x6a: {  	_ =	shalt  }
0x6b: {  	_ =	shalt  }
0x6c: {  	_ =	shalt  }
0x6d: {  	_ =	shalt  }
0x6e: {  	_ =	shalt  }
0x6f: {  	_ =	shalt  }
0x70: {  	_ =	shalt  }
0x71: {  	_ =	shalt  }
0x72: {  	_ =	shalt  }
0x73: {  	_ =	shalt  }
0x74: {  	_ =	shalt  }
0x75: {  	_ =	shalt  }
0x76: {  	_ =	shalt  }
0x77: {  	_ =	shalt  }
0x78: {  	_ =	shalt  }
0x79: {  	_ =	shalt  }
0x7a: {  	_ =	shalt  }
0x7b: {  	_ =	shalt  }
0x7c: {  	_ =	shalt  }
0x7d: {  	_ =	shalt  }
0x7e: {  	_ =	shalt  }
0x7f: {  	_ =	shalt  }
0x80: {  	_ =	shalt  }
0x81: {  	_ =	shalt  }
0x82: {  	_ =	shalt  }
0x83: {  	_ =	shalt  }
0x84: {  	_ =	shalt  }
0x85: {  	_ =	shalt  }
0x86: {  	_ =	shalt  }
0x87: {  	_ =	shalt  }
.Lfunc_end0:
.L_simem_size_0:
called_computation_lowered:
.L_overlay_start_0:
0x88: {  	s2 =	sld [smem:$0x3FD9]  }
0x89: {  	s3 =	sld [smem:$0x3FFE];
	_ =	sdelay $0x1  }
0x8a: {  	s1 =	srdreg.scid  }
0x8b: {  	s0 =	sand.u32 $0x1, s1  }
0x8c: {  	s15 =	sshll.u32 s0, $0xA;
	s2 =	sadd.s32 s3, s2  }
0x8d: {  	s2 =	sadd.s32 s2, s15  }
0x8e: {  	[smem:$0x3FC6] =	sst s2  }
0x8f: {  	_ = 	snop  }
0x90: {  	s2 =	sld [smem:$0x3FD0];
	_ =	sdelay $0x1  }
0x91: {  	s16 =	sld [smem:$0x3FC9]  }
0x92: {  	s5 =	simm.s32 $0xA;
	s6 =	simm.s32 $0x10;
	s4 =	sld [smem:$0x3FC8]  }
0x93: {  	[smem:s6], [sflag:s5] =	dma.local [hbm:s2], $0x1  }
0x94: {  	_ =	swait.eq [sflag:s5], $0x1  }
0x95: {  	[sflag:s5] =	ssyncset.done $0x0  }
0x96: {  	s17 =	sld [smem:$0x10];
	[sflag:s5] =	ssyncadd.s32 $0xFFFFFFFF  }
0x97: {  	s18 =	sld [smem:$0x11];
	(tm) =	ssettm $0x1  }
0x98: {  	s19 =	sld [smem:$0x3FFB];
	_ =	sdelay $0x3  }
0x99: {  	_ =	strace s19  }
0x9a: {  	s6 =	sld [smem:$0x3FFC];
	_ =	sdelay $0x3  }
0x9b: {  	_ =	strace s6  }
0x9c: {  	s6 =	sld [smem:$0x3FFD];
	_ =	sdelay $0x3  }
0x9d: {  	_ =	strace s6  }
0x9e: {  	_ =	strace $0x8FFFFFFF  }
0x9f: {  	s20 =	sld [smem:$0x3FDB];
	_ =	sdelay $0x1  }
0xa0: {  	s7 =	simm.s32 $_scs_section_size  }
0xa1: {  	s8 =	simm.s32 $_size__tile_overlayer_lowered;
	s9 =	simm.s32 $_tile_overlayer_lowered  }
0xa2: {  	s23 =	simm.s32 $0x1BFF;
	s22 =	sshll.u32 s9, $0x1;
	s6 =	sadd.s32 s7, s20  }
0xa3: {  	s10 =	simm.s32 $0x0;
	s21 =	sshll.u32 s8, $0x1;
	s8 =	sadd.s32 s22, s6  }
0xa4: {  	[timem:s10], [sflag:s23] =	dma.local [hbm:s8], s21  }
0xa5: {  	_ =	swait.ge [sflag:s23], s21  }
0xa6: {  	s7 =	ssub.s32 $0x0, s21;
	[sflag:s23] =	ssyncset.done $0x0  }
0xa7: {  	[sflag:s23] =	ssyncadd.s32 s7;
	_ =	sdelay $0x1  }
0xa8: {  	s24 =	simm.s32 $0x1B8B  }
0xa9: {  	_ =	swait.ge [sflag:s24], $0x1  }
0xaa: {  	[sflag:s24] =	ssyncset.done $0x0  }
0xab: {  	s25 =	simm.s32 $0x1B8E;
	[sflag:s24] =	ssyncadd.s32 $0xFFFFFFFF  }
0xac: {  	s26 =	simm.s32 $execute0_lowered;
	[smem:$0x3FD2] =	sst s25  }
0xad: {  	s7 =	sshll.u32 s26, $0x1;
	_ =	strace $0x80000046;
	[dreg:$0x1] =	wrdreg $0xFFFFFFFF  }
0xae: {  	s28 =	simm.s32 $_size_execute0_lowered;
	s6 =	sadd.s32 s6, s7;
	[dreg:$0x0] =	wrdreg $0x0  }
0xaf: {  	s7 =	sshll.u32 s28, $0x1;
	[dreg:$0x2] =	wrdreg s6  }
0xb0: {  	[dreg:$0x3] =	wrdreg s7  }
0xb1: {  	[dreg:$0x4] =	wrdreg $0xC0  }
0xb2: {  	_ =	task [dreg:s10], $0x5FFFF  }
0xb3: {  	[dreg:$0x1] =	wrdreg $0xFFFFFFFF  }
0xb4: {  	[dreg:$0x0] =	wrdreg $0x60  }
0xb5: {  	[dreg:$0x2] =	wrdreg s16  }
0xb6: {  	[dreg:$0x3] =	wrdreg s4  }
0xb7: {  	[dreg:$0x4] =	wrdreg s18  }
0xb8: {  	[dreg:$0x5] =	wrdreg s17  }
0xb9: {  	[dreg:$0x6] =	wrdreg $0x9  }
0xba: {  	_ =	task.clear_ibuf [dreg:s10], $0x7FFFF;
	_ =	strace $0x90000046  }
0xbb: {  	s29 =	simm.s32 $0x9;
	_ =	strace $0x80000048  }
0xbc: {  	_ =	swait.ge [sflag:s29], $0x1  }
0xbd: {  	[sflag:s29] =	ssyncadd.s32 $0xFFFFFFFF  }
0xbe: {  	_ =	strace $0x90000048  }
0xbf: {  	_ =	sfence  }
0xc0: {  	s30 =	sld [smem:$0x0];
	_ =	sdelay $0x2  }
0xc1: {  	s31 =	sshll.u32 s1, $0xD;
	s1 =	sshrl.u32 s1, $0x2  }
0xc2: {  	s3 =	sand.u32 $0x4000, s31;
	s1 =	sadd.s32 s1, s30  }
0xc3: {  	s0 =	sor.u32 s3, s0;
	s1 =	sshll.u32 s1, $0x11  }
0xc4: {  	s0 =	sor.u32 s1, s0  }
0xc5: {  	s0 =	sadd.s32 $0x8F2B, s0  }
0xc6: {  	[sflag:s0] =	ssyncadd.remote.s32 $0x1  }
0xc7: {  	_ =	sfence.sel $0xFFFF  }
0xc8: {  	[dreg:$0x0] =	wrdreg $0xFFFFFFFF;
	(pc) =	sbr.abs _section_cstart, $3  }
0xc9: {  	[dreg:$0x1] =	wrdreg $0xFFFFFFFF  }
0xca: {  	_ =	task.clear_ibuf [dreg:s10], $0x2FFFF;
	_ =	strace $0x9FFFFFFF  }
0xcb: {  	(tm) =	ssettm $0x7FFFFFFF  }
tec
execute0_lowered:
.L_overlay_start_1:
0x0: {  	(tag) =	ssettag $0x1  }
0x1: {  	v0 =	vimm.s32 $0xFEDCBA98;
	s4 =	rddreg [dreg:$0x0];
	v1 =	vimm.s32 $0x76543210  }
0x2: {  	s0 =	rddreg [dreg:$0x1];
	v2 =	vimm.s32 $0xBA98FEDC;
	v3 =	vimm.s32 $0x32107654;
	v4 =	vimm.s32 $0xDCFE98BA  }
0x3: {  	s9 =	rddreg [dreg:$0x2];
	v5 =	vimm.s32 $0x54761032;
	v6 =	vimm.s32 $0xEFCDAB89;
	v7 =	vimm.s32 $0x67452301  }
0x4: {  	s10 =	rddreg [dreg:$0x3];
	s3 =	srdreg.scid;
	vm0 =	vmmov $0x1;
	vm1 =	vmmov $0x3;
	vm2 =	vmmov $0x7  }
0x5: {  	s1 =	stileid.u32;
	s2 =	rddreg [dreg:$0x4];
	vm3 =	vmmov $0xf;
	vm4 =	vmmov $0x1f;
	vm5 =	vmmov $0x3f;
	s14 =	simm.s32 $0x1  }
0x6: {  	s15 =	simm.s32 $0x2;
	vm6 =	vmmov $0x7f;
	vm7 =	vmmov $0xff;
	vm8 =	vmmov $0x1ff;
	s16 =	simm.s32 $0x3;
	s17 =	simm.s32 $0xCC00  }
0x7: {  	vm9 =	vmmov $0x3ff;
	vm10 =	vmmov $0x7ff;
	vm11 =	vmmov $0xfff;
	s18 =	simm.s32 $0x4;
	s19 =	simm.s32 $0xD400;
	s20 =	simm.s32 $0x5  }
0x8: {  	s21 =	simm.s32 $0x0;
	v0 =	vunpack.c.l.s4.s8 v0;
	v1 =	vunpack.c.l.s4.s8 v1;
	v2 =	vunpack.c.l.s4.s8 v2;
	s5 =	sand.u32 $0x1, s3;
	s6 =	sshll.u32 s1, $0x1  }
0x9: {  	v3 =	vunpack.c.l.s4.s8 v3;
	v4 =	vunpack.c.l.s4.s8 v4;
	v5 =	vunpack.c.l.s4.s8 v5;
	s3 =	simm.s32 $0x0;
	s7 =	ssub.s32 $0x2, s5;
	s8 =	sor.u32 s5, s6  }
0xa: {  	v6 =	vunpack.c.l.s4.s8 v6;
	v7 =	vunpack.c.l.s4.s8 v7;
	[smem:$0x7FF] =	sst s3;
	v0 =	vunpack.c.0.s8.s32 v0;
	s29 =	sshrl.u32 s7, $0x1;
	s6 =	smul.u32 $0x32000, s8  }
0xb: {  	v2 =	vunpack.c.0.s8.s32 v2;
	v3 =	vunpack.c.0.s8.s32 v3;
	v4 =	vunpack.c.0.s8.s32 v4;
	_ =	strace $0x80000047;
	s30 =	sshll.u32 s8, $0x7;
	s31 =	smul.u32 $0x6400, s8  }
0xc: {  	v5 =	vunpack.c.0.s8.s32 v5;
	v6 =	vunpack.c.0.s8.s32 v6;
	v7 =	vunpack.c.0.s8.s32 v7;
	s12 =	sshll.u32 s8, $0x3;
	s13 =	sshll.u32 s8, $0x8;
	s11 =	ssub.s32 s7, s29  }
0xd: {  	vm12 =	vmmov $0x1fff;
	v1 =	vunpack.c.0.s8.s32 v1;
	s4 =	sadd.s32 s4, s30;
	s7 =	sor.u32 $0x2, s12;
	s8 =	sor.u32 $0x3, s12;
	v2 =	vcombine.low v3, v2  }
0xe: {  	s9 =	sadd.s32 s9, s13;
	s10 =	sadd.s32 s10, s13;
	v3 =	vcombine.low v5, v4;
	v4 =	vcombine.low v7, v6;
	s6 =	sshrl.u32 s6, $0x3;
	v0 =	vand.u32 $0xF, v0  }
0xf: {  	vm13 =	vmmov $0x3fff;
	vm14 =	vmmov $0x7fff;
	s12 =	simm.s32 $0x400;
	s13 =	simm.s32 $0x6800;
	s6 =	sadd.s32 s0, s6;
	v0 =	vcombine.low v0, v1  }
0x10: {  	s5 =	sadd.s32 s0, s31;
	s11 =	smax.u32 s11, $0x1;
	s6 =	sadd.s32 $0xC80, s6;
	v1 =	vand.u32 $0xF, v2;
	v2 =	vand.u32 $0xF, v3;
	v3 =	vand.u32 $0xF, v4  }
.LBB2_1:
0x11: {  	[tilespmem:s3], [sflag:$0x1] =	stream.linear.gather [hbm4b:s4+s3], $0x400, $0x38;
	[tilespmem:$0xDC00] =	vst v63  }
0x12: {  	_ = 	snop  }
0x13: {  	[tilespmem:s12], [sflag:$0x2] =	stream.linear.gather [hbm4b:s5+s3], $0x6400, $0x38;
	[tilespmem:$0xDC00] =	vst v63  }
0x14: {  	_ = 	snop  }
0x15: {  	[tilespmem:s13], [sflag:$0x3] =	stream.linear.gather [hbm4b:s6+s3], $0x6400, $0x38;
	[tilespmem:$0xDC00] =	vst v63  }
0x16: {  	_ =	swait.ge [sflag:s14], $0x400  }
0x17: {  	[sflag:s14] =	ssyncset.done $0x0  }
0x18: {  	s22 =	simm.s32 $0x0;
	[sflag:s14] =	ssyncadd.s32 $0xFFFFFC00  }
.LBB2_2:
0x19: {  	_ =	swait.ge [sflag:s15], $0x6400  }
0x1a: {  	[sflag:s15] =	ssyncset.done $0x0  }
0x1b: {  	s24 =	sshll.u32 s22, $0x8;
	[sflag:s15] =	ssyncadd.s32 $0xFFFF9C00  }
0x1c: {  	v10 =	vld [tilespmem:s24+$0x0]  }
0x1d: {  	v11 =	vld [tilespmem:s24+$0x10]  }
0x1e: {  	v9 =	vld [tilespmem:s24+$0x20]  }
0x1f: {  	v8 =	vld [tilespmem:s24+$0x30]  }
0x20: {  	v7 =	vld [tilespmem:s24+$0x40]  }
0x21: {  	s23 =	simm.s32 $0x0;
	v6 =	vld [tilespmem:s24+$0x50]  }
0x22: {  	s25 =	smin.u32 s23, $0xB8;
	v5 =	vld [tilespmem:s24+$0x60]  }
0x23: {  	s23 =	sshll.u32 s25, $0x7;
	v4 =	vld [tilespmem:s24+$0x70]  }
0x24: {  	v12 =	vld [tilespmem:s23+$0xBF0]  }
0x25: {  	v13 =	vld [tilespmem:s23+$0xB70]  }
0x26: {  	v14 =	vld [tilespmem:s23+$0xBE0]  }
0x27: {  	v15 =	vld [tilespmem:s23+$0xAF0]  }
0x28: {  	v16 =	vld [tilespmem:s23+$0xB60]  }
0x29: {  	v17 =	vld [tilespmem:s23+$0xBD0]  }
0x2a: {  	v18 =	vld [tilespmem:s23+$0xA70]  }
0x2b: {  	v19 =	vld [tilespmem:s23+$0xAE0]  }
0x2c: {  	v20 =	vld [tilespmem:s23+$0xB50]  }
0x2d: {  	v21 =	vld [tilespmem:s23+$0xBC0]  }
0x2e: {  	v22 =	vld [tilespmem:s23+$0x9F0]  }
0x2f: {  	v23 =	vld [tilespmem:s23+$0xA60]  }
0x30: {  	v24 =	vld [tilespmem:s23+$0xAD0]  }
0x31: {  	v25 =	vld [tilespmem:s23+$0xB40]  }
0x32: {  	v26 =	vld [tilespmem:s23+$0xBB0]  }
0x33: {  	v27 =	vld [tilespmem:s23+$0x970]  }
0x34: {  	v28 =	vld [tilespmem:s23+$0x9E0]  }
0x35: {  	v29 =	vld [tilespmem:s23+$0xA50]  }
0x36: {  	v30 =	vld [tilespmem:s23+$0xAC0]  }
0x37: {  	v31 =	vld [tilespmem:s23+$0xB30]  }
0x38: {  	v32 =	vld [tilespmem:s23+$0xBA0]  }
0x39: {  	v33 =	vld [tilespmem:s23+$0x8F0]  }
0x3a: {  	v34 =	vld [tilespmem:s23+$0x960]  }
0x3b: {  	v35 =	vld [tilespmem:s23+$0x9D0]  }
0x3c: {  	v36 =	vld [tilespmem:s23+$0xA40]  }
0x3d: {  	v37 =	vld [tilespmem:s23+$0xAB0]  }
0x3e: {  	v38 =	vld [tilespmem:s23+$0xB20]  }
0x3f: {  	v39 =	vld [tilespmem:s23+$0xB80]  }
0x40: {  	v40 =	vld [tilespmem:s23+$0xB90]  }
0x41: {  	v41 =	vld [tilespmem:s23+$0x870]  }
0x42: {  	v42 =	vld [tilespmem:s23+$0x8E0]  }
0x43: {  	v43 =	vld [tilespmem:s23+$0x950];
	v12 =	vmul.f32 v12, v4;
	v13 =	vmul.f32 v13, v4  }
0x44: {  	v44 =	vld [tilespmem:s23+$0x9C0];
	v14 =	vmul.f32 v14, v5;
	v39 =	vmul.f32 v39, v10  }
0x45: {  	v47 =	vld [tilespmem:s23+$0xB00];
	v40 =	vmul.f32 v40, v11;
	v15 =	vmul.f32 v15, v4  }
0x46: {  	v48 =	vld [tilespmem:s23+$0xB10];
	v16 =	vmul.f32 v16, v5;
	v32 =	vmul.f32 v32, v9  }
0x47: {  	v45 =	vld [tilespmem:s23+$0xA30];
	v17 =	vmul.f32 v17, v6;
	v49 =	vmul.f32 v18, v4  }
0x48: {  	v46 =	vld [tilespmem:s23+$0xAA0];
	v50 =	vmul.f32 v19, v5;
	v20 =	vmul.f32 v20, v6  }
0x49: {  	v51 =	vld [tilespmem:s23+$0xA00];
	v26 =	vmul.f32 v26, v8;
	v21 =	vmul.f32 v21, v7  }
0x4a: {  	v60 =	vld [tilespmem:s23+$0xA20];
	v23 =	vmul.f32 v23, v5;
	v24 =	vmul.f32 v24, v6  }
0x4b: {  	v61 =	vld [tilespmem:s23+$0x9B0];
	v47 =	vmul.f32 v47, v10;
	v48 =	vmul.f32 v48, v11  }
0x4c: {  	v53 =	vld [tilespmem:s23+$0x990];
	v25 =	vmul.f32 v25, v7;
	v28 =	vmul.f32 v28, v5;
	v39 =	vadd.f32 v40, v39  }
0x4d: {  	v19 =	vld [tilespmem:s23+$0xA80];
	v38 =	vmul.f32 v38, v9;
	v29 =	vmul.f32 v29, v6  }
0x4e: {  	v31 =	vmul.f32 v31, v8;
	v18 =	vadd.f32 v32, v39;
	v32 =	vmul.f32 v22, v4;
	v22 =	vld [tilespmem:s23+$0xA90]  }
0x4f: {  	v62 =	vmul.f32 v51, v10;
	v55 =	vmul.f32 v36, v7;
	v36 =	vld [tilespmem:s23+$0x930]  }
0x50: {  	v63 =	vmul.f32 v60, v9;
	v54 =	vmul.f32 v45, v8;
	v45 =	vld [tilespmem:s23+$0x840];
	v26 =	vadd.f32 v26, v18  }
0x51: {  	v30 =	vmul.f32 v30, v7;
	v47 =	vadd.f32 v48, v47;
	v18 =	vmul.f32 v27, v4;
	v27 =	vld [tilespmem:s23+$0xA10]  }
0x52: {  	v34 =	vmul.f32 v34, v5;
	v56 =	vmul.f32 v53, v11;
	v53 =	vld [tilespmem:s23+$0x890];
	v21 =	vadd.f32 v21, v26  }
0x53: {  	v51 =	vld [tilespmem:s23+$0x620];
	v38 =	vadd.f32 v38, v47;
	v19 =	vmul.f32 v19, v10;
	v22 =	vmul.f32 v22, v11  }
0x54: {  	v35 =	vmul.f32 v35, v6;
	v41 =	vmul.f32 v41, v4;
	v40 =	vld [tilespmem:s23+$0x7F0];
	v17 =	vadd.f32 v17, v21  }
0x55: {  	v39 =	vld [tilespmem:s23+$0x860];
	v31 =	vadd.f32 v31, v38;
	v19 =	vadd.f32 v22, v19;
	v22 =	vmul.f32 v46, v9  }
0x56: {  	v43 =	vmul.f32 v43, v6;
	v38 =	vld [tilespmem:s23+$0x7E0];
	v27 =	vmul.f32 v27, v11;
	v14 =	vadd.f32 v14, v17  }
0x57: {  	v26 =	vld [tilespmem:s23+$0x8D0];
	v25 =	vadd.f32 v25, v31;
	v19 =	vadd.f32 v22, v19;
	v22 =	vmul.f32 v37, v8  }
0x58: {  	v36 =	vmul.f32 v36, v8;
	v31 =	vld [tilespmem:s23+$0x980];
	v27 =	vadd.f32 v27, v62;
	v12 =	vadd.f32 v12, v14  }
0x59: {  	v48 =	vld [tilespmem:s23+$0x6E0];
	v53 =	vmul.f32 v53, v11;
	v20 =	vadd.f32 v20, v25;
	v22 =	vadd.f32 v22, v19  }
0x5a: {  	v51 =	vmul.f32 v51, v9;
	v25 =	vld [tilespmem:s23+$0x8C0];
	v27 =	vadd.f32 v63, v27;
	v52 =	vperm.xlane v12, v0  }
0x5b: {  	v39 =	vmul.f32 v39, v5;
	v21 =	vld [tilespmem:s23+$0x940];
	v16 =	vadd.f32 v16, v20;
	v22 =	vadd.f32 v30, v22  }
0x5c: {  	v38 =	vmul.f32 v38, v5;
	v30 =	vld [tilespmem:s23+$0x9A0];
	v27 =	vadd.f32 v54, v27;
	v12 =	vadd.f32 v12, v52  }
0x5d: {  	v31 =	vmul.f32 v31, v10;
	v37 =	vld [tilespmem:s23+$0x7D0];
	v26 =	vmul.f32 v26, v6;
	v20 =	vadd.f32 v24, v22  }
0x5e: {  	v46 =	vld [tilespmem:s23+$0x6D0];
	v13 =	vadd.f32 v13, v16;
	v22 =	vadd.f32 v55, v27;
	v16 =	vperm.xlane v12, v1  }
0x5f: {  	v19 =	vmul.f32 v33, v4;
	v25 =	vmul.f32 v25, v7;
	v27 =	vld [tilespmem:s23+$0x760];
	v20 =	vadd.f32 v50, v20  }
0x60: {  	v62 =	vld [tilespmem:s23+$0x8A0];
	v22 =	vadd.f32 v29, v22;
	v29 =	vperm.xlane v13, v0;
	v12 =	vadd.f32 v12, v16  }
0x61: {  	v17 =	vld [tilespmem:s23+$0x770];
	v16 =	vadd.f32 v56, v31;
	v30 =	vmul.f32 v30, v9;
	v15 =	vadd.f32 v15, v20  }
0x62: {  	v14 =	vld [tilespmem:s23+$0x850];
	v37 =	vmul.f32 v37, v6;
	v20 =	vadd.f32 v23, v22;
	v13 =	vadd.f32 v13, v29  }
0x63: {  	v31 =	vld [tilespmem:s23+$0x8B0];
	v22 =	vmul.f32 v61, v8;
	v23 =	vperm.xlane v12, v2;
	v16 =	vadd.f32 v30, v16  }
0x64: {  	v29 =	vld [tilespmem:s23+$0x920];
	v27 =	vmul.f32 v27, v5;
	v30 =	vperm.xlane v15, v0;
	v57 =	vadd.f32 v49, v20  }
0x65: {  	v33 =	vld [tilespmem:s23+$0x670];
	v58 =	vperm.xlane v13, v1;
	v49 =	vmul.f32 v62, v9;
	v16 =	vadd.f32 v22, v16  }
0x66: {  	v63 =	vld [tilespmem:s23+$0x900];
	v22 =	vmul.f32 v44, v7;
	v12 =	vadd.f32 v12, v23;
	v15 =	vadd.f32 v15, v30  }
0x67: {  	v30 =	vmul.f32 v42, v5;
	v59 =	vperm.xlane v57, v0;
	v13 =	vadd.f32 v13, v58;
	v58 =	vld [tilespmem:s23+$0x910]  }
0x68: {  	v20 =	vld [tilespmem:s23+$0x750];
	v31 =	vmul.f32 v31, v8;
	v16 =	vadd.f32 v22, v16;
	v22 =	vmul.f32 v40, v4  }
0x69: {  	v24 =	vld [tilespmem:s23+$0x6F0];
	v29 =	vmul.f32 v29, v9;
	v60 =	vperm.xlane v15, v1;
	v42 =	vadd.f32 v57, v59  }
0x6a: {  	v52 =	vld [tilespmem:s23+$0x660];
	v61 =	vperm.xlane v13, v2;
	v59 =	vmul.f32 v21, v7;
	v16 =	vadd.f32 v35, v16  }
0x6b: {  	v62 =	vld [tilespmem:s23+$0x790];
	v21 =	vmul.f32 v17, v4;
	v15 =	vadd.f32 v15, v60;
	v57 =	vperm.xlane v42, v1  }
0x6c: {  	v35 =	vmul.f32 v63, v10;
	v60 =	vld [tilespmem:s23+$0x880];
	v16 =	vadd.f32 v28, v16;
	v50 =	vmul.f32 v58, v11  }
0x6d: {  	v23 =	vld [tilespmem:s23+$0x810];
	v20 =	vmul.f32 v20, v6;
	v28 =	vperm.xlane v15, v2;
	v17 =	vadd.f32 v42, v57  }
0x6e: {  	v32 =	vadd.f32 v32, v16;
	v16 =	vmul.f32 v24, v4;
	v24 =	vld [tilespmem:s23+$0x800];
	v35 =	vadd.f32 v50, v35  }
0x6f: {  	v63 =	vld [tilespmem:s23+$0x7B0];
	v42 =	vmul.f32 v14, v6;
	v54 =	vperm.xlane v17, v2  }
0x70: {  	v14 =	vadd.f32 v15, v28;
	v28 =	vld [tilespmem:s23+$0x820];
	v55 =	vperm.xlane v32, v0;
	v29 =	vadd.f32 v29, v35  }
0x71: {  	v13 =	vadd.f32 v13, v61;
	v47 =	vmul.f32 v60, v10;
	v15 =	vadd.f32 v17, v54;
	v17 =	vld [tilespmem:s23+$0x780]  }
0x72: {  	v40 =	vld [tilespmem:s23+$0x830];
	v23 =	vmul.f32 v23, v11;
	v32 =	vadd.f32 v32, v55;
	v29 =	vadd.f32 v36, v29  }
0x73: {  	v56 =	vld [tilespmem:s23+$0x7A0];
	v57 =	vmul.f32 v45, v7;
	v47 =	vadd.f32 v53, v47;
	v24 =	vmul.f32 v24, v10  }
0x74: {  	v44 =	vld [tilespmem:s23+$0x7C0];
	v61 =	vperm.xlane v32, v1;
	v29 =	vadd.f32 v59, v29;
	v59 =	vmul.f32 v62, v11  }
0x75: {  	v50 =	vld [tilespmem:s23+$0x740];
	v23 =	vadd.f32 v23, v24;
	v24 =	vmul.f32 v28, v9;
	v28 =	vadd.f32 v49, v47  }
0x76: {  	v60 =	vld [tilespmem:s23+$0x710];
	v62 =	vmul.f32 v63, v8;
	v55 =	vadd.f32 v32, v61;
	v58 =	vmul.f32 v17, v10  }
0x77: {  	v35 =	vld [tilespmem:s23+$0x440];
	v23 =	vadd.f32 v24, v23;
	v24 =	vmul.f32 v40, v8;
	v28 =	vadd.f32 v31, v28  }
0x78: {  	v36 =	vld [tilespmem:s23+$0x5E0];
	v29 =	vadd.f32 v43, v29;
	v32 =	vmul.f32 v56, v9;
	v40 =	vadd.f32 v59, v58  }
0x79: {  	v17 =	vmul.f32 v33, v4;
	v31 =	vld [tilespmem:s23+$0x700];
	v23 =	vadd.f32 v24, v23;
	v25 =	vadd.f32 v25, v28  }
0x7a: {  	v61 =	vld [tilespmem:s23+$0x720];
	v33 =	vmul.f32 v46, v6;
	v29 =	vadd.f32 v34, v29;
	v32 =	vadd.f32 v32, v40  }
0x7b: {  	v45 =	vperm.xlane v55, v2;
	v23 =	vadd.f32 v57, v23;
	v25 =	vadd.f32 v26, v25;
	v26 =	vld [tilespmem:s23+$0x730]  }
0x7c: {  	v63 =	vld [tilespmem:s23+$0x5D0];
	v18 =	vadd.f32 v18, v29;
	v29 =	vmul.f32 v44, v7;
	v32 =	vadd.f32 v62, v32  }
0x7d: {  	v43 =	vld [tilespmem:s23+$0x640];
	v24 =	vmul.f32 v48, v5;
	v23 =	vadd.f32 v42, v23;
	v25 =	vadd.f32 v30, v25  }
0x7e: {  	v47 =	vld [tilespmem:s23+$0x650];
	v30 =	vmul.f32 v31, v10;
	v31 =	vmul.f32 v60, v11;
	v29 =	vadd.f32 v29, v32  }
0x7f: {  	v34 =	vld [tilespmem:s23+$0x460];
	v23 =	vadd.f32 v39, v23;
	v19 =	vadd.f32 v19, v25;
	v25 =	vperm.xlane v18, v0  }
0x80: {  	v28 =	vld [tilespmem:s23+$0x6C0];
	v30 =	vadd.f32 v31, v30;
	v31 =	vmul.f32 v61, v9;
	v26 =	vmul.f32 v26, v8  }
0x81: {  	v39 =	vld [tilespmem:s23+$0x6B0];
	v23 =	vadd.f32 v41, v23;
	v53 =	vperm.xlane v19, v0;
	v18 =	vadd.f32 v18, v25  }
0x82: {  	v59 =	vld [tilespmem:s23+$0x690];
	v25 =	vadd.f32 v31, v30;
	v30 =	vadd.f32 v37, v29;
	v37 =	vmul.f32 v43, v7  }
0x83: {  	v48 =	vld [tilespmem:s23+$0x5C0];
	v54 =	vperm.xlane v23, v0;
	v19 =	vadd.f32 v19, v53;
	v56 =	vperm.xlane v18, v1  }
0x84: {  	v40 =	vld [tilespmem:s23+$0x470];
	v25 =	vadd.f32 v26, v25;
	v26 =	vmul.f32 v50, v7;
	v30 =	vadd.f32 v38, v30  }
0x85: {  	v44 =	vld [tilespmem:s23+$0x6A0];
	v38 =	vmul.f32 v28, v7;
	v57 =	vadd.f32 v23, v54;
	v58 =	vadd.f32 v18, v56  }
0x86: {  	v50 =	vld [tilespmem:s23+$0x680];
	v46 =	vmul.f32 v39, v8;
	v18 =	vadd.f32 v26, v25;
	v22 =	vadd.f32 v22, v30  }
0x87: {  	v42 =	vld [tilespmem:s23+$0x590];
	v23 =	vperm.xlane v19, v1;
	v30 =	vmul.f32 v47, v6  }
0x88: {  	v32 =	vld [tilespmem:s23+$0x5B0];
	v25 =	vperm.xlane v57, v1;
	v18 =	vadd.f32 v20, v18;
	v20 =	vperm.xlane v22, v0  }
0x89: {  	v29 =	vld [tilespmem:s23+$0x630];
	v49 =	vadd.f32 v19, v23;
	v19 =	vperm.xlane v58, v2;
	v23 =	vmul.f32 v52, v5  }
0x8a: {  	v31 =	vld [tilespmem:s23+$0x450];
	v52 =	vmul.f32 v59, v11;
	v26 =	vadd.f32 v27, v18;
	v20 =	vadd.f32 v22, v20  }
0x8b: {  	v50 =	vmul.f32 v50, v10;
	v60 =	vadd.f32 v57, v25;
	v61 =	vperm.xlane v49, v2;
	v22 =	vld [tilespmem:s23+$0x600]  }
0x8c: {  	v27 =	vmul.f32 v63, v6;
	v63 =	vld [tilespmem:s23+$0x610];
	v28 =	vadd.f32 v21, v26;
	v21 =	vperm.xlane v20, v1  }
0x8d: {  	v41 =	vld [tilespmem:s23+$0x580];
	v25 =	vmul.f32 v36, v5;
	v19 =	vadd.f32 v58, v19;
	v62 =	vperm.xlane v60, v2  }
0x8e: {  	v43 =	vld [tilespmem:s23+$0x420];
	v57 =	vperm.xlane v28, v0;
	v58 =	vadd.f32 v20, v21;
	v20 =	vadd.f32 v49, v61  }
0x8f: {  	v39 =	vld [tilespmem:s23+$0x500];
	v26 =	vmul.f32 v40, v4;
	v21 =	vadd.f32 v60, v62;
	v60 =	vadd.f32 v52, v50  }
0x90: {  	v36 =	vld [tilespmem:s23+$0x5A0];
	v61 =	vmul.f32 v44, v9;
	v62 =	vmul.f32 v22, v10;
	v47 =	vadd.f32 v28, v57  }
0x91: {  	v18 =	vadd.f32 v55, v45;
	v45 =	vld [tilespmem:s23+$0x410];
	v63 =	vmul.f32 v63, v11;
	v59 =	vperm.xlane v58, v2  }
0x92: {  	s26 =	sand.u32 $0x3FFFFF00, s24;
	v40 =	vld [tilespmem:s23+$0x430];
	v28 =	vmul.f32 v34, v5;
	v49 =	vadd.f32 v61, v60;
	v50 =	vperm.xlane v47, v1  }
0x93: {  	s28 =	simm.s32 $0x10;
	s26 =	sadd.s32 $0xD400, s26;
	v44 =	vld [tilespmem:s23+$0x400];
	v34 =	vmul.f32 v48, v7;
	v48 =	vadd.f32 v63, v62;
	v22 =	vadd.f32 v58, v59  }
.LBB2_3:
0x94: {  	p0 =	sne.s32 s28, $0xC0;
	v52 =	vld [tilespmem:s23+$0x480];
	v53 =	vmul.f32 v29, v8;
	v46 =	vadd.f32 v46, v49;
	v29 =	vadd.f32 v47, v50  }
0x95: {  	v31 =	vmul.f32 v31, v6;
	v32 =	vmul.f32 v32, v8;
	v47 =	vld [tilespmem:s23+$0x490];
	v48 =	vadd.f32 v51, v48  }
0x96: {  	v35 =	vmul.f32 v35, v7;
	v36 =	vmul.f32 v36, v9;
	v49 =	vld [tilespmem:s23+$0x510];
	v38 =	vadd.f32 v38, v46  }
0x97: {  	v40 =	vmul.f32 v40, v8;
	v41 =	vmul.f32 v41, v10;
	v46 =	vld [tilespmem:s23+$0x4A0];
	v48 =	vadd.f32 v53, v48  }
0x98: {  	v42 =	vmul.f32 v42, v11;
	v43 =	vmul.f32 v43, v9;
	v50 =	vld [tilespmem:s23+$0x520];
	v33 =	vadd.f32 v33, v38  }
0x99: {  	v38 =	vmul.f32 v44, v10;
	v44 =	vmul.f32 v45, v11;
	v45 =	vld [tilespmem:s23+$0x4B0];
	v37 =	vadd.f32 v37, v48  }
0x9a: {  	v48 =	vmul.f32 v52, v10;
	v47 =	vmul.f32 v47, v11;
	v51 =	vld [tilespmem:s23+$0x530];
	v24 =	vadd.f32 v24, v33  }
0x9b: {  	v39 =	vmul.f32 v39, v10;
	v33 =	vld [tilespmem:s23+$0x4C0];
	v49 =	vmul.f32 v49, v11;
	v30 =	vadd.f32 v30, v37  }
0x9c: {  	v37 =	vadd.f32 v44, v38;
	v38 =	vadd.f32 v47, v48;
	v44 =	vmul.f32 v46, v9;
	v46 =	vld [tilespmem:s23+$0x540]  }
0x9d: {  	v41 =	vadd.f32 v42, v41;
	v47 =	vld [tilespmem:s23+$0x4D0];
	v39 =	vadd.f32 v49, v39;
	v48 =	vmul.f32 v50, v9  }
0x9e: {  	v37 =	vadd.f32 v43, v37;
	v38 =	vadd.f32 v44, v38;
	v42 =	vmul.f32 v45, v8;
	v43 =	vld [tilespmem:s23+$0x550]  }
0x9f: {  	v36 =	vadd.f32 v36, v41;
	v44 =	vld [tilespmem:s23+$0x4E0];
	v39 =	vadd.f32 v48, v39;
	v45 =	vmul.f32 v51, v8  }
0xa0: {  	v37 =	vadd.f32 v40, v37;
	v38 =	vadd.f32 v42, v38;
	v33 =	vmul.f32 v33, v7;
	v40 =	vld [tilespmem:s23+$0x560]  }
0xa1: {  	v32 =	vadd.f32 v32, v36;
	v41 =	vld [tilespmem:s23+$0x4F0];
	v39 =	vadd.f32 v45, v39;
	v42 =	vmul.f32 v46, v7  }
0xa2: {  	v35 =	vadd.f32 v35, v37;
	v33 =	vadd.f32 v33, v38;
	v36 =	vmul.f32 v47, v6;
	v37 =	vld [tilespmem:s23+$0x570]  }
0xa3: {  	v32 =	vadd.f32 v34, v32;
	v38 =	vadd.f32 v42, v39;
	v39 =	vmul.f32 v43, v6;
	v34 =	vld [tilespmem:s23+$0x5F0]  }
0xa4: {  	v31 =	vadd.f32 v31, v35;
	v33 =	vadd.f32 v36, v33;
	v35 =	vmul.f32 v44, v5  }
0xa5: {  	v27 =	vadd.f32 v27, v32;
	v36 =	vadd.f32 v39, v38;
	v38 =	vmul.f32 v40, v5  }
0xa6: {  	v28 =	vadd.f32 v28, v31;
	v31 =	vadd.f32 v35, v33;
	v32 =	vmul.f32 v41, v4  }
0xa7: {  	v25 =	vadd.f32 v25, v27;
	v33 =	vadd.f32 v38, v36;
	v35 =	vmul.f32 v37, v4  }
0xa8: {  	v26 =	vadd.f32 v26, v28;
	v27 =	vadd.f32 v32, v31;
	v28 =	vmul.f32 v34, v4  }
0xa9: {  	v23 =	vadd.f32 v23, v30;
	v30 =	vperm.xlane v29, v2;
	v31 =	vadd.f32 v35, v33  }
0xaa: {  	v32 =	vperm.xlane v26, v0;
	v33 =	vperm.xlane v27, v0;
	v25 =	vadd.f32 v28, v25  }
0xab: {  	v16 =	vadd.f32 v16, v24;
	v17 =	vadd.f32 v17, v23;
	v28 =	vperm.xlane v31, v0  }
0xac: {  	v23 =	vadd.f32 v26, v32;
	v24 =	vadd.f32 v27, v33;
	v26 =	vperm.xlane v25, v0  }
0xad: {  	v27 =	vadd.f32 v31, v28;
	v28 =	vperm.xlane v17, v0;
	v31 =	vperm.xlane v16, v0  }
0xae: {  	v32 =	vperm.xlane v23, v1;
	v33 =	vperm.xlane v24, v1;
	v25 =	vadd.f32 v25, v26  }
0xaf: {  	v26 =	vperm.xlane v27, v1;
	v17 =	vadd.f32 v17, v28;
	v16 =	vadd.f32 v16, v31  }
0xb0: {  	v23 =	vadd.f32 v23, v32;
	v24 =	vadd.f32 v24, v33;
	v28 =	vperm.xlane v25, v1  }
0xb1: {  	v26 =	vadd.f32 v27, v26;
	v27 =	vperm.xlane v17, v1;
	v31 =	vperm.xlane v16, v1  }
0xb2: {  	v32 =	vperm.xlane v23, v2;
	v33 =	vperm.xlane v24, v2;
	v25 =	vadd.f32 v25, v28  }
0xb3: {  	v28 =	vperm.xlane v26, v2;
	v17 =	vadd.f32 v17, v27;
	v16 =	vadd.f32 v16, v31  }
0xb4: {  	v23 =	vadd.f32 v23, v32;
	v24 =	vadd.f32 v24, v33;
	v27 =	vperm.xlane v25, v2  }
0xb5: {  	v26 =	vadd.f32 v26, v28;
	v28 =	vperm.xlane v17, v2;
	v31 =	vperm.xlane v16, v2  }
0xb6: {  	v32 =	vperm.xlane v23, v3;
	v33 =	vperm.xlane v24, v3;
	v25 =	vadd.f32 v25, v27  }
0xb7: {  	v27 =	vperm.xlane v26, v3;
	v17 =	vadd.f32 v17, v28;
	v16 =	vadd.f32 v16, v31  }
0xb8: {  	v23 =	vadd.f32 v23, v32;
	v24 =	vadd.f32 v24, v33;
	v28 =	vperm.xlane v25, v3  }
0xb9: {  	v29 =	vadd.f32 v29, v30;
	v26 =	vadd.f32 v26, v27;
	v27 =	vperm.xlane v17, v3  }
0xba: {  	v23 =	vsel vm0, v23, v24;
	v24 =	vadd.f32 v25, v28;
	v25 =	vperm.xlane v16, v3  }
0xbb: {  	v23 =	vsel vm1, v23, v26;
	v17 =	vadd.f32 v17, v27;
	v26 =	vperm.xlane v29, v3  }
0xbc: {  	v23 =	vsel vm2, v23, v24;
	v16 =	vadd.f32 v16, v25;
	v24 =	vperm.xlane v22, v3  }
0xbd: {  	v25 =	vperm.xlane v21, v3;
	v17 =	vsel vm3, v23, v17;
	v23 =	vadd.f32 v29, v26  }
0xbe: {  	v16 =	vsel vm4, v17, v16;
	v17 =	vadd.f32 v22, v24;
	v22 =	vperm.xlane v20, v3  }
0xbf: {  	v21 =	vadd.f32 v21, v25;
	v16 =	vsel vm5, v16, v23;
	v23 =	vperm.xlane v19, v3  }
0xc0: {  	v16 =	vsel vm6, v16, v17;
	v17 =	vadd.f32 v20, v22;
	v20 =	vperm.xlane v18, v3  }
0xc1: {  	v16 =	vsel vm7, v16, v21;
	v19 =	vadd.f32 v19, v23;
	v21 =	vperm.xlane v15, v3  }
0xc2: {  	v16 =	vsel vm8, v16, v17;
	v17 =	vadd.f32 v18, v20;
	v18 =	vperm.xlane v14, v3  }
0xc3: {  	v16 =	vsel vm9, v16, v19;
	v15 =	vadd.f32 v15, v21;
	v19 =	vperm.xlane v13, v3  }
0xc4: {  	v16 =	vsel vm10, v16, v17;
	v14 =	vadd.f32 v14, v18;
	v17 =	vperm.xlane v12, v3  }
0xc5: {  	s23 =	sshll.u32 s25, $0x3;
	v15 =	vsel vm11, v16, v15;
	v13 =	vadd.f32 v13, v19  }
0xc6: {  	s23 =	sand.u32 $0x400, s23;
	v14 =	vsel vm12, v15, v14;
	v12 =	vadd.f32 v12, v17  }
0xc7: {  	s29 =	sand.u32 $0x78, s25;
	s23 =	sadd.s32 s23, s26;
	v13 =	vsel vm13, v14, v13  }
0xc8: {  	s25 =	smin.u32 s28, $0xB8;
	s29 =	sadd.s32 s29, s23;
	v12 =	vsel vm14, v13, v12  }
0xc9: {  	s23 =	sshll.u32 s25, $0x7;
	[tilespmem:s29+$0x0] =	vst v12  }
0xca: {  	v13 =	vld [tilespmem:s23+$0xBF0]  }
0xcb: {  	v17 =	vld [tilespmem:s23+$0xB70]  }
0xcc: {  	v18 =	vld [tilespmem:s23+$0xBE0]  }
0xcd: {  	v19 =	vld [tilespmem:s23+$0xAF0]  }
0xce: {  	v20 =	vld [tilespmem:s23+$0xB60]  }
0xcf: {  	v21 =	vld [tilespmem:s23+$0xBD0]  }
0xd0: {  	v22 =	vld [tilespmem:s23+$0xA70]  }
0xd1: {  	v23 =	vld [tilespmem:s23+$0xAE0]  }
0xd2: {  	v24 =	vld [tilespmem:s23+$0xB50]  }
0xd3: {  	v25 =	vld [tilespmem:s23+$0xBC0]  }
0xd4: {  	v26 =	vld [tilespmem:s23+$0x9F0]  }
0xd5: {  	v27 =	vld [tilespmem:s23+$0xA60]  }
0xd6: {  	v28 =	vld [tilespmem:s23+$0xAD0]  }
0xd7: {  	v29 =	vld [tilespmem:s23+$0xB40]  }
0xd8: {  	v30 =	vld [tilespmem:s23+$0xBB0]  }
0xd9: {  	v31 =	vld [tilespmem:s23+$0x970]  }
0xda: {  	v32 =	vld [tilespmem:s23+$0x9E0]  }
0xdb: {  	v33 =	vld [tilespmem:s23+$0xA50]  }
0xdc: {  	v34 =	vld [tilespmem:s23+$0xAC0]  }
0xdd: {  	v35 =	vld [tilespmem:s23+$0xB30]  }
0xde: {  	v36 =	vld [tilespmem:s23+$0xBA0]  }
0xdf: {  	v37 =	vld [tilespmem:s23+$0x8F0]  }
0xe0: {  	v38 =	vld [tilespmem:s23+$0x960]  }
0xe1: {  	v39 =	vld [tilespmem:s23+$0x9D0]  }
0xe2: {  	v40 =	vld [tilespmem:s23+$0xA40]  }
0xe3: {  	v41 =	vld [tilespmem:s23+$0xAB0]  }
0xe4: {  	v42 =	vld [tilespmem:s23+$0xB20]  }
0xe5: {  	v43 =	vld [tilespmem:s23+$0xB80]  }
0xe6: {  	v44 =	vld [tilespmem:s23+$0xB90]  }
0xe7: {  	v15 =	vld [tilespmem:s23+$0x870]  }
0xe8: {  	v14 =	vld [tilespmem:s23+$0x8E0]  }
0xe9: {  	v12 =	vld [tilespmem:s23+$0x950]  }
0xea: {  	v45 =	vmul.f32 v13, v4;
	v16 =	vld [tilespmem:s23+$0x9C0]  }
0xeb: {  	v47 =	vmul.f32 v17, v4;
	v48 =	vmul.f32 v18, v5;
	v46 =	vld [tilespmem:s23+$0xA30]  }
0xec: {  	v13 =	vmul.f32 v43, v10;
	v17 =	vmul.f32 v44, v11;
	v49 =	vld [tilespmem:s23+$0xAA0]  }
0xed: {  	v20 =	vmul.f32 v20, v5;
	v43 =	vmul.f32 v19, v4;
	v18 =	vld [tilespmem:s23+$0xB00]  }
0xee: {  	v36 =	vmul.f32 v36, v9;
	v44 =	vmul.f32 v21, v6;
	v13 =	vadd.f32 v17, v13;
	v19 =	vld [tilespmem:s23+$0xB10]  }
0xef: {  	v22 =	vmul.f32 v22, v4;
	v50 =	vmul.f32 v23, v5;
	v17 =	vld [tilespmem:s23+$0x7F0]  }
0xf0: {  	v24 =	vmul.f32 v24, v6;
	v30 =	vmul.f32 v30, v8;
	v36 =	vadd.f32 v36, v13;
	v23 =	vld [tilespmem:s23+$0xA80]  }
0xf1: {  	v25 =	vmul.f32 v25, v7;
	v13 =	vmul.f32 v26, v4;
	v26 =	vld [tilespmem:s23+$0xA90]  }
0xf2: {  	v27 =	vmul.f32 v27, v5;
	v28 =	vmul.f32 v28, v6;
	v30 =	vadd.f32 v30, v36;
	v21 =	vld [tilespmem:s23+$0x860]  }
0xf3: {  	v51 =	vmul.f32 v18, v10;
	v36 =	vld [tilespmem:s23+$0xA00];
	v19 =	vmul.f32 v19, v11  }
0xf4: {  	v29 =	vmul.f32 v29, v7;
	v18 =	vmul.f32 v31, v4;
	v25 =	vadd.f32 v25, v30;
	v31 =	vld [tilespmem:s23+$0xA10]  }
0xf5: {  	v32 =	vmul.f32 v32, v5;
	v42 =	vmul.f32 v42, v9;
	v30 =	vld [tilespmem:s23+$0x8D0];
	v19 =	vadd.f32 v19, v51  }
0xf6: {  	v23 =	vmul.f32 v23, v10;
	v25 =	vadd.f32 v44, v25;
	v51 =	vld [tilespmem:s23+$0xA20];
	v26 =	vmul.f32 v26, v11  }
0xf7: {  	v33 =	vmul.f32 v33, v6;
	v35 =	vmul.f32 v35, v8;
	v44 =	vld [tilespmem:s23+$0x940];
	v19 =	vadd.f32 v42, v19  }
0xf8: {  	v25 =	vadd.f32 v48, v25;
	v42 =	vld [tilespmem:s23+$0x9B0];
	v23 =	vadd.f32 v26, v23;
	v26 =	vmul.f32 v49, v9  }
0xf9: {  	v36 =	vmul.f32 v36, v10;
	v48 =	vld [tilespmem:s23+$0x770];
	v31 =	vmul.f32 v31, v11;
	v19 =	vadd.f32 v35, v19  }
0xfa: {  	v25 =	vadd.f32 v45, v25;
	v35 =	vld [tilespmem:s23+$0x7E0];
	v23 =	vadd.f32 v26, v23;
	v26 =	vmul.f32 v41, v8  }
0xfb: {  	v41 =	vld [tilespmem:s23+$0x850];
	v31 =	vadd.f32 v31, v36;
	v36 =	vmul.f32 v51, v9;
	v19 =	vadd.f32 v29, v19  }
0xfc: {  	v29 =	vld [tilespmem:s23+$0x980];
	v23 =	vadd.f32 v26, v23;
	v26 =	vmul.f32 v34, v7;
	v34 =	vperm.xlane v25, v0  }
0xfd: {  	v45 =	vld [tilespmem:s23+$0x990];
	v31 =	vadd.f32 v36, v31;
	v36 =	vmul.f32 v46, v8;
	v24 =	vadd.f32 v24, v19  }
0xfe: {  	v19 =	vmul.f32 v37, v4;
	v46 =	vld [tilespmem:s23+$0x8C0];
	v26 =	vadd.f32 v26, v23;
	v25 =	vadd.f32 v25, v34  }
0xff: {  	v34 =	vld [tilespmem:s23+$0x9A0];
	v31 =	vadd.f32 v36, v31;
	v36 =	vmul.f32 v40, v7;
	v20 =	vadd.f32 v20, v24  }
0x100: {  	v37 =	vmul.f32 v39, v6;
	v23 =	vmul.f32 v38, v5;
	v24 =	vld [tilespmem:s23+$0x930];
	v26 =	vadd.f32 v28, v26  }
0x101: {  	v28 =	vld [tilespmem:s23+$0x6F0];
	v31 =	vadd.f32 v36, v31;
	v20 =	vadd.f32 v47, v20;
	v36 =	vperm.xlane v25, v1  }
0x102: {  	v29 =	vmul.f32 v29, v10;
	v38 =	vld [tilespmem:s23+$0x760];
	v39 =	vmul.f32 v45, v11;
	v26 =	vadd.f32 v50, v26  }
0x103: {  	v40 =	vld [tilespmem:s23+$0x7D0];
	v31 =	vadd.f32 v33, v31;
	v33 =	vperm.xlane v20, v0;
	v36 =	vadd.f32 v25, v36  }
0x104: {  	v45 =	vld [tilespmem:s23+$0x840];
	v25 =	vadd.f32 v39, v29;
	v29 =	vmul.f32 v34, v9;
	v26 =	vadd.f32 v43, v26  }
0x105: {  	v34 =	vld [tilespmem:s23+$0x8B0];
	v27 =	vadd.f32 v27, v31;
	v31 =	vadd.f32 v20, v33;
	v33 =	vperm.xlane v36, v2  }
0x106: {  	v39 =	vld [tilespmem:s23+$0x920];
	v20 =	vadd.f32 v29, v25;
	v29 =	vmul.f32 v42, v8;
	v42 =	vperm.xlane v26, v0  }
0x107: {  	v25 =	vmul.f32 v15, v4;
	v43 =	vld [tilespmem:s23+$0x670];
	v15 =	vadd.f32 v22, v27;
	v22 =	vperm.xlane v31, v1  }
0x108: {  	v16 =	vmul.f32 v16, v7;
	v47 =	vld [tilespmem:s23+$0x6E0];
	v27 =	vadd.f32 v29, v20;
	v26 =	vadd.f32 v26, v42  }
0x109: {  	v29 =	vmul.f32 v14, v5;
	v20 =	vld [tilespmem:s23+$0x750];
	v14 =	vperm.xlane v15, v0;
	v31 =	vadd.f32 v31, v22  }
0x10a: {  	v49 =	vmul.f32 v12, v6;
	v42 =	vld [tilespmem:s23+$0x7C0];
	v12 =	vadd.f32 v16, v27;
	v16 =	vperm.xlane v26, v1  }
0x10b: {  	v22 =	vmul.f32 v17, v4;
	v17 =	vld [tilespmem:s23+$0x830];
	v14 =	vadd.f32 v15, v14;
	v15 =	vperm.xlane v31, v2  }
0x10c: {  	v50 =	vmul.f32 v21, v5;
	v51 =	vld [tilespmem:s23+$0x8A0];
	v12 =	vadd.f32 v37, v12;
	v37 =	vadd.f32 v26, v16  }
0x10d: {  	v52 =	vmul.f32 v30, v6;
	v27 =	vld [tilespmem:s23+$0x900];
	v16 =	vperm.xlane v14, v1  }
0x10e: {  	v44 =	vmul.f32 v44, v7;
	v53 =	vld [tilespmem:s23+$0x910];
	v12 =	vadd.f32 v32, v12;
	v32 =	vperm.xlane v37, v2  }
0x10f: {  	v30 =	vmul.f32 v35, v5;
	v21 =	vmul.f32 v48, v4;
	v26 =	vld [tilespmem:s23+$0x660];
	v35 =	vadd.f32 v14, v16  }
0x110: {  	v41 =	vmul.f32 v41, v6;
	v46 =	vmul.f32 v46, v7;
	v48 =	vld [tilespmem:s23+$0x880];
	v54 =	vadd.f32 v13, v12  }
0x111: {  	v24 =	vmul.f32 v24, v8;
	v55 =	vld [tilespmem:s23+$0x890];
	v56 =	vperm.xlane v35, v2  }
0x112: {  	v16 =	vmul.f32 v28, v4;
	v12 =	vadd.f32 v36, v33;
	v57 =	vld [tilespmem:s23+$0x800];
	v58 =	vperm.xlane v54, v0  }
0x113: {  	v13 =	vadd.f32 v31, v15;
	v36 =	vmul.f32 v27, v10;
	v33 =	vld [tilespmem:s23+$0x810];
	v53 =	vmul.f32 v53, v11  }
0x114: {  	v31 =	vmul.f32 v40, v6;
	v14 =	vadd.f32 v37, v32;
	v27 =	vmul.f32 v38, v5;
	v28 =	vld [tilespmem:s23+$0x6D0]  }
0x115: {  	v37 =	vmul.f32 v39, v9;
	v38 =	vadd.f32 v54, v58;
	v32 =	vld [tilespmem:s23+$0x820];
	v36 =	vadd.f32 v53, v36  }
0x116: {  	v15 =	vadd.f32 v35, v56;
	v40 =	vmul.f32 v48, v10;
	v39 =	vld [tilespmem:s23+$0x740];
	v48 =	vmul.f32 v55, v11  }
0x117: {  	v51 =	vmul.f32 v51, v9;
	v35 =	vld [tilespmem:s23+$0x780];
	v36 =	vadd.f32 v37, v36;
	v37 =	vperm.xlane v38, v1  }
0x118: {  	v54 =	vmul.f32 v57, v10;
	v53 =	vld [tilespmem:s23+$0x790];
	v33 =	vmul.f32 v33, v11;
	v40 =	vadd.f32 v48, v40  }
0x119: {  	v34 =	vmul.f32 v34, v8;
	v48 =	vld [tilespmem:s23+$0x7B0];
	v24 =	vadd.f32 v24, v36;
	v37 =	vadd.f32 v38, v37  }
0x11a: {  	v36 =	vld [tilespmem:s23+$0x7A0];
	v33 =	vadd.f32 v33, v54;
	v32 =	vmul.f32 v32, v9;
	v38 =	vadd.f32 v51, v40  }
0x11b: {  	v45 =	vmul.f32 v45, v7;
	v40 =	vld [tilespmem:s23+$0x5E0];
	v24 =	vadd.f32 v44, v24;
	v44 =	vperm.xlane v37, v2  }
0x11c: {  	v51 =	vld [tilespmem:s23+$0x650];
	v32 =	vadd.f32 v32, v33;
	v33 =	vmul.f32 v17, v8;
	v34 =	vadd.f32 v34, v38  }
0x11d: {  	v35 =	vmul.f32 v35, v10;
	v38 =	vld [tilespmem:s23+$0x700];
	v53 =	vmul.f32 v53, v11;
	v24 =	vadd.f32 v49, v24  }
0x11e: {  	v17 =	vmul.f32 v43, v4;
	v43 =	vld [tilespmem:s23+$0x710];
	v32 =	vadd.f32 v33, v32;
	v33 =	vadd.f32 v46, v34  }
0x11f: {  	v34 =	vld [tilespmem:s23+$0x6C0];
	v35 =	vadd.f32 v53, v35;
	v36 =	vmul.f32 v36, v9;
	v23 =	vadd.f32 v23, v24  }
0x120: {  	v24 =	vmul.f32 v47, v5;
	v46 =	vld [tilespmem:s23+$0x720];
	v32 =	vadd.f32 v45, v32;
	v33 =	vadd.f32 v52, v33  }
0x121: {  	v45 =	vld [tilespmem:s23+$0x730];
	v35 =	vadd.f32 v36, v35;
	v36 =	vmul.f32 v48, v8;
	v18 =	vadd.f32 v18, v23  }
0x122: {  	v23 =	vmul.f32 v42, v7;
	v47 =	vld [tilespmem:s23+$0x470];
	v32 =	vadd.f32 v41, v32;
	v29 =	vadd.f32 v29, v33  }
0x123: {  	v33 =	vmul.f32 v38, v10;
	v41 =	vld [tilespmem:s23+$0x5D0];
	v38 =	vmul.f32 v43, v11;
	v35 =	vadd.f32 v36, v35  }
0x124: {  	v42 =	vld [tilespmem:s23+$0x640];
	v32 =	vadd.f32 v50, v32;
	v19 =	vadd.f32 v19, v29;
	v29 =	vperm.xlane v18, v0  }
0x125: {  	v43 =	vld [tilespmem:s23+$0x6B0];
	v33 =	vadd.f32 v38, v33;
	v36 =	vmul.f32 v46, v9;
	v23 =	vadd.f32 v23, v35  }
0x126: {  	v48 =	vld [tilespmem:s23+$0x460];
	v25 =	vadd.f32 v25, v32;
	v32 =	vperm.xlane v19, v0;
	v18 =	vadd.f32 v18, v29  }
0x127: {  	v35 =	vmul.f32 v45, v8;
	v52 =	vld [tilespmem:s23+$0x5C0];
	v33 =	vadd.f32 v36, v33;
	v23 =	vadd.f32 v31, v23  }
0x128: {  	v29 =	vld [tilespmem:s23+$0x630];
	v36 =	vperm.xlane v25, v0;
	v19 =	vadd.f32 v19, v32;
	v32 =	vperm.xlane v18, v1  }
0x129: {  	v45 =	vld [tilespmem:s23+$0x6A0];
	v33 =	vadd.f32 v35, v33;
	v35 =	vmul.f32 v39, v7;
	v23 =	vadd.f32 v30, v23  }
0x12a: {  	v31 =	vld [tilespmem:s23+$0x450];
	v25 =	vadd.f32 v25, v36;
	v30 =	vperm.xlane v19, v1;
	v39 =	vadd.f32 v18, v32  }
0x12b: {  	v20 =	vmul.f32 v20, v6;
	v32 =	vld [tilespmem:s23+$0x5B0];
	v18 =	vadd.f32 v35, v33;
	v22 =	vadd.f32 v22, v23  }
0x12c: {  	v53 =	vld [tilespmem:s23+$0x620];
	v35 =	vperm.xlane v25, v1;
	v46 =	vadd.f32 v19, v30;
	v19 =	vperm.xlane v39, v2  }
0x12d: {  	v23 =	vmul.f32 v26, v5;
	v49 =	vld [tilespmem:s23+$0x680];
	v18 =	vadd.f32 v20, v18;
	v20 =	vperm.xlane v22, v0  }
0x12e: {  	v33 =	vmul.f32 v28, v6;
	v50 =	vld [tilespmem:s23+$0x690];
	v28 =	vadd.f32 v25, v35;
	v54 =	vperm.xlane v46, v2  }
0x12f: {  	v25 =	vmul.f32 v40, v5;
	v35 =	vld [tilespmem:s23+$0x440];
	v26 =	vadd.f32 v27, v18;
	v20 =	vadd.f32 v22, v20  }
0x130: {  	v38 =	vmul.f32 v34, v7;
	v30 =	vmul.f32 v51, v6;
	v18 =	vadd.f32 v37, v44;
	v36 =	vld [tilespmem:s23+$0x5A0]  }
0x131: {  	v44 =	vperm.xlane v28, v2;
	v22 =	vld [tilespmem:s23+$0x600];
	v34 =	vadd.f32 v21, v26;
	v21 =	vperm.xlane v20, v1  }
0x132: {  	v19 =	vadd.f32 v39, v19;
	v27 =	vmul.f32 v41, v6;
	v26 =	vmul.f32 v47, v4;
	v51 =	vld [tilespmem:s23+$0x610]  }
0x133: {  	v37 =	vmul.f32 v42, v7;
	v40 =	vld [tilespmem:s23+$0x430];
	v39 =	vperm.xlane v34, v0;
	v55 =	vadd.f32 v20, v21  }
0x134: {  	v47 =	vmul.f32 v49, v10;
	v49 =	vmul.f32 v50, v11;
	v20 =	vadd.f32 v46, v54;
	v41 =	vld [tilespmem:s23+$0x580]  }
.Ltmp0:
0x135: {  	v46 =	vmul.f32 v43, v8;
	v21 =	vadd.f32 v28, v44;
	v42 =	vld [tilespmem:s23+$0x590];
	v50 =	vperm.xlane v55, v2;
	(pc) =	sbr.rel @p0 .LBB2_3-.Ltmp0, $4  }
0x136: {  	v45 =	vmul.f32 v45, v9;
	v49 =	vadd.f32 v49, v47;
	v47 =	vadd.f32 v34, v39;
	v43 =	vld [tilespmem:s23+$0x420]  }
0x137: {  	v54 =	vmul.f32 v22, v10;
	v39 =	vld [tilespmem:s23+$0x500];
	v51 =	vmul.f32 v51, v11;
	v22 =	vadd.f32 v55, v50  }
0x138: {  	v28 =	vmul.f32 v48, v5;
	v49 =	vadd.f32 v45, v49;
	v50 =	vperm.xlane v47, v1;
	v44 =	vld [tilespmem:s23+$0x400]  }
0x139: {  	s28 =	sadd.s32 $0x10, s28;
	v34 =	vmul.f32 v52, v7;
	v45 =	vld [tilespmem:s23+$0x410];
	v48 =	vadd.f32 v51, v54;
	v51 =	vmul.f32 v53, v9  }
0x13a: {  	v52 =	vld [tilespmem:s23+$0x480];
	v29 =	vmul.f32 v29, v8  }
0x13b: {  	v46 =	vadd.f32 v46, v49;
	v47 =	vadd.f32 v47, v50;
	v31 =	vmul.f32 v31, v6;
	v55 =	vld [tilespmem:s23+$0x490]  }
0x13c: {  	v32 =	vmul.f32 v32, v8;
	v35 =	vmul.f32 v35, v7;
	v56 =	vld [tilespmem:s23+$0x510];
	v48 =	vadd.f32 v51, v48  }
0x13d: {  	v36 =	vmul.f32 v36, v9;
	v40 =	vmul.f32 v40, v8;
	v38 =	vadd.f32 v38, v46  }
0x13e: {  	v57 =	vld [tilespmem:s23+$0x4A0];
	v41 =	vmul.f32 v41, v10;
	v42 =	vmul.f32 v42, v11;
	v29 =	vadd.f32 v29, v48  }
0x13f: {  	v58 =	vld [tilespmem:s23+$0x520];
	v59 =	vmul.f32 v44, v10;
	v33 =	vadd.f32 v33, v38;
	v60 =	vmul.f32 v45, v11  }
0x140: {  	v61 =	vld [tilespmem:s23+$0x4B0];
	v29 =	vadd.f32 v37, v29;
	v62 =	vmul.f32 v52, v10;
	v49 =	vmul.f32 v55, v11  }
0x141: {  	v63 =	vld [tilespmem:s23+$0x530];
	v10 =	vmul.f32 v39, v10;
	v11 =	vmul.f32 v56, v11;
	v24 =	vadd.f32 v24, v33  }
0x142: {  	v43 =	vmul.f32 v43, v9;
	v52 =	vld [tilespmem:s23+$0x4C0];
	v29 =	vadd.f32 v30, v29;
	v30 =	vadd.f32 v60, v59  }
0x143: {  	v54 =	vld [tilespmem:s23+$0x540];
	v53 =	vmul.f32 v57, v9;
	v37 =	vadd.f32 v49, v62;
	v10 =	vadd.f32 v11, v10  }
0x144: {  	v55 =	vld [tilespmem:s23+$0x4D0];
	v9 =	vmul.f32 v58, v9;
	v11 =	vadd.f32 v42, v41;
	v16 =	vadd.f32 v16, v24  }
0x145: {  	v56 =	vmul.f32 v61, v8;
	v57 =	vld [tilespmem:s23+$0x550];
	v30 =	vadd.f32 v43, v30;
	v37 =	vadd.f32 v53, v37  }
0x146: {  	v58 =	vld [tilespmem:s23+$0x4E0];
	v8 =	vmul.f32 v63, v8;
	v9 =	vadd.f32 v9, v10;
	v10 =	vadd.f32 v36, v11  }
0x147: {  	v59 =	vld [tilespmem:s23+$0x560];
	v33 =	vmul.f32 v52, v7;
	v11 =	vadd.f32 v40, v30;
	v30 =	vadd.f32 v56, v37  }
0x148: {  	v60 =	vld [tilespmem:s23+$0x4F0];
	v7 =	vmul.f32 v54, v7;
	v8 =	vadd.f32 v8, v9;
	v9 =	vadd.f32 v32, v10  }
0x149: {  	v61 =	vld [tilespmem:s23+$0x570];
	v10 =	vadd.f32 v35, v11;
	v11 =	vadd.f32 v33, v30;
	v30 =	vmul.f32 v55, v6  }
0x14a: {  	v7 =	vadd.f32 v7, v8;
	v6 =	vmul.f32 v57, v6;
	v8 =	vadd.f32 v34, v9;
	v9 =	vld [tilespmem:s23+$0x5F0]  }
0x14b: {  	v10 =	vadd.f32 v31, v10;
	v11 =	vadd.f32 v30, v11;
	v30 =	vmul.f32 v58, v5  }
0x14c: {  	v6 =	vadd.f32 v6, v7;
	v5 =	vmul.f32 v59, v5;
	v7 =	vadd.f32 v27, v8  }
0x14d: {  	v8 =	vadd.f32 v28, v10;
	v10 =	vadd.f32 v30, v11;
	v11 =	vmul.f32 v60, v4  }
0x14e: {  	v5 =	vadd.f32 v5, v6;
	v6 =	vmul.f32 v61, v4;
	v7 =	vadd.f32 v25, v7  }
0x14f: {  	v4 =	vmul.f32 v9, v4;
	v8 =	vadd.f32 v26, v8;
	v10 =	vadd.f32 v11, v10  }
0x150: {  	v5 =	vadd.f32 v6, v5;
	v6 =	vadd.f32 v23, v29  }
0x151: {  	v4 =	vadd.f32 v4, v7;
	v11 =	vperm.xlane v8, v0;
	v23 =	vperm.xlane v10, v0  }
0x152: {  	v9 =	vperm.xlane v47, v2;
	v7 =	vperm.xlane v5, v0;
	v6 =	vadd.f32 v17, v6  }
0x153: {  	v8 =	vadd.f32 v8, v11;
	v10 =	vadd.f32 v10, v23;
	v11 =	vperm.xlane v4, v0  }
0x154: {  	v17 =	vperm.xlane v16, v0;
	v5 =	vadd.f32 v5, v7;
	v7 =	vperm.xlane v6, v0  }
0x155: {  	v23 =	vperm.xlane v8, v1;
	v24 =	vperm.xlane v10, v1;
	v4 =	vadd.f32 v4, v11  }
0x156: {  	v11 =	vperm.xlane v5, v1;
	v6 =	vadd.f32 v6, v7;
	v7 =	vadd.f32 v16, v17  }
0x157: {  	v8 =	vadd.f32 v8, v23;
	v10 =	vadd.f32 v10, v24;
	v16 =	vperm.xlane v4, v1  }
0x158: {  	v5 =	vadd.f32 v5, v11;
	v11 =	vperm.xlane v6, v1;
	v17 =	vperm.xlane v7, v1  }
0x159: {  	v23 =	vperm.xlane v8, v2;
	v24 =	vperm.xlane v10, v2;
	v4 =	vadd.f32 v4, v16  }
0x15a: {  	v16 =	vperm.xlane v5, v2;
	v6 =	vadd.f32 v6, v11;
	v7 =	vadd.f32 v7, v17  }
0x15b: {  	v8 =	vadd.f32 v8, v23;
	v10 =	vadd.f32 v10, v24;
	v11 =	vperm.xlane v4, v2  }
0x15c: {  	v5 =	vadd.f32 v5, v16;
	v16 =	vperm.xlane v6, v2;
	v17 =	vperm.xlane v7, v2  }
0x15d: {  	v23 =	vperm.xlane v8, v3;
	v24 =	vperm.xlane v10, v3;
	v4 =	vadd.f32 v4, v11  }
0x15e: {  	v11 =	vperm.xlane v5, v3;
	v6 =	vadd.f32 v6, v16;
	v7 =	vadd.f32 v7, v17  }
0x15f: {  	v8 =	vadd.f32 v8, v23;
	v10 =	vadd.f32 v10, v24;
	v16 =	vperm.xlane v4, v3  }
0x160: {  	v9 =	vadd.f32 v47, v9;
	v5 =	vadd.f32 v5, v11;
	v11 =	vperm.xlane v6, v3  }
0x161: {  	v8 =	vsel vm0, v8, v10;
	v4 =	vadd.f32 v4, v16;
	v10 =	vperm.xlane v7, v3  }
0x162: {  	v6 =	vadd.f32 v6, v11;
	v5 =	vsel vm1, v8, v5;
	v8 =	vperm.xlane v9, v3  }
0x163: {  	v4 =	vsel vm2, v5, v4;
	v5 =	vadd.f32 v7, v10;
	v7 =	vperm.xlane v22, v3  }
0x164: {  	v4 =	vsel vm3, v4, v6;
	v6 =	vadd.f32 v9, v8;
	v8 =	vperm.xlane v21, v3  }
0x165: {  	v4 =	vsel vm4, v4, v5;
	v5 =	vadd.f32 v22, v7;
	v7 =	vperm.xlane v20, v3  }
0x166: {  	v4 =	vsel vm5, v4, v6;
	v6 =	vadd.f32 v21, v8;
	v8 =	vperm.xlane v19, v3  }
0x167: {  	v4 =	vsel vm6, v4, v5;
	v5 =	vadd.f32 v20, v7;
	v7 =	vperm.xlane v18, v3  }
0x168: {  	v4 =	vsel vm7, v4, v6;
	v6 =	vadd.f32 v19, v8;
	v8 =	vperm.xlane v15, v3  }
0x169: {  	v4 =	vsel vm8, v4, v5;
	v5 =	vadd.f32 v18, v7;
	v7 =	vperm.xlane v14, v3  }
0x16a: {  	v4 =	vsel vm9, v4, v6;
	v6 =	vadd.f32 v15, v8;
	v8 =	vperm.xlane v13, v3  }
0x16b: {  	v4 =	vsel vm10, v4, v5;
	v5 =	vadd.f32 v14, v7;
	v7 =	vperm.xlane v12, v3  }
0x16c: {  	s28 =	sshll.u32 s25, $0x3;
	p0 =	seq.s32 s22, $0x3;
	s23 =	sshll.u32 s22, $0x1;
	v4 =	vsel vm11, v4, v6;
	v6 =	vadd.f32 v13, v8  }
0x16d: {  	s28 =	sand.u32 $0x400, s28;
	s29 =	sadd.s32 @!p0 s23, s7;
	v4 =	vsel vm12, v4, v5;
	v5 =	vadd.f32 v12, v7  }
0x16e: {  	s31 =	sand.u32 $0x78, s25;
	s26 =	sadd.s32 s28, s26;
	s28 =	smul.u32 @!p0 $0xC80, s29;
	v4 =	vsel vm13, v4, v6  }
0x16f: {  	s25 =	sadd.s32 s31, s26;
	v4 =	vsel vm14, v4, v5  }
0x170: {  	s26 =	simm.s32 @!p0 $0x0;
	[tilespmem:s25+$0x0] =	vst v4;
	s25 =	sadd.s32 @!p0 s0, s28;
	s28 =	simm.s32 @!p0 $0x400  }
0x171: {  	[tilespmem:s28], [sflag:$0x2] =	stream.linear.gather @!p0 [hbm4b:s25+s26], $0x6400, $0x38;
	[tilespmem:$0xDC00] =	vst v63  }
0x172: {  	v4 =	vld [tilespmem:s24+$0xD400]  }
0x173: {  	v5 =	vld [tilespmem:s24+$0xD410]  }
0x174: {  	v6 =	vld [tilespmem:s24+$0xD420]  }
0x175: {  	v7 =	vld [tilespmem:s24+$0xD430]  }
0x176: {  	v8 =	vld [tilespmem:s24+$0xD440]  }
0x177: {  	v9 =	vld [tilespmem:s24+$0xD450]  }
0x178: {  	v10 =	vld [tilespmem:s24+$0xD460];
	v11 =	vmax.f32 v4, v5  }
0x179: {  	v12 =	vld [tilespmem:s24+$0xD470];
	v11 =	vmax.f32 v11, v6  }
0x17a: {  	v13 =	vld [tilespmem:s24+$0xD800];
	v11 =	vmax.f32 v11, v7  }
0x17b: {  	v14 =	vld [tilespmem:s24+$0xD810];
	v11 =	vmax.f32 v11, v8  }
0x17c: {  	v15 =	vld [tilespmem:s24+$0xD820];
	v11 =	vmax.f32 v11, v9  }
0x17d: {  	v16 =	vld [tilespmem:s24+$0xD830];
	v11 =	vmax.f32 v11, v10  }
0x17e: {  	v17 =	vld [tilespmem:s24+$0xD838];
	v11 =	vmax.f32 v11, v12  }
0x17f: {  	v11 =	vmax.f32 v11, v13  }
0x180: {  	v11 =	vmax.f32 v11, v14  }
0x181: {  	v11 =	vmax.f32 v11, v15  }
0x182: {  	v11 =	vmax.f32 v11, v16  }
0x183: {  	v11 =	vmax.f32 v11, v17  }
0x184: {  	v18 =	vperm.xlane v11, v0;
	_ =	sdelay $0x1  }
0x185: {  	v11 =	vmax.f32 v11, v18  }
0x186: {  	v18 =	vperm.xlane v11, v1;
	_ =	sdelay $0x1  }
0x187: {  	v11 =	vmax.f32 v11, v18  }
0x188: {  	v18 =	vperm.xlane v11, v2;
	_ =	sdelay $0x1  }
0x189: {  	v11 =	vmax.f32 v11, v18  }
0x18a: {  	v18 =	vperm.xlane v11, v3;
	_ =	sdelay $0x1  }
0x18b: {  	v11 =	vmax.f32 v11, v18  }
0x18c: {  	v4 =	vsub.f32 v4, v11  }
0x18d: {  	v5 =	vsub.f32 v5, v11  }
0x18e: {  	v6 =	vsub.f32 v6, v11;
	v4 =	vmul.f32 $1.442695020e+00, v4  }
0x18f: {  	v7 =	vsub.f32 v7, v11;
	v5 =	vmul.f32 $1.442695020e+00, v5  }
0x190: {  	(erf) = vpow2.f32 v4;
	v4 =	vmul.f32 $1.442695020e+00, v6;
	v6 =	vsub.f32 v8, v11  }
0x191: {  	(erf) = vpow2.f32 v5;
	v5 =	vmul.f32 $1.442695020e+00, v7;
	v7 =	vsub.f32 v9, v11  }
0x192: {  	(erf) = vpow2.f32 v4;
	v4 =	vmul.f32 $1.442695020e+00, v6;
	v6 =	vsub.f32 v10, v11  }
0x193: {  	(erf) = vpow2.f32 v5;
	v5 =	vmul.f32 $1.442695020e+00, v7;
	v7 =	vsub.f32 v12, v11  }
0x194: {  	(erf) = vpow2.f32 v4;
	v4 =	vmul.f32 $1.442695020e+00, v6;
	v6 =	vsub.f32 v13, v11  }
0x195: {  	(erf) = vpow2.f32 v5;
	v5 =	vmul.f32 $1.442695020e+00, v7;
	v7 =	vsub.f32 v14, v11  }
0x196: {  	(erf) = vpow2.f32 v4;
	v4 =	vmul.f32 $1.442695020e+00, v6;
	v6 =	vsub.f32 v15, v11  }
0x197: {  	(erf) = vpow2.f32 v5;
	v5 =	vmul.f32 $1.442695020e+00, v7;
	v7 =	vsub.f32 v16, v11;
	_ =	sdelay $0x1  }
0x198: {  	(erf) = vpow2.f32 v4;
	v4 =	vmul.f32 $1.442695020e+00, v6;
	v6 =	vsub.f32 v17, v11  }
0x199: {  	v8 =	vpop (erf);
	(erf) = vpow2.f32 v5;
	v5 =	vmul.f32 $1.442695020e+00, v7  }
0x19a: {  	v7 =	vpop (erf);
	(erf) = vpow2.f32 v4;
	v4 =	vmul.f32 $1.442695020e+00, v6;
	_ =	sdelay $0x1  }
0x19b: {  	v6 =	vpop (erf);
	(erf) = vpow2.f32 v5  }
0x19c: {  	v5 =	vpop (erf);
	(erf) = vpow2.f32 v4  }
0x19d: {  	v4 =	vpop (erf)  }
0x19e: {  	v9 =	vpop (erf)  }
0x19f: {  	v10 =	vpop (erf)  }
0x1a0: {  	v11 =	vpop (erf)  }
0x1a1: {  	v12 =	vpop (erf)  }
0x1a2: {  	v13 =	vpop (erf)  }
0x1a3: {  	v14 =	vpop (erf)  }
0x1a4: {  	v15 =	vpop (erf)  }
0x1a5: {  	v16 =	vpop (erf)  }
0x1a6: {  	v17 =	vsel vm7, $0x0, v16  }
0x1a7: {  	v17 =	vadd.f32 v17, v8;
	_ =	sdelay $0x1  }
0x1a8: {  	v17 =	vadd.f32 v17, v7;
	_ =	sdelay $0x1  }
0x1a9: {  	v17 =	vadd.f32 v17, v6;
	_ =	sdelay $0x1  }
0x1aa: {  	v17 =	vadd.f32 v17, v5;
	_ =	sdelay $0x1  }
0x1ab: {  	v17 =	vadd.f32 v17, v4;
	_ =	sdelay $0x1  }
0x1ac: {  	v17 =	vadd.f32 v17, v9;
	_ =	sdelay $0x1  }
0x1ad: {  	v17 =	vadd.f32 v17, v10;
	_ =	sdelay $0x1  }
0x1ae: {  	v17 =	vadd.f32 v17, v11;
	_ =	sdelay $0x1  }
0x1af: {  	v17 =	vadd.f32 v17, v12;
	_ =	sdelay $0x1  }
0x1b0: {  	v17 =	vadd.f32 v17, v13;
	_ =	sdelay $0x1  }
0x1b1: {  	v17 =	vadd.f32 v17, v14;
	_ =	sdelay $0x1  }
0x1b2: {  	v17 =	vadd.f32 v17, v15;
	_ =	sdelay $0x1  }
0x1b3: {  	v18 =	vperm.xlane v17, v0;
	_ =	sdelay $0x1  }
0x1b4: {  	v17 =	vadd.f32 v17, v18;
	_ =	sdelay $0x1  }
0x1b5: {  	v18 =	vperm.xlane v17, v1;
	_ =	sdelay $0x1  }
0x1b6: {  	v17 =	vadd.f32 v17, v18;
	_ =	sdelay $0x1  }
0x1b7: {  	v18 =	vperm.xlane v17, v2;
	_ =	sdelay $0x1  }
0x1b8: {  	v17 =	vadd.f32 v17, v18;
	_ =	sdelay $0x1  }
0x1b9: {  	v18 =	vperm.xlane v17, v3;
	_ =	sdelay $0x1  }
0x1ba: {  	v17 =	vadd.f32 v17, v18;
	_ =	sdelay $0x1  }
0x1bb: {  	(erf) = vrcp.f32 v17;
	_ =	sdelay $0x8  }
0x1bc: {  	v17 =	vpop (erf)  }
0x1bd: {  	v8 =	vmul.f32 v17, v8  }
0x1be: {  	v7 =	vmul.f32 v17, v7  }
0x1bf: {  	v6 =	vmul.f32 v17, v6;
	[tilespmem:s24+$0xCC00] =	vst v8  }
0x1c0: {  	v5 =	vmul.f32 v17, v5;
	[tilespmem:s24+$0xCC10] =	vst v7  }
0x1c1: {  	v4 =	vmul.f32 v17, v4;
	[tilespmem:s24+$0xCC20] =	vst v6  }
0x1c2: {  	[tilespmem:s24+$0xCC30] =	vst v5;
	v5 =	vmul.f32 v17, v9  }
0x1c3: {  	[tilespmem:s24+$0xCC40] =	vst v4;
	v4 =	vmul.f32 v17, v10  }
0x1c4: {  	[tilespmem:s24+$0xCC50] =	vst v5;
	v5 =	vmul.f32 v17, v11  }
0x1c5: {  	[tilespmem:s24+$0xCC60] =	vst v4;
	v4 =	vmul.f32 v17, v12  }
0x1c6: {  	[tilespmem:s24+$0xCC70] =	vst v5;
	v5 =	vmul.f32 v17, v13  }
0x1c7: {  	[tilespmem:s24+$0xD000] =	vst v4;
	v4 =	vmul.f32 v17, v14  }
0x1c8: {  	[tilespmem:s24+$0xD010] =	vst v5;
	v5 =	vmul.f32 v17, v15  }
0x1c9: {  	[tilespmem:s24+$0xD020] =	vst v4;
	v4 =	vmul.f32 v17, v16  }
0x1ca: {  	[tilespmem:s24+$0xD030] =	vst v5  }
0x1cb: {  	[tilespmem:s24+$0xD038] =	vst v4  }
0x1cc: {  	s30 =	sor.u32 $0x1, s23;
	_ =	swait.ge [sflag:s16], $0x6400  }
0x1cd: {  	s24 =	sshll.u32 s30, $0x7;
	[sflag:s16] =	ssyncset.done $0x0  }
0x1ce: {  	s28 =	sand.u32 $0x3FFFFF80, s24;
	[sflag:s16] =	ssyncadd.s32 $0xFFFF9C00  }
0x1cf: {  	v10 =	vld [tilespmem:s28+$0x0]  }
0x1d0: {  	v11 =	vld [tilespmem:s28+$0x10]  }
0x1d1: {  	v9 =	vld [tilespmem:s28+$0x20]  }
0x1d2: {  	v8 =	vld [tilespmem:s28+$0x30]  }
0x1d3: {  	v7 =	vld [tilespmem:s28+$0x40]  }
0x1d4: {  	s31 =	simm.s32 $0x0;
	v6 =	vld [tilespmem:s28+$0x50]  }
0x1d5: {  	s25 =	smin.u32 s31, $0xB8;
	v5 =	vld [tilespmem:s28+$0x60]  }
0x1d6: {  	s26 =	sshll.u32 s25, $0x7;
	v4 =	vld [tilespmem:s28+$0x70]  }
0x1d7: {  	v12 =	vld [tilespmem:s26+$0x6FF0]  }
0x1d8: {  	v13 =	vld [tilespmem:s26+$0x6F70]  }
0x1d9: {  	v14 =	vld [tilespmem:s26+$0x6FE0]  }
0x1da: {  	v15 =	vld [tilespmem:s26+$0x6EF0]  }
0x1db: {  	v16 =	vld [tilespmem:s26+$0x6F60]  }
0x1dc: {  	v17 =	vld [tilespmem:s26+$0x6FD0]  }
0x1dd: {  	v18 =	vld [tilespmem:s26+$0x6E70]  }
0x1de: {  	v19 =	vld [tilespmem:s26+$0x6EE0]  }
0x1df: {  	v20 =	vld [tilespmem:s26+$0x6F50]  }
0x1e0: {  	v21 =	vld [tilespmem:s26+$0x6FC0]  }
0x1e1: {  	v22 =	vld [tilespmem:s26+$0x6DF0]  }
0x1e2: {  	v23 =	vld [tilespmem:s26+$0x6E60]  }
0x1e3: {  	v24 =	vld [tilespmem:s26+$0x6ED0]  }
0x1e4: {  	v25 =	vld [tilespmem:s26+$0x6F40]  }
0x1e5: {  	v26 =	vld [tilespmem:s26+$0x6FB0]  }
0x1e6: {  	v27 =	vld [tilespmem:s26+$0x6D70]  }
0x1e7: {  	v28 =	vld [tilespmem:s26+$0x6DE0]  }
0x1e8: {  	v29 =	vld [tilespmem:s26+$0x6E50]  }
0x1e9: {  	v30 =	vld [tilespmem:s26+$0x6EC0]  }
0x1ea: {  	v31 =	vld [tilespmem:s26+$0x6F30]  }
0x1eb: {  	v62 =	vld [tilespmem:s26+$0x6FA0]  }
0x1ec: {  	v33 =	vld [tilespmem:s26+$0x6CF0]  }
0x1ed: {  	v34 =	vld [tilespmem:s26+$0x6D60]  }
0x1ee: {  	v35 =	vld [tilespmem:s26+$0x6DD0]  }
0x1ef: {  	v36 =	vld [tilespmem:s26+$0x6E40]  }
0x1f0: {  	v37 =	vld [tilespmem:s26+$0x6EB0]  }
0x1f1: {  	v52 =	vld [tilespmem:s26+$0x6F80]  }
0x1f2: {  	v53 =	vld [tilespmem:s26+$0x6F90]  }
0x1f3: {  	v63 =	vld [tilespmem:s26+$0x6F20]  }
0x1f4: {  	v41 =	vld [tilespmem:s26+$0x6C70]  }
0x1f5: {  	v42 =	vld [tilespmem:s26+$0x6CE0];
	v12 =	vmul.f32 v12, v4  }
0x1f6: {  	v43 =	vld [tilespmem:s26+$0x6D50];
	v13 =	vmul.f32 v13, v4;
	v14 =	vmul.f32 v14, v5  }
0x1f7: {  	v44 =	vld [tilespmem:s26+$0x6DC0];
	v39 =	vmul.f32 v52, v10;
	v40 =	vmul.f32 v53, v11  }
0x1f8: {  	v55 =	vld [tilespmem:s26+$0x6F00];
	v15 =	vmul.f32 v15, v4;
	v16 =	vmul.f32 v16, v5  }
0x1f9: {  	v56 =	vld [tilespmem:s26+$0x6F10];
	v32 =	vmul.f32 v62, v9;
	v17 =	vmul.f32 v17, v6  }
0x1fa: {  	v45 =	vld [tilespmem:s26+$0x6E30];
	v57 =	vmul.f32 v18, v4;
	v58 =	vmul.f32 v19, v5  }
0x1fb: {  	v54 =	vld [tilespmem:s26+$0x6EA0];
	v20 =	vmul.f32 v20, v6;
	v26 =	vmul.f32 v26, v8  }
0x1fc: {  	v59 =	vld [tilespmem:s26+$0x6E00];
	v21 =	vmul.f32 v21, v7;
	v23 =	vmul.f32 v23, v5  }
0x1fd: {  	v60 =	vld [tilespmem:s26+$0x6E20];
	v24 =	vmul.f32 v24, v6;
	v47 =	vmul.f32 v55, v10  }
0x1fe: {  	v61 =	vld [tilespmem:s26+$0x6DB0];
	v48 =	vmul.f32 v56, v11;
	v25 =	vmul.f32 v25, v7  }
0x1ff: {  	v51 =	vld [tilespmem:s26+$0x6A20];
	v28 =	vmul.f32 v28, v5;
	v38 =	vmul.f32 v63, v9;
	v39 =	vadd.f32 v40, v39  }
0x200: {  	v19 =	vld [tilespmem:s26+$0x6E80];
	v29 =	vmul.f32 v29, v6;
	v31 =	vmul.f32 v31, v8  }
0x201: {  	v62 =	vmul.f32 v59, v10;
	v18 =	vadd.f32 v32, v39;
	v32 =	vmul.f32 v22, v4;
	v22 =	vld [tilespmem:s26+$0x6E90]  }
0x202: {  	v63 =	vmul.f32 v60, v9;
	v30 =	vmul.f32 v30, v7;
	v53 =	vld [tilespmem:s26+$0x6D90]  }
0x203: {  	v55 =	vmul.f32 v36, v7;
	v36 =	vld [tilespmem:s26+$0x6D30];
	v34 =	vmul.f32 v34, v5;
	v26 =	vadd.f32 v26, v18  }
0x204: {  	v35 =	vmul.f32 v35, v6;
	v47 =	vadd.f32 v48, v47;
	v18 =	vmul.f32 v27, v4;
	v27 =	vld [tilespmem:s26+$0x6E10]  }
0x205: {  	v46 =	vld [tilespmem:s26+$0x6AD0];
	v41 =	vmul.f32 v41, v4;
	v43 =	vmul.f32 v43, v6;
	v21 =	vadd.f32 v21, v26  }
0x206: {  	v39 =	vld [tilespmem:s26+$0x6C60];
	v38 =	vadd.f32 v38, v47;
	v19 =	vmul.f32 v19, v10;
	v22 =	vmul.f32 v22, v11  }
0x207: {  	v51 =	vmul.f32 v51, v9;
	v56 =	vmul.f32 v53, v11;
	v53 =	vld [tilespmem:s26+$0x6C90];
	v17 =	vadd.f32 v17, v21  }
0x208: {  	v40 =	vld [tilespmem:s26+$0x6BF0];
	v31 =	vadd.f32 v31, v38;
	v19 =	vadd.f32 v22, v19;
	v22 =	vmul.f32 v54, v9  }
0x209: {  	v36 =	vmul.f32 v36, v8;
	v38 =	vld [tilespmem:s26+$0x6BE0];
	v27 =	vmul.f32 v27, v11;
	v14 =	vadd.f32 v14, v17  }
0x20a: {  	v25 =	vadd.f32 v25, v31;
	v31 =	vld [tilespmem:s26+$0x6D80];
	v19 =	vadd.f32 v22, v19;
	v22 =	vmul.f32 v37, v8  }
0x20b: {  	v26 =	vld [tilespmem:s26+$0x6CD0];
	v39 =	vmul.f32 v39, v5;
	v27 =	vadd.f32 v27, v62;
	v12 =	vadd.f32 v12, v14  }
0x20c: {  	v20 =	vadd.f32 v20, v25;
	v25 =	vld [tilespmem:s26+$0x6CC0];
	v53 =	vmul.f32 v53, v11;
	v22 =	vadd.f32 v22, v19  }
0x20d: {  	v54 =	vmul.f32 v45, v8;
	v37 =	vld [tilespmem:s26+$0x6BD0];
	v27 =	vadd.f32 v63, v27;
	v52 =	vperm.xlane v12, v0  }
0x20e: {  	v48 =	vld [tilespmem:s26+$0x6AE0];
	v38 =	vmul.f32 v38, v5;
	v16 =	vadd.f32 v16, v20;
	v22 =	vadd.f32 v30, v22  }
0x20f: {  	v31 =	vmul.f32 v31, v10;
	v30 =	vld [tilespmem:s26+$0x6DA0];
	v27 =	vadd.f32 v54, v27;
	v12 =	vadd.f32 v12, v52  }
0x210: {  	v62 =	vld [tilespmem:s26+$0x6CA0];
	v26 =	vmul.f32 v26, v6;
	v13 =	vadd.f32 v13, v16;
	v20 =	vadd.f32 v24, v22  }
0x211: {  	v21 =	vld [tilespmem:s26+$0x6D40];
	v19 =	vmul.f32 v33, v4;
	v22 =	vadd.f32 v55, v27;
	v16 =	vperm.xlane v12, v1  }
0x212: {  	v25 =	vmul.f32 v25, v7;
	v37 =	vmul.f32 v37, v6;
	v27 =	vld [tilespmem:s26+$0x6B60];
	v20 =	vadd.f32 v58, v20  }
0x213: {  	v45 =	vld [tilespmem:s26+$0x6C40];
	v22 =	vadd.f32 v29, v22;
	v29 =	vperm.xlane v13, v0;
	v12 =	vadd.f32 v12, v16  }
0x214: {  	v17 =	vld [tilespmem:s26+$0x6B70];
	v16 =	vadd.f32 v56, v31;
	v30 =	vmul.f32 v30, v9;
	v15 =	vadd.f32 v15, v20  }
0x215: {  	v14 =	vld [tilespmem:s26+$0x6C50];
	v49 =	vmul.f32 v62, v9;
	v20 =	vadd.f32 v23, v22;
	v13 =	vadd.f32 v13, v29  }
0x216: {  	v31 =	vld [tilespmem:s26+$0x6CB0];
	v22 =	vmul.f32 v61, v8;
	v23 =	vperm.xlane v12, v2;
	v16 =	vadd.f32 v30, v16  }
0x217: {  	v29 =	vld [tilespmem:s26+$0x6D20];
	v27 =	vmul.f32 v27, v5;
	v30 =	vperm.xlane v15, v0  }
0x218: {  	v33 =	vld [tilespmem:s26+$0x6A70];
	v57 =	vadd.f32 v57, v20;
	v58 =	vperm.xlane v13, v1;
	v16 =	vadd.f32 v22, v16  }
0x219: {  	v63 =	vld [tilespmem:s26+$0x6D00];
	v22 =	vmul.f32 v44, v7;
	v12 =	vadd.f32 v12, v23;
	v15 =	vadd.f32 v15, v30  }
0x21a: {  	v30 =	vmul.f32 v42, v5;
	v59 =	vperm.xlane v57, v0;
	v13 =	vadd.f32 v13, v58;
	v58 =	vld [tilespmem:s26+$0x6D10]  }
0x21b: {  	v20 =	vld [tilespmem:s26+$0x6B50];
	v31 =	vmul.f32 v31, v8;
	v16 =	vadd.f32 v22, v16;
	v22 =	vmul.f32 v40, v4  }
0x21c: {  	v24 =	vld [tilespmem:s26+$0x6AF0];
	v29 =	vmul.f32 v29, v9;
	v60 =	vperm.xlane v15, v1;
	v42 =	vadd.f32 v57, v59  }
0x21d: {  	v52 =	vld [tilespmem:s26+$0x6A60];
	v61 =	vperm.xlane v13, v2;
	v59 =	vmul.f32 v21, v7;
	v16 =	vadd.f32 v35, v16  }
0x21e: {  	v62 =	vld [tilespmem:s26+$0x6B90];
	v21 =	vmul.f32 v17, v4;
	v15 =	vadd.f32 v15, v60;
	v57 =	vperm.xlane v42, v1  }
0x21f: {  	v35 =	vmul.f32 v63, v10;
	v60 =	vld [tilespmem:s26+$0x6C80];
	v16 =	vadd.f32 v28, v16;
	v50 =	vmul.f32 v58, v11  }
0x220: {  	v23 =	vld [tilespmem:s26+$0x6C10];
	v20 =	vmul.f32 v20, v6;
	v28 =	vperm.xlane v15, v2;
	v17 =	vadd.f32 v42, v57  }
0x221: {  	v32 =	vadd.f32 v32, v16;
	v16 =	vmul.f32 v24, v4;
	v24 =	vld [tilespmem:s26+$0x6C00];
	v35 =	vadd.f32 v50, v35  }
0x222: {  	v63 =	vld [tilespmem:s26+$0x6BB0];
	v42 =	vmul.f32 v14, v6;
	v54 =	vperm.xlane v17, v2  }
0x223: {  	v14 =	vadd.f32 v15, v28;
	v28 =	vld [tilespmem:s26+$0x6C20];
	v55 =	vperm.xlane v32, v0;
	v29 =	vadd.f32 v29, v35  }
0x224: {  	v13 =	vadd.f32 v13, v61;
	v47 =	vmul.f32 v60, v10;
	v15 =	vadd.f32 v17, v54;
	v17 =	vld [tilespmem:s26+$0x6B80]  }
0x225: {  	v40 =	vld [tilespmem:s26+$0x6C30];
	v23 =	vmul.f32 v23, v11;
	v32 =	vadd.f32 v32, v55;
	v29 =	vadd.f32 v36, v29  }
0x226: {  	v56 =	vld [tilespmem:s26+$0x6BA0];
	v57 =	vmul.f32 v45, v7;
	v47 =	vadd.f32 v53, v47;
	v24 =	vmul.f32 v24, v10  }
0x227: {  	v44 =	vld [tilespmem:s26+$0x6BC0];
	v61 =	vperm.xlane v32, v1;
	v29 =	vadd.f32 v59, v29;
	v59 =	vmul.f32 v62, v11  }
0x228: {  	v50 =	vld [tilespmem:s26+$0x6B40];
	v23 =	vadd.f32 v23, v24;
	v24 =	vmul.f32 v28, v9;
	v28 =	vadd.f32 v49, v47  }
0x229: {  	v60 =	vld [tilespmem:s26+$0x6B10];
	v62 =	vmul.f32 v63, v8;
	v55 =	vadd.f32 v32, v61;
	v58 =	vmul.f32 v17, v10  }
0x22a: {  	v35 =	vld [tilespmem:s26+$0x6840];
	v23 =	vadd.f32 v24, v23;
	v24 =	vmul.f32 v40, v8;
	v28 =	vadd.f32 v31, v28  }
0x22b: {  	v36 =	vld [tilespmem:s26+$0x69E0];
	v29 =	vadd.f32 v43, v29;
	v32 =	vmul.f32 v56, v9;
	v40 =	vadd.f32 v59, v58  }
0x22c: {  	v17 =	vmul.f32 v33, v4;
	v31 =	vld [tilespmem:s26+$0x6B00];
	v23 =	vadd.f32 v24, v23;
	v25 =	vadd.f32 v25, v28  }
0x22d: {  	v61 =	vld [tilespmem:s26+$0x6B20];
	v33 =	vmul.f32 v46, v6;
	v29 =	vadd.f32 v34, v29;
	v32 =	vadd.f32 v32, v40  }
0x22e: {  	v45 =	vperm.xlane v55, v2;
	v23 =	vadd.f32 v57, v23;
	v25 =	vadd.f32 v26, v25;
	v26 =	vld [tilespmem:s26+$0x6B30]  }
0x22f: {  	v63 =	vld [tilespmem:s26+$0x69D0];
	v18 =	vadd.f32 v18, v29;
	v29 =	vmul.f32 v44, v7;
	v32 =	vadd.f32 v62, v32  }
0x230: {  	v43 =	vld [tilespmem:s26+$0x6A40];
	v24 =	vmul.f32 v48, v5;
	v23 =	vadd.f32 v42, v23;
	v25 =	vadd.f32 v30, v25  }
0x231: {  	v47 =	vld [tilespmem:s26+$0x6A50];
	v30 =	vmul.f32 v31, v10;
	v31 =	vmul.f32 v60, v11;
	v29 =	vadd.f32 v29, v32  }
0x232: {  	v34 =	vld [tilespmem:s26+$0x6860];
	v23 =	vadd.f32 v39, v23;
	v19 =	vadd.f32 v19, v25;
	v25 =	vperm.xlane v18, v0  }
0x233: {  	v28 =	vld [tilespmem:s26+$0x6AC0];
	v30 =	vadd.f32 v31, v30;
	v31 =	vmul.f32 v61, v9;
	v26 =	vmul.f32 v26, v8  }
0x234: {  	v39 =	vld [tilespmem:s26+$0x6AB0];
	v23 =	vadd.f32 v41, v23;
	v53 =	vperm.xlane v19, v0;
	v18 =	vadd.f32 v18, v25  }
0x235: {  	v59 =	vld [tilespmem:s26+$0x6A90];
	v25 =	vadd.f32 v31, v30;
	v30 =	vadd.f32 v37, v29;
	v37 =	vmul.f32 v43, v7  }
0x236: {  	v48 =	vld [tilespmem:s26+$0x69C0];
	v54 =	vperm.xlane v23, v0;
	v19 =	vadd.f32 v19, v53;
	v56 =	vperm.xlane v18, v1  }
0x237: {  	v40 =	vld [tilespmem:s26+$0x6870];
	v25 =	vadd.f32 v26, v25;
	v26 =	vmul.f32 v50, v7;
	v30 =	vadd.f32 v38, v30  }
0x238: {  	v44 =	vld [tilespmem:s26+$0x6AA0];
	v38 =	vmul.f32 v28, v7;
	v57 =	vadd.f32 v23, v54;
	v58 =	vadd.f32 v18, v56  }
0x239: {  	v50 =	vld [tilespmem:s26+$0x6A80];
	v46 =	vmul.f32 v39, v8;
	v18 =	vadd.f32 v26, v25;
	v22 =	vadd.f32 v22, v30  }
0x23a: {  	v42 =	vld [tilespmem:s26+$0x6990];
	v23 =	vperm.xlane v19, v1;
	v30 =	vmul.f32 v47, v6  }
0x23b: {  	v32 =	vld [tilespmem:s26+$0x69B0];
	v25 =	vperm.xlane v57, v1;
	v18 =	vadd.f32 v20, v18;
	v20 =	vperm.xlane v22, v0  }
0x23c: {  	v29 =	vld [tilespmem:s26+$0x6A30];
	v49 =	vadd.f32 v19, v23;
	v19 =	vperm.xlane v58, v2;
	v23 =	vmul.f32 v52, v5  }
0x23d: {  	v31 =	vld [tilespmem:s26+$0x6850];
	v52 =	vmul.f32 v59, v11;
	v26 =	vadd.f32 v27, v18;
	v20 =	vadd.f32 v22, v20  }
0x23e: {  	v50 =	vmul.f32 v50, v10;
	v60 =	vadd.f32 v57, v25;
	v61 =	vperm.xlane v49, v2;
	v22 =	vld [tilespmem:s26+$0x6A00]  }
0x23f: {  	v27 =	vmul.f32 v63, v6;
	v63 =	vld [tilespmem:s26+$0x6A10];
	v28 =	vadd.f32 v21, v26;
	v21 =	vperm.xlane v20, v1  }
0x240: {  	v41 =	vld [tilespmem:s26+$0x6980];
	v25 =	vmul.f32 v36, v5;
	v19 =	vadd.f32 v58, v19;
	v62 =	vperm.xlane v60, v2  }
0x241: {  	v43 =	vld [tilespmem:s26+$0x6820];
	v57 =	vperm.xlane v28, v0;
	v58 =	vadd.f32 v20, v21;
	v20 =	vadd.f32 v49, v61  }
0x242: {  	v39 =	vld [tilespmem:s26+$0x6900];
	v26 =	vmul.f32 v40, v4;
	v21 =	vadd.f32 v60, v62;
	v60 =	vadd.f32 v52, v50  }
0x243: {  	v36 =	vld [tilespmem:s26+$0x69A0];
	v61 =	vmul.f32 v44, v9;
	v62 =	vmul.f32 v22, v10;
	v47 =	vadd.f32 v28, v57  }
0x244: {  	v18 =	vadd.f32 v55, v45;
	v45 =	vld [tilespmem:s26+$0x6810];
	v63 =	vmul.f32 v63, v11;
	v59 =	vperm.xlane v58, v2  }
0x245: {  	v40 =	vld [tilespmem:s26+$0x6830];
	v28 =	vmul.f32 v34, v5;
	v49 =	vadd.f32 v61, v60;
	v50 =	vperm.xlane v47, v1  }
0x246: {  	s29 =	simm.s32 $0x10;
	s28 =	sadd.s32 $0xD400, s28;
	v44 =	vld [tilespmem:s26+$0x6800];
	v34 =	vmul.f32 v48, v7;
	v48 =	vadd.f32 v63, v62;
	v22 =	vadd.f32 v58, v59  }
.LBB2_5:
0x247: {  	p1 =	sne.s32 s29, $0xC0;
	v52 =	vld [tilespmem:s26+$0x6880];
	v53 =	vmul.f32 v29, v8;
	v46 =	vadd.f32 v46, v49;
	v29 =	vadd.f32 v47, v50  }
0x248: {  	v31 =	vmul.f32 v31, v6;
	v32 =	vmul.f32 v32, v8;
	v47 =	vld [tilespmem:s26+$0x6890];
	v48 =	vadd.f32 v51, v48  }
0x249: {  	v35 =	vmul.f32 v35, v7;
	v36 =	vmul.f32 v36, v9;
	v49 =	vld [tilespmem:s26+$0x6910];
	v38 =	vadd.f32 v38, v46  }
0x24a: {  	v40 =	vmul.f32 v40, v8;
	v41 =	vmul.f32 v41, v10;
	v46 =	vld [tilespmem:s26+$0x68A0];
	v48 =	vadd.f32 v53, v48  }
0x24b: {  	v42 =	vmul.f32 v42, v11;
	v43 =	vmul.f32 v43, v9;
	v50 =	vld [tilespmem:s26+$0x6920];
	v33 =	vadd.f32 v33, v38  }
0x24c: {  	v38 =	vmul.f32 v44, v10;
	v44 =	vmul.f32 v45, v11;
	v45 =	vld [tilespmem:s26+$0x68B0];
	v37 =	vadd.f32 v37, v48  }
0x24d: {  	v48 =	vmul.f32 v52, v10;
	v47 =	vmul.f32 v47, v11;
	v51 =	vld [tilespmem:s26+$0x6930];
	v24 =	vadd.f32 v24, v33  }
0x24e: {  	v39 =	vmul.f32 v39, v10;
	v33 =	vld [tilespmem:s26+$0x68C0];
	v49 =	vmul.f32 v49, v11;
	v30 =	vadd.f32 v30, v37  }
0x24f: {  	v37 =	vadd.f32 v44, v38;
	v38 =	vadd.f32 v47, v48;
	v44 =	vmul.f32 v46, v9;
	v46 =	vld [tilespmem:s26+$0x6940]  }
0x250: {  	v41 =	vadd.f32 v42, v41;
	v47 =	vld [tilespmem:s26+$0x68D0];
	v39 =	vadd.f32 v49, v39;
	v48 =	vmul.f32 v50, v9  }
0x251: {  	v37 =	vadd.f32 v43, v37;
	v38 =	vadd.f32 v44, v38;
	v42 =	vmul.f32 v45, v8;
	v43 =	vld [tilespmem:s26+$0x6950]  }
0x252: {  	v36 =	vadd.f32 v36, v41;
	v44 =	vld [tilespmem:s26+$0x68E0];
	v39 =	vadd.f32 v48, v39;
	v45 =	vmul.f32 v51, v8  }
0x253: {  	v37 =	vadd.f32 v40, v37;
	v38 =	vadd.f32 v42, v38;
	v33 =	vmul.f32 v33, v7;
	v40 =	vld [tilespmem:s26+$0x6960]  }
0x254: {  	v32 =	vadd.f32 v32, v36;
	v41 =	vld [tilespmem:s26+$0x68F0];
	v39 =	vadd.f32 v45, v39;
	v42 =	vmul.f32 v46, v7  }
0x255: {  	v35 =	vadd.f32 v35, v37;
	v33 =	vadd.f32 v33, v38;
	v36 =	vmul.f32 v47, v6;
	v37 =	vld [tilespmem:s26+$0x6970]  }
0x256: {  	v32 =	vadd.f32 v34, v32;
	v38 =	vadd.f32 v42, v39;
	v39 =	vmul.f32 v43, v6;
	v34 =	vld [tilespmem:s26+$0x69F0]  }
0x257: {  	v31 =	vadd.f32 v31, v35;
	v33 =	vadd.f32 v36, v33;
	v35 =	vmul.f32 v44, v5  }
0x258: {  	v27 =	vadd.f32 v27, v32;
	v36 =	vadd.f32 v39, v38;
	v38 =	vmul.f32 v40, v5  }
0x259: {  	v28 =	vadd.f32 v28, v31;
	v31 =	vadd.f32 v35, v33;
	v32 =	vmul.f32 v41, v4  }
0x25a: {  	v25 =	vadd.f32 v25, v27;
	v33 =	vadd.f32 v38, v36;
	v35 =	vmul.f32 v37, v4  }
0x25b: {  	v26 =	vadd.f32 v26, v28;
	v27 =	vadd.f32 v32, v31;
	v28 =	vmul.f32 v34, v4  }
0x25c: {  	v23 =	vadd.f32 v23, v30;
	v30 =	vperm.xlane v29, v2;
	v31 =	vadd.f32 v35, v33  }
0x25d: {  	v32 =	vperm.xlane v26, v0;
	v33 =	vperm.xlane v27, v0;
	v25 =	vadd.f32 v28, v25  }
0x25e: {  	v16 =	vadd.f32 v16, v24;
	v17 =	vadd.f32 v17, v23;
	v28 =	vperm.xlane v31, v0  }
0x25f: {  	v23 =	vadd.f32 v26, v32;
	v24 =	vadd.f32 v27, v33;
	v26 =	vperm.xlane v25, v0  }
0x260: {  	v27 =	vadd.f32 v31, v28;
	v28 =	vperm.xlane v17, v0;
	v31 =	vperm.xlane v16, v0  }
0x261: {  	v32 =	vperm.xlane v23, v1;
	v33 =	vperm.xlane v24, v1;
	v25 =	vadd.f32 v25, v26  }
0x262: {  	v26 =	vperm.xlane v27, v1;
	v17 =	vadd.f32 v17, v28;
	v16 =	vadd.f32 v16, v31  }
0x263: {  	v23 =	vadd.f32 v23, v32;
	v24 =	vadd.f32 v24, v33;
	v28 =	vperm.xlane v25, v1  }
0x264: {  	v26 =	vadd.f32 v27, v26;
	v27 =	vperm.xlane v17, v1;
	v31 =	vperm.xlane v16, v1  }
0x265: {  	v32 =	vperm.xlane v23, v2;
	v33 =	vperm.xlane v24, v2;
	v25 =	vadd.f32 v25, v28  }
0x266: {  	v28 =	vperm.xlane v26, v2;
	v17 =	vadd.f32 v17, v27;
	v16 =	vadd.f32 v16, v31  }
0x267: {  	v23 =	vadd.f32 v23, v32;
	v24 =	vadd.f32 v24, v33;
	v27 =	vperm.xlane v25, v2  }
0x268: {  	v26 =	vadd.f32 v26, v28;
	v28 =	vperm.xlane v17, v2;
	v31 =	vperm.xlane v16, v2  }
0x269: {  	v32 =	vperm.xlane v23, v3;
	v33 =	vperm.xlane v24, v3;
	v25 =	vadd.f32 v25, v27  }
0x26a: {  	v27 =	vperm.xlane v26, v3;
	v17 =	vadd.f32 v17, v28;
	v16 =	vadd.f32 v16, v31  }
0x26b: {  	v23 =	vadd.f32 v23, v32;
	v24 =	vadd.f32 v24, v33;
	v28 =	vperm.xlane v25, v3  }
0x26c: {  	v29 =	vadd.f32 v29, v30;
	v26 =	vadd.f32 v26, v27;
	v27 =	vperm.xlane v17, v3  }
0x26d: {  	v23 =	vsel vm0, v23, v24;
	v24 =	vadd.f32 v25, v28;
	v25 =	vperm.xlane v16, v3  }
0x26e: {  	v23 =	vsel vm1, v23, v26;
	v17 =	vadd.f32 v17, v27;
	v26 =	vperm.xlane v29, v3  }
0x26f: {  	v23 =	vsel vm2, v23, v24;
	v16 =	vadd.f32 v16, v25;
	v24 =	vperm.xlane v22, v3  }
0x270: {  	v25 =	vperm.xlane v21, v3;
	v17 =	vsel vm3, v23, v17;
	v23 =	vadd.f32 v29, v26  }
0x271: {  	v16 =	vsel vm4, v17, v16;
	v17 =	vadd.f32 v22, v24;
	v22 =	vperm.xlane v20, v3  }
0x272: {  	v21 =	vadd.f32 v21, v25;
	v16 =	vsel vm5, v16, v23;
	v23 =	vperm.xlane v19, v3  }
0x273: {  	v16 =	vsel vm6, v16, v17;
	v17 =	vadd.f32 v20, v22;
	v20 =	vperm.xlane v18, v3  }
0x274: {  	v16 =	vsel vm7, v16, v21;
	v19 =	vadd.f32 v19, v23;
	v21 =	vperm.xlane v15, v3  }
0x275: {  	v16 =	vsel vm8, v16, v17;
	v17 =	vadd.f32 v18, v20;
	v18 =	vperm.xlane v14, v3  }
0x276: {  	v16 =	vsel vm9, v16, v19;
	v15 =	vadd.f32 v15, v21;
	v19 =	vperm.xlane v13, v3  }
0x277: {  	v16 =	vsel vm10, v16, v17;
	v14 =	vadd.f32 v14, v18;
	v17 =	vperm.xlane v12, v3  }
0x278: {  	s26 =	sshll.u32 s25, $0x3;
	v15 =	vsel vm11, v16, v15;
	v13 =	vadd.f32 v13, v19  }
0x279: {  	s26 =	sand.u32 $0x400, s26;
	v14 =	vsel vm12, v15, v14;
	v12 =	vadd.f32 v12, v17  }
0x27a: {  	s30 =	sand.u32 $0x78, s25;
	s26 =	sadd.s32 s26, s28;
	v13 =	vsel vm13, v14, v13  }
0x27b: {  	s25 =	smin.u32 s29, $0xB8;
	s30 =	sadd.s32 s30, s26;
	v12 =	vsel vm14, v13, v12  }
0x27c: {  	s26 =	sshll.u32 s25, $0x7;
	[tilespmem:s30+$0x0] =	vst v12  }
0x27d: {  	v13 =	vld [tilespmem:s26+$0x6FF0]  }
0x27e: {  	v17 =	vld [tilespmem:s26+$0x6F70]  }
0x27f: {  	v18 =	vld [tilespmem:s26+$0x6FE0]  }
0x280: {  	v19 =	vld [tilespmem:s26+$0x6EF0]  }
0x281: {  	v20 =	vld [tilespmem:s26+$0x6F60]  }
0x282: {  	v21 =	vld [tilespmem:s26+$0x6FD0]  }
0x283: {  	v22 =	vld [tilespmem:s26+$0x6E70]  }
0x284: {  	v23 =	vld [tilespmem:s26+$0x6EE0]  }
0x285: {  	v24 =	vld [tilespmem:s26+$0x6F50]  }
0x286: {  	v25 =	vld [tilespmem:s26+$0x6FC0]  }
0x287: {  	v26 =	vld [tilespmem:s26+$0x6DF0]  }
0x288: {  	v27 =	vld [tilespmem:s26+$0x6E60]  }
0x289: {  	v28 =	vld [tilespmem:s26+$0x6ED0]  }
0x28a: {  	v29 =	vld [tilespmem:s26+$0x6F40]  }
0x28b: {  	v30 =	vld [tilespmem:s26+$0x6FB0]  }
0x28c: {  	v31 =	vld [tilespmem:s26+$0x6D70]  }
0x28d: {  	v32 =	vld [tilespmem:s26+$0x6DE0]  }
0x28e: {  	v33 =	vld [tilespmem:s26+$0x6E50]  }
0x28f: {  	v34 =	vld [tilespmem:s26+$0x6EC0]  }
0x290: {  	v35 =	vld [tilespmem:s26+$0x6F30]  }
0x291: {  	v36 =	vld [tilespmem:s26+$0x6FA0]  }
0x292: {  	v37 =	vld [tilespmem:s26+$0x6CF0]  }
0x293: {  	v38 =	vld [tilespmem:s26+$0x6D60]  }
0x294: {  	v39 =	vld [tilespmem:s26+$0x6DD0]  }
0x295: {  	v40 =	vld [tilespmem:s26+$0x6E40]  }
0x296: {  	v41 =	vld [tilespmem:s26+$0x6EB0]  }
0x297: {  	v42 =	vld [tilespmem:s26+$0x6F20]  }
0x298: {  	v43 =	vld [tilespmem:s26+$0x6F80]  }
0x299: {  	v44 =	vld [tilespmem:s26+$0x6F90]  }
0x29a: {  	v15 =	vld [tilespmem:s26+$0x6C70]  }
0x29b: {  	v14 =	vld [tilespmem:s26+$0x6CE0]  }
0x29c: {  	v12 =	vld [tilespmem:s26+$0x6D50]  }
0x29d: {  	v45 =	vmul.f32 v13, v4;
	v16 =	vld [tilespmem:s26+$0x6DC0]  }
0x29e: {  	v47 =	vmul.f32 v17, v4;
	v48 =	vmul.f32 v18, v5;
	v46 =	vld [tilespmem:s26+$0x6E30]  }
0x29f: {  	v13 =	vmul.f32 v43, v10;
	v17 =	vmul.f32 v44, v11;
	v49 =	vld [tilespmem:s26+$0x6EA0]  }
0x2a0: {  	v20 =	vmul.f32 v20, v5;
	v43 =	vmul.f32 v19, v4;
	v18 =	vld [tilespmem:s26+$0x6F00]  }
0x2a1: {  	v36 =	vmul.f32 v36, v9;
	v44 =	vmul.f32 v21, v6;
	v13 =	vadd.f32 v17, v13;
	v19 =	vld [tilespmem:s26+$0x6F10]  }
0x2a2: {  	v22 =	vmul.f32 v22, v4;
	v50 =	vmul.f32 v23, v5;
	v17 =	vld [tilespmem:s26+$0x6BF0]  }
0x2a3: {  	v24 =	vmul.f32 v24, v6;
	v30 =	vmul.f32 v30, v8;
	v36 =	vadd.f32 v36, v13;
	v23 =	vld [tilespmem:s26+$0x6E80]  }
0x2a4: {  	v25 =	vmul.f32 v25, v7;
	v13 =	vmul.f32 v26, v4;
	v26 =	vld [tilespmem:s26+$0x6E90]  }
0x2a5: {  	v27 =	vmul.f32 v27, v5;
	v28 =	vmul.f32 v28, v6;
	v30 =	vadd.f32 v30, v36;
	v21 =	vld [tilespmem:s26+$0x6C60]  }
0x2a6: {  	v51 =	vmul.f32 v18, v10;
	v36 =	vld [tilespmem:s26+$0x6E00];
	v19 =	vmul.f32 v19, v11  }
0x2a7: {  	v29 =	vmul.f32 v29, v7;
	v18 =	vmul.f32 v31, v4;
	v25 =	vadd.f32 v25, v30;
	v31 =	vld [tilespmem:s26+$0x6E10]  }
0x2a8: {  	v32 =	vmul.f32 v32, v5;
	v42 =	vmul.f32 v42, v9;
	v30 =	vld [tilespmem:s26+$0x6CD0];
	v19 =	vadd.f32 v19, v51  }
0x2a9: {  	v23 =	vmul.f32 v23, v10;
	v25 =	vadd.f32 v44, v25;
	v51 =	vld [tilespmem:s26+$0x6E20];
	v26 =	vmul.f32 v26, v11  }
0x2aa: {  	v33 =	vmul.f32 v33, v6;
	v35 =	vmul.f32 v35, v8;
	v44 =	vld [tilespmem:s26+$0x6D40];
	v19 =	vadd.f32 v42, v19  }
0x2ab: {  	v25 =	vadd.f32 v48, v25;
	v42 =	vld [tilespmem:s26+$0x6DB0];
	v23 =	vadd.f32 v26, v23;
	v26 =	vmul.f32 v49, v9  }
0x2ac: {  	v36 =	vmul.f32 v36, v10;
	v48 =	vld [tilespmem:s26+$0x6B70];
	v31 =	vmul.f32 v31, v11;
	v19 =	vadd.f32 v35, v19  }
0x2ad: {  	v25 =	vadd.f32 v45, v25;
	v35 =	vld [tilespmem:s26+$0x6BE0];
	v23 =	vadd.f32 v26, v23;
	v26 =	vmul.f32 v41, v8  }
0x2ae: {  	v41 =	vld [tilespmem:s26+$0x6C50];
	v31 =	vadd.f32 v31, v36;
	v36 =	vmul.f32 v51, v9;
	v19 =	vadd.f32 v29, v19  }
0x2af: {  	v29 =	vld [tilespmem:s26+$0x6D80];
	v23 =	vadd.f32 v26, v23;
	v26 =	vmul.f32 v34, v7;
	v34 =	vperm.xlane v25, v0  }
0x2b0: {  	v45 =	vld [tilespmem:s26+$0x6D90];
	v31 =	vadd.f32 v36, v31;
	v36 =	vmul.f32 v46, v8;
	v24 =	vadd.f32 v24, v19  }
0x2b1: {  	v19 =	vmul.f32 v37, v4;
	v46 =	vld [tilespmem:s26+$0x6CC0];
	v26 =	vadd.f32 v26, v23;
	v25 =	vadd.f32 v25, v34  }
0x2b2: {  	v34 =	vld [tilespmem:s26+$0x6DA0];
	v31 =	vadd.f32 v36, v31;
	v36 =	vmul.f32 v40, v7;
	v20 =	vadd.f32 v20, v24  }
0x2b3: {  	v37 =	vmul.f32 v39, v6;
	v23 =	vmul.f32 v38, v5;
	v24 =	vld [tilespmem:s26+$0x6D30];
	v26 =	vadd.f32 v28, v26  }
0x2b4: {  	v28 =	vld [tilespmem:s26+$0x6AF0];
	v31 =	vadd.f32 v36, v31;
	v20 =	vadd.f32 v47, v20;
	v36 =	vperm.xlane v25, v1  }
0x2b5: {  	v29 =	vmul.f32 v29, v10;
	v38 =	vld [tilespmem:s26+$0x6B60];
	v39 =	vmul.f32 v45, v11;
	v26 =	vadd.f32 v50, v26  }
0x2b6: {  	v40 =	vld [tilespmem:s26+$0x6BD0];
	v31 =	vadd.f32 v33, v31;
	v33 =	vperm.xlane v20, v0;
	v36 =	vadd.f32 v25, v36  }
0x2b7: {  	v45 =	vld [tilespmem:s26+$0x6C40];
	v25 =	vadd.f32 v39, v29;
	v29 =	vmul.f32 v34, v9;
	v26 =	vadd.f32 v43, v26  }
0x2b8: {  	v34 =	vld [tilespmem:s26+$0x6CB0];
	v27 =	vadd.f32 v27, v31;
	v31 =	vadd.f32 v20, v33;
	v33 =	vperm.xlane v36, v2  }
0x2b9: {  	v39 =	vld [tilespmem:s26+$0x6D20];
	v20 =	vadd.f32 v29, v25;
	v29 =	vmul.f32 v42, v8;
	v42 =	vperm.xlane v26, v0  }
0x2ba: {  	v25 =	vmul.f32 v15, v4;
	v43 =	vld [tilespmem:s26+$0x6A70];
	v15 =	vadd.f32 v22, v27;
	v22 =	vperm.xlane v31, v1  }
0x2bb: {  	v16 =	vmul.f32 v16, v7;
	v47 =	vld [tilespmem:s26+$0x6AE0];
	v27 =	vadd.f32 v29, v20;
	v26 =	vadd.f32 v26, v42  }
0x2bc: {  	v29 =	vmul.f32 v14, v5;
	v20 =	vld [tilespmem:s26+$0x6B50];
	v14 =	vperm.xlane v15, v0;
	v31 =	vadd.f32 v31, v22  }
0x2bd: {  	v49 =	vmul.f32 v12, v6;
	v42 =	vld [tilespmem:s26+$0x6BC0];
	v12 =	vadd.f32 v16, v27;
	v16 =	vperm.xlane v26, v1  }
0x2be: {  	v22 =	vmul.f32 v17, v4;
	v17 =	vld [tilespmem:s26+$0x6C30];
	v14 =	vadd.f32 v15, v14;
	v15 =	vperm.xlane v31, v2  }
0x2bf: {  	v50 =	vmul.f32 v21, v5;
	v51 =	vld [tilespmem:s26+$0x6CA0];
	v12 =	vadd.f32 v37, v12;
	v37 =	vadd.f32 v26, v16  }
0x2c0: {  	v52 =	vmul.f32 v30, v6;
	v27 =	vld [tilespmem:s26+$0x6D00];
	v16 =	vperm.xlane v14, v1  }
0x2c1: {  	v44 =	vmul.f32 v44, v7;
	v53 =	vld [tilespmem:s26+$0x6D10];
	v12 =	vadd.f32 v32, v12;
	v32 =	vperm.xlane v37, v2  }
0x2c2: {  	v30 =	vmul.f32 v35, v5;
	v21 =	vmul.f32 v48, v4;
	v26 =	vld [tilespmem:s26+$0x6A60];
	v35 =	vadd.f32 v14, v16  }
0x2c3: {  	v41 =	vmul.f32 v41, v6;
	v46 =	vmul.f32 v46, v7;
	v48 =	vld [tilespmem:s26+$0x6C80];
	v54 =	vadd.f32 v13, v12  }
0x2c4: {  	v24 =	vmul.f32 v24, v8;
	v55 =	vld [tilespmem:s26+$0x6C90];
	v56 =	vperm.xlane v35, v2  }
0x2c5: {  	v16 =	vmul.f32 v28, v4;
	v12 =	vadd.f32 v36, v33;
	v57 =	vld [tilespmem:s26+$0x6C00];
	v58 =	vperm.xlane v54, v0  }
0x2c6: {  	v13 =	vadd.f32 v31, v15;
	v36 =	vmul.f32 v27, v10;
	v33 =	vld [tilespmem:s26+$0x6C10];
	v53 =	vmul.f32 v53, v11  }
0x2c7: {  	v31 =	vmul.f32 v40, v6;
	v14 =	vadd.f32 v37, v32;
	v27 =	vmul.f32 v38, v5;
	v28 =	vld [tilespmem:s26+$0x6AD0]  }
0x2c8: {  	v37 =	vmul.f32 v39, v9;
	v38 =	vadd.f32 v54, v58;
	v32 =	vld [tilespmem:s26+$0x6C20];
	v36 =	vadd.f32 v53, v36  }
0x2c9: {  	v15 =	vadd.f32 v35, v56;
	v40 =	vmul.f32 v48, v10;
	v39 =	vld [tilespmem:s26+$0x6B40];
	v48 =	vmul.f32 v55, v11  }
0x2ca: {  	v51 =	vmul.f32 v51, v9;
	v35 =	vld [tilespmem:s26+$0x6B80];
	v36 =	vadd.f32 v37, v36;
	v37 =	vperm.xlane v38, v1  }
0x2cb: {  	v54 =	vmul.f32 v57, v10;
	v53 =	vld [tilespmem:s26+$0x6B90];
	v33 =	vmul.f32 v33, v11;
	v40 =	vadd.f32 v48, v40  }
0x2cc: {  	v34 =	vmul.f32 v34, v8;
	v48 =	vld [tilespmem:s26+$0x6BB0];
	v24 =	vadd.f32 v24, v36;
	v37 =	vadd.f32 v38, v37  }
0x2cd: {  	v36 =	vld [tilespmem:s26+$0x6BA0];
	v33 =	vadd.f32 v33, v54;
	v32 =	vmul.f32 v32, v9;
	v38 =	vadd.f32 v51, v40  }
0x2ce: {  	v45 =	vmul.f32 v45, v7;
	v40 =	vld [tilespmem:s26+$0x69E0];
	v24 =	vadd.f32 v44, v24;
	v44 =	vperm.xlane v37, v2  }
0x2cf: {  	v51 =	vld [tilespmem:s26+$0x6A50];
	v32 =	vadd.f32 v32, v33;
	v33 =	vmul.f32 v17, v8;
	v34 =	vadd.f32 v34, v38  }
0x2d0: {  	v35 =	vmul.f32 v35, v10;
	v38 =	vld [tilespmem:s26+$0x6B00];
	v53 =	vmul.f32 v53, v11;
	v24 =	vadd.f32 v49, v24  }
0x2d1: {  	v17 =	vmul.f32 v43, v4;
	v43 =	vld [tilespmem:s26+$0x6B10];
	v32 =	vadd.f32 v33, v32;
	v33 =	vadd.f32 v46, v34  }
0x2d2: {  	v34 =	vld [tilespmem:s26+$0x6AC0];
	v35 =	vadd.f32 v53, v35;
	v36 =	vmul.f32 v36, v9;
	v23 =	vadd.f32 v23, v24  }
0x2d3: {  	v24 =	vmul.f32 v47, v5;
	v46 =	vld [tilespmem:s26+$0x6B20];
	v32 =	vadd.f32 v45, v32;
	v33 =	vadd.f32 v52, v33  }
0x2d4: {  	v45 =	vld [tilespmem:s26+$0x6B30];
	v35 =	vadd.f32 v36, v35;
	v36 =	vmul.f32 v48, v8;
	v18 =	vadd.f32 v18, v23  }
0x2d5: {  	v23 =	vmul.f32 v42, v7;
	v47 =	vld [tilespmem:s26+$0x6870];
	v32 =	vadd.f32 v41, v32;
	v29 =	vadd.f32 v29, v33  }
0x2d6: {  	v33 =	vmul.f32 v38, v10;
	v41 =	vld [tilespmem:s26+$0x69D0];
	v38 =	vmul.f32 v43, v11;
	v35 =	vadd.f32 v36, v35  }
0x2d7: {  	v42 =	vld [tilespmem:s26+$0x6A40];
	v32 =	vadd.f32 v50, v32;
	v19 =	vadd.f32 v19, v29;
	v29 =	vperm.xlane v18, v0  }
0x2d8: {  	v43 =	vld [tilespmem:s26+$0x6AB0];
	v33 =	vadd.f32 v38, v33;
	v36 =	vmul.f32 v46, v9;
	v23 =	vadd.f32 v23, v35  }
0x2d9: {  	v48 =	vld [tilespmem:s26+$0x6860];
	v25 =	vadd.f32 v25, v32;
	v32 =	vperm.xlane v19, v0;
	v18 =	vadd.f32 v18, v29  }
0x2da: {  	v35 =	vmul.f32 v45, v8;
	v52 =	vld [tilespmem:s26+$0x69C0];
	v33 =	vadd.f32 v36, v33;
	v23 =	vadd.f32 v31, v23  }
0x2db: {  	v29 =	vld [tilespmem:s26+$0x6A30];
	v36 =	vperm.xlane v25, v0;
	v19 =	vadd.f32 v19, v32;
	v32 =	vperm.xlane v18, v1  }
0x2dc: {  	v45 =	vld [tilespmem:s26+$0x6AA0];
	v33 =	vadd.f32 v35, v33;
	v35 =	vmul.f32 v39, v7;
	v23 =	vadd.f32 v30, v23  }
0x2dd: {  	v31 =	vld [tilespmem:s26+$0x6850];
	v25 =	vadd.f32 v25, v36;
	v30 =	vperm.xlane v19, v1;
	v39 =	vadd.f32 v18, v32  }
0x2de: {  	v20 =	vmul.f32 v20, v6;
	v32 =	vld [tilespmem:s26+$0x69B0];
	v18 =	vadd.f32 v35, v33;
	v22 =	vadd.f32 v22, v23  }
0x2df: {  	v53 =	vld [tilespmem:s26+$0x6A20];
	v35 =	vperm.xlane v25, v1;
	v46 =	vadd.f32 v19, v30;
	v19 =	vperm.xlane v39, v2  }
0x2e0: {  	v23 =	vmul.f32 v26, v5;
	v49 =	vld [tilespmem:s26+$0x6A80];
	v18 =	vadd.f32 v20, v18;
	v20 =	vperm.xlane v22, v0  }
0x2e1: {  	v33 =	vmul.f32 v28, v6;
	v50 =	vld [tilespmem:s26+$0x6A90];
	v28 =	vadd.f32 v25, v35;
	v54 =	vperm.xlane v46, v2  }
0x2e2: {  	v25 =	vmul.f32 v40, v5;
	v35 =	vld [tilespmem:s26+$0x6840];
	v26 =	vadd.f32 v27, v18;
	v20 =	vadd.f32 v22, v20  }
0x2e3: {  	v38 =	vmul.f32 v34, v7;
	v30 =	vmul.f32 v51, v6;
	v18 =	vadd.f32 v37, v44;
	v36 =	vld [tilespmem:s26+$0x69A0]  }
0x2e4: {  	v44 =	vperm.xlane v28, v2;
	v22 =	vld [tilespmem:s26+$0x6A00];
	v34 =	vadd.f32 v21, v26;
	v21 =	vperm.xlane v20, v1  }
0x2e5: {  	v19 =	vadd.f32 v39, v19;
	v27 =	vmul.f32 v41, v6;
	v26 =	vmul.f32 v47, v4;
	v51 =	vld [tilespmem:s26+$0x6A10]  }
0x2e6: {  	v37 =	vmul.f32 v42, v7;
	v40 =	vld [tilespmem:s26+$0x6830];
	v39 =	vperm.xlane v34, v0;
	v55 =	vadd.f32 v20, v21  }
0x2e7: {  	v47 =	vmul.f32 v49, v10;
	v49 =	vmul.f32 v50, v11;
	v20 =	vadd.f32 v46, v54;
	v41 =	vld [tilespmem:s26+$0x6980]  }
.Ltmp1:
0x2e8: {  	v46 =	vmul.f32 v43, v8;
	v21 =	vadd.f32 v28, v44;
	v42 =	vld [tilespmem:s26+$0x6990];
	v50 =	vperm.xlane v55, v2;
	(pc) =	sbr.rel @p1 .LBB2_5-.Ltmp1, $4  }
0x2e9: {  	v45 =	vmul.f32 v45, v9;
	v49 =	vadd.f32 v49, v47;
	v47 =	vadd.f32 v34, v39;
	v43 =	vld [tilespmem:s26+$0x6820]  }
0x2ea: {  	v54 =	vmul.f32 v22, v10;
	v39 =	vld [tilespmem:s26+$0x6900];
	v51 =	vmul.f32 v51, v11;
	v22 =	vadd.f32 v55, v50  }
0x2eb: {  	v28 =	vmul.f32 v48, v5;
	v49 =	vadd.f32 v45, v49;
	v50 =	vperm.xlane v47, v1;
	v44 =	vld [tilespmem:s26+$0x6800]  }
0x2ec: {  	s29 =	sadd.s32 $0x10, s29;
	v34 =	vmul.f32 v52, v7;
	v45 =	vld [tilespmem:s26+$0x6810];
	v48 =	vadd.f32 v51, v54;
	v51 =	vmul.f32 v53, v9  }
0x2ed: {  	v52 =	vld [tilespmem:s26+$0x6880];
	v29 =	vmul.f32 v29, v8;
	v46 =	vadd.f32 v46, v49;
	v31 =	vmul.f32 v31, v6  }
0x2ee: {  	v47 =	vadd.f32 v47, v50;
	v58 =	vld [tilespmem:s26+$0x6890];
	v32 =	vmul.f32 v32, v8;
	v35 =	vmul.f32 v35, v7  }
0x2ef: {  	v59 =	vld [tilespmem:s26+$0x6910];
	v36 =	vmul.f32 v36, v9;
	v40 =	vmul.f32 v40, v8;
	v48 =	vadd.f32 v51, v48  }
0x2f0: {  	v60 =	vld [tilespmem:s26+$0x68A0];
	v41 =	vmul.f32 v41, v10;
	v42 =	vmul.f32 v42, v11;
	v38 =	vadd.f32 v38, v46  }
0x2f1: {  	v43 =	vmul.f32 v43, v9;
	v55 =	vmul.f32 v39, v10;
	v29 =	vadd.f32 v29, v48;
	v48 =	vld [tilespmem:s26+$0x6920]  }
0x2f2: {  	v61 =	vmul.f32 v44, v10;
	v33 =	vadd.f32 v33, v38;
	v62 =	vmul.f32 v45, v11;
	v45 =	vld [tilespmem:s26+$0x68B0]  }
0x2f3: {  	v51 =	vld [tilespmem:s26+$0x6930];
	v29 =	vadd.f32 v37, v29;
	v63 =	vmul.f32 v52, v10;
	v49 =	vmul.f32 v58, v11  }
0x2f4: {  	v54 =	vld [tilespmem:s26+$0x68C0];
	v56 =	vmul.f32 v59, v11;
	v24 =	vadd.f32 v24, v33;
	v57 =	vadd.f32 v62, v61  }
0x2f5: {  	v58 =	vmul.f32 v60, v9;
	v59 =	vld [tilespmem:s26+$0x6940];
	v62 =	vadd.f32 v42, v41;
	v37 =	vadd.f32 v49, v63  }
0x2f6: {  	v60 =	vld [tilespmem:s26+$0x68D0];
	v29 =	vadd.f32 v30, v29;
	v10 =	vadd.f32 v56, v55;
	v61 =	vmul.f32 v48, v9  }
0x2f7: {  	v30 =	vadd.f32 v43, v57;
	v37 =	vadd.f32 v58, v37;
	v63 =	vmul.f32 v45, v8;
	v45 =	vld [tilespmem:s26+$0x6950]  }
0x2f8: {  	v46 =	vld [tilespmem:s26+$0x68E0];
	v48 =	vmul.f32 v51, v8;
	v49 =	vadd.f32 v36, v62;
	v9 =	vadd.f32 v61, v10  }
0x2f9: {  	v52 =	vld [tilespmem:s26+$0x6960];
	v33 =	vmul.f32 v54, v7;
	v50 =	vadd.f32 v40, v30;
	v51 =	vadd.f32 v63, v37  }
0x2fa: {  	v53 =	vld [tilespmem:s26+$0x68F0];
	v54 =	vmul.f32 v59, v7;
	v55 =	vadd.f32 v32, v49;
	v8 =	vadd.f32 v48, v9  }
0x2fb: {  	v58 =	vmul.f32 v60, v6;
	v59 =	vld [tilespmem:s26+$0x6970];
	v56 =	vadd.f32 v35, v50;
	v57 =	vadd.f32 v33, v51  }
0x2fc: {  	v62 =	vld [tilespmem:s26+$0x69F0];
	v61 =	vadd.f32 v34, v55;
	v7 =	vadd.f32 v54, v8;
	v60 =	vmul.f32 v45, v6  }
0x2fd: {  	v63 =	vmul.f32 v46, v5;
	v10 =	vadd.f32 v31, v56;
	v11 =	vadd.f32 v58, v57  }
0x2fe: {  	v5 =	vmul.f32 v52, v5;
	v31 =	vadd.f32 v27, v61;
	v6 =	vadd.f32 v60, v7  }
0x2ff: {  	v35 =	vmul.f32 v53, v4;
	v33 =	vadd.f32 v28, v10;
	v34 =	vadd.f32 v63, v11  }
0x300: {  	v36 =	vmul.f32 v59, v4;
	v7 =	vadd.f32 v25, v31;
	v5 =	vadd.f32 v5, v6  }
0x301: {  	v4 =	vmul.f32 v62, v4;
	v8 =	vadd.f32 v26, v33;
	v10 =	vadd.f32 v35, v34  }
0x302: {  	v38 =	vperm.xlane v47, v2;
	v37 =	vadd.f32 v23, v29;
	v5 =	vadd.f32 v36, v5  }
0x303: {  	v4 =	vadd.f32 v4, v7;
	v39 =	vperm.xlane v8, v0;
	v40 =	vperm.xlane v10, v0  }
0x304: {  	v16 =	vadd.f32 v16, v24;
	v6 =	vadd.f32 v17, v37;
	v41 =	vperm.xlane v5, v0  }
0x305: {  	v42 =	vperm.xlane v4, v0;
	v8 =	vadd.f32 v8, v39;
	v10 =	vadd.f32 v10, v40  }
0x306: {  	v44 =	vperm.xlane v16, v0;
	v43 =	vperm.xlane v6, v0;
	v5 =	vadd.f32 v5, v41  }
0x307: {  	v4 =	vadd.f32 v4, v42;
	v45 =	vperm.xlane v8, v1;
	v46 =	vperm.xlane v10, v1  }
0x308: {  	v49 =	vadd.f32 v16, v44;
	v6 =	vadd.f32 v6, v43;
	v48 =	vperm.xlane v5, v1  }
0x309: {  	v50 =	vperm.xlane v4, v1;
	v8 =	vadd.f32 v8, v45;
	v10 =	vadd.f32 v10, v46  }
0x30a: {  	v17 =	vperm.xlane v49, v1;
	v51 =	vperm.xlane v6, v1;
	v5 =	vadd.f32 v5, v48  }
0x30b: {  	v4 =	vadd.f32 v4, v50;
	v23 =	vperm.xlane v8, v2;
	v24 =	vperm.xlane v10, v2  }
0x30c: {  	v7 =	vadd.f32 v49, v17;
	v6 =	vadd.f32 v6, v51;
	v52 =	vperm.xlane v5, v2  }
0x30d: {  	v53 =	vperm.xlane v4, v2;
	v8 =	vadd.f32 v8, v23;
	v10 =	vadd.f32 v10, v24  }
0x30e: {  	v17 =	vperm.xlane v7, v2;
	v54 =	vperm.xlane v6, v2;
	v5 =	vadd.f32 v5, v52  }
0x30f: {  	v4 =	vadd.f32 v4, v53;
	v23 =	vperm.xlane v8, v3;
	v24 =	vperm.xlane v10, v3  }
0x310: {  	v7 =	vadd.f32 v7, v17;
	v6 =	vadd.f32 v6, v54;
	v55 =	vperm.xlane v5, v3  }
0x311: {  	v56 =	vperm.xlane v4, v3;
	v8 =	vadd.f32 v8, v23;
	v10 =	vadd.f32 v10, v24  }
0x312: {  	v9 =	vadd.f32 v47, v38;
	v57 =	vperm.xlane v6, v3;
	v5 =	vadd.f32 v5, v55  }
0x313: {  	v58 =	vperm.xlane v7, v3;
	v4 =	vadd.f32 v4, v56;
	v8 =	vsel vm0, v8, v10  }
0x314: {  	v59 =	vperm.xlane v9, v3;
	v6 =	vadd.f32 v6, v57;
	v5 =	vsel vm1, v8, v5  }
0x315: {  	v60 =	vperm.xlane v22, v3;
	v4 =	vsel vm2, v5, v4;
	v5 =	vadd.f32 v7, v58  }
0x316: {  	v62 =	vperm.xlane v21, v3;
	v61 =	vadd.f32 v9, v59;
	v4 =	vsel vm3, v4, v6  }
0x317: {  	v63 =	vperm.xlane v20, v3;
	v4 =	vsel vm4, v4, v5;
	v5 =	vadd.f32 v22, v60  }
0x318: {  	v16 =	vadd.f32 v21, v62;
	v17 =	vperm.xlane v19, v3;
	v4 =	vsel vm5, v4, v61  }
0x319: {  	v21 =	vperm.xlane v18, v3;
	v4 =	vsel vm6, v4, v5;
	v5 =	vadd.f32 v20, v63  }
0x31a: {  	v23 =	vperm.xlane v15, v3;
	v22 =	vadd.f32 v19, v17;
	v4 =	vsel vm7, v4, v16  }
0x31b: {  	v24 =	vperm.xlane v14, v3;
	v4 =	vsel vm8, v4, v5;
	v5 =	vadd.f32 v18, v21  }
0x31c: {  	v26 =	vperm.xlane v13, v3;
	v25 =	vadd.f32 v15, v23;
	v4 =	vsel vm9, v4, v22  }
0x31d: {  	v27 =	vperm.xlane v12, v3;
	v4 =	vsel vm10, v4, v5;
	v5 =	vadd.f32 v14, v24  }
0x31e: {  	s30 =	sshll.u32 s25, $0x3;
	v28 =	vadd.f32 v13, v26;
	v4 =	vsel vm11, v4, v25  }
0x31f: {  	s23 =	sadd.s32 @!p0 s23, s8;
	s26 =	sand.u32 $0x400, s30;
	v4 =	vsel vm12, v4, v5;
	v5 =	vadd.f32 v12, v27  }
0x320: {  	s31 =	sand.u32 $0x78, s25;
	s23 =	smul.u32 @!p0 $0xC80, s23;
	s26 =	sadd.s32 s26, s28;
	v4 =	vsel vm13, v4, v28  }
0x321: {  	s25 =	sadd.s32 s31, s26;
	v4 =	vsel vm14, v4, v5  }
0x322: {  	s23 =	sadd.s32 @!p0 s0, s23;
	s26 =	simm.s32 @!p0 $0x6800;
	[tilespmem:s25+$0x0] =	vst v4;
	s25 =	simm.s32 @!p0 $0x0  }
0x323: {  	[tilespmem:s26], [sflag:$0x3] =	stream.linear.gather @!p0 [hbm4b:s23+s25], $0x6400, $0x38;
	[tilespmem:$0xDC00] =	vst v63  }
0x324: {  	v4 =	vld [tilespmem:s24+$0xD400]  }
0x325: {  	v5 =	vld [tilespmem:s24+$0xD410]  }
0x326: {  	v29 =	vld [tilespmem:s24+$0xD420]  }
0x327: {  	v30 =	vld [tilespmem:s24+$0xD430]  }
0x328: {  	v31 =	vld [tilespmem:s24+$0xD440]  }
0x329: {  	v32 =	vld [tilespmem:s24+$0xD450]  }
0x32a: {  	v33 =	vld [tilespmem:s24+$0xD460];
	v34 =	vmax.f32 v4, v5  }
0x32b: {  	v35 =	vld [tilespmem:s24+$0xD470];
	v11 =	vmax.f32 v34, v29  }
0x32c: {  	v36 =	vld [tilespmem:s24+$0xD800];
	v11 =	vmax.f32 v11, v30  }
0x32d: {  	v37 =	vld [tilespmem:s24+$0xD810];
	v11 =	vmax.f32 v11, v31  }
0x32e: {  	v38 =	vld [tilespmem:s24+$0xD820];
	v11 =	vmax.f32 v11, v32  }
0x32f: {  	v39 =	vld [tilespmem:s24+$0xD830];
	v11 =	vmax.f32 v11, v33  }
0x330: {  	v40 =	vld [tilespmem:s24+$0xD838];
	v11 =	vmax.f32 v11, v35  }
0x331: {  	v11 =	vmax.f32 v11, v36  }
0x332: {  	v11 =	vmax.f32 v11, v37  }
0x333: {  	v11 =	vmax.f32 v11, v38  }
0x334: {  	v11 =	vmax.f32 v11, v39  }
0x335: {  	v11 =	vmax.f32 v11, v40  }
0x336: {  	v41 =	vperm.xlane v11, v0;
	_ =	sdelay $0x1  }
0x337: {  	v11 =	vmax.f32 v11, v41  }
0x338: {  	v18 =	vperm.xlane v11, v1;
	_ =	sdelay $0x1  }
0x339: {  	v11 =	vmax.f32 v11, v18  }
0x33a: {  	v18 =	vperm.xlane v11, v2;
	_ =	sdelay $0x1  }
0x33b: {  	v11 =	vmax.f32 v11, v18  }
0x33c: {  	v18 =	vperm.xlane v11, v3;
	_ =	sdelay $0x1  }
0x33d: {  	v11 =	vmax.f32 v11, v18  }
0x33e: {  	v4 =	vsub.f32 v4, v11  }
0x33f: {  	v5 =	vsub.f32 v5, v11  }
0x340: {  	v6 =	vsub.f32 v29, v11;
	v4 =	vmul.f32 $1.442695020e+00, v4  }
0x341: {  	v7 =	vsub.f32 v30, v11;
	v5 =	vmul.f32 $1.442695020e+00, v5  }
0x342: {  	v42 =	vsub.f32 v31, v11;
	(erf) = vpow2.f32 v4;
	v4 =	vmul.f32 $1.442695020e+00, v6  }
0x343: {  	v43 =	vsub.f32 v32, v11;
	(erf) = vpow2.f32 v5;
	v5 =	vmul.f32 $1.442695020e+00, v7  }
0x344: {  	v44 =	vsub.f32 v33, v11;
	(erf) = vpow2.f32 v4;
	v4 =	vmul.f32 $1.442695020e+00, v42  }
0x345: {  	v45 =	vsub.f32 v35, v11;
	(erf) = vpow2.f32 v5;
	v5 =	vmul.f32 $1.442695020e+00, v43  }
0x346: {  	v46 =	vsub.f32 v36, v11;
	(erf) = vpow2.f32 v4;
	v4 =	vmul.f32 $1.442695020e+00, v44  }
0x347: {  	v47 =	vsub.f32 v37, v11;
	(erf) = vpow2.f32 v5;
	v5 =	vmul.f32 $1.442695020e+00, v45  }
0x348: {  	v48 =	vsub.f32 v38, v11;
	(erf) = vpow2.f32 v4;
	v4 =	vmul.f32 $1.442695020e+00, v46  }
0x349: {  	v49 =	vsub.f32 v39, v11;
	(erf) = vpow2.f32 v5;
	v5 =	vmul.f32 $1.442695020e+00, v47  }
0x34a: {  	v50 =	vsub.f32 v40, v11;
	(erf) = vpow2.f32 v4;
	v4 =	vmul.f32 $1.442695020e+00, v48  }
0x34b: {  	v51 =	vpop (erf);
	(erf) = vpow2.f32 v5;
	v5 =	vmul.f32 $1.442695020e+00, v49  }
0x34c: {  	v52 =	vpop (erf);
	(erf) = vpow2.f32 v4;
	v4 =	vmul.f32 $1.442695020e+00, v50;
	_ =	sdelay $0x1  }
0x34d: {  	v53 =	vpop (erf);
	(erf) = vpow2.f32 v5  }
0x34e: {  	v5 =	vpop (erf);
	(erf) = vpow2.f32 v4  }
0x34f: {  	v4 =	vpop (erf)  }
0x350: {  	v54 =	vpop (erf)  }
0x351: {  	v55 =	vpop (erf)  }
0x352: {  	v56 =	vpop (erf)  }
0x353: {  	v57 =	vpop (erf)  }
0x354: {  	v58 =	vpop (erf)  }
0x355: {  	v59 =	vpop (erf)  }
0x356: {  	v60 =	vpop (erf)  }
0x357: {  	v61 =	vpop (erf)  }
0x358: {  	v62 =	vsel vm7, $0x0, v61  }
0x359: {  	v17 =	vadd.f32 v62, v51;
	_ =	sdelay $0x1  }
0x35a: {  	v17 =	vadd.f32 v17, v52;
	_ =	sdelay $0x1  }
0x35b: {  	v17 =	vadd.f32 v17, v53;
	_ =	sdelay $0x1  }
0x35c: {  	v17 =	vadd.f32 v17, v5;
	_ =	sdelay $0x1  }
0x35d: {  	v17 =	vadd.f32 v17, v4;
	_ =	sdelay $0x1  }
0x35e: {  	v17 =	vadd.f32 v17, v54;
	_ =	sdelay $0x1  }
0x35f: {  	v17 =	vadd.f32 v17, v55;
	_ =	sdelay $0x1  }
0x360: {  	v17 =	vadd.f32 v17, v56;
	_ =	sdelay $0x1  }
0x361: {  	v17 =	vadd.f32 v17, v57;
	_ =	sdelay $0x1  }
0x362: {  	v17 =	vadd.f32 v17, v58;
	_ =	sdelay $0x1  }
0x363: {  	v17 =	vadd.f32 v17, v59;
	_ =	sdelay $0x1  }
0x364: {  	v17 =	vadd.f32 v17, v60;
	_ =	sdelay $0x1  }
0x365: {  	v63 =	vperm.xlane v17, v0;
	_ =	sdelay $0x1  }
0x366: {  	v17 =	vadd.f32 v17, v63;
	_ =	sdelay $0x1  }
0x367: {  	v18 =	vperm.xlane v17, v1;
	_ =	sdelay $0x1  }
0x368: {  	v17 =	vadd.f32 v17, v18;
	_ =	sdelay $0x1  }
0x369: {  	v18 =	vperm.xlane v17, v2;
	_ =	sdelay $0x1  }
0x36a: {  	v17 =	vadd.f32 v17, v18;
	_ =	sdelay $0x1  }
0x36b: {  	v18 =	vperm.xlane v17, v3;
	_ =	sdelay $0x1  }
0x36c: {  	v17 =	vadd.f32 v17, v18;
	_ =	sdelay $0x1  }
0x36d: {  	(erf) = vrcp.f32 v17;
	_ =	sdelay $0x8  }
0x36e: {  	v17 =	vpop (erf)  }
0x36f: {  	v8 =	vmul.f32 v17, v51  }
0x370: {  	v7 =	vmul.f32 v17, v52  }
0x371: {  	v6 =	vmul.f32 v17, v53;
	[tilespmem:s24+$0xCC00] =	vst v8  }
0x372: {  	v5 =	vmul.f32 v17, v5;
	[tilespmem:s24+$0xCC10] =	vst v7  }
0x373: {  	v4 =	vmul.f32 v17, v4;
	[tilespmem:s24+$0xCC20] =	vst v6  }
0x374: {  	[tilespmem:s24+$0xCC30] =	vst v5;
	v5 =	vmul.f32 v17, v54  }
0x375: {  	[tilespmem:s24+$0xCC40] =	vst v4;
	v4 =	vmul.f32 v17, v55  }
0x376: {  	[tilespmem:s24+$0xCC50] =	vst v5;
	v5 =	vmul.f32 v17, v56  }
0x377: {  	s22 =	sadd.s32 $0x1, s22;
	[tilespmem:s24+$0xCC60] =	vst v4;
	v4 =	vmul.f32 v17, v57  }
0x378: {  	p0 =	sne.s32 s22, $0x4;
	[tilespmem:s24+$0xCC70] =	vst v5;
	v5 =	vmul.f32 v17, v58  }
.Ltmp2:
0x379: {  	[tilespmem:s24+$0xD000] =	vst v4;
	v4 =	vmul.f32 v17, v59;
	(pc) =	sbr.rel @p0 .LBB2_2-.Ltmp2, $4  }
0x37a: {  	[tilespmem:s24+$0xD010] =	vst v5;
	v5 =	vmul.f32 v17, v60  }
0x37b: {  	[tilespmem:s24+$0xD020] =	vst v4;
	v4 =	vmul.f32 v17, v61  }
0x37c: {  	[tilespmem:s24+$0xD030] =	vst v5  }
0x37d: {  	[tilespmem:s24+$0xD038] =	vst v4  }
0x37e: {  	[hbm4b:s9+s3] =	stream.linear.scatter [tilespmem:s17], [sflag:$0x4], $0x800, $0x38;
	[tilespmem:$0xDC00] =	vst v63  }
0x37f: {  	s21 =	sadd.s32 $0x1, s21;
	_ =	swait.ge [sflag:s18], $0x800  }
0x380: {  	p0 =	sne.s32 s21, s11;
	[sflag:s18] =	ssyncset.done $0x0  }
.Ltmp3:
0x381: {  	[sflag:s18] =	ssyncadd.s32 $0xFFFFF800;
	(pc) =	sbr.rel @p0 .LBB2_1-.Ltmp3, $4  }
0x382: {  	[hbm4b:s10+s3] =	stream.linear.scatter [tilespmem:s19], [sflag:$0x5], $0x800, $0x38;
	[tilespmem:$0xDC00] =	vst v63  }
0x383: {  	_ =	swait.ge [sflag:s20], $0x800  }
0x384: {  	[sflag:s20] =	ssyncset.done $0x0  }
0x385: {  	[sflag:s20] =	ssyncadd.s32 $0xFFFFF800  }
0x386: {  	_ =	sfence.sel $0x180000  }
0x387: {  	[bflag:$0x0] =	sbarrier.arrive $0xFFFF  }
0x388: {  	p0 =	sne.s32 s1, $0x0;
	_ =	strace $0x90000047  }
0x389: {  	s0 =	sadd.s32 @!p0 $0x100000, s2;
	[bflag:$0x2] =	sbarrier.arrive $0xFFFF  }
0x38a: {  	[sflag:s0] =	ssyncadd.tile.s32 @!p0 $0x1;
	_ =	shalt  }
.Lfunc_end2:
_tile_overlayer_lowered:
.L_overlay_start_2:
0x38b: {  	(tag) =	ssettag $0x2  }
0x38c: {  	s0 =	rddreg [dreg:$0x0];
	s2 =	stileid.u32  }
0x38d: {  	s1 =	rddreg [dreg:$0x1];
	p0 =	sne.s32 s2, $0x0  }
0x38e: {  	s3 =	rddreg [dreg:$0x2];
	[bflag:$0x3] =	sbarrier.arrive $0xFFFF;
	s2 =	simm.s32 @!p0 $0x1C05  }
0x38f: {  	[timem:s3], [sflag:s2] =	dma.local @!p0 [hbm:s0], s1  }
0x390: {  	s0 =	simm.s32 @!p0 $0x5  }
0x391: {  	_ =	swait.ge @!p0 [sflag:s0], s1  }
0x392: {  	s1 =	ssub.s32 @!p0 $0x0, s1;
	[sflag:s0] =	ssyncset.done @!p0 $0x0  }
0x393: {  	[sflag:s0] =	ssyncadd.s32 @!p0 s1  }
0x394: {  	[bflag:$0x3] =	sbarrier.arrive $0xFFFF  }
0x395: {  	_ =	shalt  }

</sc_bundles>
